<compile_context>
chip_gen: v7x
topology: tpu7x:2x2x1
jax: 0.10.2.dev20260603
libtpu: 0.0.44.dev20260713+nightly
codegen_flags: <defaults>
</compile_context>

<pallas_src>
import functools

import jax
import jax.numpy as jnp
import numpy as np
from jax import lax
from jax.experimental import pallas as pl
from jax.experimental.pallas import tpu as pltpu
from jax.experimental.pallas import tpu_sc as plsc

_CLIP = 0.05
_ALPHA_UNANN = 0.5
_K_PER_ROW = 5
_INT_MIN = np.int32(-2147483648)
_MASK31 = np.int32(2147483647)

_NW = 32
_NBINS12 = 4096
_NBINS3 = 256


def _plan(B, C):
    cpad = ((C + 127) // 128) * 128
    rows_w = B // _NW
    cc = None
    for d in range(3200 - 3200 % 128, 127, -128):
        if cpad % d == 0:
            cc = d
            break
    n_chunks = (rows_w // 8) * (cpad // cc)
    assert n_chunks % 2 == 0 and rows_w % 8 == 0
    return cpad, rows_w, cc, n_chunks



def _pass1_body(cpad, logits_ref, targets_ref, sum_ref, keys_ref):
    i = pl.program_id(0)
    l = logits_ref[...]
    t = targets_ref[...]
    p = jax.nn.sigmoid(l)
    xn = jnp.minimum((1.0 - p) + _CLIP, 1.0)
    one_m_xn = 1.0 - xn
    pos = t == 1
    una = t == -1
    lv = jnp.log(jnp.maximum(jnp.where(pos, p, xn), 1e-8))
    sq = one_m_xn * one_m_xn
    contrib = jnp.where(
        pos, lv,
        jnp.where(una, _ALPHA_UNANN * lv * sq, lv * (sq * sq)))
    partial = jnp.sum(contrib)
    prev = jnp.where(i == 0, 0.0, sum_ref[0, 0])
    sum_ref[0, 0] = prev + partial

    bits = jax.lax.bitcast_convert_type(l, jnp.int32)
    key = jnp.where(bits >= 0, bits, bits ^ _MASK31)
    key = jnp.where(una, key, _INT_MIN)
    rb, c = key.shape
    if cpad > c:
        pad = jnp.full((rb, cpad - c), _INT_MIN, jnp.int32)
        key = jnp.concatenate([key, pad], axis=1)
    keys_ref[...] = key


def _unkey_f(keys):
    lb = jnp.where(keys >= 0, keys, keys ^ _MASK31)
    lv = jax.lax.bitcast_convert_type(lb, jnp.float32)
    p = jax.nn.sigmoid(lv)
    xn = jnp.minimum((1.0 - p) + _CLIP, 1.0)
    f = _ALPHA_UNANN * jnp.log(jnp.maximum(xn, 1e-8)) * (1.0 - xn) ** 2
    return jnp.where(keys == _INT_MIN, 0.0, f)



def _make_hist(B, cpad, rows_w, cc, n_chunks, nbins, shift, pref_shift):
    mesh = plsc.VectorSubcoreMesh(core_axis_name="c", subcore_axis_name="s",
                                  num_cores=2, num_subcores=16)
    cpr = cpad // cc
    nv = cc // 16
    has_prefix = pref_shift is not None

    scratch = [
        pltpu.VMEM((16 * nbins,), jnp.int32),
        pltpu.VMEM((8, cc), jnp.int32),
        pltpu.VMEM((8, cc), jnp.int32),
    ]
    if has_prefix:
        scratch.append(pltpu.VMEM((16,), jnp.int32))
    scratch += [pltpu.SemaphoreType.DMA, pltpu.SemaphoreType.DMA]

    def body(*args):
        if has_prefix:
            (keys_hbm, pref_hbm, out_hbm,
             hist, buf0, buf1, pref_v, sem0, sem1) = args
        else:
            (keys_hbm, out_hbm,
             hist, buf0, buf1, sem0, sem1) = args

        cid = lax.axis_index("c")
        sid = lax.axis_index("s")
        w = sid * 2 + cid
        row0 = w * rows_w

        zeros16 = jnp.zeros((16,), jnp.int32)

        def zb(j, _):
            hist[pl.ds(j * 16, 16)] = zeros16
            return 0
        lax.fori_loop(0, nbins, zb, 0)

        if has_prefix:
            pltpu.sync_copy(pref_hbm, pref_v)
            pref = pref_v[...]

        ones = jnp.ones((16,), jnp.int32)
        lanes = lax.iota(jnp.int32, 16)
        fshift = shift - 4
        fs_v = jnp.full((16,), abs(fshift), jnp.int32)
        fmask = np.int32((nbins - 1) * 16)
        if has_prefix:
            pshift_v = jnp.full((16,), pref_shift, jnp.int32)

        def start(f, buf, sem):
            r = row0 + 8 * (f // cpr)
            c = (f % cpr) * cc
            pltpu.make_async_copy(
                keys_hbm.at[pl.ds(r, 8), pl.ds(c, cc)], buf, sem).start()

        def wait(buf, sem):
            pltpu.make_async_copy(
                keys_hbm.at[pl.ds(row0, 8), pl.ds(0, cc)], buf, sem).wait()

        def process(buf):
            for r in range(8):
                @plsc.parallel_loop(0, nv, 1, unroll=8)
                def pb(j, r=r):
                    kv = buf[r, pl.ds(j * 16, 16)]
                    if fshift >= 0:
                        fld = lax.shift_right_logical(kv, fs_v) & fmask
                    else:
                        fld = lax.shift_left(kv, fs_v) & fmask
                    if has_prefix:
                        okm = lax.shift_right_logical(kv, pshift_v) == pref
                        plsc.addupdate_scatter(hist, [fld + lanes], ones,
                                               mask=okm)
                    else:
                        plsc.addupdate_scatter(hist, [fld + lanes], ones)

        start(0, buf0, sem0)

        def pair(t, _):
            start(2 * t + 1, buf1, sem1)
            wait(buf0, sem0)
            process(buf0)

            @pl.when(t + 1 < n_chunks // 2)
            def _():
                start(2 * t + 2, buf0, sem0)

            wait(buf1, sem1)
            process(buf1)
            return 0

        lax.fori_loop(0, n_chunks // 2, pair, 0)

        pltpu.sync_copy(
            hist, out_hbm.at[pl.ds(w * 16 * nbins, 16 * nbins)])

    return pl.kernel(
        body,
        out_type=jax.ShapeDtypeStruct((_NW * 16 * nbins,), jnp.int32),
        mesh=mesh,
        scratch_types=scratch,
        compiler_params=pltpu.CompilerParams(needs_layout_passes=False),
    )


def _select(h, k_rem):
    c = jnp.cumsum(h[::-1])[::-1]
    jstar = jnp.sum((c >= k_rem).astype(jnp.int32)) - 1
    above = c[jstar] - h[jstar]
    return jstar, k_rem - above


def _radix_threshold(keys, B, cpad, rows_w, cc, n_chunks, k):
    hist1 = _make_hist(B, cpad, rows_w, cc, n_chunks, _NBINS12, 20, None)
    hist2 = _make_hist(B, cpad, rows_w, cc, n_chunks, _NBINS12, 8, 20)
    hist3 = _make_hist(B, cpad, rows_w, cc, n_chunks, _NBINS3, 0, 8)

    h1 = jnp.sum(hist1(keys).reshape(_NW, _NBINS12, 16), axis=(0, 2))
    h1u = h1.reshape(2, _NBINS12 // 2)[::-1].reshape(-1)
    j1u, kr1 = _select(h1u, jnp.int32(k))
    praw1 = j1u ^ (_NBINS12 // 2)
    h2 = jnp.sum(hist2(keys, jnp.full((16,), praw1, jnp.int32))
                 .reshape(_NW, _NBINS12, 16), axis=(0, 2))
    j2, kr2 = _select(h2, kr1)
    praw24 = praw1 * _NBINS12 + j2
    h3 = jnp.sum(hist3(keys, jnp.full((16,), praw24, jnp.int32))
                 .reshape(_NW, _NBINS3, 16), axis=(0, 2))
    j3, m = _select(h3, kr2)

    t_key = (praw24 << 8) | j3
    return t_key, m



def _dpass_body(t_ref, keys_ref, out_ref):
    i = pl.program_id(0)
    t = t_ref[0, 0]
    kv = keys_ref[...]
    f = _unkey_f(kv)
    d = jnp.sum(jnp.where(kv > t, f, 0.0))
    prev = jnp.where(i == 0, 0.0, out_ref[0, 0])
    out_ref[0, 0] = prev + d




@jax.jit
def kernel(logits, targets):
    B, C = logits.shape
    cpad, rows_w, chunk, n_chunks = _plan(B, C)
    RB = 8
    grid = B // RB
    k = _K_PER_ROW * B

    s_all, keys = pl.pallas_call(
        functools.partial(_pass1_body, cpad),
        grid=(grid,),
        in_specs=[
            pl.BlockSpec((RB, C), lambda i: (i, 0)),
            pl.BlockSpec((RB, C), lambda i: (i, 0)),
        ],
        out_specs=[
            pl.BlockSpec((1, 1), lambda i: (0, 0), memory_space=pltpu.SMEM),
            pl.BlockSpec((RB, cpad), lambda i: (i, 0)),
        ],
        out_shape=[
            jax.ShapeDtypeStruct((1, 1), jnp.float32),
            jax.ShapeDtypeStruct((B, cpad), jnp.int32),
        ],
    )(logits, targets)

    t_key, m = _radix_threshold(keys, B, cpad, rows_w, chunk, n_chunks, k)

    d_gt = pl.pallas_call(
        _dpass_body,
        grid=(grid,),
        in_specs=[
            pl.BlockSpec((1, 1), lambda i: (0, 0), memory_space=pltpu.SMEM),
            pl.BlockSpec((RB, cpad), lambda i: (i, 0)),
        ],
        out_specs=pl.BlockSpec((1, 1), lambda i: (0, 0),
                               memory_space=pltpu.SMEM),
        out_shape=jax.ShapeDtypeStruct((1, 1), jnp.float32),
    )(t_key.reshape(1, 1), keys)

    f_t = _unkey_f(t_key.reshape(1))[0]
    d_sum = d_gt[0, 0] + m.astype(jnp.float32) * f_t
    return d_sum - s_all[0, 0]

# --- scband reference (transcript-rebuilt; emitter-appended) ---
"""Pipeline reference for scband-partial-selective-loss-76596446757454 (READ-ONLY COPY).

The authoritative reference and input builder live on the scoring server;
editing this copy changes nothing except your own understanding.
"""

import jax, jax.numpy as jnp
import numpy as np

CLIP = 0.05
GAMMA_POS = 0.0
GAMMA_NEG = 4.0
GAMMA_UNANN = 2.0
ALPHA_POS = 1.0
ALPHA_NEG = 1.0
ALPHA_UNANN = 0.5
LIKELIHOOD_TOPK = 5


def setup_inputs(seed: int = 0) -> dict:
    key = jax.random.key(seed)
    k1, k2 = jax.random.split(key)
    B, C = 1024, 100000
    logits = jax.random.normal(k1, (B, C), dtype=jnp.float32)
    # targets in {-1, 0, 1}: -1 = unannotated, 0 = negative, 1 = positive
    targets = jax.random.randint(k2, (B, C), 0, 3, dtype=jnp.int32) - 1
    return {"logits": logits, "targets": targets}


def reference(logits, targets):
    targets_pos = (targets == 1).astype(jnp.float32)
    targets_neg = (targets == 0).astype(jnp.float32)
    targets_unann = (targets == -1).astype(jnp.float32)

    xs_pos = jax.nn.sigmoid(logits)
    xs_neg = 1.0 - xs_pos
    # clip > 0 branch
    xs_neg = jnp.clip(xs_neg + CLIP, None, 1.0)

    # partial_loss_mode == 'selective', no prior file:
    # targets_weights = ones; zero out the num_top_k unannotated entries with the
    # LOWEST xs_neg probability (hardest negatives) -- negative_backprop_fun_jit.
    B = targets.shape[0]
    num_top_k = LIKELIHOOD_TOPK * B
    tf = targets.reshape(-1)
    xs_neg_flat = jax.lax.stop_gradient(xs_neg.reshape(-1))
    # restrict the sort to unannotated entries by pushing others to +inf
    keyvals = jnp.where(tf == -1, xs_neg_flat, jnp.inf)
    drop_idx = jnp.argsort(keyvals)[:num_top_k]
    # only actually zero entries that are truly unannotated (handles count < num_top_k)
    updates = jnp.where(tf[drop_idx] == -1, 0.0, 1.0)
    tw_flat = jnp.ones(tf.shape, dtype=jnp.float32).at[drop_idx].set(updates)
    targets_weights = tw_flat.reshape(targets.shape)

    BCE_pos = ALPHA_POS * targets_pos * jnp.log(jnp.clip(xs_pos, 1e-08, None))
    BCE_neg = ALPHA_NEG * targets_neg * jnp.log(jnp.clip(xs_neg, 1e-08, None))
    BCE_unann = ALPHA_UNANN * targets_unann * jnp.log(jnp.clip(xs_neg, 1e-08, None))
    BCE_loss = BCE_pos + BCE_neg + BCE_unann

    # asymmetric focusing weight computed under no_grad in the original
    asymmetric_w = jax.lax.stop_gradient(
        jnp.power(
            1.0 - xs_pos * targets_pos - xs_neg * (targets_neg + targets_unann),
            GAMMA_POS * targets_pos + GAMMA_NEG * targets_neg + GAMMA_UNANN * targets_unann,
        )
    )
    BCE_loss = BCE_loss * asymmetric_w
    BCE_loss = BCE_loss * targets_weights
    return -jnp.sum(BCE_loss)

if __name__ == "__main__":
    import jax
    _d = setup_inputs()
    print(jax.jit(kernel)(*tuple(_d.values())))

</pallas_src>

<mosaic_0001>
#map = affine_map<(d0, d1) -> (0, 0)>
#map1 = affine_map<(d0, d1) -> (0)>
module attributes {stable_mosaic.version = 14 : i64} {
  func.func @body(%arg0: i32, %arg1: i32, %arg2: memref<1024x100096xi32, #tpu.memory_space<hbm>>, %arg3: memref<2097152xi32, #tpu.memory_space<hbm>>, %arg4: memref<65536xi32, #tpu.memory_space<vmem>>, %arg5: memref<8x2944xi32, #tpu.memory_space<vmem>>, %arg6: memref<8x2944xi32, #tpu.memory_space<vmem>>, %arg7: memref<!tpu.dma_semaphore, #tpu.memory_space<semaphore_mem>>, %arg8: memref<!tpu.dma_semaphore, #tpu.memory_space<semaphore_mem>>) attributes {dimension_semantics = [#tpu.dimension_semantics<core_parallel>, #tpu.dimension_semantics<subcore_parallel>], iteration_bounds = array<i64: 2, 16>, scalar_prefetch = 0 : i64, scratch_operands = 5 : i64, tpu.core_type = #tpu.core_type<sc_vector_subcore>, window_params = [{transform_indices = #map}, {transform_indices = #map1}]} {
    %mul3A = arith.constant 2 : i32
    %mul3A_0 = arith.muli %arg1, %mul3A : i32
    %add3A = arith.addi %mul3A_0, %arg0 : i32
    %mul3A_1 = arith.constant 32 : i32
    %mul3A_2 = arith.muli %add3A, %mul3A_1 : i32
    %broadcast_in_dim3A = arith.constant 0 : i32
    %broadcast_in_dim3A_3 = vector.broadcast %broadcast_in_dim3A : i32 to vector<16xi32>
    %scan3A = arith.constant 0 : i32
    %scan3A_4 = arith.constant 0 : i32
    %scan3A_5 = arith.constant 4096 : i32
    %scan3A_6 = arith.addi %scan3A_4, %scan3A_5 : i32
    %scan3A_7 = arith.constant 1 : i32
    %scan3A_8 = scf.for %scan3A_30 = %scan3A_4 to %scan3A_6 step %scan3A_7 iter_args(%scan3A_31 = %scan3A) -> (i32)  : i32 {
      %mul3A_32 = arith.constant 16 : i32
      %mul3A_33 = arith.muli %scan3A_30, %mul3A_32 : i32
      %swap3A = arith.index_cast %mul3A_33 : i32 to index
      %swap3A_34 = tpu.vector_load %arg4[%swap3A] {strides = array<i32>} : memref<65536xi32, #tpu.memory_space<vmem>>, vector<16xi32>,
      tpu.vector_store %arg4[%swap3A], %broadcast_in_dim3A_3 {strides = array<i32>} : memref<65536xi32, #tpu.memory_space<vmem>>, vector<16xi32>,
      %scan3A_35 = arith.constant 0 : i32
      scf.yield %scan3A_35 : i32
    }
    %scan3A_9 = arith.constant 4096 : i32
    %broadcast_in_dim3A_10 = arith.constant 1 : i32
    %broadcast_in_dim3A_11 = vector.broadcast %broadcast_in_dim3A_10 : i32 to vector<16xi32>
    %iota3A = tpu.iota {dimensions = array<i32: 0>} : vector<16xi32>
    %broadcast_in_dim3A_12 = arith.constant 16 : i32
    %broadcast_in_dim3A_13 = vector.broadcast %broadcast_in_dim3A_12 : i32 to vector<16xi32>
    %add3A_14 = arith.constant 0 : i32
    %add3A_15 = arith.addi %mul3A_2, %add3A_14 : i32
    %dma_start3A = arith.constant 0 : i32
    %dma_start3A_16 = tpu.memref_slice %arg2[%add3A_15, %dma_start3A] : memref<1024x100096xi32, #tpu.memory_space<hbm>> -> memref<8x2944xi32, #tpu.memory_space<hbm>>
    %dma_start3A_17 = arith.constant 0 : i32
    %dma_start3A_18 = tpu.memref_slice %arg2[%add3A_15, %dma_start3A_17] : memref<1024x100096xi32, #tpu.memory_space<hbm>> -> memref<8x2944xi32, #tpu.memory_space<hbm>>
    tpu.enqueue_dma source(%dma_start3A_18 : memref<8x2944xi32, #tpu.memory_space<hbm>>) target(%arg5 : memref<8x2944xi32, #tpu.memory_space<vmem>>) target_semaphore(%arg7 : memref<!tpu.dma_semaphore, #tpu.memory_space<semaphore_mem>>)
    %scan3A_19 = arith.constant 0 : i32
    %scan3A_20 = arith.constant 0 : i32
    %scan3A_21 = arith.constant 68 : i32
    %scan3A_22 = arith.addi %scan3A_20, %scan3A_21 : i32
    %scan3A_23 = arith.constant 1 : i32
    %scan3A_24 = scf.for %scan3A_30 = %scan3A_20 to %scan3A_22 step %scan3A_23 iter_args(%scan3A_31 = %scan3A_19) -> (i32)  : i32 {
      %mul3A_32 = arith.constant 2 : i32
      %mul3A_33 = arith.muli %mul3A_32, %scan3A_30 : i32
      %add3A_34 = arith.constant 1 : i32
      %add3A_35 = arith.addi %mul3A_33, %add3A_34 : i32
      %jit3A = arith.constant 34 : i32
      %div3A = arith.divsi %add3A_35, %jit3A : i32
      %sign3A = arith.constant 0 : i32
      %sign3A_36 = arith.cmpi sgt, %add3A_35, %sign3A : i32
      %sign3A_37 = arith.extui %sign3A_36 : i1 to i32
      %sign3A_38 = arith.constant 0 : i32
      %sign3A_39 = arith.cmpi slt, %add3A_35, %sign3A_38 : i32
      %sign3A_40 = arith.extui %sign3A_39 : i1 to i32
      %sign3A_41 = arith.subi %sign3A_37, %sign3A_40 : i32
      %sign3A_42 = arith.constant 0 : i32
      %sign3A_43 = arith.cmpi sgt, %jit3A, %sign3A_42 : i32
      %sign3A_44 = arith.extui %sign3A_43 : i1 to i32
      %sign3A_45 = arith.constant 0 : i32
      %sign3A_46 = arith.cmpi slt, %jit3A, %sign3A_45 : i32
      %sign3A_47 = arith.extui %sign3A_46 : i1 to i32
      %sign3A_48 = arith.subi %sign3A_44, %sign3A_47 : i32
      %ne3A = arith.cmpi ne, %sign3A_41, %sign3A_48 : i32
      %rem3A = arith.remsi %add3A_35, %jit3A : i32
      %ne3A_49 = arith.constant 0 : i32
      %ne3A_50 = arith.cmpi ne, %rem3A, %ne3A_49 : i32
      %and3A = arith.andi %ne3A, %ne3A_50 : i1
      %sub3A = arith.constant 1 : i32
      %sub3A_51 = arith.subi %div3A, %sub3A : i32
      %select_n3A = arith.select %and3A, %sub3A_51, %div3A : i32
      %mul3A_52 = arith.constant 8 : i32
      %mul3A_53 = arith.muli %mul3A_52, %select_n3A : i32
      %add3A_54 = arith.addi %mul3A_2, %mul3A_53 : i32
      %jit3A_55 = arith.constant 34 : i32
      %eq3A = arith.constant 0 : i32
      %eq3A_56 = arith.cmpi eq, %jit3A_55, %eq3A : i32
      %jit3A_57 = arith.constant 1 : i32
      %select_n3A_58 = arith.select %eq3A_56, %jit3A_57, %jit3A_55 : i32
      %rem3A_59 = arith.remsi %add3A_35, %select_n3A_58 : i32
      %ne3A_60 = arith.constant 0 : i32
      %ne3A_61 = arith.cmpi ne, %rem3A_59, %ne3A_60 : i32
      %lt3A = arith.constant 0 : i32
      %lt3A_62 = arith.cmpi slt, %rem3A_59, %lt3A : i32
      %lt3A_63 = arith.constant 0 : i32
      %lt3A_64 = arith.cmpi slt, %select_n3A_58, %lt3A_63 : i32
      %ne3A_65 = arith.xori %lt3A_62, %lt3A_64 : i1
      %and3A_66 = arith.andi %ne3A_65, %ne3A_61 : i1
      %add3A_67 = arith.addi %rem3A_59, %select_n3A_58 : i32
      %select_n3A_68 = arith.select %and3A_66, %add3A_67, %rem3A_59 : i32
      %mul3A_69 = arith.constant 2944 : i32
      %mul3A_70 = arith.muli %select_n3A_68, %mul3A_69 : i32
      %dma_start3A_71 = tpu.memref_slice %arg2[%add3A_54, %mul3A_70] : memref<1024x100096xi32, #tpu.memory_space<hbm>> -> memref<8x2944xi32, #tpu.memory_space<hbm>>
      %dma_start3A_72 = tpu.memref_slice %arg2[%add3A_54, %mul3A_70] : memref<1024x100096xi32, #tpu.memory_space<hbm>> -> memref<8x2944xi32, #tpu.memory_space<hbm>>
      tpu.enqueue_dma source(%dma_start3A_72 : memref<8x2944xi32, #tpu.memory_space<hbm>>) target(%arg6 : memref<8x2944xi32, #tpu.memory_space<vmem>>) target_semaphore(%arg8 : memref<!tpu.dma_semaphore, #tpu.memory_space<semaphore_mem>>)
      %dma_wait3A = arith.constant 0 : i32
      %dma_wait3A_73 = tpu.memref_slice %arg2[%mul3A_2, %dma_wait3A] : memref<1024x100096xi32, #tpu.memory_space<hbm>> -> memref<8x2944xi32, #tpu.memory_space<hbm>>
      %dma_wait3A_74 = arith.constant 0 : i32
      %dma_wait3A_75 = tpu.memref_slice %arg2[%mul3A_2, %dma_wait3A_74] : memref<1024x100096xi32, #tpu.memory_space<hbm>> -> memref<8x2944xi32, #tpu.memory_space<hbm>>
      tpu.wait_dma2 semaphore(%arg7 : memref<!tpu.dma_semaphore, #tpu.memory_space<semaphore_mem>>) src(%dma_wait3A_75 : memref<8x2944xi32, #tpu.memory_space<hbm>>) dst(%arg5 : memref<8x2944xi32, #tpu.memory_space<vmem>>)
      %parallel_loop3A = arith.constant 0 : i32
      %parallel_loop3A_76 = arith.constant 184 : i32
      %parallel_loop3A_77 = arith.constant 1 : i32
      scf.for %parallel_loop3A_133 = %parallel_loop3A to %parallel_loop3A_76 step %parallel_loop3A_77  : i32 {
        %parallel_loop3A_134 = arith.constant 16 : i32
        %parallel_loop3A_135 = arith.muli %parallel_loop3A_133, %parallel_loop3A_134 : i32
        %parallel_loop3A_136 = arith.constant 0 : i32
        %parallel_loop3A_137 = arith.index_cast %parallel_loop3A_136 : i32 to index
        %parallel_loop3A_138 = arith.index_cast %parallel_loop3A_135 : i32 to index
        %parallel_loop3A_139 = tpu.vector_load %arg5[%parallel_loop3A_137, %parallel_loop3A_138] {strides = array<i32>} : memref<8x2944xi32, #tpu.memory_space<vmem>>, vector<16xi32>,
        %parallel_loop3A_140 = arith.shrui %parallel_loop3A_139, %broadcast_in_dim3A_13 : vector<16xi32>
        %parallel_loop3A_141 = arith.constant 65520 : i32
        %parallel_loop3A_142 = vector.broadcast %parallel_loop3A_141 : i32 to vector<16xi32>
        %parallel_loop3A_143 = arith.andi %parallel_loop3A_140, %parallel_loop3A_142 : vector<16xi32>
        %parallel_loop3A_144 = arith.addi %parallel_loop3A_143, %iota3A : vector<16xi32>
        tpu.vector_store_idx %arg4[%parallel_loop3A_144], %broadcast_in_dim3A_11 {add = true} : memref<65536xi32, #tpu.memory_space<vmem>>[vector<16xi32>], vector<16xi32>,
      } {sc.loop_unroll_factor = 8 : i64, sc.parallel_access}
      %parallel_loop3A_78 = arith.constant 0 : i32
      %parallel_loop3A_79 = arith.constant 184 : i32
      %parallel_loop3A_80 = arith.constant 1 : i32
      scf.for %parallel_loop3A_133 = %parallel_loop3A_78 to %parallel_loop3A_79 step %parallel_loop3A_80  : i32 {
        %parallel_loop3A_134 = arith.constant 16 : i32
        %parallel_loop3A_135 = arith.muli %parallel_loop3A_133, %parallel_loop3A_134 : i32
        %parallel_loop3A_136 = arith.constant 1 : i32
        %parallel_loop3A_137 = arith.index_cast %parallel_loop3A_136 : i32 to index
        %parallel_loop3A_138 = arith.index_cast %parallel_loop3A_135 : i32 to index
        %parallel_loop3A_139 = tpu.vector_load %arg5[%parallel_loop3A_137, %parallel_loop3A_138] {strides = array<i32>} : memref<8x2944xi32, #tpu.memory_space<vmem>>, vector<16xi32>,
        %parallel_loop3A_140 = arith.shrui %parallel_loop3A_139, %broadcast_in_dim3A_13 : vector<16xi32>
        %parallel_loop3A_141 = arith.constant 65520 : i32
        %parallel_loop3A_142 = vector.broadcast %parallel_loop3A_141 : i32 to vector<16xi32>
        %parallel_loop3A_143 = arith.andi %parallel_loop3A_140, %parallel_loop3A_142 : vector<16xi32>
        %parallel_loop3A_144 = arith.addi %parallel_loop3A_143, %iota3A : vector<16xi32>
        tpu.vector_store_idx %arg4[%parallel_loop3A_144], %broadcast_in_dim3A_11 {add = true} : memref<65536xi32, #tpu.memory_space<vmem>>[vector<16xi32>], vector<16xi32>,
      } {sc.loop_unroll_factor = 8 : i64, sc.parallel_access}
      %parallel_loop3A_81 = arith.constant 0 : i32
      %parallel_loop3A_82 = arith.constant 184 : i32
      %parallel_loop3A_83 = arith.constant 1 : i32
      scf.for %parallel_loop3A_133 = %parallel_loop3A_81 to %parallel_loop3A_82 step %parallel_loop3A_83  : i32 {
        %parallel_loop3A_134 = arith.constant 16 : i32
        %parallel_loop3A_135 = arith.muli %parallel_loop3A_133, %parallel_loop3A_134 : i32
        %parallel_loop3A_136 = arith.constant 2 : i32
        %parallel_loop3A_137 = arith.index_cast %parallel_loop3A_136 : i32 to index
        %parallel_loop3A_138 = arith.index_cast %parallel_loop3A_135 : i32 to index
        %parallel_loop3A_139 = tpu.vector_load %arg5[%parallel_loop3A_137, %parallel_loop3A_138] {strides = array<i32>} : memref<8x2944xi32, #tpu.memory_space<vmem>>, vector<16xi32>,
        %parallel_loop3A_140 = arith.shrui %parallel_loop3A_139, %broadcast_in_dim3A_13 : vector<16xi32>
        %parallel_loop3A_141 = arith.constant 65520 : i32
        %parallel_loop3A_142 = vector.broadcast %parallel_loop3A_141 : i32 to vector<16xi32>
        %parallel_loop3A_143 = arith.andi %parallel_loop3A_140, %parallel_loop3A_142 : vector<16xi32>
        %parallel_loop3A_144 = arith.addi %parallel_loop3A_143, %iota3A : vector<16xi32>
        tpu.vector_store_idx %arg4[%parallel_loop3A_144], %broadcast_in_dim3A_11 {add = true} : memref<65536xi32, #tpu.memory_space<vmem>>[vector<16xi32>], vector<16xi32>,
      } {sc.loop_unroll_factor = 8 : i64, sc.parallel_access}
      %parallel_loop3A_84 = arith.constant 0 : i32
      %parallel_loop3A_85 = arith.constant 184 : i32
      %parallel_loop3A_86 = arith.constant 1 : i32
      scf.for %parallel_loop3A_133 = %parallel_loop3A_84 to %parallel_loop3A_85 step %parallel_loop3A_86  : i32 {
        %parallel_loop3A_134 = arith.constant 16 : i32
        %parallel_loop3A_135 = arith.muli %parallel_loop3A_133, %parallel_loop3A_134 : i32
        %parallel_loop3A_136 = arith.constant 3 : i32
        %parallel_loop3A_137 = arith.index_cast %parallel_loop3A_136 : i32 to index
        %parallel_loop3A_138 = arith.index_cast %parallel_loop3A_135 : i32 to index
        %parallel_loop3A_139 = tpu.vector_load %arg5[%parallel_loop3A_137, %parallel_loop3A_138] {strides = array<i32>} : memref<8x2944xi32, #tpu.memory_space<vmem>>, vector<16xi32>,
        %parallel_loop3A_140 = arith.shrui %parallel_loop3A_139, %broadcast_in_dim3A_13 : vector<16xi32>
        %parallel_loop3A_141 = arith.constant 65520 : i32
        %parallel_loop3A_142 = vector.broadcast %parallel_loop3A_141 : i32 to vector<16xi32>
        %parallel_loop3A_143 = arith.andi %parallel_loop3A_140, %parallel_loop3A_142 : vector<16xi32>
        %parallel_loop3A_144 = arith.addi %parallel_loop3A_143, %iota3A : vector<16xi32>
        tpu.vector_store_idx %arg4[%parallel_loop3A_144], %broadcast_in_dim3A_11 {add = true} : memref<65536xi32, #tpu.memory_space<vmem>>[vector<16xi32>], vector<16xi32>,
      } {sc.loop_unroll_factor = 8 : i64, sc.parallel_access}
      %parallel_loop3A_87 = arith.constant 0 : i32
      %parallel_loop3A_88 = arith.constant 184 : i32
      %parallel_loop3A_89 = arith.constant 1 : i32
      scf.for %parallel_loop3A_133 = %parallel_loop3A_87 to %parallel_loop3A_88 step %parallel_loop3A_89  : i32 {
        %parallel_loop3A_134 = arith.constant 16 : i32
        %parallel_loop3A_135 = arith.muli %parallel_loop3A_133, %parallel_loop3A_134 : i32
        %parallel_loop3A_136 = arith.constant 4 : i32
        %parallel_loop3A_137 = arith.index_cast %parallel_loop3A_136 : i32 to index
        %parallel_loop3A_138 = arith.index_cast %parallel_loop3A_135 : i32 to index
        %parallel_loop3A_139 = tpu.vector_load %arg5[%parallel_loop3A_137, %parallel_loop3A_138] {strides = array<i32>} : memref<8x2944xi32, #tpu.memory_space<vmem>>, vector<16xi32>,
        %parallel_loop3A_140 = arith.shrui %parallel_loop3A_139, %broadcast_in_dim3A_13 : vector<16xi32>
        %parallel_loop3A_141 = arith.constant 65520 : i32
        %parallel_loop3A_142 = vector.broadcast %parallel_loop3A_141 : i32 to vector<16xi32>
        %parallel_loop3A_143 = arith.andi %parallel_loop3A_140, %parallel_loop3A_142 : vector<16xi32>
        %parallel_loop3A_144 = arith.addi %parallel_loop3A_143, %iota3A : vector<16xi32>
        tpu.vector_store_idx %arg4[%parallel_loop3A_144], %broadcast_in_dim3A_11 {add = true} : memref<65536xi32, #tpu.memory_space<vmem>>[vector<16xi32>], vector<16xi32>,
      } {sc.loop_unroll_factor = 8 : i64, sc.parallel_access}
      %parallel_loop3A_90 = arith.constant 0 : i32
      %parallel_loop3A_91 = arith.constant 184 : i32
      %parallel_loop3A_92 = arith.constant 1 : i32
      scf.for %parallel_loop3A_133 = %parallel_loop3A_90 to %parallel_loop3A_91 step %parallel_loop3A_92  : i32 {
        %parallel_loop3A_134 = arith.constant 16 : i32
        %parallel_loop3A_135 = arith.muli %parallel_loop3A_133, %parallel_loop3A_134 : i32
        %parallel_loop3A_136 = arith.constant 5 : i32
        %parallel_loop3A_137 = arith.index_cast %parallel_loop3A_136 : i32 to index
        %parallel_loop3A_138 = arith.index_cast %parallel_loop3A_135 : i32 to index
        %parallel_loop3A_139 = tpu.vector_load %arg5[%parallel_loop3A_137, %parallel_loop3A_138] {strides = array<i32>} : memref<8x2944xi32, #tpu.memory_space<vmem>>, vector<16xi32>,
        %parallel_loop3A_140 = arith.shrui %parallel_loop3A_139, %broadcast_in_dim3A_13 : vector<16xi32>
        %parallel_loop3A_141 = arith.constant 65520 : i32
        %parallel_loop3A_142 = vector.broadcast %parallel_loop3A_141 : i32 to vector<16xi32>
        %parallel_loop3A_143 = arith.andi %parallel_loop3A_140, %parallel_loop3A_142 : vector<16xi32>
        %parallel_loop3A_144 = arith.addi %parallel_loop3A_143, %iota3A : vector<16xi32>
        tpu.vector_store_idx %arg4[%parallel_loop3A_144], %broadcast_in_dim3A_11 {add = true} : memref<65536xi32, #tpu.memory_space<vmem>>[vector<16xi32>], vector<16xi32>,
      } {sc.loop_unroll_factor = 8 : i64, sc.parallel_access}
      %parallel_loop3A_93 = arith.constant 0 : i32
      %parallel_loop3A_94 = arith.constant 184 : i32
      %parallel_loop3A_95 = arith.constant 1 : i32
      scf.for %parallel_loop3A_133 = %parallel_loop3A_93 to %parallel_loop3A_94 step %parallel_loop3A_95  : i32 {
        %parallel_loop3A_134 = arith.constant 16 : i32
        %parallel_loop3A_135 = arith.muli %parallel_loop3A_133, %parallel_loop3A_134 : i32
        %parallel_loop3A_136 = arith.constant 6 : i32
        %parallel_loop3A_137 = arith.index_cast %parallel_loop3A_136 : i32 to index
        %parallel_loop3A_138 = arith.index_cast %parallel_loop3A_135 : i32 to index
        %parallel_loop3A_139 = tpu.vector_load %arg5[%parallel_loop3A_137, %parallel_loop3A_138] {strides = array<i32>} : memref<8x2944xi32, #tpu.memory_space<vmem>>, vector<16xi32>,
        %parallel_loop3A_140 = arith.shrui %parallel_loop3A_139, %broadcast_in_dim3A_13 : vector<16xi32>
        %parallel_loop3A_141 = arith.constant 65520 : i32
        %parallel_loop3A_142 = vector.broadcast %parallel_loop3A_141 : i32 to vector<16xi32>
        %parallel_loop3A_143 = arith.andi %parallel_loop3A_140, %parallel_loop3A_142 : vector<16xi32>
        %parallel_loop3A_144 = arith.addi %parallel_loop3A_143, %iota3A : vector<16xi32>
        tpu.vector_store_idx %arg4[%parallel_loop3A_144], %broadcast_in_dim3A_11 {add = true} : memref<65536xi32, #tpu.memory_space<vmem>>[vector<16xi32>], vector<16xi32>,
      } {sc.loop_unroll_factor = 8 : i64, sc.parallel_access}
      %parallel_loop3A_96 = arith.constant 0 : i32
      %parallel_loop3A_97 = arith.constant 184 : i32
      %parallel_loop3A_98 = arith.constant 1 : i32
      scf.for %parallel_loop3A_133 = %parallel_loop3A_96 to %parallel_loop3A_97 step %parallel_loop3A_98  : i32 {
        %parallel_loop3A_134 = arith.constant 16 : i32
        %parallel_loop3A_135 = arith.muli %parallel_loop3A_133, %parallel_loop3A_134 : i32
        %parallel_loop3A_136 = arith.constant 7 : i32
        %parallel_loop3A_137 = arith.index_cast %parallel_loop3A_136 : i32 to index
        %parallel_loop3A_138 = arith.index_cast %parallel_loop3A_135 : i32 to index
        %parallel_loop3A_139 = tpu.vector_load %arg5[%parallel_loop3A_137, %parallel_loop3A_138] {strides = array<i32>} : memref<8x2944xi32, #tpu.memory_space<vmem>>, vector<16xi32>,
        %parallel_loop3A_140 = arith.shrui %parallel_loop3A_139, %broadcast_in_dim3A_13 : vector<16xi32>
        %parallel_loop3A_141 = arith.constant 65520 : i32
        %parallel_loop3A_142 = vector.broadcast %parallel_loop3A_141 : i32 to vector<16xi32>
        %parallel_loop3A_143 = arith.andi %parallel_loop3A_140, %parallel_loop3A_142 : vector<16xi32>
        %parallel_loop3A_144 = arith.addi %parallel_loop3A_143, %iota3A : vector<16xi32>
        tpu.vector_store_idx %arg4[%parallel_loop3A_144], %broadcast_in_dim3A_11 {add = true} : memref<65536xi32, #tpu.memory_space<vmem>>[vector<16xi32>], vector<16xi32>,
      } {sc.loop_unroll_factor = 8 : i64, sc.parallel_access}
      %add3A_99 = arith.constant 1 : i32
      %add3A_100 = arith.addi %scan3A_30, %add3A_99 : i32
      %lt3A_101 = arith.constant 68 : i32
      %lt3A_102 = arith.cmpi slt, %add3A_100, %lt3A_101 : i32
      %convert_element_type3A = arith.extui %lt3A_102 : i1 to i32
      %cond3A = arith.constant 0 : i32
      %cond3A_103 = arith.cmpi ne, %convert_element_type3A, %cond3A : i32
      scf.if %cond3A_103 {
        %mul3A_133 = arith.constant 2 : i32
        %mul3A_134 = arith.muli %mul3A_133, %scan3A_30 : i32
        %add3A_135 = arith.constant 2 : i32
        %add3A_136 = arith.addi %mul3A_134, %add3A_135 : i32
        %jit3A_137 = arith.constant 34 : i32
        %div3A_138 = arith.divsi %add3A_136, %jit3A_137 : i32
        %sign3A_139 = arith.constant 0 : i32
        %sign3A_140 = arith.cmpi sgt, %add3A_136, %sign3A_139 : i32
        %sign3A_141 = arith.extui %sign3A_140 : i1 to i32
        %sign3A_142 = arith.constant 0 : i32
        %sign3A_143 = arith.cmpi slt, %add3A_136, %sign3A_142 : i32
        %sign3A_144 = arith.extui %sign3A_143 : i1 to i32
        %sign3A_145 = arith.subi %sign3A_141, %sign3A_144 : i32
        %sign3A_146 = arith.constant 0 : i32
        %sign3A_147 = arith.cmpi sgt, %jit3A_137, %sign3A_146 : i32
        %sign3A_148 = arith.extui %sign3A_147 : i1 to i32
        %sign3A_149 = arith.constant 0 : i32
        %sign3A_150 = arith.cmpi slt, %jit3A_137, %sign3A_149 : i32
        %sign3A_151 = arith.extui %sign3A_150 : i1 to i32
        %sign3A_152 = arith.subi %sign3A_148, %sign3A_151 : i32
        %ne3A_153 = arith.cmpi ne, %sign3A_145, %sign3A_152 : i32
        %rem3A_154 = arith.remsi %add3A_136, %jit3A_137 : i32
        %ne3A_155 = arith.constant 0 : i32
        %ne3A_156 = arith.cmpi ne, %rem3A_154, %ne3A_155 : i32
        %and3A_157 = arith.andi %ne3A_153, %ne3A_156 : i1
        %sub3A_158 = arith.constant 1 : i32
        %sub3A_159 = arith.subi %div3A_138, %sub3A_158 : i32
        %select_n3A_160 = arith.select %and3A_157, %sub3A_159, %div3A_138 : i32
        %mul3A_161 = arith.constant 8 : i32
        %mul3A_162 = arith.muli %mul3A_161, %select_n3A_160 : i32
        %add3A_163 = arith.addi %mul3A_2, %mul3A_162 : i32
        %jit3A_164 = arith.constant 34 : i32
        %eq3A_165 = arith.constant 0 : i32
        %eq3A_166 = arith.cmpi eq, %jit3A_164, %eq3A_165 : i32
        %jit3A_167 = arith.constant 1 : i32
        %select_n3A_168 = arith.select %eq3A_166, %jit3A_167, %jit3A_164 : i32
        %rem3A_169 = arith.remsi %add3A_136, %select_n3A_168 : i32
        %ne3A_170 = arith.constant 0 : i32
        %ne3A_171 = arith.cmpi ne, %rem3A_169, %ne3A_170 : i32
        %lt3A_172 = arith.constant 0 : i32
        %lt3A_173 = arith.cmpi slt, %rem3A_169, %lt3A_172 : i32
        %lt3A_174 = arith.constant 0 : i32
        %lt3A_175 = arith.cmpi slt, %select_n3A_168, %lt3A_174 : i32
        %ne3A_176 = arith.xori %lt3A_173, %lt3A_175 : i1
        %and3A_177 = arith.andi %ne3A_176, %ne3A_171 : i1
        %add3A_178 = arith.addi %rem3A_169, %select_n3A_168 : i32
        %select_n3A_179 = arith.select %and3A_177, %add3A_178, %rem3A_169 : i32
        %mul3A_180 = arith.constant 2944 : i32
        %mul3A_181 = arith.muli %select_n3A_179, %mul3A_180 : i32
        %dma_start3A_182 = tpu.memref_slice %arg2[%add3A_163, %mul3A_181] : memref<1024x100096xi32, #tpu.memory_space<hbm>> -> memref<8x2944xi32, #tpu.memory_space<hbm>>
        %dma_start3A_183 = tpu.memref_slice %arg2[%add3A_163, %mul3A_181] : memref<1024x100096xi32, #tpu.memory_space<hbm>> -> memref<8x2944xi32, #tpu.memory_space<hbm>>
        tpu.enqueue_dma source(%dma_start3A_183 : memref<8x2944xi32, #tpu.memory_space<hbm>>) target(%arg5 : memref<8x2944xi32, #tpu.memory_space<vmem>>) target_semaphore(%arg7 : memref<!tpu.dma_semaphore, #tpu.memory_space<semaphore_mem>>)
      } else {
      }
      %dma_wait3A_104 = arith.constant 0 : i32
      %dma_wait3A_105 = tpu.memref_slice %arg2[%mul3A_2, %dma_wait3A_104] : memref<1024x100096xi32, #tpu.memory_space<hbm>> -> memref<8x2944xi32, #tpu.memory_space<hbm>>
      %dma_wait3A_106 = arith.constant 0 : i32
      %dma_wait3A_107 = tpu.memref_slice %arg2[%mul3A_2, %dma_wait3A_106] : memref<1024x100096xi32, #tpu.memory_space<hbm>> -> memref<8x2944xi32, #tpu.memory_space<hbm>>
      tpu.wait_dma2 semaphore(%arg8 : memref<!tpu.dma_semaphore, #tpu.memory_space<semaphore_mem>>) src(%dma_wait3A_107 : memref<8x2944xi32, #tpu.memory_space<hbm>>) dst(%arg6 : memref<8x2944xi32, #tpu.memory_space<vmem>>)
      %parallel_loop3A_108 = arith.constant 0 : i32
      %parallel_loop3A_109 = arith.constant 184 : i32
      %parallel_loop3A_110 = arith.constant 1 : i32
      scf.for %parallel_loop3A_133 = %parallel_loop3A_108 to %parallel_loop3A_109 step %parallel_loop3A_110  : i32 {
        %parallel_loop3A_134 = arith.constant 16 : i32
        %parallel_loop3A_135 = arith.muli %parallel_loop3A_133, %parallel_loop3A_134 : i32
        %parallel_loop3A_136 = arith.constant 0 : i32
        %parallel_loop3A_137 = arith.index_cast %parallel_loop3A_136 : i32 to index
        %parallel_loop3A_138 = arith.index_cast %parallel_loop3A_135 : i32 to index
        %parallel_loop3A_139 = tpu.vector_load %arg6[%parallel_loop3A_137, %parallel_loop3A_138] {strides = array<i32>} : memref<8x2944xi32, #tpu.memory_space<vmem>>, vector<16xi32>,
        %parallel_loop3A_140 = arith.shrui %parallel_loop3A_139, %broadcast_in_dim3A_13 : vector<16xi32>
        %parallel_loop3A_141 = arith.constant 65520 : i32
        %parallel_loop3A_142 = vector.broadcast %parallel_loop3A_141 : i32 to vector<16xi32>
        %parallel_loop3A_143 = arith.andi %parallel_loop3A_140, %parallel_loop3A_142 : vector<16xi32>
        %parallel_loop3A_144 = arith.addi %parallel_loop3A_143, %iota3A : vector<16xi32>
        tpu.vector_store_idx %arg4[%parallel_loop3A_144], %broadcast_in_dim3A_11 {add = true} : memref<65536xi32, #tpu.memory_space<vmem>>[vector<16xi32>], vector<16xi32>,
      } {sc.loop_unroll_factor = 8 : i64, sc.parallel_access}
      %parallel_loop3A_111 = arith.constant 0 : i32
      %parallel_loop3A_112 = arith.constant 184 : i32
      %parallel_loop3A_113 = arith.constant 1 : i32
      scf.for %parallel_loop3A_133 = %parallel_loop3A_111 to %parallel_loop3A_112 step %parallel_loop3A_113  : i32 {
        %parallel_loop3A_134 = arith.constant 16 : i32
        %parallel_loop3A_135 = arith.muli %parallel_loop3A_133, %parallel_loop3A_134 : i32
        %parallel_loop3A_136 = arith.constant 1 : i32
        %parallel_loop3A_137 = arith.index_cast %parallel_loop3A_136 : i32 to index
        %parallel_loop3A_138 = arith.index_cast %parallel_loop3A_135 : i32 to index
        %parallel_loop3A_139 = tpu.vector_load %arg6[%parallel_loop3A_137, %parallel_loop3A_138] {strides = array<i32>} : memref<8x2944xi32, #tpu.memory_space<vmem>>, vector<16xi32>,
        %parallel_loop3A_140 = arith.shrui %parallel_loop3A_139, %broadcast_in_dim3A_13 : vector<16xi32>
        %parallel_loop3A_141 = arith.constant 65520 : i32
        %parallel_loop3A_142 = vector.broadcast %parallel_loop3A_141 : i32 to vector<16xi32>
        %parallel_loop3A_143 = arith.andi %parallel_loop3A_140, %parallel_loop3A_142 : vector<16xi32>
        %parallel_loop3A_144 = arith.addi %parallel_loop3A_143, %iota3A : vector<16xi32>
        tpu.vector_store_idx %arg4[%parallel_loop3A_144], %broadcast_in_dim3A_11 {add = true} : memref<65536xi32, #tpu.memory_space<vmem>>[vector<16xi32>], vector<16xi32>,
      } {sc.loop_unroll_factor = 8 : i64, sc.parallel_access}
      %parallel_loop3A_114 = arith.constant 0 : i32
      %parallel_loop3A_115 = arith.constant 184 : i32
      %parallel_loop3A_116 = arith.constant 1 : i32
      scf.for %parallel_loop3A_133 = %parallel_loop3A_114 to %parallel_loop3A_115 step %parallel_loop3A_116  : i32 {
        %parallel_loop3A_134 = arith.constant 16 : i32
        %parallel_loop3A_135 = arith.muli %parallel_loop3A_133, %parallel_loop3A_134 : i32
        %parallel_loop3A_136 = arith.constant 2 : i32
        %parallel_loop3A_137 = arith.index_cast %parallel_loop3A_136 : i32 to index
        %parallel_loop3A_138 = arith.index_cast %parallel_loop3A_135 : i32 to index
        %parallel_loop3A_139 = tpu.vector_load %arg6[%parallel_loop3A_137, %parallel_loop3A_138] {strides = array<i32>} : memref<8x2944xi32, #tpu.memory_space<vmem>>, vector<16xi32>,
        %parallel_loop3A_140 = arith.shrui %parallel_loop3A_139, %broadcast_in_dim3A_13 : vector<16xi32>
        %parallel_loop3A_141 = arith.constant 65520 : i32
        %parallel_loop3A_142 = vector.broadcast %parallel_loop3A_141 : i32 to vector<16xi32>
        %parallel_loop3A_143 = arith.andi %parallel_loop3A_140, %parallel_loop3A_142 : vector<16xi32>
        %parallel_loop3A_144 = arith.addi %parallel_loop3A_143, %iota3A : vector<16xi32>
        tpu.vector_store_idx %arg4[%parallel_loop3A_144], %broadcast_in_dim3A_11 {add = true} : memref<65536xi32, #tpu.memory_space<vmem>>[vector<16xi32>], vector<16xi32>,
      } {sc.loop_unroll_factor = 8 : i64, sc.parallel_access}
      %parallel_loop3A_117 = arith.constant 0 : i32
      %parallel_loop3A_118 = arith.constant 184 : i32
      %parallel_loop3A_119 = arith.constant 1 : i32
      scf.for %parallel_loop3A_133 = %parallel_loop3A_117 to %parallel_loop3A_118 step %parallel_loop3A_119  : i32 {
        %parallel_loop3A_134 = arith.constant 16 : i32
        %parallel_loop3A_135 = arith.muli %parallel_loop3A_133, %parallel_loop3A_134 : i32
        %parallel_loop3A_136 = arith.constant 3 : i32
        %parallel_loop3A_137 = arith.index_cast %parallel_loop3A_136 : i32 to index
        %parallel_loop3A_138 = arith.index_cast %parallel_loop3A_135 : i32 to index
        %parallel_loop3A_139 = tpu.vector_load %arg6[%parallel_loop3A_137, %parallel_loop3A_138] {strides = array<i32>} : memref<8x2944xi32, #tpu.memory_space<vmem>>, vector<16xi32>,
        %parallel_loop3A_140 = arith.shrui %parallel_loop3A_139, %broadcast_in_dim3A_13 : vector<16xi32>
        %parallel_loop3A_141 = arith.constant 65520 : i32
        %parallel_loop3A_142 = vector.broadcast %parallel_loop3A_141 : i32 to vector<16xi32>
        %parallel_loop3A_143 = arith.andi %parallel_loop3A_140, %parallel_loop3A_142 : vector<16xi32>
        %parallel_loop3A_144 = arith.addi %parallel_loop3A_143, %iota3A : vector<16xi32>
        tpu.vector_store_idx %arg4[%parallel_loop3A_144], %broadcast_in_dim3A_11 {add = true} : memref<65536xi32, #tpu.memory_space<vmem>>[vector<16xi32>], vector<16xi32>,
      } {sc.loop_unroll_factor = 8 : i64, sc.parallel_access}
      %parallel_loop3A_120 = arith.constant 0 : i32
      %parallel_loop3A_121 = arith.constant 184 : i32
      %parallel_loop3A_122 = arith.constant 1 : i32
      scf.for %parallel_loop3A_133 = %parallel_loop3A_120 to %parallel_loop3A_121 step %parallel_loop3A_122  : i32 {
        %parallel_loop3A_134 = arith.constant 16 : i32
        %parallel_loop3A_135 = arith.muli %parallel_loop3A_133, %parallel_loop3A_134 : i32
        %parallel_loop3A_136 = arith.constant 4 : i32
        %parallel_loop3A_137 = arith.index_cast %parallel_loop3A_136 : i32 to index
        %parallel_loop3A_138 = arith.index_cast %parallel_loop3A_135 : i32 to index
        %parallel_loop3A_139 = tpu.vector_load %arg6[%parallel_loop3A_137, %parallel_loop3A_138] {strides = array<i32>} : memref<8x2944xi32, #tpu.memory_space<vmem>>, vector<16xi32>,
        %parallel_loop3A_140 = arith.shrui %parallel_loop3A_139, %broadcast_in_dim3A_13 : vector<16xi32>
        %parallel_loop3A_141 = arith.constant 65520 : i32
        %parallel_loop3A_142 = vector.broadcast %parallel_loop3A_141 : i32 to vector<16xi32>
        %parallel_loop3A_143 = arith.andi %parallel_loop3A_140, %parallel_loop3A_142 : vector<16xi32>
        %parallel_loop3A_144 = arith.addi %parallel_loop3A_143, %iota3A : vector<16xi32>
        tpu.vector_store_idx %arg4[%parallel_loop3A_144], %broadcast_in_dim3A_11 {add = true} : memref<65536xi32, #tpu.memory_space<vmem>>[vector<16xi32>], vector<16xi32>,
      } {sc.loop_unroll_factor = 8 : i64, sc.parallel_access}
      %parallel_loop3A_123 = arith.constant 0 : i32
      %parallel_loop3A_124 = arith.constant 184 : i32
      %parallel_loop3A_125 = arith.constant 1 : i32
      scf.for %parallel_loop3A_133 = %parallel_loop3A_123 to %parallel_loop3A_124 step %parallel_loop3A_125  : i32 {
        %parallel_loop3A_134 = arith.constant 16 : i32
        %parallel_loop3A_135 = arith.muli %parallel_loop3A_133, %parallel_loop3A_134 : i32
        %parallel_loop3A_136 = arith.constant 5 : i32
        %parallel_loop3A_137 = arith.index_cast %parallel_loop3A_136 : i32 to index
        %parallel_loop3A_138 = arith.index_cast %parallel_loop3A_135 : i32 to index
        %parallel_loop3A_139 = tpu.vector_load %arg6[%parallel_loop3A_137, %parallel_loop3A_138] {strides = array<i32>} : memref<8x2944xi32, #tpu.memory_space<vmem>>, vector<16xi32>,
        %parallel_loop3A_140 = arith.shrui %parallel_loop3A_139, %broadcast_in_dim3A_13 : vector<16xi32>
        %parallel_loop3A_141 = arith.constant 65520 : i32
        %parallel_loop3A_142 = vector.broadcast %parallel_loop3A_141 : i32 to vector<16xi32>
        %parallel_loop3A_143 = arith.andi %parallel_loop3A_140, %parallel_loop3A_142 : vector<16xi32>
        %parallel_loop3A_144 = arith.addi %parallel_loop3A_143, %iota3A : vector<16xi32>
        tpu.vector_store_idx %arg4[%parallel_loop3A_144], %broadcast_in_dim3A_11 {add = true} : memref<65536xi32, #tpu.memory_space<vmem>>[vector<16xi32>], vector<16xi32>,
      } {sc.loop_unroll_factor = 8 : i64, sc.parallel_access}
      %parallel_loop3A_126 = arith.constant 0 : i32
      %parallel_loop3A_127 = arith.constant 184 : i32
      %parallel_loop3A_128 = arith.constant 1 : i32
      scf.for %parallel_loop3A_133 = %parallel_loop3A_126 to %parallel_loop3A_127 step %parallel_loop3A_128  : i32 {
        %parallel_loop3A_134 = arith.constant 16 : i32
        %parallel_loop3A_135 = arith.muli %parallel_loop3A_133, %parallel_loop3A_134 : i32
        %parallel_loop3A_136 = arith.constant 6 : i32
        %parallel_loop3A_137 = arith.index_cast %parallel_loop3A_136 : i32 to index
        %parallel_loop3A_138 = arith.index_cast %parallel_loop3A_135 : i32 to index
        %parallel_loop3A_139 = tpu.vector_load %arg6[%parallel_loop3A_137, %parallel_loop3A_138] {strides = array<i32>} : memref<8x2944xi32, #tpu.memory_space<vmem>>, vector<16xi32>,
        %parallel_loop3A_140 = arith.shrui %parallel_loop3A_139, %broadcast_in_dim3A_13 : vector<16xi32>
        %parallel_loop3A_141 = arith.constant 65520 : i32
        %parallel_loop3A_142 = vector.broadcast %parallel_loop3A_141 : i32 to vector<16xi32>
        %parallel_loop3A_143 = arith.andi %parallel_loop3A_140, %parallel_loop3A_142 : vector<16xi32>
        %parallel_loop3A_144 = arith.addi %parallel_loop3A_143, %iota3A : vector<16xi32>
        tpu.vector_store_idx %arg4[%parallel_loop3A_144], %broadcast_in_dim3A_11 {add = true} : memref<65536xi32, #tpu.memory_space<vmem>>[vector<16xi32>], vector<16xi32>,
      } {sc.loop_unroll_factor = 8 : i64, sc.parallel_access}
      %parallel_loop3A_129 = arith.constant 0 : i32
      %parallel_loop3A_130 = arith.constant 184 : i32
      %parallel_loop3A_131 = arith.constant 1 : i32
      scf.for %parallel_loop3A_133 = %parallel_loop3A_129 to %parallel_loop3A_130 step %parallel_loop3A_131  : i32 {
        %parallel_loop3A_134 = arith.constant 16 : i32
        %parallel_loop3A_135 = arith.muli %parallel_loop3A_133, %parallel_loop3A_134 : i32
        %parallel_loop3A_136 = arith.constant 7 : i32
        %parallel_loop3A_137 = arith.index_cast %parallel_loop3A_136 : i32 to index
        %parallel_loop3A_138 = arith.index_cast %parallel_loop3A_135 : i32 to index
        %parallel_loop3A_139 = tpu.vector_load %arg6[%parallel_loop3A_137, %parallel_loop3A_138] {strides = array<i32>} : memref<8x2944xi32, #tpu.memory_space<vmem>>, vector<16xi32>,
        %parallel_loop3A_140 = arith.shrui %parallel_loop3A_139, %broadcast_in_dim3A_13 : vector<16xi32>
        %parallel_loop3A_141 = arith.constant 65520 : i32
        %parallel_loop3A_142 = vector.broadcast %parallel_loop3A_141 : i32 to vector<16xi32>
        %parallel_loop3A_143 = arith.andi %parallel_loop3A_140, %parallel_loop3A_142 : vector<16xi32>
        %parallel_loop3A_144 = arith.addi %parallel_loop3A_143, %iota3A : vector<16xi32>
        tpu.vector_store_idx %arg4[%parallel_loop3A_144], %broadcast_in_dim3A_11 {add = true} : memref<65536xi32, #tpu.memory_space<vmem>>[vector<16xi32>], vector<16xi32>,
      } {sc.loop_unroll_factor = 8 : i64, sc.parallel_access}
      %scan3A_132 = arith.constant 0 : i32
      scf.yield %scan3A_132 : i32
    }
    %scan3A_25 = arith.constant 68 : i32
    %mul3A_26 = arith.constant 16 : i32
    %mul3A_27 = arith.muli %add3A, %mul3A_26 : i32
    %mul3A_28 = arith.constant 4096 : i32
    %mul3A_29 = arith.muli %mul3A_27, %mul3A_28 : i32
    "tpu.region"() ({
      %run_scoped3A = tpu.sem_alloc : memref<!tpu.dma_semaphore, #tpu.memory_space<semaphore_mem>>
      %dma_start3A_30 = tpu.memref_slice %arg3[%mul3A_29] : memref<2097152xi32, #tpu.memory_space<hbm>> -> memref<65536xi32, #tpu.memory_space<hbm>>
      %dma_start3A_31 = tpu.memref_slice %arg3[%mul3A_29] : memref<2097152xi32, #tpu.memory_space<hbm>> -> memref<65536xi32, #tpu.memory_space<hbm>>
      tpu.enqueue_dma source(%arg4 : memref<65536xi32, #tpu.memory_space<vmem>>) target(%dma_start3A_31 : memref<65536xi32, #tpu.memory_space<hbm>>) target_semaphore(%run_scoped3A : memref<!tpu.dma_semaphore, #tpu.memory_space<semaphore_mem>>)
      %dma_wait3A = tpu.memref_slice %arg3[%mul3A_29] : memref<2097152xi32, #tpu.memory_space<hbm>> -> memref<65536xi32, #tpu.memory_space<hbm>>
      %dma_wait3A_32 = tpu.memref_slice %arg3[%mul3A_29] : memref<2097152xi32, #tpu.memory_space<hbm>> -> memref<65536xi32, #tpu.memory_space<hbm>>
      tpu.wait_dma2 semaphore(%run_scoped3A : memref<!tpu.dma_semaphore, #tpu.memory_space<semaphore_mem>>) src(%arg4 : memref<65536xi32, #tpu.memory_space<vmem>>) dst(%dma_wait3A_32 : memref<65536xi32, #tpu.memory_space<hbm>>)
      tpu.yield
    }) : () -> ()
    return
  }
}

#map = affine_map<(d0, d1) -> (0, 0)>
#map1 = affine_map<(d0, d1) -> (0)>
module attributes {stable_mosaic.version = 14 : i64} {
  func.func @body(%arg0: i32, %arg1: i32, %arg2: memref<1024x100096xi32, #tpu.memory_space<hbm>>, %arg3: memref<16xi32, #tpu.memory_space<hbm>>, %arg4: memref<2097152xi32, #tpu.memory_space<hbm>>, %arg5: memref<65536xi32, #tpu.memory_space<vmem>>, %arg6: memref<8x2944xi32, #tpu.memory_space<vmem>>, %arg7: memref<8x2944xi32, #tpu.memory_space<vmem>>, %arg8: memref<16xi32, #tpu.memory_space<vmem>>, %arg9: memref<!tpu.dma_semaphore, #tpu.memory_space<semaphore_mem>>, %arg10: memref<!tpu.dma_semaphore, #tpu.memory_space<semaphore_mem>>) attributes {dimension_semantics = [#tpu.dimension_semantics<core_parallel>, #tpu.dimension_semantics<subcore_parallel>], iteration_bounds = array<i64: 2, 16>, scalar_prefetch = 0 : i64, scratch_operands = 6 : i64, tpu.core_type = #tpu.core_type<sc_vector_subcore>, window_params = [{transform_indices = #map}, {transform_indices = #map1}, {transform_indices = #map1}]} {
    %mul3A = arith.constant 2 : i32
    %mul3A_0 = arith.muli %arg1, %mul3A : i32
    %add3A = arith.addi %mul3A_0, %arg0 : i32
    %mul3A_1 = arith.constant 32 : i32
    %mul3A_2 = arith.muli %add3A, %mul3A_1 : i32
    %broadcast_in_dim3A = arith.constant 0 : i32
    %broadcast_in_dim3A_3 = vector.broadcast %broadcast_in_dim3A : i32 to vector<16xi32>
    %scan3A = arith.constant 0 : i32
    %scan3A_4 = arith.constant 0 : i32
    %scan3A_5 = arith.constant 4096 : i32
    %scan3A_6 = arith.addi %scan3A_4, %scan3A_5 : i32
    %scan3A_7 = arith.constant 1 : i32
    %scan3A_8 = scf.for %scan3A_33 = %scan3A_4 to %scan3A_6 step %scan3A_7 iter_args(%scan3A_34 = %scan3A) -> (i32)  : i32 {
      %mul3A_35 = arith.constant 16 : i32
      %mul3A_36 = arith.muli %scan3A_33, %mul3A_35 : i32
      %swap3A = arith.index_cast %mul3A_36 : i32 to index
      %swap3A_37 = tpu.vector_load %arg5[%swap3A] {strides = array<i32>} : memref<65536xi32, #tpu.memory_space<vmem>>, vector<16xi32>,
      tpu.vector_store %arg5[%swap3A], %broadcast_in_dim3A_3 {strides = array<i32>} : memref<65536xi32, #tpu.memory_space<vmem>>, vector<16xi32>,
      %scan3A_38 = arith.constant 0 : i32
      scf.yield %scan3A_38 : i32
    }
    %scan3A_9 = arith.constant 4096 : i32
    "tpu.region"() ({
      %run_scoped3A = tpu.sem_alloc : memref<!tpu.dma_semaphore, #tpu.memory_space<semaphore_mem>>
      tpu.enqueue_dma source(%arg3 : memref<16xi32, #tpu.memory_space<hbm>>) target(%arg8 : memref<16xi32, #tpu.memory_space<vmem>>) target_semaphore(%run_scoped3A : memref<!tpu.dma_semaphore, #tpu.memory_space<semaphore_mem>>)
      tpu.wait_dma2 semaphore(%run_scoped3A : memref<!tpu.dma_semaphore, #tpu.memory_space<semaphore_mem>>) src(%arg3 : memref<16xi32, #tpu.memory_space<hbm>>) dst(%arg8 : memref<16xi32, #tpu.memory_space<vmem>>)
      tpu.yield
    }) : () -> ()
    %get3A = arith.constant 0 : index
    %get3A_10 = tpu.vector_load %arg8[%get3A] {strides = array<i32>} : memref<16xi32, #tpu.memory_space<vmem>>, vector<16xi32>,
    %broadcast_in_dim3A_11 = arith.constant 1 : i32
    %broadcast_in_dim3A_12 = vector.broadcast %broadcast_in_dim3A_11 : i32 to vector<16xi32>
    %iota3A = tpu.iota {dimensions = array<i32: 0>} : vector<16xi32>
    %broadcast_in_dim3A_13 = arith.constant 4 : i32
    %broadcast_in_dim3A_14 = vector.broadcast %broadcast_in_dim3A_13 : i32 to vector<16xi32>
    %broadcast_in_dim3A_15 = arith.constant 20 : i32
    %broadcast_in_dim3A_16 = vector.broadcast %broadcast_in_dim3A_15 : i32 to vector<16xi32>
    %add3A_17 = arith.constant 0 : i32
    %add3A_18 = arith.addi %mul3A_2, %add3A_17 : i32
    %dma_start3A = arith.constant 0 : i32
    %dma_start3A_19 = tpu.memref_slice %arg2[%add3A_18, %dma_start3A] : memref<1024x100096xi32, #tpu.memory_space<hbm>> -> memref<8x2944xi32, #tpu.memory_space<hbm>>
    %dma_start3A_20 = arith.constant 0 : i32
    %dma_start3A_21 = tpu.memref_slice %arg2[%add3A_18, %dma_start3A_20] : memref<1024x100096xi32, #tpu.memory_space<hbm>> -> memref<8x2944xi32, #tpu.memory_space<hbm>>
    tpu.enqueue_dma source(%dma_start3A_21 : memref<8x2944xi32, #tpu.memory_space<hbm>>) target(%arg6 : memref<8x2944xi32, #tpu.memory_space<vmem>>) target_semaphore(%arg9 : memref<!tpu.dma_semaphore, #tpu.memory_space<semaphore_mem>>)
    %scan3A_22 = arith.constant 0 : i32
    %scan3A_23 = arith.constant 0 : i32
    %scan3A_24 = arith.constant 68 : i32
    %scan3A_25 = arith.addi %scan3A_23, %scan3A_24 : i32
    %scan3A_26 = arith.constant 1 : i32
    %scan3A_27 = scf.for %scan3A_33 = %scan3A_23 to %scan3A_25 step %scan3A_26 iter_args(%scan3A_34 = %scan3A_22) -> (i32)  : i32 {
      %mul3A_35 = arith.constant 2 : i32
      %mul3A_36 = arith.muli %mul3A_35, %scan3A_33 : i32
      %add3A_37 = arith.constant 1 : i32
      %add3A_38 = arith.addi %mul3A_36, %add3A_37 : i32
      %jit3A = arith.constant 34 : i32
      %div3A = arith.divsi %add3A_38, %jit3A : i32
      %sign3A = arith.constant 0 : i32
      %sign3A_39 = arith.cmpi sgt, %add3A_38, %sign3A : i32
      %sign3A_40 = arith.extui %sign3A_39 : i1 to i32
      %sign3A_41 = arith.constant 0 : i32
      %sign3A_42 = arith.cmpi slt, %add3A_38, %sign3A_41 : i32
      %sign3A_43 = arith.extui %sign3A_42 : i1 to i32
      %sign3A_44 = arith.subi %sign3A_40, %sign3A_43 : i32
      %sign3A_45 = arith.constant 0 : i32
      %sign3A_46 = arith.cmpi sgt, %jit3A, %sign3A_45 : i32
      %sign3A_47 = arith.extui %sign3A_46 : i1 to i32
      %sign3A_48 = arith.constant 0 : i32
      %sign3A_49 = arith.cmpi slt, %jit3A, %sign3A_48 : i32
      %sign3A_50 = arith.extui %sign3A_49 : i1 to i32
      %sign3A_51 = arith.subi %sign3A_47, %sign3A_50 : i32
      %ne3A = arith.cmpi ne, %sign3A_44, %sign3A_51 : i32
      %rem3A = arith.remsi %add3A_38, %jit3A : i32
      %ne3A_52 = arith.constant 0 : i32
      %ne3A_53 = arith.cmpi ne, %rem3A, %ne3A_52 : i32
      %and3A = arith.andi %ne3A, %ne3A_53 : i1
      %sub3A = arith.constant 1 : i32
      %sub3A_54 = arith.subi %div3A, %sub3A : i32
      %select_n3A = arith.select %and3A, %sub3A_54, %div3A : i32
      %mul3A_55 = arith.constant 8 : i32
      %mul3A_56 = arith.muli %mul3A_55, %select_n3A : i32
      %add3A_57 = arith.addi %mul3A_2, %mul3A_56 : i32
      %jit3A_58 = arith.constant 34 : i32
      %eq3A = arith.constant 0 : i32
      %eq3A_59 = arith.cmpi eq, %jit3A_58, %eq3A : i32
      %jit3A_60 = arith.constant 1 : i32
      %select_n3A_61 = arith.select %eq3A_59, %jit3A_60, %jit3A_58 : i32
      %rem3A_62 = arith.remsi %add3A_38, %select_n3A_61 : i32
      %ne3A_63 = arith.constant 0 : i32
      %ne3A_64 = arith.cmpi ne, %rem3A_62, %ne3A_63 : i32
      %lt3A = arith.constant 0 : i32
      %lt3A_65 = arith.cmpi slt, %rem3A_62, %lt3A : i32
      %lt3A_66 = arith.constant 0 : i32
      %lt3A_67 = arith.cmpi slt, %select_n3A_61, %lt3A_66 : i32
      %ne3A_68 = arith.xori %lt3A_65, %lt3A_67 : i1
      %and3A_69 = arith.andi %ne3A_68, %ne3A_64 : i1
      %add3A_70 = arith.addi %rem3A_62, %select_n3A_61 : i32
      %select_n3A_71 = arith.select %and3A_69, %add3A_70, %rem3A_62 : i32
      %mul3A_72 = arith.constant 2944 : i32
      %mul3A_73 = arith.muli %select_n3A_71, %mul3A_72 : i32
      %dma_start3A_74 = tpu.memref_slice %arg2[%add3A_57, %mul3A_73] : memref<1024x100096xi32, #tpu.memory_space<hbm>> -> memref<8x2944xi32, #tpu.memory_space<hbm>>
      %dma_start3A_75 = tpu.memref_slice %arg2[%add3A_57, %mul3A_73] : memref<1024x100096xi32, #tpu.memory_space<hbm>> -> memref<8x2944xi32, #tpu.memory_space<hbm>>
      tpu.enqueue_dma source(%dma_start3A_75 : memref<8x2944xi32, #tpu.memory_space<hbm>>) target(%arg7 : memref<8x2944xi32, #tpu.memory_space<vmem>>) target_semaphore(%arg10 : memref<!tpu.dma_semaphore, #tpu.memory_space<semaphore_mem>>)
      %dma_wait3A = arith.constant 0 : i32
      %dma_wait3A_76 = tpu.memref_slice %arg2[%mul3A_2, %dma_wait3A] : memref<1024x100096xi32, #tpu.memory_space<hbm>> -> memref<8x2944xi32, #tpu.memory_space<hbm>>
      %dma_wait3A_77 = arith.constant 0 : i32
      %dma_wait3A_78 = tpu.memref_slice %arg2[%mul3A_2, %dma_wait3A_77] : memref<1024x100096xi32, #tpu.memory_space<hbm>> -> memref<8x2944xi32, #tpu.memory_space<hbm>>
      tpu.wait_dma2 semaphore(%arg9 : memref<!tpu.dma_semaphore, #tpu.memory_space<semaphore_mem>>) src(%dma_wait3A_78 : memref<8x2944xi32, #tpu.memory_space<hbm>>) dst(%arg6 : memref<8x2944xi32, #tpu.memory_space<vmem>>)
      %parallel_loop3A = arith.constant 0 : i32
      %parallel_loop3A_79 = arith.constant 184 : i32
      %parallel_loop3A_80 = arith.constant 1 : i32
      scf.for %parallel_loop3A_136 = %parallel_loop3A to %parallel_loop3A_79 step %parallel_loop3A_80  : i32 {
        %parallel_loop3A_137 = arith.constant 16 : i32
        %parallel_loop3A_138 = arith.muli %parallel_loop3A_136, %parallel_loop3A_137 : i32
        %parallel_loop3A_139 = arith.constant 0 : i32
        %parallel_loop3A_140 = arith.index_cast %parallel_loop3A_139 : i32 to index
        %parallel_loop3A_141 = arith.index_cast %parallel_loop3A_138 : i32 to index
        %parallel_loop3A_142 = tpu.vector_load %arg6[%parallel_loop3A_140, %parallel_loop3A_141] {strides = array<i32>} : memref<8x2944xi32, #tpu.memory_space<vmem>>, vector<16xi32>,
        %parallel_loop3A_143 = arith.shrui %parallel_loop3A_142, %broadcast_in_dim3A_14 : vector<16xi32>
        %parallel_loop3A_144 = arith.constant 65520 : i32
        %parallel_loop3A_145 = vector.broadcast %parallel_loop3A_144 : i32 to vector<16xi32>
        %parallel_loop3A_146 = arith.andi %parallel_loop3A_143, %parallel_loop3A_145 : vector<16xi32>
        %parallel_loop3A_147 = arith.shrui %parallel_loop3A_142, %broadcast_in_dim3A_16 : vector<16xi32>
        %parallel_loop3A_148 = arith.cmpi eq, %parallel_loop3A_147, %get3A_10 : vector<16xi32>
        %parallel_loop3A_149 = arith.addi %parallel_loop3A_146, %iota3A : vector<16xi32>
        tpu.vector_store_idx %arg5[%parallel_loop3A_149], %broadcast_in_dim3A_12 masked %parallel_loop3A_148 {add = true} : memref<65536xi32, #tpu.memory_space<vmem>>[vector<16xi32>], vector<16xi32>, vector<16xi1>
      } {sc.loop_unroll_factor = 8 : i64, sc.parallel_access}
      %parallel_loop3A_81 = arith.constant 0 : i32
      %parallel_loop3A_82 = arith.constant 184 : i32
      %parallel_loop3A_83 = arith.constant 1 : i32
      scf.for %parallel_loop3A_136 = %parallel_loop3A_81 to %parallel_loop3A_82 step %parallel_loop3A_83  : i32 {
        %parallel_loop3A_137 = arith.constant 16 : i32
        %parallel_loop3A_138 = arith.muli %parallel_loop3A_136, %parallel_loop3A_137 : i32
        %parallel_loop3A_139 = arith.constant 1 : i32
        %parallel_loop3A_140 = arith.index_cast %parallel_loop3A_139 : i32 to index
        %parallel_loop3A_141 = arith.index_cast %parallel_loop3A_138 : i32 to index
        %parallel_loop3A_142 = tpu.vector_load %arg6[%parallel_loop3A_140, %parallel_loop3A_141] {strides = array<i32>} : memref<8x2944xi32, #tpu.memory_space<vmem>>, vector<16xi32>,
        %parallel_loop3A_143 = arith.shrui %parallel_loop3A_142, %broadcast_in_dim3A_14 : vector<16xi32>
        %parallel_loop3A_144 = arith.constant 65520 : i32
        %parallel_loop3A_145 = vector.broadcast %parallel_loop3A_144 : i32 to vector<16xi32>
        %parallel_loop3A_146 = arith.andi %parallel_loop3A_143, %parallel_loop3A_145 : vector<16xi32>
        %parallel_loop3A_147 = arith.shrui %parallel_loop3A_142, %broadcast_in_dim3A_16 : vector<16xi32>
        %parallel_loop3A_148 = arith.cmpi eq, %parallel_loop3A_147, %get3A_10 : vector<16xi32>
        %parallel_loop3A_149 = arith.addi %parallel_loop3A_146, %iota3A : vector<16xi32>
        tpu.vector_store_idx %arg5[%parallel_loop3A_149], %broadcast_in_dim3A_12 masked %parallel_loop3A_148 {add = true} : memref<65536xi32, #tpu.memory_space<vmem>>[vector<16xi32>], vector<16xi32>, vector<16xi1>
      } {sc.loop_unroll_factor = 8 : i64, sc.parallel_access}
      %parallel_loop3A_84 = arith.constant 0 : i32
      %parallel_loop3A_85 = arith.constant 184 : i32
      %parallel_loop3A_86 = arith.constant 1 : i32
      scf.for %parallel_loop3A_136 = %parallel_loop3A_84 to %parallel_loop3A_85 step %parallel_loop3A_86  : i32 {
        %parallel_loop3A_137 = arith.constant 16 : i32
        %parallel_loop3A_138 = arith.muli %parallel_loop3A_136, %parallel_loop3A_137 : i32
        %parallel_loop3A_139 = arith.constant 2 : i32
        %parallel_loop3A_140 = arith.index_cast %parallel_loop3A_139 : i32 to index
        %parallel_loop3A_141 = arith.index_cast %parallel_loop3A_138 : i32 to index
        %parallel_loop3A_142 = tpu.vector_load %arg6[%parallel_loop3A_140, %parallel_loop3A_141] {strides = array<i32>} : memref<8x2944xi32, #tpu.memory_space<vmem>>, vector<16xi32>,
        %parallel_loop3A_143 = arith.shrui %parallel_loop3A_142, %broadcast_in_dim3A_14 : vector<16xi32>
        %parallel_loop3A_144 = arith.constant 65520 : i32
        %parallel_loop3A_145 = vector.broadcast %parallel_loop3A_144 : i32 to vector<16xi32>
        %parallel_loop3A_146 = arith.andi %parallel_loop3A_143, %parallel_loop3A_145 : vector<16xi32>
        %parallel_loop3A_147 = arith.shrui %parallel_loop3A_142, %broadcast_in_dim3A_16 : vector<16xi32>
        %parallel_loop3A_148 = arith.cmpi eq, %parallel_loop3A_147, %get3A_10 : vector<16xi32>
        %parallel_loop3A_149 = arith.addi %parallel_loop3A_146, %iota3A : vector<16xi32>
        tpu.vector_store_idx %arg5[%parallel_loop3A_149], %broadcast_in_dim3A_12 masked %parallel_loop3A_148 {add = true} : memref<65536xi32, #tpu.memory_space<vmem>>[vector<16xi32>], vector<16xi32>, vector<16xi1>
      } {sc.loop_unroll_factor = 8 : i64, sc.parallel_access}
      %parallel_loop3A_87 = arith.constant 0 : i32
      %parallel_loop3A_88 = arith.constant 184 : i32
      %parallel_loop3A_89 = arith.constant 1 : i32
      scf.for %parallel_loop3A_136 = %parallel_loop3A_87 to %parallel_loop3A_88 step %parallel_loop3A_89  : i32 {
        %parallel_loop3A_137 = arith.constant 16 : i32
        %parallel_loop3A_138 = arith.muli %parallel_loop3A_136, %parallel_loop3A_137 : i32
        %parallel_loop3A_139 = arith.constant 3 : i32
        %parallel_loop3A_140 = arith.index_cast %parallel_loop3A_139 : i32 to index
        %parallel_loop3A_141 = arith.index_cast %parallel_loop3A_138 : i32 to index
        %parallel_loop3A_142 = tpu.vector_load %arg6[%parallel_loop3A_140, %parallel_loop3A_141] {strides = array<i32>} : memref<8x2944xi32, #tpu.memory_space<vmem>>, vector<16xi32>,
        %parallel_loop3A_143 = arith.shrui %parallel_loop3A_142, %broadcast_in_dim3A_14 : vector<16xi32>
        %parallel_loop3A_144 = arith.constant 65520 : i32
        %parallel_loop3A_145 = vector.broadcast %parallel_loop3A_144 : i32 to vector<16xi32>
        %parallel_loop3A_146 = arith.andi %parallel_loop3A_143, %parallel_loop3A_145 : vector<16xi32>
        %parallel_loop3A_147 = arith.shrui %parallel_loop3A_142, %broadcast_in_dim3A_16 : vector<16xi32>
        %parallel_loop3A_148 = arith.cmpi eq, %parallel_loop3A_147, %get3A_10 : vector<16xi32>
        %parallel_loop3A_149 = arith.addi %parallel_loop3A_146, %iota3A : vector<16xi32>
        tpu.vector_store_idx %arg5[%parallel_loop3A_149], %broadcast_in_dim3A_12 masked %parallel_loop3A_148 {add = true} : memref<65536xi32, #tpu.memory_space<vmem>>[vector<16xi32>], vector<16xi32>, vector<16xi1>
      } {sc.loop_unroll_factor = 8 : i64, sc.parallel_access}
      %parallel_loop3A_90 = arith.constant 0 : i32
      %parallel_loop3A_91 = arith.constant 184 : i32
      %parallel_loop3A_92 = arith.constant 1 : i32
      scf.for %parallel_loop3A_136 = %parallel_loop3A_90 to %parallel_loop3A_91 step %parallel_loop3A_92  : i32 {
        %parallel_loop3A_137 = arith.constant 16 : i32
        %parallel_loop3A_138 = arith.muli %parallel_loop3A_136, %parallel_loop3A_137 : i32
        %parallel_loop3A_139 = arith.constant 4 : i32
        %parallel_loop3A_140 = arith.index_cast %parallel_loop3A_139 : i32 to index
        %parallel_loop3A_141 = arith.index_cast %parallel_loop3A_138 : i32 to index
        %parallel_loop3A_142 = tpu.vector_load %arg6[%parallel_loop3A_140, %parallel_loop3A_141] {strides = array<i32>} : memref<8x2944xi32, #tpu.memory_space<vmem>>, vector<16xi32>,
        %parallel_loop3A_143 = arith.shrui %parallel_loop3A_142, %broadcast_in_dim3A_14 : vector<16xi32>
        %parallel_loop3A_144 = arith.constant 65520 : i32
        %parallel_loop3A_145 = vector.broadcast %parallel_loop3A_144 : i32 to vector<16xi32>
        %parallel_loop3A_146 = arith.andi %parallel_loop3A_143, %parallel_loop3A_145 : vector<16xi32>
        %parallel_loop3A_147 = arith.shrui %parallel_loop3A_142, %broadcast_in_dim3A_16 : vector<16xi32>
        %parallel_loop3A_148 = arith.cmpi eq, %parallel_loop3A_147, %get3A_10 : vector<16xi32>
        %parallel_loop3A_149 = arith.addi %parallel_loop3A_146, %iota3A : vector<16xi32>
        tpu.vector_store_idx %arg5[%parallel_loop3A_149], %broadcast_in_dim3A_12 masked %parallel_loop3A_148 {add = true} : memref<65536xi32, #tpu.memory_space<vmem>>[vector<16xi32>], vector<16xi32>, vector<16xi1>
      } {sc.loop_unroll_factor = 8 : i64, sc.parallel_access}
      %parallel_loop3A_93 = arith.constant 0 : i32
      %parallel_loop3A_94 = arith.constant 184 : i32
      %parallel_loop3A_95 = arith.constant 1 : i32
      scf.for %parallel_loop3A_136 = %parallel_loop3A_93 to %parallel_loop3A_94 step %parallel_loop3A_95  : i32 {
        %parallel_loop3A_137 = arith.constant 16 : i32
        %parallel_loop3A_138 = arith.muli %parallel_loop3A_136, %parallel_loop3A_137 : i32
        %parallel_loop3A_139 = arith.constant 5 : i32
        %parallel_loop3A_140 = arith.index_cast %parallel_loop3A_139 : i32 to index
        %parallel_loop3A_141 = arith.index_cast %parallel_loop3A_138 : i32 to index
        %parallel_loop3A_142 = tpu.vector_load %arg6[%parallel_loop3A_140, %parallel_loop3A_141] {strides = array<i32>} : memref<8x2944xi32, #tpu.memory_space<vmem>>, vector<16xi32>,
        %parallel_loop3A_143 = arith.shrui %parallel_loop3A_142, %broadcast_in_dim3A_14 : vector<16xi32>
        %parallel_loop3A_144 = arith.constant 65520 : i32
        %parallel_loop3A_145 = vector.broadcast %parallel_loop3A_144 : i32 to vector<16xi32>
        %parallel_loop3A_146 = arith.andi %parallel_loop3A_143, %parallel_loop3A_145 : vector<16xi32>
        %parallel_loop3A_147 = arith.shrui %parallel_loop3A_142, %broadcast_in_dim3A_16 : vector<16xi32>
        %parallel_loop3A_148 = arith.cmpi eq, %parallel_loop3A_147, %get3A_10 : vector<16xi32>
        %parallel_loop3A_149 = arith.addi %parallel_loop3A_146, %iota3A : vector<16xi32>
        tpu.vector_store_idx %arg5[%parallel_loop3A_149], %broadcast_in_dim3A_12 masked %parallel_loop3A_148 {add = true} : memref<65536xi32, #tpu.memory_space<vmem>>[vector<16xi32>], vector<16xi32>, vector<16xi1>
      } {sc.loop_unroll_factor = 8 : i64, sc.parallel_access}
      %parallel_loop3A_96 = arith.constant 0 : i32
      %parallel_loop3A_97 = arith.constant 184 : i32
      %parallel_loop3A_98 = arith.constant 1 : i32
      scf.for %parallel_loop3A_136 = %parallel_loop3A_96 to %parallel_loop3A_97 step %parallel_loop3A_98  : i32 {
        %parallel_loop3A_137 = arith.constant 16 : i32
        %parallel_loop3A_138 = arith.muli %parallel_loop3A_136, %parallel_loop3A_137 : i32
        %parallel_loop3A_139 = arith.constant 6 : i32
        %parallel_loop3A_140 = arith.index_cast %parallel_loop3A_139 : i32 to index
        %parallel_loop3A_141 = arith.index_cast %parallel_loop3A_138 : i32 to index
        %parallel_loop3A_142 = tpu.vector_load %arg6[%parallel_loop3A_140, %parallel_loop3A_141] {strides = array<i32>} : memref<8x2944xi32, #tpu.memory_space<vmem>>, vector<16xi32>,
        %parallel_loop3A_143 = arith.shrui %parallel_loop3A_142, %broadcast_in_dim3A_14 : vector<16xi32>
        %parallel_loop3A_144 = arith.constant 65520 : i32
        %parallel_loop3A_145 = vector.broadcast %parallel_loop3A_144 : i32 to vector<16xi32>
        %parallel_loop3A_146 = arith.andi %parallel_loop3A_143, %parallel_loop3A_145 : vector<16xi32>
        %parallel_loop3A_147 = arith.shrui %parallel_loop3A_142, %broadcast_in_dim3A_16 : vector<16xi32>
        %parallel_loop3A_148 = arith.cmpi eq, %parallel_loop3A_147, %get3A_10 : vector<16xi32>
        %parallel_loop3A_149 = arith.addi %parallel_loop3A_146, %iota3A : vector<16xi32>
        tpu.vector_store_idx %arg5[%parallel_loop3A_149], %broadcast_in_dim3A_12 masked %parallel_loop3A_148 {add = true} : memref<65536xi32, #tpu.memory_space<vmem>>[vector<16xi32>], vector<16xi32>, vector<16xi1>
      } {sc.loop_unroll_factor = 8 : i64, sc.parallel_access}
      %parallel_loop3A_99 = arith.constant 0 : i32
      %parallel_loop3A_100 = arith.constant 184 : i32
      %parallel_loop3A_101 = arith.constant 1 : i32
      scf.for %parallel_loop3A_136 = %parallel_loop3A_99 to %parallel_loop3A_100 step %parallel_loop3A_101  : i32 {
        %parallel_loop3A_137 = arith.constant 16 : i32
        %parallel_loop3A_138 = arith.muli %parallel_loop3A_136, %parallel_loop3A_137 : i32
        %parallel_loop3A_139 = arith.constant 7 : i32
        %parallel_loop3A_140 = arith.index_cast %parallel_loop3A_139 : i32 to index
        %parallel_loop3A_141 = arith.index_cast %parallel_loop3A_138 : i32 to index
        %parallel_loop3A_142 = tpu.vector_load %arg6[%parallel_loop3A_140, %parallel_loop3A_141] {strides = array<i32>} : memref<8x2944xi32, #tpu.memory_space<vmem>>, vector<16xi32>,
        %parallel_loop3A_143 = arith.shrui %parallel_loop3A_142, %broadcast_in_dim3A_14 : vector<16xi32>
        %parallel_loop3A_144 = arith.constant 65520 : i32
        %parallel_loop3A_145 = vector.broadcast %parallel_loop3A_144 : i32 to vector<16xi32>
        %parallel_loop3A_146 = arith.andi %parallel_loop3A_143, %parallel_loop3A_145 : vector<16xi32>
        %parallel_loop3A_147 = arith.shrui %parallel_loop3A_142, %broadcast_in_dim3A_16 : vector<16xi32>
        %parallel_loop3A_148 = arith.cmpi eq, %parallel_loop3A_147, %get3A_10 : vector<16xi32>
        %parallel_loop3A_149 = arith.addi %parallel_loop3A_146, %iota3A : vector<16xi32>
        tpu.vector_store_idx %arg5[%parallel_loop3A_149], %broadcast_in_dim3A_12 masked %parallel_loop3A_148 {add = true} : memref<65536xi32, #tpu.memory_space<vmem>>[vector<16xi32>], vector<16xi32>, vector<16xi1>
      } {sc.loop_unroll_factor = 8 : i64, sc.parallel_access}
      %add3A_102 = arith.constant 1 : i32
      %add3A_103 = arith.addi %scan3A_33, %add3A_102 : i32
      %lt3A_104 = arith.constant 68 : i32
      %lt3A_105 = arith.cmpi slt, %add3A_103, %lt3A_104 : i32
      %convert_element_type3A = arith.extui %lt3A_105 : i1 to i32
      %cond3A = arith.constant 0 : i32
      %cond3A_106 = arith.cmpi ne, %convert_element_type3A, %cond3A : i32
      scf.if %cond3A_106 {
        %mul3A_136 = arith.constant 2 : i32
        %mul3A_137 = arith.muli %mul3A_136, %scan3A_33 : i32
        %add3A_138 = arith.constant 2 : i32
        %add3A_139 = arith.addi %mul3A_137, %add3A_138 : i32
        %jit3A_140 = arith.constant 34 : i32
        %div3A_141 = arith.divsi %add3A_139, %jit3A_140 : i32
        %sign3A_142 = arith.constant 0 : i32
        %sign3A_143 = arith.cmpi sgt, %add3A_139, %sign3A_142 : i32
        %sign3A_144 = arith.extui %sign3A_143 : i1 to i32
        %sign3A_145 = arith.constant 0 : i32
        %sign3A_146 = arith.cmpi slt, %add3A_139, %sign3A_145 : i32
        %sign3A_147 = arith.extui %sign3A_146 : i1 to i32
        %sign3A_148 = arith.subi %sign3A_144, %sign3A_147 : i32
        %sign3A_149 = arith.constant 0 : i32
        %sign3A_150 = arith.cmpi sgt, %jit3A_140, %sign3A_149 : i32
        %sign3A_151 = arith.extui %sign3A_150 : i1 to i32
        %sign3A_152 = arith.constant 0 : i32
        %sign3A_153 = arith.cmpi slt, %jit3A_140, %sign3A_152 : i32
        %sign3A_154 = arith.extui %sign3A_153 : i1 to i32
        %sign3A_155 = arith.subi %sign3A_151, %sign3A_154 : i32
        %ne3A_156 = arith.cmpi ne, %sign3A_148, %sign3A_155 : i32
        %rem3A_157 = arith.remsi %add3A_139, %jit3A_140 : i32
        %ne3A_158 = arith.constant 0 : i32
        %ne3A_159 = arith.cmpi ne, %rem3A_157, %ne3A_158 : i32
        %and3A_160 = arith.andi %ne3A_156, %ne3A_159 : i1
        %sub3A_161 = arith.constant 1 : i32
        %sub3A_162 = arith.subi %div3A_141, %sub3A_161 : i32
        %select_n3A_163 = arith.select %and3A_160, %sub3A_162, %div3A_141 : i32
        %mul3A_164 = arith.constant 8 : i32
        %mul3A_165 = arith.muli %mul3A_164, %select_n3A_163 : i32
        %add3A_166 = arith.addi %mul3A_2, %mul3A_165 : i32
        %jit3A_167 = arith.constant 34 : i32
        %eq3A_168 = arith.constant 0 : i32
        %eq3A_169 = arith.cmpi eq, %jit3A_167, %eq3A_168 : i32
        %jit3A_170 = arith.constant 1 : i32
        %select_n3A_171 = arith.select %eq3A_169, %jit3A_170, %jit3A_167 : i32
        %rem3A_172 = arith.remsi %add3A_139, %select_n3A_171 : i32
        %ne3A_173 = arith.constant 0 : i32
        %ne3A_174 = arith.cmpi ne, %rem3A_172, %ne3A_173 : i32
        %lt3A_175 = arith.constant 0 : i32
        %lt3A_176 = arith.cmpi slt, %rem3A_172, %lt3A_175 : i32
        %lt3A_177 = arith.constant 0 : i32
        %lt3A_178 = arith.cmpi slt, %select_n3A_171, %lt3A_177 : i32
        %ne3A_179 = arith.xori %lt3A_176, %lt3A_178 : i1
        %and3A_180 = arith.andi %ne3A_179, %ne3A_174 : i1
        %add3A_181 = arith.addi %rem3A_172, %select_n3A_171 : i32
        %select_n3A_182 = arith.select %and3A_180, %add3A_181, %rem3A_172 : i32
        %mul3A_183 = arith.constant 2944 : i32
        %mul3A_184 = arith.muli %select_n3A_182, %mul3A_183 : i32
        %dma_start3A_185 = tpu.memref_slice %arg2[%add3A_166, %mul3A_184] : memref<1024x100096xi32, #tpu.memory_space<hbm>> -> memref<8x2944xi32, #tpu.memory_space<hbm>>
        %dma_start3A_186 = tpu.memref_slice %arg2[%add3A_166, %mul3A_184] : memref<1024x100096xi32, #tpu.memory_space<hbm>> -> memref<8x2944xi32, #tpu.memory_space<hbm>>
        tpu.enqueue_dma source(%dma_start3A_186 : memref<8x2944xi32, #tpu.memory_space<hbm>>) target(%arg6 : memref<8x2944xi32, #tpu.memory_space<vmem>>) target_semaphore(%arg9 : memref<!tpu.dma_semaphore, #tpu.memory_space<semaphore_mem>>)
      } else {
      }
      %dma_wait3A_107 = arith.constant 0 : i32
      %dma_wait3A_108 = tpu.memref_slice %arg2[%mul3A_2, %dma_wait3A_107] : memref<1024x100096xi32, #tpu.memory_space<hbm>> -> memref<8x2944xi32, #tpu.memory_space<hbm>>
      %dma_wait3A_109 = arith.constant 0 : i32
      %dma_wait3A_110 = tpu.memref_slice %arg2[%mul3A_2, %dma_wait3A_109] : memref<1024x100096xi32, #tpu.memory_space<hbm>> -> memref<8x2944xi32, #tpu.memory_space<hbm>>
      tpu.wait_dma2 semaphore(%arg10 : memref<!tpu.dma_semaphore, #tpu.memory_space<semaphore_mem>>) src(%dma_wait3A_110 : memref<8x2944xi32, #tpu.memory_space<hbm>>) dst(%arg7 : memref<8x2944xi32, #tpu.memory_space<vmem>>)
      %parallel_loop3A_111 = arith.constant 0 : i32
      %parallel_loop3A_112 = arith.constant 184 : i32
      %parallel_loop3A_113 = arith.constant 1 : i32
      scf.for %parallel_loop3A_136 = %parallel_loop3A_111 to %parallel_loop3A_112 step %parallel_loop3A_113  : i32 {
        %parallel_loop3A_137 = arith.constant 16 : i32
        %parallel_loop3A_138 = arith.muli %parallel_loop3A_136, %parallel_loop3A_137 : i32
        %parallel_loop3A_139 = arith.constant 0 : i32
        %parallel_loop3A_140 = arith.index_cast %parallel_loop3A_139 : i32 to index
        %parallel_loop3A_141 = arith.index_cast %parallel_loop3A_138 : i32 to index
        %parallel_loop3A_142 = tpu.vector_load %arg7[%parallel_loop3A_140, %parallel_loop3A_141] {strides = array<i32>} : memref<8x2944xi32, #tpu.memory_space<vmem>>, vector<16xi32>,
        %parallel_loop3A_143 = arith.shrui %parallel_loop3A_142, %broadcast_in_dim3A_14 : vector<16xi32>
        %parallel_loop3A_144 = arith.constant 65520 : i32
        %parallel_loop3A_145 = vector.broadcast %parallel_loop3A_144 : i32 to vector<16xi32>
        %parallel_loop3A_146 = arith.andi %parallel_loop3A_143, %parallel_loop3A_145 : vector<16xi32>
        %parallel_loop3A_147 = arith.shrui %parallel_loop3A_142, %broadcast_in_dim3A_16 : vector<16xi32>
        %parallel_loop3A_148 = arith.cmpi eq, %parallel_loop3A_147, %get3A_10 : vector<16xi32>
        %parallel_loop3A_149 = arith.addi %parallel_loop3A_146, %iota3A : vector<16xi32>
        tpu.vector_store_idx %arg5[%parallel_loop3A_149], %broadcast_in_dim3A_12 masked %parallel_loop3A_148 {add = true} : memref<65536xi32, #tpu.memory_space<vmem>>[vector<16xi32>], vector<16xi32>, vector<16xi1>
      } {sc.loop_unroll_factor = 8 : i64, sc.parallel_access}
      %parallel_loop3A_114 = arith.constant 0 : i32
      %parallel_loop3A_115 = arith.constant 184 : i32
      %parallel_loop3A_116 = arith.constant 1 : i32
      scf.for %parallel_loop3A_136 = %parallel_loop3A_114 to %parallel_loop3A_115 step %parallel_loop3A_116  : i32 {
        %parallel_loop3A_137 = arith.constant 16 : i32
        %parallel_loop3A_138 = arith.muli %parallel_loop3A_136, %parallel_loop3A_137 : i32
        %parallel_loop3A_139 = arith.constant 1 : i32
        %parallel_loop3A_140 = arith.index_cast %parallel_loop3A_139 : i32 to index
        %parallel_loop3A_141 = arith.index_cast %parallel_loop3A_138 : i32 to index
        %parallel_loop3A_142 = tpu.vector_load %arg7[%parallel_loop3A_140, %parallel_loop3A_141] {strides = array<i32>} : memref<8x2944xi32, #tpu.memory_space<vmem>>, vector<16xi32>,
        %parallel_loop3A_143 = arith.shrui %parallel_loop3A_142, %broadcast_in_dim3A_14 : vector<16xi32>
        %parallel_loop3A_144 = arith.constant 65520 : i32
        %parallel_loop3A_145 = vector.broadcast %parallel_loop3A_144 : i32 to vector<16xi32>
        %parallel_loop3A_146 = arith.andi %parallel_loop3A_143, %parallel_loop3A_145 : vector<16xi32>
        %parallel_loop3A_147 = arith.shrui %parallel_loop3A_142, %broadcast_in_dim3A_16 : vector<16xi32>
        %parallel_loop3A_148 = arith.cmpi eq, %parallel_loop3A_147, %get3A_10 : vector<16xi32>
        %parallel_loop3A_149 = arith.addi %parallel_loop3A_146, %iota3A : vector<16xi32>
        tpu.vector_store_idx %arg5[%parallel_loop3A_149], %broadcast_in_dim3A_12 masked %parallel_loop3A_148 {add = true} : memref<65536xi32, #tpu.memory_space<vmem>>[vector<16xi32>], vector<16xi32>, vector<16xi1>
      } {sc.loop_unroll_factor = 8 : i64, sc.parallel_access}
      %parallel_loop3A_117 = arith.constant 0 : i32
      %parallel_loop3A_118 = arith.constant 184 : i32
      %parallel_loop3A_119 = arith.constant 1 : i32
      scf.for %parallel_loop3A_136 = %parallel_loop3A_117 to %parallel_loop3A_118 step %parallel_loop3A_119  : i32 {
        %parallel_loop3A_137 = arith.constant 16 : i32
        %parallel_loop3A_138 = arith.muli %parallel_loop3A_136, %parallel_loop3A_137 : i32
        %parallel_loop3A_139 = arith.constant 2 : i32
        %parallel_loop3A_140 = arith.index_cast %parallel_loop3A_139 : i32 to index
        %parallel_loop3A_141 = arith.index_cast %parallel_loop3A_138 : i32 to index
        %parallel_loop3A_142 = tpu.vector_load %arg7[%parallel_loop3A_140, %parallel_loop3A_141] {strides = array<i32>} : memref<8x2944xi32, #tpu.memory_space<vmem>>, vector<16xi32>,
        %parallel_loop3A_143 = arith.shrui %parallel_loop3A_142, %broadcast_in_dim3A_14 : vector<16xi32>
        %parallel_loop3A_144 = arith.constant 65520 : i32
        %parallel_loop3A_145 = vector.broadcast %parallel_loop3A_144 : i32 to vector<16xi32>
        %parallel_loop3A_146 = arith.andi %parallel_loop3A_143, %parallel_loop3A_145 : vector<16xi32>
        %parallel_loop3A_147 = arith.shrui %parallel_loop3A_142, %broadcast_in_dim3A_16 : vector<16xi32>
        %parallel_loop3A_148 = arith.cmpi eq, %parallel_loop3A_147, %get3A_10 : vector<16xi32>
        %parallel_loop3A_149 = arith.addi %parallel_loop3A_146, %iota3A : vector<16xi32>
        tpu.vector_store_idx %arg5[%parallel_loop3A_149], %broadcast_in_dim3A_12 masked %parallel_loop3A_148 {add = true} : memref<65536xi32, #tpu.memory_space<vmem>>[vector<16xi32>], vector<16xi32>, vector<16xi1>
      } {sc.loop_unroll_factor = 8 : i64, sc.parallel_access}
      %parallel_loop3A_120 = arith.constant 0 : i32
      %parallel_loop3A_121 = arith.constant 184 : i32
      %parallel_loop3A_122 = arith.constant 1 : i32
      scf.for %parallel_loop3A_136 = %parallel_loop3A_120 to %parallel_loop3A_121 step %parallel_loop3A_122  : i32 {
        %parallel_loop3A_137 = arith.constant 16 : i32
        %parallel_loop3A_138 = arith.muli %parallel_loop3A_136, %parallel_loop3A_137 : i32
        %parallel_loop3A_139 = arith.constant 3 : i32
        %parallel_loop3A_140 = arith.index_cast %parallel_loop3A_139 : i32 to index
        %parallel_loop3A_141 = arith.index_cast %parallel_loop3A_138 : i32 to index
        %parallel_loop3A_142 = tpu.vector_load %arg7[%parallel_loop3A_140, %parallel_loop3A_141] {strides = array<i32>} : memref<8x2944xi32, #tpu.memory_space<vmem>>, vector<16xi32>,
        %parallel_loop3A_143 = arith.shrui %parallel_loop3A_142, %broadcast_in_dim3A_14 : vector<16xi32>
        %parallel_loop3A_144 = arith.constant 65520 : i32
        %parallel_loop3A_145 = vector.broadcast %parallel_loop3A_144 : i32 to vector<16xi32>
        %parallel_loop3A_146 = arith.andi %parallel_loop3A_143, %parallel_loop3A_145 : vector<16xi32>
        %parallel_loop3A_147 = arith.shrui %parallel_loop3A_142, %broadcast_in_dim3A_16 : vector<16xi32>
        %parallel_loop3A_148 = arith.cmpi eq, %parallel_loop3A_147, %get3A_10 : vector<16xi32>
        %parallel_loop3A_149 = arith.addi %parallel_loop3A_146, %iota3A : vector<16xi32>
        tpu.vector_store_idx %arg5[%parallel_loop3A_149], %broadcast_in_dim3A_12 masked %parallel_loop3A_148 {add = true} : memref<65536xi32, #tpu.memory_space<vmem>>[vector<16xi32>], vector<16xi32>, vector<16xi1>
      } {sc.loop_unroll_factor = 8 : i64, sc.parallel_access}
      %parallel_loop3A_123 = arith.constant 0 : i32
      %parallel_loop3A_124 = arith.constant 184 : i32
      %parallel_loop3A_125 = arith.constant 1 : i32
      scf.for %parallel_loop3A_136 = %parallel_loop3A_123 to %parallel_loop3A_124 step %parallel_loop3A_125  : i32 {
        %parallel_loop3A_137 = arith.constant 16 : i32
        %parallel_loop3A_138 = arith.muli %parallel_loop3A_136, %parallel_loop3A_137 : i32
        %parallel_loop3A_139 = arith.constant 4 : i32
        %parallel_loop3A_140 = arith.index_cast %parallel_loop3A_139 : i32 to index
        %parallel_loop3A_141 = arith.index_cast %parallel_loop3A_138 : i32 to index
        %parallel_loop3A_142 = tpu.vector_load %arg7[%parallel_loop3A_140, %parallel_loop3A_141] {strides = array<i32>} : memref<8x2944xi32, #tpu.memory_space<vmem>>, vector<16xi32>,
        %parallel_loop3A_143 = arith.shrui %parallel_loop3A_142, %broadcast_in_dim3A_14 : vector<16xi32>
        %parallel_loop3A_144 = arith.constant 65520 : i32
        %parallel_loop3A_145 = vector.broadcast %parallel_loop3A_144 : i32 to vector<16xi32>
        %parallel_loop3A_146 = arith.andi %parallel_loop3A_143, %parallel_loop3A_145 : vector<16xi32>
        %parallel_loop3A_147 = arith.shrui %parallel_loop3A_142, %broadcast_in_dim3A_16 : vector<16xi32>
        %parallel_loop3A_148 = arith.cmpi eq, %parallel_loop3A_147, %get3A_10 : vector<16xi32>
        %parallel_loop3A_149 = arith.addi %parallel_loop3A_146, %iota3A : vector<16xi32>
        tpu.vector_store_idx %arg5[%parallel_loop3A_149], %broadcast_in_dim3A_12 masked %parallel_loop3A_148 {add = true} : memref<65536xi32, #tpu.memory_space<vmem>>[vector<16xi32>], vector<16xi32>, vector<16xi1>
      } {sc.loop_unroll_factor = 8 : i64, sc.parallel_access}
      %parallel_loop3A_126 = arith.constant 0 : i32
      %parallel_loop3A_127 = arith.constant 184 : i32
      %parallel_loop3A_128 = arith.constant 1 : i32
      scf.for %parallel_loop3A_136 = %parallel_loop3A_126 to %parallel_loop3A_127 step %parallel_loop3A_128  : i32 {
        %parallel_loop3A_137 = arith.constant 16 : i32
        %parallel_loop3A_138 = arith.muli %parallel_loop3A_136, %parallel_loop3A_137 : i32
        %parallel_loop3A_139 = arith.constant 5 : i32
        %parallel_loop3A_140 = arith.index_cast %parallel_loop3A_139 : i32 to index
        %parallel_loop3A_141 = arith.index_cast %parallel_loop3A_138 : i32 to index
        %parallel_loop3A_142 = tpu.vector_load %arg7[%parallel_loop3A_140, %parallel_loop3A_141] {strides = array<i32>} : memref<8x2944xi32, #tpu.memory_space<vmem>>, vector<16xi32>,
        %parallel_loop3A_143 = arith.shrui %parallel_loop3A_142, %broadcast_in_dim3A_14 : vector<16xi32>
        %parallel_loop3A_144 = arith.constant 65520 : i32
        %parallel_loop3A_145 = vector.broadcast %parallel_loop3A_144 : i32 to vector<16xi32>
        %parallel_loop3A_146 = arith.andi %parallel_loop3A_143, %parallel_loop3A_145 : vector<16xi32>
        %parallel_loop3A_147 = arith.shrui %parallel_loop3A_142, %broadcast_in_dim3A_16 : vector<16xi32>
        %parallel_loop3A_148 = arith.cmpi eq, %parallel_loop3A_147, %get3A_10 : vector<16xi32>
        %parallel_loop3A_149 = arith.addi %parallel_loop3A_146, %iota3A : vector<16xi32>
        tpu.vector_store_idx %arg5[%parallel_loop3A_149], %broadcast_in_dim3A_12 masked %parallel_loop3A_148 {add = true} : memref<65536xi32, #tpu.memory_space<vmem>>[vector<16xi32>], vector<16xi32>, vector<16xi1>
      } {sc.loop_unroll_factor = 8 : i64, sc.parallel_access}
      %parallel_loop3A_129 = arith.constant 0 : i32
      %parallel_loop3A_130 = arith.constant 184 : i32
      %parallel_loop3A_131 = arith.constant 1 : i32
      scf.for %parallel_loop3A_136 = %parallel_loop3A_129 to %parallel_loop3A_130 step %parallel_loop3A_131  : i32 {
        %parallel_loop3A_137 = arith.constant 16 : i32
        %parallel_loop3A_138 = arith.muli %parallel_loop3A_136, %parallel_loop3A_137 : i32
        %parallel_loop3A_139 = arith.constant 6 : i32
        %parallel_loop3A_140 = arith.index_cast %parallel_loop3A_139 : i32 to index
        %parallel_loop3A_141 = arith.index_cast %parallel_loop3A_138 : i32 to index
        %parallel_loop3A_142 = tpu.vector_load %arg7[%parallel_loop3A_140, %parallel_loop3A_141] {strides = array<i32>} : memref<8x2944xi32, #tpu.memory_space<vmem>>, vector<16xi32>,
        %parallel_loop3A_143 = arith.shrui %parallel_loop3A_142, %broadcast_in_dim3A_14 : vector<16xi32>
        %parallel_loop3A_144 = arith.constant 65520 : i32
        %parallel_loop3A_145 = vector.broadcast %parallel_loop3A_144 : i32 to vector<16xi32>
        %parallel_loop3A_146 = arith.andi %parallel_loop3A_143, %parallel_loop3A_145 : vector<16xi32>
        %parallel_loop3A_147 = arith.shrui %parallel_loop3A_142, %broadcast_in_dim3A_16 : vector<16xi32>
        %parallel_loop3A_148 = arith.cmpi eq, %parallel_loop3A_147, %get3A_10 : vector<16xi32>
        %parallel_loop3A_149 = arith.addi %parallel_loop3A_146, %iota3A : vector<16xi32>
        tpu.vector_store_idx %arg5[%parallel_loop3A_149], %broadcast_in_dim3A_12 masked %parallel_loop3A_148 {add = true} : memref<65536xi32, #tpu.memory_space<vmem>>[vector<16xi32>], vector<16xi32>, vector<16xi1>
      } {sc.loop_unroll_factor = 8 : i64, sc.parallel_access}
      %parallel_loop3A_132 = arith.constant 0 : i32
      %parallel_loop3A_133 = arith.constant 184 : i32
      %parallel_loop3A_134 = arith.constant 1 : i32
      scf.for %parallel_loop3A_136 = %parallel_loop3A_132 to %parallel_loop3A_133 step %parallel_loop3A_134  : i32 {
        %parallel_loop3A_137 = arith.constant 16 : i32
        %parallel_loop3A_138 = arith.muli %parallel_loop3A_136, %parallel_loop3A_137 : i32
        %parallel_loop3A_139 = arith.constant 7 : i32
        %parallel_loop3A_140 = arith.index_cast %parallel_loop3A_139 : i32 to index
        %parallel_loop3A_141 = arith.index_cast %parallel_loop3A_138 : i32 to index
        %parallel_loop3A_142 = tpu.vector_load %arg7[%parallel_loop3A_140, %parallel_loop3A_141] {strides = array<i32>} : memref<8x2944xi32, #tpu.memory_space<vmem>>, vector<16xi32>,
        %parallel_loop3A_143 = arith.shrui %parallel_loop3A_142, %broadcast_in_dim3A_14 : vector<16xi32>
        %parallel_loop3A_144 = arith.constant 65520 : i32
        %parallel_loop3A_145 = vector.broadcast %parallel_loop3A_144 : i32 to vector<16xi32>
        %parallel_loop3A_146 = arith.andi %parallel_loop3A_143, %parallel_loop3A_145 : vector<16xi32>
        %parallel_loop3A_147 = arith.shrui %parallel_loop3A_142, %broadcast_in_dim3A_16 : vector<16xi32>
        %parallel_loop3A_148 = arith.cmpi eq, %parallel_loop3A_147, %get3A_10 : vector<16xi32>
        %parallel_loop3A_149 = arith.addi %parallel_loop3A_146, %iota3A : vector<16xi32>
        tpu.vector_store_idx %arg5[%parallel_loop3A_149], %broadcast_in_dim3A_12 masked %parallel_loop3A_148 {add = true} : memref<65536xi32, #tpu.memory_space<vmem>>[vector<16xi32>], vector<16xi32>, vector<16xi1>
      } {sc.loop_unroll_factor = 8 : i64, sc.parallel_access}
      %scan3A_135 = arith.constant 0 : i32
      scf.yield %scan3A_135 : i32
    }
    %scan3A_28 = arith.constant 68 : i32
    %mul3A_29 = arith.constant 16 : i32
    %mul3A_30 = arith.muli %add3A, %mul3A_29 : i32
    %mul3A_31 = arith.constant 4096 : i32
    %mul3A_32 = arith.muli %mul3A_30, %mul3A_31 : i32
    "tpu.region"() ({
      %run_scoped3A = tpu.sem_alloc : memref<!tpu.dma_semaphore, #tpu.memory_space<semaphore_mem>>
      %dma_start3A_33 = tpu.memref_slice %arg4[%mul3A_32] : memref<2097152xi32, #tpu.memory_space<hbm>> -> memref<65536xi32, #tpu.memory_space<hbm>>
      %dma_start3A_34 = tpu.memref_slice %arg4[%mul3A_32] : memref<2097152xi32, #tpu.memory_space<hbm>> -> memref<65536xi32, #tpu.memory_space<hbm>>
      tpu.enqueue_dma source(%arg5 : memref<65536xi32, #tpu.memory_space<vmem>>) target(%dma_start3A_34 : memref<65536xi32, #tpu.memory_space<hbm>>) target_semaphore(%run_scoped3A : memref<!tpu.dma_semaphore, #tpu.memory_space<semaphore_mem>>)
      %dma_wait3A = tpu.memref_slice %arg4[%mul3A_32] : memref<2097152xi32, #tpu.memory_space<hbm>> -> memref<65536xi32, #tpu.memory_space<hbm>>
      %dma_wait3A_35 = tpu.memref_slice %arg4[%mul3A_32] : memref<2097152xi32, #tpu.memory_space<hbm>> -> memref<65536xi32, #tpu.memory_space<hbm>>
      tpu.wait_dma2 semaphore(%run_scoped3A : memref<!tpu.dma_semaphore, #tpu.memory_space<semaphore_mem>>) src(%arg5 : memref<65536xi32, #tpu.memory_space<vmem>>) dst(%dma_wait3A_35 : memref<65536xi32, #tpu.memory_space<hbm>>)
      tpu.yield
    }) : () -> ()
    return
  }
}

#map = affine_map<(d0, d1) -> (0, 0)>
#map1 = affine_map<(d0, d1) -> (0)>
module attributes {stable_mosaic.version = 14 : i64} {
  func.func @body(%arg0: i32, %arg1: i32, %arg2: memref<1024x100096xi32, #tpu.memory_space<hbm>>, %arg3: memref<16xi32, #tpu.memory_space<hbm>>, %arg4: memref<131072xi32, #tpu.memory_space<hbm>>, %arg5: memref<4096xi32, #tpu.memory_space<vmem>>, %arg6: memref<8x2944xi32, #tpu.memory_space<vmem>>, %arg7: memref<8x2944xi32, #tpu.memory_space<vmem>>, %arg8: memref<16xi32, #tpu.memory_space<vmem>>, %arg9: memref<!tpu.dma_semaphore, #tpu.memory_space<semaphore_mem>>, %arg10: memref<!tpu.dma_semaphore, #tpu.memory_space<semaphore_mem>>) attributes {dimension_semantics = [#tpu.dimension_semantics<core_parallel>, #tpu.dimension_semantics<subcore_parallel>], iteration_bounds = array<i64: 2, 16>, scalar_prefetch = 0 : i64, scratch_operands = 6 : i64, tpu.core_type = #tpu.core_type<sc_vector_subcore>, window_params = [{transform_indices = #map}, {transform_indices = #map1}, {transform_indices = #map1}]} {
    %mul3A = arith.constant 2 : i32
    %mul3A_0 = arith.muli %arg1, %mul3A : i32
    %add3A = arith.addi %mul3A_0, %arg0 : i32
    %mul3A_1 = arith.constant 32 : i32
    %mul3A_2 = arith.muli %add3A, %mul3A_1 : i32
    %broadcast_in_dim3A = arith.constant 0 : i32
    %broadcast_in_dim3A_3 = vector.broadcast %broadcast_in_dim3A : i32 to vector<16xi32>
    %scan3A = arith.constant 0 : i32
    %scan3A_4 = arith.constant 0 : i32
    %scan3A_5 = arith.constant 256 : i32
    %scan3A_6 = arith.addi %scan3A_4, %scan3A_5 : i32
    %scan3A_7 = arith.constant 1 : i32
    %scan3A_8 = scf.for %scan3A_33 = %scan3A_4 to %scan3A_6 step %scan3A_7 iter_args(%scan3A_34 = %scan3A) -> (i32)  : i32 {
      %mul3A_35 = arith.constant 16 : i32
      %mul3A_36 = arith.muli %scan3A_33, %mul3A_35 : i32
      %swap3A = arith.index_cast %mul3A_36 : i32 to index
      %swap3A_37 = tpu.vector_load %arg5[%swap3A] {strides = array<i32>} : memref<4096xi32, #tpu.memory_space<vmem>>, vector<16xi32>,
      tpu.vector_store %arg5[%swap3A], %broadcast_in_dim3A_3 {strides = array<i32>} : memref<4096xi32, #tpu.memory_space<vmem>>, vector<16xi32>,
      %scan3A_38 = arith.constant 0 : i32
      scf.yield %scan3A_38 : i32
    }
    %scan3A_9 = arith.constant 256 : i32
    "tpu.region"() ({
      %run_scoped3A = tpu.sem_alloc : memref<!tpu.dma_semaphore, #tpu.memory_space<semaphore_mem>>
      tpu.enqueue_dma source(%arg3 : memref<16xi32, #tpu.memory_space<hbm>>) target(%arg8 : memref<16xi32, #tpu.memory_space<vmem>>) target_semaphore(%run_scoped3A : memref<!tpu.dma_semaphore, #tpu.memory_space<semaphore_mem>>)
      tpu.wait_dma2 semaphore(%run_scoped3A : memref<!tpu.dma_semaphore, #tpu.memory_space<semaphore_mem>>) src(%arg3 : memref<16xi32, #tpu.memory_space<hbm>>) dst(%arg8 : memref<16xi32, #tpu.memory_space<vmem>>)
      tpu.yield
    }) : () -> ()
    %get3A = arith.constant 0 : index
    %get3A_10 = tpu.vector_load %arg8[%get3A] {strides = array<i32>} : memref<16xi32, #tpu.memory_space<vmem>>, vector<16xi32>,
    %broadcast_in_dim3A_11 = arith.constant 1 : i32
    %broadcast_in_dim3A_12 = vector.broadcast %broadcast_in_dim3A_11 : i32 to vector<16xi32>
    %iota3A = tpu.iota {dimensions = array<i32: 0>} : vector<16xi32>
    %broadcast_in_dim3A_13 = arith.constant 4 : i32
    %broadcast_in_dim3A_14 = vector.broadcast %broadcast_in_dim3A_13 : i32 to vector<16xi32>
    %broadcast_in_dim3A_15 = arith.constant 8 : i32
    %broadcast_in_dim3A_16 = vector.broadcast %broadcast_in_dim3A_15 : i32 to vector<16xi32>
    %add3A_17 = arith.constant 0 : i32
    %add3A_18 = arith.addi %mul3A_2, %add3A_17 : i32
    %dma_start3A = arith.constant 0 : i32
    %dma_start3A_19 = tpu.memref_slice %arg2[%add3A_18, %dma_start3A] : memref<1024x100096xi32, #tpu.memory_space<hbm>> -> memref<8x2944xi32, #tpu.memory_space<hbm>>
    %dma_start3A_20 = arith.constant 0 : i32
    %dma_start3A_21 = tpu.memref_slice %arg2[%add3A_18, %dma_start3A_20] : memref<1024x100096xi32, #tpu.memory_space<hbm>> -> memref<8x2944xi32, #tpu.memory_space<hbm>>
    tpu.enqueue_dma source(%dma_start3A_21 : memref<8x2944xi32, #tpu.memory_space<hbm>>) target(%arg6 : memref<8x2944xi32, #tpu.memory_space<vmem>>) target_semaphore(%arg9 : memref<!tpu.dma_semaphore, #tpu.memory_space<semaphore_mem>>)
    %scan3A_22 = arith.constant 0 : i32
    %scan3A_23 = arith.constant 0 : i32
    %scan3A_24 = arith.constant 68 : i32
    %scan3A_25 = arith.addi %scan3A_23, %scan3A_24 : i32
    %scan3A_26 = arith.constant 1 : i32
    %scan3A_27 = scf.for %scan3A_33 = %scan3A_23 to %scan3A_25 step %scan3A_26 iter_args(%scan3A_34 = %scan3A_22) -> (i32)  : i32 {
      %mul3A_35 = arith.constant 2 : i32
      %mul3A_36 = arith.muli %mul3A_35, %scan3A_33 : i32
      %add3A_37 = arith.constant 1 : i32
      %add3A_38 = arith.addi %mul3A_36, %add3A_37 : i32
      %jit3A = arith.constant 34 : i32
      %div3A = arith.divsi %add3A_38, %jit3A : i32
      %sign3A = arith.constant 0 : i32
      %sign3A_39 = arith.cmpi sgt, %add3A_38, %sign3A : i32
      %sign3A_40 = arith.extui %sign3A_39 : i1 to i32
      %sign3A_41 = arith.constant 0 : i32
      %sign3A_42 = arith.cmpi slt, %add3A_38, %sign3A_41 : i32
      %sign3A_43 = arith.extui %sign3A_42 : i1 to i32
      %sign3A_44 = arith.subi %sign3A_40, %sign3A_43 : i32
      %sign3A_45 = arith.constant 0 : i32
      %sign3A_46 = arith.cmpi sgt, %jit3A, %sign3A_45 : i32
      %sign3A_47 = arith.extui %sign3A_46 : i1 to i32
      %sign3A_48 = arith.constant 0 : i32
      %sign3A_49 = arith.cmpi slt, %jit3A, %sign3A_48 : i32
      %sign3A_50 = arith.extui %sign3A_49 : i1 to i32
      %sign3A_51 = arith.subi %sign3A_47, %sign3A_50 : i32
      %ne3A = arith.cmpi ne, %sign3A_44, %sign3A_51 : i32
      %rem3A = arith.remsi %add3A_38, %jit3A : i32
      %ne3A_52 = arith.constant 0 : i32
      %ne3A_53 = arith.cmpi ne, %rem3A, %ne3A_52 : i32
      %and3A = arith.andi %ne3A, %ne3A_53 : i1
      %sub3A = arith.constant 1 : i32
      %sub3A_54 = arith.subi %div3A, %sub3A : i32
      %select_n3A = arith.select %and3A, %sub3A_54, %div3A : i32
      %mul3A_55 = arith.constant 8 : i32
      %mul3A_56 = arith.muli %mul3A_55, %select_n3A : i32
      %add3A_57 = arith.addi %mul3A_2, %mul3A_56 : i32
      %jit3A_58 = arith.constant 34 : i32
      %eq3A = arith.constant 0 : i32
      %eq3A_59 = arith.cmpi eq, %jit3A_58, %eq3A : i32
      %jit3A_60 = arith.constant 1 : i32
      %select_n3A_61 = arith.select %eq3A_59, %jit3A_60, %jit3A_58 : i32
      %rem3A_62 = arith.remsi %add3A_38, %select_n3A_61 : i32
      %ne3A_63 = arith.constant 0 : i32
      %ne3A_64 = arith.cmpi ne, %rem3A_62, %ne3A_63 : i32
      %lt3A = arith.constant 0 : i32
      %lt3A_65 = arith.cmpi slt, %rem3A_62, %lt3A : i32
      %lt3A_66 = arith.constant 0 : i32
      %lt3A_67 = arith.cmpi slt, %select_n3A_61, %lt3A_66 : i32
      %ne3A_68 = arith.xori %lt3A_65, %lt3A_67 : i1
      %and3A_69 = arith.andi %ne3A_68, %ne3A_64 : i1
      %add3A_70 = arith.addi %rem3A_62, %select_n3A_61 : i32
      %select_n3A_71 = arith.select %and3A_69, %add3A_70, %rem3A_62 : i32
      %mul3A_72 = arith.constant 2944 : i32
      %mul3A_73 = arith.muli %select_n3A_71, %mul3A_72 : i32
      %dma_start3A_74 = tpu.memref_slice %arg2[%add3A_57, %mul3A_73] : memref<1024x100096xi32, #tpu.memory_space<hbm>> -> memref<8x2944xi32, #tpu.memory_space<hbm>>
      %dma_start3A_75 = tpu.memref_slice %arg2[%add3A_57, %mul3A_73] : memref<1024x100096xi32, #tpu.memory_space<hbm>> -> memref<8x2944xi32, #tpu.memory_space<hbm>>
      tpu.enqueue_dma source(%dma_start3A_75 : memref<8x2944xi32, #tpu.memory_space<hbm>>) target(%arg7 : memref<8x2944xi32, #tpu.memory_space<vmem>>) target_semaphore(%arg10 : memref<!tpu.dma_semaphore, #tpu.memory_space<semaphore_mem>>)
      %dma_wait3A = arith.constant 0 : i32
      %dma_wait3A_76 = tpu.memref_slice %arg2[%mul3A_2, %dma_wait3A] : memref<1024x100096xi32, #tpu.memory_space<hbm>> -> memref<8x2944xi32, #tpu.memory_space<hbm>>
      %dma_wait3A_77 = arith.constant 0 : i32
      %dma_wait3A_78 = tpu.memref_slice %arg2[%mul3A_2, %dma_wait3A_77] : memref<1024x100096xi32, #tpu.memory_space<hbm>> -> memref<8x2944xi32, #tpu.memory_space<hbm>>
      tpu.wait_dma2 semaphore(%arg9 : memref<!tpu.dma_semaphore, #tpu.memory_space<semaphore_mem>>) src(%dma_wait3A_78 : memref<8x2944xi32, #tpu.memory_space<hbm>>) dst(%arg6 : memref<8x2944xi32, #tpu.memory_space<vmem>>)
      %parallel_loop3A = arith.constant 0 : i32
      %parallel_loop3A_79 = arith.constant 184 : i32
      %parallel_loop3A_80 = arith.constant 1 : i32
      scf.for %parallel_loop3A_136 = %parallel_loop3A to %parallel_loop3A_79 step %parallel_loop3A_80  : i32 {
        %parallel_loop3A_137 = arith.constant 16 : i32
        %parallel_loop3A_138 = arith.muli %parallel_loop3A_136, %parallel_loop3A_137 : i32
        %parallel_loop3A_139 = arith.constant 0 : i32
        %parallel_loop3A_140 = arith.index_cast %parallel_loop3A_139 : i32 to index
        %parallel_loop3A_141 = arith.index_cast %parallel_loop3A_138 : i32 to index
        %parallel_loop3A_142 = tpu.vector_load %arg6[%parallel_loop3A_140, %parallel_loop3A_141] {strides = array<i32>} : memref<8x2944xi32, #tpu.memory_space<vmem>>, vector<16xi32>,
        %parallel_loop3A_143 = arith.shli %parallel_loop3A_142, %broadcast_in_dim3A_14 : vector<16xi32>
        %parallel_loop3A_144 = arith.constant 4080 : i32
        %parallel_loop3A_145 = vector.broadcast %parallel_loop3A_144 : i32 to vector<16xi32>
        %parallel_loop3A_146 = arith.andi %parallel_loop3A_143, %parallel_loop3A_145 : vector<16xi32>
        %parallel_loop3A_147 = arith.shrui %parallel_loop3A_142, %broadcast_in_dim3A_16 : vector<16xi32>
        %parallel_loop3A_148 = arith.cmpi eq, %parallel_loop3A_147, %get3A_10 : vector<16xi32>
        %parallel_loop3A_149 = arith.addi %parallel_loop3A_146, %iota3A : vector<16xi32>
        tpu.vector_store_idx %arg5[%parallel_loop3A_149], %broadcast_in_dim3A_12 masked %parallel_loop3A_148 {add = true} : memref<4096xi32, #tpu.memory_space<vmem>>[vector<16xi32>], vector<16xi32>, vector<16xi1>
      } {sc.loop_unroll_factor = 8 : i64, sc.parallel_access}
      %parallel_loop3A_81 = arith.constant 0 : i32
      %parallel_loop3A_82 = arith.constant 184 : i32
      %parallel_loop3A_83 = arith.constant 1 : i32
      scf.for %parallel_loop3A_136 = %parallel_loop3A_81 to %parallel_loop3A_82 step %parallel_loop3A_83  : i32 {
        %parallel_loop3A_137 = arith.constant 16 : i32
        %parallel_loop3A_138 = arith.muli %parallel_loop3A_136, %parallel_loop3A_137 : i32
        %parallel_loop3A_139 = arith.constant 1 : i32
        %parallel_loop3A_140 = arith.index_cast %parallel_loop3A_139 : i32 to index
        %parallel_loop3A_141 = arith.index_cast %parallel_loop3A_138 : i32 to index
        %parallel_loop3A_142 = tpu.vector_load %arg6[%parallel_loop3A_140, %parallel_loop3A_141] {strides = array<i32>} : memref<8x2944xi32, #tpu.memory_space<vmem>>, vector<16xi32>,
        %parallel_loop3A_143 = arith.shli %parallel_loop3A_142, %broadcast_in_dim3A_14 : vector<16xi32>
        %parallel_loop3A_144 = arith.constant 4080 : i32
        %parallel_loop3A_145 = vector.broadcast %parallel_loop3A_144 : i32 to vector<16xi32>
        %parallel_loop3A_146 = arith.andi %parallel_loop3A_143, %parallel_loop3A_145 : vector<16xi32>
        %parallel_loop3A_147 = arith.shrui %parallel_loop3A_142, %broadcast_in_dim3A_16 : vector<16xi32>
        %parallel_loop3A_148 = arith.cmpi eq, %parallel_loop3A_147, %get3A_10 : vector<16xi32>
        %parallel_loop3A_149 = arith.addi %parallel_loop3A_146, %iota3A : vector<16xi32>
        tpu.vector_store_idx %arg5[%parallel_loop3A_149], %broadcast_in_dim3A_12 masked %parallel_loop3A_148 {add = true} : memref<4096xi32, #tpu.memory_space<vmem>>[vector<16xi32>], vector<16xi32>, vector<16xi1>
      } {sc.loop_unroll_factor = 8 : i64, sc.parallel_access}
      %parallel_loop3A_84 = arith.constant 0 : i32
      %parallel_loop3A_85 = arith.constant 184 : i32
      %parallel_loop3A_86 = arith.constant 1 : i32
      scf.for %parallel_loop3A_136 = %parallel_loop3A_84 to %parallel_loop3A_85 step %parallel_loop3A_86  : i32 {
        %parallel_loop3A_137 = arith.constant 16 : i32
        %parallel_loop3A_138 = arith.muli %parallel_loop3A_136, %parallel_loop3A_137 : i32
        %parallel_loop3A_139 = arith.constant 2 : i32
        %parallel_loop3A_140 = arith.index_cast %parallel_loop3A_139 : i32 to index
        %parallel_loop3A_141 = arith.index_cast %parallel_loop3A_138 : i32 to index
        %parallel_loop3A_142 = tpu.vector_load %arg6[%parallel_loop3A_140, %parallel_loop3A_141] {strides = array<i32>} : memref<8x2944xi32, #tpu.memory_space<vmem>>, vector<16xi32>,
        %parallel_loop3A_143 = arith.shli %parallel_loop3A_142, %broadcast_in_dim3A_14 : vector<16xi32>
        %parallel_loop3A_144 = arith.constant 4080 : i32
        %parallel_loop3A_145 = vector.broadcast %parallel_loop3A_144 : i32 to vector<16xi32>
        %parallel_loop3A_146 = arith.andi %parallel_loop3A_143, %parallel_loop3A_145 : vector<16xi32>
        %parallel_loop3A_147 = arith.shrui %parallel_loop3A_142, %broadcast_in_dim3A_16 : vector<16xi32>
        %parallel_loop3A_148 = arith.cmpi eq, %parallel_loop3A_147, %get3A_10 : vector<16xi32>
        %parallel_loop3A_149 = arith.addi %parallel_loop3A_146, %iota3A : vector<16xi32>
        tpu.vector_store_idx %arg5[%parallel_loop3A_149], %broadcast_in_dim3A_12 masked %parallel_loop3A_148 {add = true} : memref<4096xi32, #tpu.memory_space<vmem>>[vector<16xi32>], vector<16xi32>, vector<16xi1>
      } {sc.loop_unroll_factor = 8 : i64, sc.parallel_access}
      %parallel_loop3A_87 = arith.constant 0 : i32
      %parallel_loop3A_88 = arith.constant 184 : i32
      %parallel_loop3A_89 = arith.constant 1 : i32
      scf.for %parallel_loop3A_136 = %parallel_loop3A_87 to %parallel_loop3A_88 step %parallel_loop3A_89  : i32 {
        %parallel_loop3A_137 = arith.constant 16 : i32
        %parallel_loop3A_138 = arith.muli %parallel_loop3A_136, %parallel_loop3A_137 : i32
        %parallel_loop3A_139 = arith.constant 3 : i32
        %parallel_loop3A_140 = arith.index_cast %parallel_loop3A_139 : i32 to index
        %parallel_loop3A_141 = arith.index_cast %parallel_loop3A_138 : i32 to index
        %parallel_loop3A_142 = tpu.vector_load %arg6[%parallel_loop3A_140, %parallel_loop3A_141] {strides = array<i32>} : memref<8x2944xi32, #tpu.memory_space<vmem>>, vector<16xi32>,
        %parallel_loop3A_143 = arith.shli %parallel_loop3A_142, %broadcast_in_dim3A_14 : vector<16xi32>
        %parallel_loop3A_144 = arith.constant 4080 : i32
        %parallel_loop3A_145 = vector.broadcast %parallel_loop3A_144 : i32 to vector<16xi32>
        %parallel_loop3A_146 = arith.andi %parallel_loop3A_143, %parallel_loop3A_145 : vector<16xi32>
        %parallel_loop3A_147 = arith.shrui %parallel_loop3A_142, %broadcast_in_dim3A_16 : vector<16xi32>
        %parallel_loop3A_148 = arith.cmpi eq, %parallel_loop3A_147, %get3A_10 : vector<16xi32>
        %parallel_loop3A_149 = arith.addi %parallel_loop3A_146, %iota3A : vector<16xi32>
        tpu.vector_store_idx %arg5[%parallel_loop3A_149], %broadcast_in_dim3A_12 masked %parallel_loop3A_148 {add = true} : memref<4096xi32, #tpu.memory_space<vmem>>[vector<16xi32>], vector<16xi32>, vector<16xi1>
      } {sc.loop_unroll_factor = 8 : i64, sc.parallel_access}
      %parallel_loop3A_90 = arith.constant 0 : i32
      %parallel_loop3A_91 = arith.constant 184 : i32
      %parallel_loop3A_92 = arith.constant 1 : i32
      scf.for %parallel_loop3A_136 = %parallel_loop3A_90 to %parallel_loop3A_91 step %parallel_loop3A_92  : i32 {
        %parallel_loop3A_137 = arith.constant 16 : i32
        %parallel_loop3A_138 = arith.muli %parallel_loop3A_136, %parallel_loop3A_137 : i32
        %parallel_loop3A_139 = arith.constant 4 : i32
        %parallel_loop3A_140 = arith.index_cast %parallel_loop3A_139 : i32 to index
        %parallel_loop3A_141 = arith.index_cast %parallel_loop3A_138 : i32 to index
        %parallel_loop3A_142 = tpu.vector_load %arg6[%parallel_loop3A_140, %parallel_loop3A_141] {strides = array<i32>} : memref<8x2944xi32, #tpu.memory_space<vmem>>, vector<16xi32>,
        %parallel_loop3A_143 = arith.shli %parallel_loop3A_142, %broadcast_in_dim3A_14 : vector<16xi32>
        %parallel_loop3A_144 = arith.constant 4080 : i32
        %parallel_loop3A_145 = vector.broadcast %parallel_loop3A_144 : i32 to vector<16xi32>
        %parallel_loop3A_146 = arith.andi %parallel_loop3A_143, %parallel_loop3A_145 : vector<16xi32>
        %parallel_loop3A_147 = arith.shrui %parallel_loop3A_142, %broadcast_in_dim3A_16 : vector<16xi32>
        %parallel_loop3A_148 = arith.cmpi eq, %parallel_loop3A_147, %get3A_10 : vector<16xi32>
        %parallel_loop3A_149 = arith.addi %parallel_loop3A_146, %iota3A : vector<16xi32>
        tpu.vector_store_idx %arg5[%parallel_loop3A_149], %broadcast_in_dim3A_12 masked %parallel_loop3A_148 {add = true} : memref<4096xi32, #tpu.memory_space<vmem>>[vector<16xi32>], vector<16xi32>, vector<16xi1>
      } {sc.loop_unroll_factor = 8 : i64, sc.parallel_access}
      %parallel_loop3A_93 = arith.constant 0 : i32
      %parallel_loop3A_94 = arith.constant 184 : i32
      %parallel_loop3A_95 = arith.constant 1 : i32
      scf.for %parallel_loop3A_136 = %parallel_loop3A_93 to %parallel_loop3A_94 step %parallel_loop3A_95  : i32 {
        %parallel_loop3A_137 = arith.constant 16 : i32
        %parallel_loop3A_138 = arith.muli %parallel_loop3A_136, %parallel_loop3A_137 : i32
        %parallel_loop3A_139 = arith.constant 5 : i32
        %parallel_loop3A_140 = arith.index_cast %parallel_loop3A_139 : i32 to index
        %parallel_loop3A_141 = arith.index_cast %parallel_loop3A_138 : i32 to index
        %parallel_loop3A_142 = tpu.vector_load %arg6[%parallel_loop3A_140, %parallel_loop3A_141] {strides = array<i32>} : memref<8x2944xi32, #tpu.memory_space<vmem>>, vector<16xi32>,
        %parallel_loop3A_143 = arith.shli %parallel_loop3A_142, %broadcast_in_dim3A_14 : vector<16xi32>
        %parallel_loop3A_144 = arith.constant 4080 : i32
        %parallel_loop3A_145 = vector.broadcast %parallel_loop3A_144 : i32 to vector<16xi32>
        %parallel_loop3A_146 = arith.andi %parallel_loop3A_143, %parallel_loop3A_145 : vector<16xi32>
        %parallel_loop3A_147 = arith.shrui %parallel_loop3A_142, %broadcast_in_dim3A_16 : vector<16xi32>
        %parallel_loop3A_148 = arith.cmpi eq, %parallel_loop3A_147, %get3A_10 : vector<16xi32>
        %parallel_loop3A_149 = arith.addi %parallel_loop3A_146, %iota3A : vector<16xi32>
        tpu.vector_store_idx %arg5[%parallel_loop3A_149], %broadcast_in_dim3A_12 masked %parallel_loop3A_148 {add = true} : memref<4096xi32, #tpu.memory_space<vmem>>[vector<16xi32>], vector<16xi32>, vector<16xi1>
      } {sc.loop_unroll_factor = 8 : i64, sc.parallel_access}
      %parallel_loop3A_96 = arith.constant 0 : i32
      %parallel_loop3A_97 = arith.constant 184 : i32
      %parallel_loop3A_98 = arith.constant 1 : i32
      scf.for %parallel_loop3A_136 = %parallel_loop3A_96 to %parallel_loop3A_97 step %parallel_loop3A_98  : i32 {
        %parallel_loop3A_137 = arith.constant 16 : i32
        %parallel_loop3A_138 = arith.muli %parallel_loop3A_136, %parallel_loop3A_137 : i32
        %parallel_loop3A_139 = arith.constant 6 : i32
        %parallel_loop3A_140 = arith.index_cast %parallel_loop3A_139 : i32 to index
        %parallel_loop3A_141 = arith.index_cast %parallel_loop3A_138 : i32 to index
        %parallel_loop3A_142 = tpu.vector_load %arg6[%parallel_loop3A_140, %parallel_loop3A_141] {strides = array<i32>} : memref<8x2944xi32, #tpu.memory_space<vmem>>, vector<16xi32>,
        %parallel_loop3A_143 = arith.shli %parallel_loop3A_142, %broadcast_in_dim3A_14 : vector<16xi32>
        %parallel_loop3A_144 = arith.constant 4080 : i32
        %parallel_loop3A_145 = vector.broadcast %parallel_loop3A_144 : i32 to vector<16xi32>
        %parallel_loop3A_146 = arith.andi %parallel_loop3A_143, %parallel_loop3A_145 : vector<16xi32>
        %parallel_loop3A_147 = arith.shrui %parallel_loop3A_142, %broadcast_in_dim3A_16 : vector<16xi32>
        %parallel_loop3A_148 = arith.cmpi eq, %parallel_loop3A_147, %get3A_10 : vector<16xi32>
        %parallel_loop3A_149 = arith.addi %parallel_loop3A_146, %iota3A : vector<16xi32>
        tpu.vector_store_idx %arg5[%parallel_loop3A_149], %broadcast_in_dim3A_12 masked %parallel_loop3A_148 {add = true} : memref<4096xi32, #tpu.memory_space<vmem>>[vector<16xi32>], vector<16xi32>, vector<16xi1>
      } {sc.loop_unroll_factor = 8 : i64, sc.parallel_access}
      %parallel_loop3A_99 = arith.constant 0 : i32
      %parallel_loop3A_100 = arith.constant 184 : i32
      %parallel_loop3A_101 = arith.constant 1 : i32
      scf.for %parallel_loop3A_136 = %parallel_loop3A_99 to %parallel_loop3A_100 step %parallel_loop3A_101  : i32 {
        %parallel_loop3A_137 = arith.constant 16 : i32
        %parallel_loop3A_138 = arith.muli %parallel_loop3A_136, %parallel_loop3A_137 : i32
        %parallel_loop3A_139 = arith.constant 7 : i32
        %parallel_loop3A_140 = arith.index_cast %parallel_loop3A_139 : i32 to index
        %parallel_loop3A_141 = arith.index_cast %parallel_loop3A_138 : i32 to index
        %parallel_loop3A_142 = tpu.vector_load %arg6[%parallel_loop3A_140, %parallel_loop3A_141] {strides = array<i32>} : memref<8x2944xi32, #tpu.memory_space<vmem>>, vector<16xi32>,
        %parallel_loop3A_143 = arith.shli %parallel_loop3A_142, %broadcast_in_dim3A_14 : vector<16xi32>
        %parallel_loop3A_144 = arith.constant 4080 : i32
        %parallel_loop3A_145 = vector.broadcast %parallel_loop3A_144 : i32 to vector<16xi32>
        %parallel_loop3A_146 = arith.andi %parallel_loop3A_143, %parallel_loop3A_145 : vector<16xi32>
        %parallel_loop3A_147 = arith.shrui %parallel_loop3A_142, %broadcast_in_dim3A_16 : vector<16xi32>
        %parallel_loop3A_148 = arith.cmpi eq, %parallel_loop3A_147, %get3A_10 : vector<16xi32>
        %parallel_loop3A_149 = arith.addi %parallel_loop3A_146, %iota3A : vector<16xi32>
        tpu.vector_store_idx %arg5[%parallel_loop3A_149], %broadcast_in_dim3A_12 masked %parallel_loop3A_148 {add = true} : memref<4096xi32, #tpu.memory_space<vmem>>[vector<16xi32>], vector<16xi32>, vector<16xi1>
      } {sc.loop_unroll_factor = 8 : i64, sc.parallel_access}
      %add3A_102 = arith.constant 1 : i32
      %add3A_103 = arith.addi %scan3A_33, %add3A_102 : i32
      %lt3A_104 = arith.constant 68 : i32
      %lt3A_105 = arith.cmpi slt, %add3A_103, %lt3A_104 : i32
      %convert_element_type3A = arith.extui %lt3A_105 : i1 to i32
      %cond3A = arith.constant 0 : i32
      %cond3A_106 = arith.cmpi ne, %convert_element_type3A, %cond3A : i32
      scf.if %cond3A_106 {
        %mul3A_136 = arith.constant 2 : i32
        %mul3A_137 = arith.muli %mul3A_136, %scan3A_33 : i32
        %add3A_138 = arith.constant 2 : i32
        %add3A_139 = arith.addi %mul3A_137, %add3A_138 : i32
        %jit3A_140 = arith.constant 34 : i32
        %div3A_141 = arith.divsi %add3A_139, %jit3A_140 : i32
        %sign3A_142 = arith.constant 0 : i32
        %sign3A_143 = arith.cmpi sgt, %add3A_139, %sign3A_142 : i32
        %sign3A_144 = arith.extui %sign3A_143 : i1 to i32
        %sign3A_145 = arith.constant 0 : i32
        %sign3A_146 = arith.cmpi slt, %add3A_139, %sign3A_145 : i32
        %sign3A_147 = arith.extui %sign3A_146 : i1 to i32
        %sign3A_148 = arith.subi %sign3A_144, %sign3A_147 : i32
        %sign3A_149 = arith.constant 0 : i32
        %sign3A_150 = arith.cmpi sgt, %jit3A_140, %sign3A_149 : i32
        %sign3A_151 = arith.extui %sign3A_150 : i1 to i32
        %sign3A_152 = arith.constant 0 : i32
        %sign3A_153 = arith.cmpi slt, %jit3A_140, %sign3A_152 : i32
        %sign3A_154 = arith.extui %sign3A_153 : i1 to i32
        %sign3A_155 = arith.subi %sign3A_151, %sign3A_154 : i32
        %ne3A_156 = arith.cmpi ne, %sign3A_148, %sign3A_155 : i32
        %rem3A_157 = arith.remsi %add3A_139, %jit3A_140 : i32
        %ne3A_158 = arith.constant 0 : i32
        %ne3A_159 = arith.cmpi ne, %rem3A_157, %ne3A_158 : i32
        %and3A_160 = arith.andi %ne3A_156, %ne3A_159 : i1
        %sub3A_161 = arith.constant 1 : i32
        %sub3A_162 = arith.subi %div3A_141, %sub3A_161 : i32
        %select_n3A_163 = arith.select %and3A_160, %sub3A_162, %div3A_141 : i32
        %mul3A_164 = arith.constant 8 : i32
        %mul3A_165 = arith.muli %mul3A_164, %select_n3A_163 : i32
        %add3A_166 = arith.addi %mul3A_2, %mul3A_165 : i32
        %jit3A_167 = arith.constant 34 : i32
        %eq3A_168 = arith.constant 0 : i32
        %eq3A_169 = arith.cmpi eq, %jit3A_167, %eq3A_168 : i32
        %jit3A_170 = arith.constant 1 : i32
        %select_n3A_171 = arith.select %eq3A_169, %jit3A_170, %jit3A_167 : i32
        %rem3A_172 = arith.remsi %add3A_139, %select_n3A_171 : i32
        %ne3A_173 = arith.constant 0 : i32
        %ne3A_174 = arith.cmpi ne, %rem3A_172, %ne3A_173 : i32
        %lt3A_175 = arith.constant 0 : i32
        %lt3A_176 = arith.cmpi slt, %rem3A_172, %lt3A_175 : i32
        %lt3A_177 = arith.constant 0 : i32
        %lt3A_178 = arith.cmpi slt, %select_n3A_171, %lt3A_177 : i32
        %ne3A_179 = arith.xori %lt3A_176, %lt3A_178 : i1
        %and3A_180 = arith.andi %ne3A_179, %ne3A_174 : i1
        %add3A_181 = arith.addi %rem3A_172, %select_n3A_171 : i32
        %select_n3A_182 = arith.select %and3A_180, %add3A_181, %rem3A_172 : i32
        %mul3A_183 = arith.constant 2944 : i32
        %mul3A_184 = arith.muli %select_n3A_182, %mul3A_183 : i32
        %dma_start3A_185 = tpu.memref_slice %arg2[%add3A_166, %mul3A_184] : memref<1024x100096xi32, #tpu.memory_space<hbm>> -> memref<8x2944xi32, #tpu.memory_space<hbm>>
        %dma_start3A_186 = tpu.memref_slice %arg2[%add3A_166, %mul3A_184] : memref<1024x100096xi32, #tpu.memory_space<hbm>> -> memref<8x2944xi32, #tpu.memory_space<hbm>>
        tpu.enqueue_dma source(%dma_start3A_186 : memref<8x2944xi32, #tpu.memory_space<hbm>>) target(%arg6 : memref<8x2944xi32, #tpu.memory_space<vmem>>) target_semaphore(%arg9 : memref<!tpu.dma_semaphore, #tpu.memory_space<semaphore_mem>>)
      } else {
      }
      %dma_wait3A_107 = arith.constant 0 : i32
      %dma_wait3A_108 = tpu.memref_slice %arg2[%mul3A_2, %dma_wait3A_107] : memref<1024x100096xi32, #tpu.memory_space<hbm>> -> memref<8x2944xi32, #tpu.memory_space<hbm>>
      %dma_wait3A_109 = arith.constant 0 : i32
      %dma_wait3A_110 = tpu.memref_slice %arg2[%mul3A_2, %dma_wait3A_109] : memref<1024x100096xi32, #tpu.memory_space<hbm>> -> memref<8x2944xi32, #tpu.memory_space<hbm>>
      tpu.wait_dma2 semaphore(%arg10 : memref<!tpu.dma_semaphore, #tpu.memory_space<semaphore_mem>>) src(%dma_wait3A_110 : memref<8x2944xi32, #tpu.memory_space<hbm>>) dst(%arg7 : memref<8x2944xi32, #tpu.memory_space<vmem>>)
      %parallel_loop3A_111 = arith.constant 0 : i32
      %parallel_loop3A_112 = arith.constant 184 : i32
      %parallel_loop3A_113 = arith.constant 1 : i32
      scf.for %parallel_loop3A_136 = %parallel_loop3A_111 to %parallel_loop3A_112 step %parallel_loop3A_113  : i32 {
        %parallel_loop3A_137 = arith.constant 16 : i32
        %parallel_loop3A_138 = arith.muli %parallel_loop3A_136, %parallel_loop3A_137 : i32
        %parallel_loop3A_139 = arith.constant 0 : i32
        %parallel_loop3A_140 = arith.index_cast %parallel_loop3A_139 : i32 to index
        %parallel_loop3A_141 = arith.index_cast %parallel_loop3A_138 : i32 to index
        %parallel_loop3A_142 = tpu.vector_load %arg7[%parallel_loop3A_140, %parallel_loop3A_141] {strides = array<i32>} : memref<8x2944xi32, #tpu.memory_space<vmem>>, vector<16xi32>,
        %parallel_loop3A_143 = arith.shli %parallel_loop3A_142, %broadcast_in_dim3A_14 : vector<16xi32>
        %parallel_loop3A_144 = arith.constant 4080 : i32
        %parallel_loop3A_145 = vector.broadcast %parallel_loop3A_144 : i32 to vector<16xi32>
        %parallel_loop3A_146 = arith.andi %parallel_loop3A_143, %parallel_loop3A_145 : vector<16xi32>
        %parallel_loop3A_147 = arith.shrui %parallel_loop3A_142, %broadcast_in_dim3A_16 : vector<16xi32>
        %parallel_loop3A_148 = arith.cmpi eq, %parallel_loop3A_147, %get3A_10 : vector<16xi32>
        %parallel_loop3A_149 = arith.addi %parallel_loop3A_146, %iota3A : vector<16xi32>
        tpu.vector_store_idx %arg5[%parallel_loop3A_149], %broadcast_in_dim3A_12 masked %parallel_loop3A_148 {add = true} : memref<4096xi32, #tpu.memory_space<vmem>>[vector<16xi32>], vector<16xi32>, vector<16xi1>
      } {sc.loop_unroll_factor = 8 : i64, sc.parallel_access}
      %parallel_loop3A_114 = arith.constant 0 : i32
      %parallel_loop3A_115 = arith.constant 184 : i32
      %parallel_loop3A_116 = arith.constant 1 : i32
      scf.for %parallel_loop3A_136 = %parallel_loop3A_114 to %parallel_loop3A_115 step %parallel_loop3A_116  : i32 {
        %parallel_loop3A_137 = arith.constant 16 : i32
        %parallel_loop3A_138 = arith.muli %parallel_loop3A_136, %parallel_loop3A_137 : i32
        %parallel_loop3A_139 = arith.constant 1 : i32
        %parallel_loop3A_140 = arith.index_cast %parallel_loop3A_139 : i32 to index
        %parallel_loop3A_141 = arith.index_cast %parallel_loop3A_138 : i32 to index
        %parallel_loop3A_142 = tpu.vector_load %arg7[%parallel_loop3A_140, %parallel_loop3A_141] {strides = array<i32>} : memref<8x2944xi32, #tpu.memory_space<vmem>>, vector<16xi32>,
        %parallel_loop3A_143 = arith.shli %parallel_loop3A_142, %broadcast_in_dim3A_14 : vector<16xi32>
        %parallel_loop3A_144 = arith.constant 4080 : i32
        %parallel_loop3A_145 = vector.broadcast %parallel_loop3A_144 : i32 to vector<16xi32>
        %parallel_loop3A_146 = arith.andi %parallel_loop3A_143, %parallel_loop3A_145 : vector<16xi32>
        %parallel_loop3A_147 = arith.shrui %parallel_loop3A_142, %broadcast_in_dim3A_16 : vector<16xi32>
        %parallel_loop3A_148 = arith.cmpi eq, %parallel_loop3A_147, %get3A_10 : vector<16xi32>
        %parallel_loop3A_149 = arith.addi %parallel_loop3A_146, %iota3A : vector<16xi32>
        tpu.vector_store_idx %arg5[%parallel_loop3A_149], %broadcast_in_dim3A_12 masked %parallel_loop3A_148 {add = true} : memref<4096xi32, #tpu.memory_space<vmem>>[vector<16xi32>], vector<16xi32>, vector<16xi1>
      } {sc.loop_unroll_factor = 8 : i64, sc.parallel_access}
      %parallel_loop3A_117 = arith.constant 0 : i32
      %parallel_loop3A_118 = arith.constant 184 : i32
      %parallel_loop3A_119 = arith.constant 1 : i32
      scf.for %parallel_loop3A_136 = %parallel_loop3A_117 to %parallel_loop3A_118 step %parallel_loop3A_119  : i32 {
        %parallel_loop3A_137 = arith.constant 16 : i32
        %parallel_loop3A_138 = arith.muli %parallel_loop3A_136, %parallel_loop3A_137 : i32
        %parallel_loop3A_139 = arith.constant 2 : i32
        %parallel_loop3A_140 = arith.index_cast %parallel_loop3A_139 : i32 to index
        %parallel_loop3A_141 = arith.index_cast %parallel_loop3A_138 : i32 to index
        %parallel_loop3A_142 = tpu.vector_load %arg7[%parallel_loop3A_140, %parallel_loop3A_141] {strides = array<i32>} : memref<8x2944xi32, #tpu.memory_space<vmem>>, vector<16xi32>,
        %parallel_loop3A_143 = arith.shli %parallel_loop3A_142, %broadcast_in_dim3A_14 : vector<16xi32>
        %parallel_loop3A_144 = arith.constant 4080 : i32
        %parallel_loop3A_145 = vector.broadcast %parallel_loop3A_144 : i32 to vector<16xi32>
        %parallel_loop3A_146 = arith.andi %parallel_loop3A_143, %parallel_loop3A_145 : vector<16xi32>
        %parallel_loop3A_147 = arith.shrui %parallel_loop3A_142, %broadcast_in_dim3A_16 : vector<16xi32>
        %parallel_loop3A_148 = arith.cmpi eq, %parallel_loop3A_147, %get3A_10 : vector<16xi32>
        %parallel_loop3A_149 = arith.addi %parallel_loop3A_146, %iota3A : vector<16xi32>
        tpu.vector_store_idx %arg5[%parallel_loop3A_149], %broadcast_in_dim3A_12 masked %parallel_loop3A_148 {add = true} : memref<4096xi32, #tpu.memory_space<vmem>>[vector<16xi32>], vector<16xi32>, vector<16xi1>
      } {sc.loop_unroll_factor = 8 : i64, sc.parallel_access}
      %parallel_loop3A_120 = arith.constant 0 : i32
      %parallel_loop3A_121 = arith.constant 184 : i32
      %parallel_loop3A_122 = arith.constant 1 : i32
      scf.for %parallel_loop3A_136 = %parallel_loop3A_120 to %parallel_loop3A_121 step %parallel_loop3A_122  : i32 {
        %parallel_loop3A_137 = arith.constant 16 : i32
        %parallel_loop3A_138 = arith.muli %parallel_loop3A_136, %parallel_loop3A_137 : i32
        %parallel_loop3A_139 = arith.constant 3 : i32
        %parallel_loop3A_140 = arith.index_cast %parallel_loop3A_139 : i32 to index
        %parallel_loop3A_141 = arith.index_cast %parallel_loop3A_138 : i32 to index
        %parallel_loop3A_142 = tpu.vector_load %arg7[%parallel_loop3A_140, %parallel_loop3A_141] {strides = array<i32>} : memref<8x2944xi32, #tpu.memory_space<vmem>>, vector<16xi32>,
        %parallel_loop3A_143 = arith.shli %parallel_loop3A_142, %broadcast_in_dim3A_14 : vector<16xi32>
        %parallel_loop3A_144 = arith.constant 4080 : i32
        %parallel_loop3A_145 = vector.broadcast %parallel_loop3A_144 : i32 to vector<16xi32>
        %parallel_loop3A_146 = arith.andi %parallel_loop3A_143, %parallel_loop3A_145 : vector<16xi32>
        %parallel_loop3A_147 = arith.shrui %parallel_loop3A_142, %broadcast_in_dim3A_16 : vector<16xi32>
        %parallel_loop3A_148 = arith.cmpi eq, %parallel_loop3A_147, %get3A_10 : vector<16xi32>
        %parallel_loop3A_149 = arith.addi %parallel_loop3A_146, %iota3A : vector<16xi32>
        tpu.vector_store_idx %arg5[%parallel_loop3A_149], %broadcast_in_dim3A_12 masked %parallel_loop3A_148 {add = true} : memref<4096xi32, #tpu.memory_space<vmem>>[vector<16xi32>], vector<16xi32>, vector<16xi1>
      } {sc.loop_unroll_factor = 8 : i64, sc.parallel_access}
      %parallel_loop3A_123 = arith.constant 0 : i32
      %parallel_loop3A_124 = arith.constant 184 : i32
      %parallel_loop3A_125 = arith.constant 1 : i32
      scf.for %parallel_loop3A_136 = %parallel_loop3A_123 to %parallel_loop3A_124 step %parallel_loop3A_125  : i32 {
        %parallel_loop3A_137 = arith.constant 16 : i32
        %parallel_loop3A_138 = arith.muli %parallel_loop3A_136, %parallel_loop3A_137 : i32
        %parallel_loop3A_139 = arith.constant 4 : i32
        %parallel_loop3A_140 = arith.index_cast %parallel_loop3A_139 : i32 to index
        %parallel_loop3A_141 = arith.index_cast %parallel_loop3A_138 : i32 to index
        %parallel_loop3A_142 = tpu.vector_load %arg7[%parallel_loop3A_140, %parallel_loop3A_141] {strides = array<i32>} : memref<8x2944xi32, #tpu.memory_space<vmem>>, vector<16xi32>,
        %parallel_loop3A_143 = arith.shli %parallel_loop3A_142, %broadcast_in_dim3A_14 : vector<16xi32>
        %parallel_loop3A_144 = arith.constant 4080 : i32
        %parallel_loop3A_145 = vector.broadcast %parallel_loop3A_144 : i32 to vector<16xi32>
        %parallel_loop3A_146 = arith.andi %parallel_loop3A_143, %parallel_loop3A_145 : vector<16xi32>
        %parallel_loop3A_147 = arith.shrui %parallel_loop3A_142, %broadcast_in_dim3A_16 : vector<16xi32>
        %parallel_loop3A_148 = arith.cmpi eq, %parallel_loop3A_147, %get3A_10 : vector<16xi32>
        %parallel_loop3A_149 = arith.addi %parallel_loop3A_146, %iota3A : vector<16xi32>
        tpu.vector_store_idx %arg5[%parallel_loop3A_149], %broadcast_in_dim3A_12 masked %parallel_loop3A_148 {add = true} : memref<4096xi32, #tpu.memory_space<vmem>>[vector<16xi32>], vector<16xi32>, vector<16xi1>
      } {sc.loop_unroll_factor = 8 : i64, sc.parallel_access}
      %parallel_loop3A_126 = arith.constant 0 : i32
      %parallel_loop3A_127 = arith.constant 184 : i32
      %parallel_loop3A_128 = arith.constant 1 : i32
      scf.for %parallel_loop3A_136 = %parallel_loop3A_126 to %parallel_loop3A_127 step %parallel_loop3A_128  : i32 {
        %parallel_loop3A_137 = arith.constant 16 : i32
        %parallel_loop3A_138 = arith.muli %parallel_loop3A_136, %parallel_loop3A_137 : i32
        %parallel_loop3A_139 = arith.constant 5 : i32
        %parallel_loop3A_140 = arith.index_cast %parallel_loop3A_139 : i32 to index
        %parallel_loop3A_141 = arith.index_cast %parallel_loop3A_138 : i32 to index
        %parallel_loop3A_142 = tpu.vector_load %arg7[%parallel_loop3A_140, %parallel_loop3A_141] {strides = array<i32>} : memref<8x2944xi32, #tpu.memory_space<vmem>>, vector<16xi32>,
        %parallel_loop3A_143 = arith.shli %parallel_loop3A_142, %broadcast_in_dim3A_14 : vector<16xi32>
        %parallel_loop3A_144 = arith.constant 4080 : i32
        %parallel_loop3A_145 = vector.broadcast %parallel_loop3A_144 : i32 to vector<16xi32>
        %parallel_loop3A_146 = arith.andi %parallel_loop3A_143, %parallel_loop3A_145 : vector<16xi32>
        %parallel_loop3A_147 = arith.shrui %parallel_loop3A_142, %broadcast_in_dim3A_16 : vector<16xi32>
        %parallel_loop3A_148 = arith.cmpi eq, %parallel_loop3A_147, %get3A_10 : vector<16xi32>
        %parallel_loop3A_149 = arith.addi %parallel_loop3A_146, %iota3A : vector<16xi32>
        tpu.vector_store_idx %arg5[%parallel_loop3A_149], %broadcast_in_dim3A_12 masked %parallel_loop3A_148 {add = true} : memref<4096xi32, #tpu.memory_space<vmem>>[vector<16xi32>], vector<16xi32>, vector<16xi1>
      } {sc.loop_unroll_factor = 8 : i64, sc.parallel_access}
      %parallel_loop3A_129 = arith.constant 0 : i32
      %parallel_loop3A_130 = arith.constant 184 : i32
      %parallel_loop3A_131 = arith.constant 1 : i32
      scf.for %parallel_loop3A_136 = %parallel_loop3A_129 to %parallel_loop3A_130 step %parallel_loop3A_131  : i32 {
        %parallel_loop3A_137 = arith.constant 16 : i32
        %parallel_loop3A_138 = arith.muli %parallel_loop3A_136, %parallel_loop3A_137 : i32
        %parallel_loop3A_139 = arith.constant 6 : i32
        %parallel_loop3A_140 = arith.index_cast %parallel_loop3A_139 : i32 to index
        %parallel_loop3A_141 = arith.index_cast %parallel_loop3A_138 : i32 to index
        %parallel_loop3A_142 = tpu.vector_load %arg7[%parallel_loop3A_140, %parallel_loop3A_141] {strides = array<i32>} : memref<8x2944xi32, #tpu.memory_space<vmem>>, vector<16xi32>,
        %parallel_loop3A_143 = arith.shli %parallel_loop3A_142, %broadcast_in_dim3A_14 : vector<16xi32>
        %parallel_loop3A_144 = arith.constant 4080 : i32
        %parallel_loop3A_145 = vector.broadcast %parallel_loop3A_144 : i32 to vector<16xi32>
        %parallel_loop3A_146 = arith.andi %parallel_loop3A_143, %parallel_loop3A_145 : vector<16xi32>
        %parallel_loop3A_147 = arith.shrui %parallel_loop3A_142, %broadcast_in_dim3A_16 : vector<16xi32>
        %parallel_loop3A_148 = arith.cmpi eq, %parallel_loop3A_147, %get3A_10 : vector<16xi32>
        %parallel_loop3A_149 = arith.addi %parallel_loop3A_146, %iota3A : vector<16xi32>
        tpu.vector_store_idx %arg5[%parallel_loop3A_149], %broadcast_in_dim3A_12 masked %parallel_loop3A_148 {add = true} : memref<4096xi32, #tpu.memory_space<vmem>>[vector<16xi32>], vector<16xi32>, vector<16xi1>
      } {sc.loop_unroll_factor = 8 : i64, sc.parallel_access}
      %parallel_loop3A_132 = arith.constant 0 : i32
      %parallel_loop3A_133 = arith.constant 184 : i32
      %parallel_loop3A_134 = arith.constant 1 : i32
      scf.for %parallel_loop3A_136 = %parallel_loop3A_132 to %parallel_loop3A_133 step %parallel_loop3A_134  : i32 {
        %parallel_loop3A_137 = arith.constant 16 : i32
        %parallel_loop3A_138 = arith.muli %parallel_loop3A_136, %parallel_loop3A_137 : i32
        %parallel_loop3A_139 = arith.constant 7 : i32
        %parallel_loop3A_140 = arith.index_cast %parallel_loop3A_139 : i32 to index
        %parallel_loop3A_141 = arith.index_cast %parallel_loop3A_138 : i32 to index
        %parallel_loop3A_142 = tpu.vector_load %arg7[%parallel_loop3A_140, %parallel_loop3A_141] {strides = array<i32>} : memref<8x2944xi32, #tpu.memory_space<vmem>>, vector<16xi32>,
        %parallel_loop3A_143 = arith.shli %parallel_loop3A_142, %broadcast_in_dim3A_14 : vector<16xi32>
        %parallel_loop3A_144 = arith.constant 4080 : i32
        %parallel_loop3A_145 = vector.broadcast %parallel_loop3A_144 : i32 to vector<16xi32>
        %parallel_loop3A_146 = arith.andi %parallel_loop3A_143, %parallel_loop3A_145 : vector<16xi32>
        %parallel_loop3A_147 = arith.shrui %parallel_loop3A_142, %broadcast_in_dim3A_16 : vector<16xi32>
        %parallel_loop3A_148 = arith.cmpi eq, %parallel_loop3A_147, %get3A_10 : vector<16xi32>
        %parallel_loop3A_149 = arith.addi %parallel_loop3A_146, %iota3A : vector<16xi32>
        tpu.vector_store_idx %arg5[%parallel_loop3A_149], %broadcast_in_dim3A_12 masked %parallel_loop3A_148 {add = true} : memref<4096xi32, #tpu.memory_space<vmem>>[vector<16xi32>], vector<16xi32>, vector<16xi1>
      } {sc.loop_unroll_factor = 8 : i64, sc.parallel_access}
      %scan3A_135 = arith.constant 0 : i32
      scf.yield %scan3A_135 : i32
    }
    %scan3A_28 = arith.constant 68 : i32
    %mul3A_29 = arith.constant 16 : i32
    %mul3A_30 = arith.muli %add3A, %mul3A_29 : i32
    %mul3A_31 = arith.constant 256 : i32
    %mul3A_32 = arith.muli %mul3A_30, %mul3A_31 : i32
    "tpu.region"() ({
      %run_scoped3A = tpu.sem_alloc : memref<!tpu.dma_semaphore, #tpu.memory_space<semaphore_mem>>
      %dma_start3A_33 = tpu.memref_slice %arg4[%mul3A_32] : memref<131072xi32, #tpu.memory_space<hbm>> -> memref<4096xi32, #tpu.memory_space<hbm>>
      %dma_start3A_34 = tpu.memref_slice %arg4[%mul3A_32] : memref<131072xi32, #tpu.memory_space<hbm>> -> memref<4096xi32, #tpu.memory_space<hbm>>
      tpu.enqueue_dma source(%arg5 : memref<4096xi32, #tpu.memory_space<vmem>>) target(%dma_start3A_34 : memref<4096xi32, #tpu.memory_space<hbm>>) target_semaphore(%run_scoped3A : memref<!tpu.dma_semaphore, #tpu.memory_space<semaphore_mem>>)
      %dma_wait3A = tpu.memref_slice %arg4[%mul3A_32] : memref<131072xi32, #tpu.memory_space<hbm>> -> memref<4096xi32, #tpu.memory_space<hbm>>
      %dma_wait3A_35 = tpu.memref_slice %arg4[%mul3A_32] : memref<131072xi32, #tpu.memory_space<hbm>> -> memref<4096xi32, #tpu.memory_space<hbm>>
      tpu.wait_dma2 semaphore(%run_scoped3A : memref<!tpu.dma_semaphore, #tpu.memory_space<semaphore_mem>>) src(%arg5 : memref<4096xi32, #tpu.memory_space<vmem>>) dst(%dma_wait3A_35 : memref<4096xi32, #tpu.memory_space<hbm>>)
      tpu.yield
    }) : () -> ()
    return
  }
}

module attributes {stable_mosaic.version = 14 : i64} {
  func.func @_pass1_body(%arg0: i32, %arg1: memref<8x100000xf32, #tpu.memory_space<vmem>>, %arg2: memref<8x100000xi32, #tpu.memory_space<vmem>>, %arg3: memref<1x1xf32, #tpu.memory_space<smem>>, %arg4: memref<8x100096xi32, #tpu.memory_space<vmem>>) attributes {dimension_semantics = [#tpu.dimension_semantics<arbitrary>], iteration_bounds = array<i64: 128>, scalar_prefetch = 0 : i64, scratch_operands = 0 : i64, tpu.core_type = #tpu.core_type<tc>, window_params = [{transform_indices = @transform_0, window_bounds = array<i64: 8, 100000>}, {transform_indices = @transform_1, window_bounds = array<i64: 8, 100000>}, {transform_indices = @transform_2, window_bounds = array<i64: 1, 1>}, {transform_indices = @transform_3, window_bounds = array<i64: 8, 100096>}]} {
    %get3A = arith.constant 0 : index
    %get3A_0 = arith.constant 0 : index
    %get3A_1 = vector.load %arg1[%get3A, %get3A_0] : memref<8x100000xf32, #tpu.memory_space<vmem>>, vector<8x100000xf32>
    %get3A_2 = arith.constant 0 : index
    %get3A_3 = arith.constant 0 : index
    %get3A_4 = vector.load %arg2[%get3A_2, %get3A_3] : memref<8x100000xi32, #tpu.memory_space<vmem>>, vector<8x100000xi32>
    %logistic3A = arith.negf %get3A_1 : vector<8x100000xf32>
    %logistic3A_5 = math.exp %logistic3A : vector<8x100000xf32>
    %logistic3A_6 = arith.constant 1.000000e+00 : f32
    %logistic3A_7 = vector.broadcast %logistic3A_6 : f32 to vector<8x100000xf32>
    %logistic3A_8 = arith.addf %logistic3A_7, %logistic3A_5 : vector<8x100000xf32>
    %logistic3A_9 = arith.divf %logistic3A_7, %logistic3A_8 : vector<8x100000xf32>
    %sub3A = arith.constant 1.000000e+00 : f32
    %sub3A_10 = vector.broadcast %sub3A : f32 to vector<8x100000xf32>
    %sub3A_11 = arith.subf %sub3A_10, %logistic3A_9 : vector<8x100000xf32>
    %add3A = arith.constant 5.000000e-02 : f32
    %add3A_12 = vector.broadcast %add3A : f32 to vector<8x100000xf32>
    %add3A_13 = arith.addf %sub3A_11, %add3A_12 : vector<8x100000xf32>
    %min3A = arith.constant 1.000000e+00 : f32
    %min3A_14 = vector.broadcast %min3A : f32 to vector<8x100000xf32>
    %min3A_15 = arith.minimumf %add3A_13, %min3A_14 : vector<8x100000xf32>
    %sub3A_16 = arith.constant 1.000000e+00 : f32
    %sub3A_17 = vector.broadcast %sub3A_16 : f32 to vector<8x100000xf32>
    %sub3A_18 = arith.subf %sub3A_17, %min3A_15 : vector<8x100000xf32>
    %eq3A = arith.constant 1 : i32
    %eq3A_19 = vector.broadcast %eq3A : i32 to vector<8x100000xi32>
    %eq3A_20 = arith.cmpi eq, %get3A_4, %eq3A_19 : vector<8x100000xi32>
    %eq3A_21 = arith.constant -1 : i32
    %eq3A_22 = vector.broadcast %eq3A_21 : i32 to vector<8x100000xi32>
    %eq3A_23 = arith.cmpi eq, %get3A_4, %eq3A_22 : vector<8x100000xi32>
    %select_n3A = arith.select %eq3A_20, %logistic3A_9, %min3A_15 : vector<8x100000xi1>, vector<8x100000xf32>
    %max3A = arith.constant 9.99999993E-9 : f32
    %max3A_24 = vector.broadcast %max3A : f32 to vector<8x100000xf32>
    %max3A_25 = arith.maximumf %select_n3A, %max3A_24 : vector<8x100000xf32>
    %log3A = math.log %max3A_25 : vector<8x100000xf32>
    %mul3A = arith.mulf %sub3A_18, %sub3A_18 : vector<8x100000xf32>
    %mul3A_26 = arith.constant 5.000000e-01 : f32
    %mul3A_27 = vector.broadcast %mul3A_26 : f32 to vector<8x100000xf32>
    %mul3A_28 = arith.mulf %mul3A_27, %log3A : vector<8x100000xf32>
    %mul3A_29 = arith.mulf %mul3A_28, %mul3A : vector<8x100000xf32>
    %mul3A_30 = arith.mulf %mul3A, %mul3A : vector<8x100000xf32>
    %mul3A_31 = arith.mulf %log3A, %mul3A_30 : vector<8x100000xf32>
    %select_n3A_32 = arith.select %eq3A_23, %mul3A_29, %mul3A_31 : vector<8x100000xi1>, vector<8x100000xf32>
    %select_n3A_33 = arith.select %eq3A_20, %log3A, %select_n3A_32 : vector<8x100000xi1>, vector<8x100000xf32>
    %reduce_sum3A = vector.shape_cast %select_n3A_33 : vector<8x100000xf32> to vector<1x8x100000xf32>
    %reduce_sum3A_34 = arith.constant dense<0.000000e+00> : vector<1xf32>
    %reduce_sum3A_35 = vector.multi_reduction <add>, %reduce_sum3A, %reduce_sum3A_34 [1, 2] : vector<1x8x100000xf32> to vector<1xf32>
    %reduce_sum3A_36 = vector.shape_cast %reduce_sum3A_35 : vector<1xf32> to vector<1x1x1xf32>
    %reduce_sum3A_37 = vector.extract %reduce_sum3A_36[0, 0, 0] : f32 from vector<1x1x1xf32>
    %eq3A_38 = arith.constant 0 : i32
    %eq3A_39 = arith.cmpi eq, %arg0, %eq3A_38 : i32
    %get3A_40 = arith.constant 0 : index
    %get3A_41 = arith.constant 0 : index
    %get3A_42 = memref.load %arg3[%get3A_40, %get3A_41] : memref<1x1xf32, #tpu.memory_space<smem>>
    %jit3A = arith.constant 0.000000e+00 : f32
    %select_n3A_43 = arith.select %eq3A_39, %jit3A, %get3A_42 : f32
    %add3A_44 = arith.addf %select_n3A_43, %reduce_sum3A_37 : f32
    %swap3A = arith.constant 0 : index
    %swap3A_45 = arith.constant 0 : index
    %swap3A_46 = memref.load %arg3[%swap3A, %swap3A_45] : memref<1x1xf32, #tpu.memory_space<smem>>
    memref.store %add3A_44, %arg3[%swap3A, %swap3A_45] : memref<1x1xf32, #tpu.memory_space<smem>>
    %bitcast_convert_type3A = tpu.bitcast %get3A_1 : vector<8x100000xf32> -> vector<8x100000xi32>
    %ge3A = arith.constant 0 : i32
    %ge3A_47 = vector.broadcast %ge3A : i32 to vector<8x100000xi32>
    %ge3A_48 = arith.cmpi sge, %bitcast_convert_type3A, %ge3A_47 : vector<8x100000xi32>
    %xor3A = arith.constant 2147483647 : i32
    %xor3A_49 = vector.broadcast %xor3A : i32 to vector<8x100000xi32>
    %xor3A_50 = arith.xori %bitcast_convert_type3A, %xor3A_49 : vector<8x100000xi32>
    %select_n3A_51 = arith.select %ge3A_48, %bitcast_convert_type3A, %xor3A_50 : vector<8x100000xi1>, vector<8x100000xi32>
    %jit3A_52 = arith.constant -2147483648 : i32
    %broadcast_in_dim3A = vector.broadcast %jit3A_52 : i32 to vector<8x100000xi32>
    %select_n3A_53 = arith.select %eq3A_23, %select_n3A_51, %broadcast_in_dim3A : vector<8x100000xi1>, vector<8x100000xi32>
    %broadcast_in_dim3A_54 = arith.constant -2147483648 : i32
    %broadcast_in_dim3A_55 = vector.broadcast %broadcast_in_dim3A_54 : i32 to vector<8x96xi32>
    %concatenate3A = tpu.concatenate %select_n3A_53, %broadcast_in_dim3A_55 in 1 : vector<8x100000xi32>, vector<8x96xi32> -> vector<8x100096xi32>
    %swap3A_56 = arith.constant 0 : index
    %swap3A_57 = arith.constant 0 : index
    %swap3A_58 = vector.load %arg4[%swap3A_56, %swap3A_57] : memref<8x100096xi32, #tpu.memory_space<vmem>>, vector<8x100096xi32>
    tpu.vector_store %arg4[%swap3A_56, %swap3A_57], %concatenate3A {strides = array<i32>} : memref<8x100096xi32, #tpu.memory_space<vmem>>, vector<8x100096xi32>,
    return
  }
  func.func @transform_0(%arg0: i32) -> (i32, i32) {
    %c0_i32 = arith.constant 0 : i32
    %c0_i32_0 = arith.constant 0 : i32
    return %arg0, %c0_i32 : i32, i32
  }
  func.func @transform_1(%arg0: i32) -> (i32, i32) {
    %c0_i32 = arith.constant 0 : i32
    %c0_i32_0 = arith.constant 0 : i32
    return %arg0, %c0_i32 : i32, i32
  }
  func.func @transform_2(%arg0: i32) -> (i32, i32) {
    %c0_i32 = arith.constant 0 : i32
    %c0_i32_0 = arith.constant 0 : i32
    %c0_i32_1 = arith.constant 0 : i32
    return %c0_i32, %c0_i32_0 : i32, i32
  }
  func.func @transform_3(%arg0: i32) -> (i32, i32) {
    %c0_i32 = arith.constant 0 : i32
    %c0_i32_0 = arith.constant 0 : i32
    return %arg0, %c0_i32 : i32, i32
  }
}

module attributes {stable_mosaic.version = 14 : i64} {
  func.func @_dpass_body(%arg0: i32, %arg1: memref<1x1xi32, #tpu.memory_space<smem>>, %arg2: memref<8x100096xi32, #tpu.memory_space<vmem>>, %arg3: memref<1x1xf32, #tpu.memory_space<smem>>) attributes {dimension_semantics = [#tpu.dimension_semantics<arbitrary>], iteration_bounds = array<i64: 128>, scalar_prefetch = 0 : i64, scratch_operands = 0 : i64, tpu.core_type = #tpu.core_type<tc>, window_params = [{transform_indices = @transform_0, window_bounds = array<i64: 1, 1>}, {transform_indices = @transform_1, window_bounds = array<i64: 8, 100096>}, {transform_indices = @transform_2, window_bounds = array<i64: 1, 1>}]} {
    %get3A = arith.constant 0 : index
    %get3A_0 = arith.constant 0 : index
    %get3A_1 = memref.load %arg1[%get3A, %get3A_0] : memref<1x1xi32, #tpu.memory_space<smem>>
    %get3A_2 = arith.constant 0 : index
    %get3A_3 = arith.constant 0 : index
    %get3A_4 = vector.load %arg2[%get3A_2, %get3A_3] : memref<8x100096xi32, #tpu.memory_space<vmem>>, vector<8x100096xi32>
    %ge3A = arith.constant 0 : i32
    %ge3A_5 = vector.broadcast %ge3A : i32 to vector<8x100096xi32>
    %ge3A_6 = arith.cmpi sge, %get3A_4, %ge3A_5 : vector<8x100096xi32>
    %xor3A = arith.constant 2147483647 : i32
    %xor3A_7 = vector.broadcast %xor3A : i32 to vector<8x100096xi32>
    %xor3A_8 = arith.xori %get3A_4, %xor3A_7 : vector<8x100096xi32>
    %select_n3A = arith.select %ge3A_6, %get3A_4, %xor3A_8 : vector<8x100096xi1>, vector<8x100096xi32>
    %bitcast_convert_type3A = tpu.bitcast %select_n3A : vector<8x100096xi32> -> vector<8x100096xf32>
    %logistic3A = arith.negf %bitcast_convert_type3A : vector<8x100096xf32>
    %logistic3A_9 = math.exp %logistic3A : vector<8x100096xf32>
    %logistic3A_10 = arith.constant 1.000000e+00 : f32
    %logistic3A_11 = vector.broadcast %logistic3A_10 : f32 to vector<8x100096xf32>
    %logistic3A_12 = arith.addf %logistic3A_11, %logistic3A_9 : vector<8x100096xf32>
    %logistic3A_13 = arith.divf %logistic3A_11, %logistic3A_12 : vector<8x100096xf32>
    %sub3A = arith.constant 1.000000e+00 : f32
    %sub3A_14 = vector.broadcast %sub3A : f32 to vector<8x100096xf32>
    %sub3A_15 = arith.subf %sub3A_14, %logistic3A_13 : vector<8x100096xf32>
    %add3A = arith.constant 5.000000e-02 : f32
    %add3A_16 = vector.broadcast %add3A : f32 to vector<8x100096xf32>
    %add3A_17 = arith.addf %sub3A_15, %add3A_16 : vector<8x100096xf32>
    %min3A = arith.constant 1.000000e+00 : f32
    %min3A_18 = vector.broadcast %min3A : f32 to vector<8x100096xf32>
    %min3A_19 = arith.minimumf %add3A_17, %min3A_18 : vector<8x100096xf32>
    %max3A = arith.constant 9.99999993E-9 : f32
    %max3A_20 = vector.broadcast %max3A : f32 to vector<8x100096xf32>
    %max3A_21 = arith.maximumf %min3A_19, %max3A_20 : vector<8x100096xf32>
    %log3A = math.log %max3A_21 : vector<8x100096xf32>
    %mul3A = arith.constant 5.000000e-01 : f32
    %mul3A_22 = vector.broadcast %mul3A : f32 to vector<8x100096xf32>
    %mul3A_23 = arith.mulf %mul3A_22, %log3A : vector<8x100096xf32>
    %sub3A_24 = arith.constant 1.000000e+00 : f32
    %sub3A_25 = vector.broadcast %sub3A_24 : f32 to vector<8x100096xf32>
    %sub3A_26 = arith.subf %sub3A_25, %min3A_19 : vector<8x100096xf32>
    %integer_pow3A = arith.mulf %sub3A_26, %sub3A_26 : vector<8x100096xf32>
    %mul3A_27 = arith.mulf %mul3A_23, %integer_pow3A : vector<8x100096xf32>
    %eq3A = arith.constant -2147483648 : i32
    %eq3A_28 = vector.broadcast %eq3A : i32 to vector<8x100096xi32>
    %eq3A_29 = arith.cmpi eq, %get3A_4, %eq3A_28 : vector<8x100096xi32>
    %jit3A = arith.constant 0.000000e+00 : f32
    %broadcast_in_dim3A = vector.broadcast %jit3A : f32 to vector<8x100096xf32>
    %select_n3A_30 = arith.select %eq3A_29, %broadcast_in_dim3A, %mul3A_27 : vector<8x100096xi1>, vector<8x100096xf32>
    %gt3A = vector.broadcast %get3A_1 : i32 to vector<8x100096xi32>
    %gt3A_31 = arith.cmpi sgt, %get3A_4, %gt3A : vector<8x100096xi32>
    %jit3A_32 = arith.constant 0.000000e+00 : f32
    %broadcast_in_dim3A_33 = vector.broadcast %jit3A_32 : f32 to vector<8x100096xf32>
    %select_n3A_34 = arith.select %gt3A_31, %select_n3A_30, %broadcast_in_dim3A_33 : vector<8x100096xi1>, vector<8x100096xf32>
    %reduce_sum3A = vector.shape_cast %select_n3A_34 : vector<8x100096xf32> to vector<1x8x100096xf32>
    %reduce_sum3A_35 = arith.constant dense<0.000000e+00> : vector<1xf32>
    %reduce_sum3A_36 = vector.multi_reduction <add>, %reduce_sum3A, %reduce_sum3A_35 [1, 2] : vector<1x8x100096xf32> to vector<1xf32>
    %reduce_sum3A_37 = vector.shape_cast %reduce_sum3A_36 : vector<1xf32> to vector<1x1x1xf32>
    %reduce_sum3A_38 = vector.extract %reduce_sum3A_37[0, 0, 0] : f32 from vector<1x1x1xf32>
    %eq3A_39 = arith.constant 0 : i32
    %eq3A_40 = arith.cmpi eq, %arg0, %eq3A_39 : i32
    %get3A_41 = arith.constant 0 : index
    %get3A_42 = arith.constant 0 : index
    %get3A_43 = memref.load %arg3[%get3A_41, %get3A_42] : memref<1x1xf32, #tpu.memory_space<smem>>
    %jit3A_44 = arith.constant 0.000000e+00 : f32
    %select_n3A_45 = arith.select %eq3A_40, %jit3A_44, %get3A_43 : f32
    %add3A_46 = arith.addf %select_n3A_45, %reduce_sum3A_38 : f32
    %swap3A = arith.constant 0 : index
    %swap3A_47 = arith.constant 0 : index
    %swap3A_48 = memref.load %arg3[%swap3A, %swap3A_47] : memref<1x1xf32, #tpu.memory_space<smem>>
    memref.store %add3A_46, %arg3[%swap3A, %swap3A_47] : memref<1x1xf32, #tpu.memory_space<smem>>
    return
  }
  func.func @transform_0(%arg0: i32) -> (i32, i32) {
    %c0_i32 = arith.constant 0 : i32
    %c0_i32_0 = arith.constant 0 : i32
    %c0_i32_1 = arith.constant 0 : i32
    return %c0_i32, %c0_i32_0 : i32, i32
  }
  func.func @transform_1(%arg0: i32) -> (i32, i32) {
    %c0_i32 = arith.constant 0 : i32
    %c0_i32_0 = arith.constant 0 : i32
    return %arg0, %c0_i32 : i32, i32
  }
  func.func @transform_2(%arg0: i32) -> (i32, i32) {
    %c0_i32 = arith.constant 0 : i32
    %c0_i32_0 = arith.constant 0 : i32
    %c0_i32_1 = arith.constant 0 : i32
    return %c0_i32, %c0_i32_0 : i32, i32
  }
}

</mosaic_0001>

<sc_bundles>
// kernel: kernel.10.cloned.1.call-start
scs
__scs_entry_jumppad:
0x0: {  	(pc) =	sbr.rel $0x88, $3  }
0x1: {  	(tag) =	ssettag $0x0;
	lr =	simm.s32 $0x1  }
0x2: {  	[smem:$0x3F9F] =	sst lr;
	_ =	strace $0xD0000000  }
0x3: {  	_ = 	snop  }
0x4: {  	_ = 	snop  }
0x5: {  	_ = 	snop  }
0x6: {  	_ = 	snop  }
0x7: {  	_ = 	snop  }
__scs_overlays_trampoline_lowered:
0x8: {  	[smem:$0x3FAE] =	sst s0  }
0x9: {  	[smem:$0x3FAF] =	sst s1  }
0xa: {  	[smem:$0x3FB0] =	sst s2  }
0xb: {  	[smem:$0x3FB1] =	sst s3  }
0xc: {  	[smem:$0x3FB2] =	sst s4  }
0xd: {  	[smem:$0x3FB3] =	sst s5  }
0xe: {  	[smem:$0x3FB4] =	sst s6  }
0xf: {  	[smem:$0x3FB5] =	sst s7  }
0x10: {  	[smem:$0x3FB6] =	sst s8  }
0x11: {  	[smem:$0x3FB7] =	sst s9;
	s0 =	simm.s32 @!p0 $0x0  }
0x12: {  	s1 =	sld [smem:$0x3F9D];
	s0 =	simm.s32 @p0 $0x1  }
0x13: {  	[smem:$0x3FB8] =	sst s0;
	s0 =	simm.s32 @!p1 $0x0  }
0x14: {  	s2 =	sld [smem:$0x3F9C];
	s0 =	simm.s32 @p1 $0x1  }
0x15: {  	[smem:$0x3FB9] =	sst s0;
	s0 =	simm.s32 @!p2 $0x0  }
0x16: {  	s3 =	sld [smem:$0x3FDB];
	s0 =	simm.s32 @p2 $0x1  }
0x17: {  	s4 =	simm.s32 $0x1BF5;
	[smem:$0x3FBB] =	sst s0  }
0x18: {  	s0 =	sld [smem:$0x3F9E];
	_ =	swait.ge [sflag:s4], $0x0  }
0x19: {  	s7 =	sld [smem:$0x3F9F]  }
0x1a: {  	s8 =	sadd.s32 $0xFFFFE003, lr  }
0x1b: {  	s9 =	sadd.s32 $0xFFFFFEF7, lr;
	s5 =	simm.s32 $0xFFFFFFFF;
	p2 =	slt.u32 s8, $0xFFFFF086  }
0x1c: {  	p1 =	slt.u32 s9, $0xF7A;
	s5 =	simm.s32 @!p2 $0x0  }
0x1d: {  	s5 =	simm.s32 @p1 $0x1;
	p0 =	seq.s32 s7, s2  }
0x1e: {  	s7 =	smul.u32 @!p0 $0xF7A, s2;
	p2 =	seq.s32 @!p0 s5, $0x0  }
0x1f: {  	s9 =	smul.u32 $0xF7A, s1;
	s8 =	simm.s32 @!p0 $0x1BF5;
	p2 =	por !p2, p0  }
0x20: {  	[sflag:s8] =	ssyncset.s32 @!p0 $0xFFFFF086;
	s6 =	sadd.s32 @!p0 s3, s7;
	s7 =	simm.s32 @!p0 $0x108  }
0x21: {  	s3 =	sadd.s32 s3, s9;
	s6 =	sadd.s32 @!p0 $0x88, s6;
	s7 =	simm.s32 @p2 $0x1082  }
0x22: {  	[simem:s7], [sflag:s8] =	dma.local @!p0 [hbm:s6], $0xF7A  }
0x23: {  	s9 =	sor.u32 $0xD0000000, s2;
	s6 =	simm.s32 $0x108;
	_ =	swait.ge @!p0 [sflag:s8], $0x0  }
0x24: {  	s3 =	sadd.s32 $0x88, s3;
	s6 =	simm.s32 @!p1 $0x1082;
	[sflag:s4] =	ssyncset.s32 $0xFFFFF086  }
0x25: {  	[simem:s6], [sflag:s4] =	dma.local [hbm:s3], $0xF7A  }
0x26: {  	[smem:$0x3F9F] =	sst s1;
	(tag) =	ssettag s2;
	_ =	strace s9  }
0x27: {  	s1 =	sld [smem:$0x3FAF]  }
0x28: {  	s2 =	sld [smem:$0x3FB0]  }
0x29: {  	s4 =	sld [smem:$0x3FB2]  }
0x2a: {  	p0 =	seq.s32 s5, $0x0;
	s5 =	sld [smem:$0x3FB3]  }
0x2b: {  	s6 =	sld [smem:$0x3FB4]  }
0x2c: {  	s7 =	sld [smem:$0x3FB5]  }
0x2d: {  	s3 =	simm.s32 $0x108;
	s8 =	sld [smem:$0x3FB6]  }
0x2e: {  	s3 =	simm.s32 @!p0 $0x1082;
	s9 =	sld [smem:$0x3FB7]  }
0x2f: {  	lr =	sadd.s32 s0, s3;
	s0 =	sld [smem:$0x3FAE]  }
0x30: {  	s3 =	sld [smem:$0x3FB1]  }
0x31: {  	[smem:$0x3FBA] =	sst s10  }
0x32: {  	s10 =	sld [smem:$0x3FB8];
	_ =	sdelay $0x3  }
0x33: {  	p0 =	seq.s32 s10, $0x1;
	s10 =	sld [smem:$0x3FBA];
	_ =	sdelay $0x3  }
0x34: {  	[smem:$0x3FBA] =	sst s10  }
0x35: {  	s10 =	sld [smem:$0x3FB9];
	_ =	sdelay $0x3  }
0x36: {  	p1 =	seq.s32 s10, $0x1;
	s10 =	sld [smem:$0x3FBA];
	_ =	sdelay $0x3  }
0x37: {  	[smem:$0x3FBA] =	sst s10  }
0x38: {  	s10 =	sld [smem:$0x3FBB]  }
0x39: {  	_ = 	snop;
	(pc) =	sbr.ind lr, $3  }
0x3a: {  	_ = 	snop  }
0x3b: {  	_ = 	snop  }
0x3c: {  	p2 =	seq.s32 s10, $0x1;
	s10 =	sld [smem:$0x3FBA]  }
0x3d: {  	_ =	shalt  }
0x3e: {  	_ =	shalt  }
0x3f: {  	_ =	shalt  }
0x40: {  	_ =	shalt  }
0x41: {  	_ =	shalt  }
0x42: {  	_ =	shalt  }
0x43: {  	_ =	shalt  }
0x44: {  	_ =	shalt  }
0x45: {  	_ =	shalt  }
0x46: {  	_ =	shalt  }
0x47: {  	_ =	shalt  }
0x48: {  	_ =	shalt  }
0x49: {  	_ =	shalt  }
0x4a: {  	_ =	shalt  }
0x4b: {  	_ =	shalt  }
0x4c: {  	_ =	shalt  }
0x4d: {  	_ =	shalt  }
0x4e: {  	_ =	shalt  }
0x4f: {  	_ =	shalt  }
0x50: {  	_ =	shalt  }
0x51: {  	_ =	shalt  }
0x52: {  	_ =	shalt  }
0x53: {  	_ =	shalt  }
0x54: {  	_ =	shalt  }
0x55: {  	_ =	shalt  }
0x56: {  	_ =	shalt  }
0x57: {  	_ =	shalt  }
0x58: {  	_ =	shalt  }
0x59: {  	_ =	shalt  }
0x5a: {  	_ =	shalt  }
0x5b: {  	_ =	shalt  }
0x5c: {  	_ =	shalt  }
0x5d: {  	_ =	shalt  }
0x5e: {  	_ =	shalt  }
0x5f: {  	_ =	shalt  }
0x60: {  	_ =	shalt  }
0x61: {  	_ =	shalt  }
0x62: {  	_ =	shalt  }
0x63: {  	_ =	shalt  }
0x64: {  	_ =	shalt  }
0x65: {  	_ =	shalt  }
0x66: {  	_ =	shalt  }
0x67: {  	_ =	shalt  }
0x68: {  	_ =	shalt  }
0x69: {  	_ =	shalt  }
0x6a: {  	_ =	shalt  }
0x6b: {  	_ =	shalt  }
0x6c: {  	_ =	shalt  }
0x6d: {  	_ =	shalt  }
0x6e: {  	_ =	shalt  }
0x6f: {  	_ =	shalt  }
0x70: {  	_ =	shalt  }
0x71: {  	_ =	shalt  }
0x72: {  	_ =	shalt  }
0x73: {  	_ =	shalt  }
0x74: {  	_ =	shalt  }
0x75: {  	_ =	shalt  }
0x76: {  	_ =	shalt  }
0x77: {  	_ =	shalt  }
0x78: {  	_ =	shalt  }
0x79: {  	_ =	shalt  }
0x7a: {  	_ =	shalt  }
0x7b: {  	_ =	shalt  }
0x7c: {  	_ =	shalt  }
0x7d: {  	_ =	shalt  }
0x7e: {  	_ =	shalt  }
0x7f: {  	_ =	shalt  }
0x80: {  	_ =	shalt  }
0x81: {  	_ =	shalt  }
0x82: {  	_ =	shalt  }
0x83: {  	_ =	shalt  }
0x84: {  	_ =	shalt  }
0x85: {  	_ =	shalt  }
0x86: {  	_ =	shalt  }
0x87: {  	_ =	shalt  }
.Lfunc_end0:
.L_simem_size_0:
called_computation.1_lowered:
.L_overlay_start_0:
0x88: {  	s2 =	sld [smem:$0x3FD9]  }
0x89: {  	s3 =	sld [smem:$0x3FFE];
	_ =	sdelay $0x1  }
0x8a: {  	s1 =	srdreg.scid  }
0x8b: {  	s0 =	sand.u32 $0x1, s1  }
0x8c: {  	s16 =	sshll.u32 s0, $0xA;
	s2 =	sadd.s32 s3, s2  }
0x8d: {  	s2 =	sadd.s32 s2, s16  }
0x8e: {  	[smem:$0x3FC6] =	sst s2  }
0x8f: {  	_ = 	snop  }
0x90: {  	(tm) =	ssettm $0x1  }
0x91: {  	s17 =	sld [smem:$0x3FFB];
	_ =	sdelay $0x3  }
0x92: {  	_ =	strace s17  }
0x93: {  	s2 =	sld [smem:$0x3FFC];
	_ =	sdelay $0x3  }
0x94: {  	_ =	strace s2  }
0x95: {  	s2 =	sld [smem:$0x3FFD];
	_ =	sdelay $0x3  }
0x96: {  	_ =	strace s2  }
0x97: {  	_ =	strace $0x8FFFFFFF  }
0x98: {  	s18 =	sld [smem:$0x3FDB];
	_ =	sdelay $0x1  }
0x99: {  	s19 =	simm.s32 $_scs_section_size  }
0x9a: {  	s4 =	simm.s32 $_size__tile_overlayer_lowered;
	s5 =	simm.s32 $_tile_overlayer_lowered  }
0x9b: {  	s22 =	simm.s32 $0x1BFF;
	s21 =	sshll.u32 s5, $0x1;
	s2 =	sadd.s32 s19, s18  }
0x9c: {  	s6 =	simm.s32 $0x0;
	s20 =	sshll.u32 s4, $0x1;
	s4 =	sadd.s32 s21, s2  }
0x9d: {  	[timem:s6], [sflag:s22] =	dma.local [hbm:s4], s20  }
0x9e: {  	_ =	swait.ge [sflag:s22], s20  }
0x9f: {  	s3 =	ssub.s32 $0x0, s20;
	[sflag:s22] =	ssyncset.done $0x0  }
0xa0: {  	[sflag:s22] =	ssyncadd.s32 s3;
	_ =	sdelay $0x1  }
0xa1: {  	s23 =	simm.s32 $0x1B8B  }
0xa2: {  	_ =	swait.ge [sflag:s23], $0x1  }
0xa3: {  	[sflag:s23] =	ssyncset.done $0x0  }
0xa4: {  	s25 =	simm.s32 $0x1B8E;
	s24 =	sld [smem:$0x3FFE];
	[sflag:s23] =	ssyncadd.s32 $0xFFFFFFFF  }
0xa5: {  	s26 =	simm.s32 $execute0_lowered;
	[smem:$0x3FD2] =	sst s25  }
0xa6: {  	s4 =	sshll.u32 s26, $0x1;
	_ =	strace $0x80000049;
	[dreg:$0x1] =	wrdreg $0xFFFFFFFF  }
0xa7: {  	s28 =	simm.s32 $_size_execute0_lowered;
	s2 =	sadd.s32 s2, s4;
	[dreg:$0x0] =	wrdreg $0x0  }
0xa8: {  	s4 =	sshll.u32 s28, $0x1;
	[dreg:$0x2] =	wrdreg s2  }
0xa9: {  	[dreg:$0x3] =	wrdreg s4  }
0xaa: {  	[dreg:$0x4] =	wrdreg $0xC0  }
0xab: {  	_ =	task [dreg:s6], $0x5FFFF  }
0xac: {  	[dreg:$0x1] =	wrdreg $0xFFFFFFFF  }
0xad: {  	[dreg:$0x0] =	wrdreg $0x60  }
0xae: {  	[dreg:$0x2] =	wrdreg s24  }
0xaf: {  	[dreg:$0x3] =	wrdreg $0x9  }
0xb0: {  	_ =	task.clear_ibuf [dreg:s6], $0x4FFFF;
	_ =	strace $0x90000049  }
0xb1: {  	s29 =	simm.s32 $0x9;
	_ =	strace $0x8000004B  }
0xb2: {  	_ =	swait.ge [sflag:s29], $0x1  }
0xb3: {  	[sflag:s29] =	ssyncadd.s32 $0xFFFFFFFF  }
0xb4: {  	_ =	strace $0x9000004B  }
0xb5: {  	_ =	sfence  }
0xb6: {  	s30 =	sld [smem:$0x0];
	_ =	sdelay $0x2  }
0xb7: {  	s31 =	sshll.u32 s1, $0xD;
	s1 =	sshrl.u32 s1, $0x2  }
0xb8: {  	s3 =	sand.u32 $0x4000, s31;
	s1 =	sadd.s32 s1, s30  }
0xb9: {  	s0 =	sor.u32 s3, s0;
	s1 =	sshll.u32 s1, $0x11  }
0xba: {  	s0 =	sor.u32 s1, s0  }
0xbb: {  	s0 =	sadd.s32 $0x8F2B, s0  }
0xbc: {  	[sflag:s0] =	ssyncadd.remote.s32 $0x1  }
0xbd: {  	_ =	sfence.sel $0xFFFF  }
0xbe: {  	[dreg:$0x0] =	wrdreg $0xFFFFFFFF;
	(pc) =	sbr.abs _section_cstart, $3  }
0xbf: {  	[dreg:$0x1] =	wrdreg $0xFFFFFFFF  }
0xc0: {  	_ =	task.clear_ibuf [dreg:s6], $0x2FFFF;
	_ =	strace $0x9FFFFFFF  }
0xc1: {  	(tm) =	ssettm $0x7FFFFFFF  }
tec
execute0_lowered:
.L_overlay_start_1:
0x0: {  	(tag) =	ssettag $0x1  }
0x1: {  	s5 =	rddreg [dreg:$0x0]  }
0x2: {  	s0 =	rddreg [dreg:$0x1]  }
0x3: {  	s2 =	simm.s32 $0x0;
	s3 =	srdreg.scid;
	s1 =	stileid.u32  }
0x4: {  	s10 =	simm.s32 $0x3;
	s11 =	simm.s32 $0x10000;
	s12 =	simm.s32 $0x15C00  }
0x5: {  	s13 =	simm.s32 $0x1;
	s14 =	simm.s32 $0x2;
	s15 =	simm.s32 $0x0  }
0x6: {  	[smem:$0x7FF] =	sst s2;
	s4 =	sand.u32 $0x1, s3;
	s6 =	sshll.u32 s1, $0x1  }
0x7: {  	s3 =	sadd.s32 $0x1870000, s5;
	_ =	strace $0x8000004A;
	s6 =	sor.u32 s4, s6  }
0x8: {  	s8 =	ssub.s32 $0x2, s4;
	s7 =	sshll.u32 s6, $0xD;
	s9 =	smul.u32 $0x61C00, s6  }
0x9: {  	s4 =	sadd.s32 $0x600, s5;
	s31 =	sshrl.u32 s8, $0x1;
	s7 =	sadd.s32 s7, s5  }
0xa: {  	s8 =	ssub.s32 s8, s31;
	s5 =	sshll.u32 s6, $0x2;
	s6 =	sadd.s32 s3, s9  }
0xb: {  	v0 =	vimm.s32 $0x0;
	v1 =	vlaneseq.u32;
	v2 =	vimm.s32 $0x1;
	s7 =	sadd.s32 $0x800, s7;
	s8 =	smax.u32 s8, $0x1;
	s9 =	simm.s32 $0x1B800  }
.LBB2_1:
0xc: {  	s16 =	simm.s32 $0x40;
	s17 =	simm.s32 $0x0  }
.LBB2_2:
0xd: {  	p0 =	sne.s32 s16, $0x3FFC0;
	[tilespmem:s17+$0x0] =	vst v0;
	s17 =	smov.u32 s16;
	s16 =	sadd.s32 $0x40, s16  }
.Ltmp0:
0xe: {  	(pc) =	sbr.rel @p0 .LBB2_2-.Ltmp0, $2  }
0xf: {  	_ =	sdelay $0x2  }
0x10: {  	s17 =	sshra.s32 s17, $0x2  }
0x11: {  	[tilespmem:s17+$0x0] =	vst v0;
	s16 =	simm.s32 $0x0  }
0x12: {  	[tilespmem:s9], [sflag:$0x3] =	stream.linear.gather [hbm4b:s4+s16], $0x80, $0x38;
	[tilespmem:$0x1B880] =	vst v63  }
0x13: {  	_ =	swait.ge [sflag:s10], $0x80  }
0x14: {  	[sflag:s10] =	ssyncset.done $0x0  }
0x15: {  	[sflag:s10] =	ssyncadd.s32 $0xFFFFFF80  }
0x16: {  	v3 =	vld [tilespmem:$0x1B800];
	_ =	sdelay $0x2  }
0x17: {  	[tilespmem:s11], [sflag:$0x1] =	stream.linear.gather [hbm4b:s6+s16], $0x5C00, $0x38;
	[tilespmem:$0x1B880] =	vst v63  }
.LBB2_5:
0x18: {  	s17 =	sshllo.u32 s16, $0x1  }
0x19: {  	s18 =	sand.u32 $0xFF, s17  }
0x1a: {  	s18 =	smul.u32 $0xF1, s18  }
0x1b: {  	s19 =	smul.u32 $0xF1, s16  }
0x1c: {  	s18 =	sshrl.u32 s18, $0xD  }
0x1d: {  	s19 =	sshrl.u32 s19, $0xC;
	s18 =	smul.u32 $0x22, s18  }
0x1e: {  	s19 =	sand.u32 $0xF, s19  }
0x1f: {  	s19 =	sadd.s32 s19, s5;
	s17 =	ssub.s32 s17, s18  }
0x20: {  	s30 =	smul.u32 $0xC3800, s19;
	s17 =	sand.u32 $0xFF, s17  }
0x21: {  	s17 =	smul.u32 $0x5C00, s17;
	_ =	sdelay $0x1  }
0x22: {  	s17 =	sadd.s32 s30, s17  }
0x23: {  	s17 =	sshrl.u32 s17, $0x3  }
0x24: {  	s17 =	sadd.s32 s3, s17  }
0x25: {  	[tilespmem:s12], [sflag:$0x2] =	stream.linear.gather [hbm4b:s17+s2], $0x5C00, $0x38;
	[tilespmem:$0x1B880] =	vst v63  }
0x26: {  	_ =	swait.ge [sflag:s13], $0x5C00  }
0x27: {  	[sflag:s13] =	ssyncset.done $0x0  }
0x28: {  	s31 =	simm.s32 $0x10040;
	[sflag:s13] =	ssyncadd.s32 $0xFFFFA400  }
0x29: {  	v5 =	vld [tilespmem:s31+$0xFFFFFFC0]  }
0x2a: {  	v6 =	vld [tilespmem:s31+$0x30]  }
0x2b: {  	v9 =	vld [tilespmem:s31+$0xFFFFFFF0]  }
0x2c: {  	v10 =	vld [tilespmem:s31+$0x20]  }
0x2d: {  	v11 =	vld [tilespmem:s31+$0x0]  }
0x2e: {  	v16 =	vld [tilespmem:s31+$0xFFFFFFE0];
	_ =	sdelay $0x1  }
0x2f: {  	v4 =	vld [tilespmem:s31+$0x10]  }
0x30: {  	v7 =	vshrl.u32 v5, $0x14;
	v5 =	vshrl.u32 v5, $0x4;
	v12 =	vshrl.u32 v6, $0x14  }
0x31: {  	v13 =	vshrl.u32 v6, $0x4;
	v15 =	vshrl.u32 v9, $0x4;
	v6 =	vshrl.u32 v11, $0x14  }
0x32: {  	v14 =	vshrl.u32 v10, $0x4;
	v17 =	vshrl.u32 v10, $0x14;
	v10 =	vshrl.u32 v16, $0x4  }
0x33: {  	vm1 =	veq.s32 v7, v3;
	v7 =	vshrl.u32 v9, $0x14;
	v5 =	vand.u32 $0xFFF0, v5  }
0x34: {  	vm0 =	veq.s32 v12, v3;
	v9 =	vshrl.u32 v4, $0x4;
	v12 =	vld [tilespmem:s31+$0xFFFFFFD0];
	v8 =	vor.u32 v1, v5  }
0x35: {  	vm2 =	veq.s32 v17, v3;
	v5 =	vand.u32 $0xFFF0, v13;
	v13 =	vand.u32 $0xFFF0, v15  }
0x36: {  	s20 =	simm.s32 $0x10440;
	s19 =	simm.s32 $0x0;
	s17 =	sshll.u32 s16, $0x1;
	v15 =	vshrl.u32 v11, $0x4;
	v11 =	vshrl.u32 v16, $0x14;
	v5 =	vor.u32 v1, v5  }
.LBB2_6:
0x37: {  	v16 =	vld [tilespmem:s20+$0xFFFFFFC0];
	s19 =	sadd.s32 $0x8, s19;
	v15 =	vand.u32 $0xFFF0, v15;
	v14 =	vand.u32 $0xFFF0, v14;
	s18 =	simm.s32 $0x100F0  }
0x38: {  	vm6 =	veq.s32 v7, v3;
	v17 =	vld [tilespmem:s20+$0x20];
	p0 =	slt.u32 s19, $0xB0;
	v15 =	vor.u32 v1, v15;
	v7 =	vor.u32 v1, v14  }
0x39: {  	v4 =	vshrl.u32 v4, $0x14;
	[tilespmem:v8+s2+$0x0] =	vst.idx.add.s32.msk vm1, v2;
	v8 =	vshrl.u32 v12, $0x4;
	v12 =	vshrl.u32 v12, $0x14  }
0x3a: {  	v14 =	vld [tilespmem:s20+$0x30];
	vm5 =	veq.s32 v12, v3;
	v8 =	vand.u32 $0xFFF0, v8;
	v12 =	vor.u32 v1, v13  }
0x3b: {  	vm3 =	veq.s32 v4, v3;
	v13 =	vld [tilespmem:s20+$0xFFFFFFF0];
	v18 =	vor.u32 v1, v8;
	v8 =	vand.u32 $0xFFF0, v9  }
0x3c: {  	v4 =	vld [tilespmem:s20+$0x10];
	v19 =	vor.u32 v1, v8  }
0x3d: {  	v20 =	vld [tilespmem:s20+$0x0]  }
0x3e: {  	vm4 =	veq.s32 v11, v3;
	vm7 =	veq.s32 v6, v3;
	v8 =	vand.u32 $0xFFF0, v10;
	[tilespmem:v7+s2+$0x0] =	vst.idx.add.s32.msk vm2, v2  }
0x3f: {  	v6 =	vshrl.u32 v16, $0x4;
	v7 =	vshrl.u32 v16, $0x14;
	v16 =	vor.u32 v1, v8;
	[tilespmem:v5+s2+$0x0] =	vst.idx.add.s32.msk vm0, v2  }
0x40: {  	vm1 =	veq.s32 v7, v3;
	v5 =	vshrl.u32 v14, $0x14;
	v7 =	vshrl.u32 v13, $0x14;
	[tilespmem:v12+s2+$0x0] =	vst.idx.add.s32.msk vm6, v2  }
0x41: {  	v6 =	vand.u32 $0xFFF0, v6;
	v9 =	vshrl.u32 v14, $0x4;
	v11 =	vld [tilespmem:s20+$0xFFFFFFE0]  }
.Ltmp1:
0x42: {  	v8 =	vor.u32 v1, v6;
	v10 =	vshrl.u32 v13, $0x4;
	v12 =	vld [tilespmem:s20+$0xFFFFFFD0];
	v6 =	vshrl.u32 v20, $0x14;
	(pc) =	sbr.rel @p0 .LBB2_6-.Ltmp1, $4  }
0x43: {  	v14 =	vshrl.u32 v17, $0x4;
	vm0 =	veq.s32 v5, v3;
	v5 =	vand.u32 $0xFFF0, v9;
	[tilespmem:v18+s2+$0x0] =	vst.idx.add.s32.msk vm5, v2  }
0x44: {  	v17 =	vshrl.u32 v17, $0x14;
	v9 =	vshrl.u32 v4, $0x4;
	v5 =	vor.u32 v1, v5;
	[tilespmem:v15+s2+$0x0] =	vst.idx.add.s32.msk vm7, v2  }
0x45: {  	v13 =	vand.u32 $0xFFF0, v10;
	v15 =	vshrl.u32 v20, $0x4;
	[tilespmem:v19+s2+$0x0] =	vst.idx.add.s32.msk vm3, v2  }
0x46: {  	vm2 =	veq.s32 v17, v3;
	s20 =	sadd.s32 $0x400, s20;
	v10 =	vshrl.u32 v11, $0x4;
	v11 =	vshrl.u32 v11, $0x14;
	[tilespmem:v16+s2+$0x0] =	vst.idx.add.s32.msk vm4, v2  }
0x47: {  	_ =	sdelay $0x1  }
0x48: {  	v14 =	vand.u32 $0xFFF0, v14;
	v15 =	vand.u32 $0xFFF0, v15;
	vm3 =	veq.s32 v7, v3  }
0x49: {  	v7 =	vshrl.u32 v12, $0x4;
	v12 =	vshrl.u32 v12, $0x14;
	v14 =	vor.u32 v1, v14  }
0x4a: {  	vm5 =	veq.s32 v6, v3;
	vm4 =	veq.s32 v12, v3;
	v12 =	vor.u32 v1, v13  }
0x4b: {  	[tilespmem:v8+s2+$0x0] =	vst.idx.add.s32.msk vm1, v2;
	vm6 =	veq.s32 v11, v3;
	v8 =	vand.u32 $0xFFF0, v10;
	v6 =	vor.u32 v1, v15  }
0x4c: {  	v4 =	vshrl.u32 v4, $0x14;
	v7 =	vand.u32 $0xFFF0, v7;
	v8 =	vor.u32 v1, v8  }
0x4d: {  	[tilespmem:v5+s2+$0x0] =	vst.idx.add.s32.msk vm0, v2;
	vm1 =	veq.s32 v4, v3;
	v4 =	vand.u32 $0xFFF0, v9;
	v7 =	vor.u32 v1, v7  }
0x4e: {  	v4 =	vor.u32 v1, v4;
	[tilespmem:v14+s2+$0x0] =	vst.idx.add.s32.msk vm2, v2  }
0x4f: {  	[tilespmem:v12+s2+$0x0] =	vst.idx.add.s32.msk vm3, v2  }
0x50: {  	[tilespmem:v6+s2+$0x0] =	vst.idx.add.s32.msk vm5, v2  }
0x51: {  	[tilespmem:v8+s2+$0x0] =	vst.idx.add.s32.msk vm6, v2  }
0x52: {  	[tilespmem:v7+s2+$0x0] =	vst.idx.add.s32.msk vm4, v2  }
0x53: {  	[tilespmem:v4+s2+$0x0] =	vst.idx.add.s32.msk vm1, v2  }
0x54: {  	v5 =	vld [tilespmem:s18+$0xFFFFFF90]  }
0x55: {  	v6 =	vld [tilespmem:s18+$0x0]  }
0x56: {  	v9 =	vld [tilespmem:s18+$0xFFFFFFC0]  }
0x57: {  	v10 =	vld [tilespmem:s18+$0xFFFFFFF0]  }
0x58: {  	v11 =	vld [tilespmem:s18+$0xFFFFFFD0]  }
0x59: {  	v16 =	vld [tilespmem:s18+$0xFFFFFFB0];
	_ =	sdelay $0x1  }
0x5a: {  	v4 =	vld [tilespmem:s18+$0xFFFFFFE0]  }
0x5b: {  	v7 =	vshrl.u32 v5, $0x14;
	v5 =	vshrl.u32 v5, $0x4;
	v12 =	vshrl.u32 v6, $0x14  }
0x5c: {  	v13 =	vshrl.u32 v6, $0x4;
	v15 =	vshrl.u32 v9, $0x4;
	v6 =	vshrl.u32 v11, $0x14  }
0x5d: {  	v14 =	vshrl.u32 v10, $0x4;
	v17 =	vshrl.u32 v10, $0x14;
	v10 =	vshrl.u32 v16, $0x4  }
0x5e: {  	vm1 =	veq.s32 v7, v3;
	v7 =	vshrl.u32 v9, $0x14;
	v5 =	vand.u32 $0xFFF0, v5  }
0x5f: {  	vm0 =	veq.s32 v12, v3;
	v9 =	vshrl.u32 v4, $0x4;
	v12 =	vld [tilespmem:s18+$0xFFFFFFA0];
	v8 =	vor.u32 v1, v5  }
0x60: {  	vm2 =	veq.s32 v17, v3;
	v5 =	vand.u32 $0xFFF0, v13;
	v13 =	vand.u32 $0xFFF0, v15  }
0x61: {  	s19 =	simm.s32 $0x0;
	s20 =	simm.s32 $0x104F0;
	v15 =	vshrl.u32 v11, $0x4;
	v11 =	vshrl.u32 v16, $0x14;
	v5 =	vor.u32 v1, v5  }
.LBB2_8:
0x62: {  	v16 =	vld [tilespmem:s20+$0xFFFFFF90];
	s19 =	sadd.s32 $0x8, s19;
	v15 =	vand.u32 $0xFFF0, v15;
	v14 =	vand.u32 $0xFFF0, v14;
	s18 =	simm.s32 $0x10170  }
0x63: {  	vm6 =	veq.s32 v7, v3;
	v17 =	vld [tilespmem:s20+$0xFFFFFFF0];
	p0 =	slt.u32 s19, $0xB0;
	v15 =	vor.u32 v1, v15;
	v7 =	vor.u32 v1, v14  }
0x64: {  	v4 =	vshrl.u32 v4, $0x14;
	[tilespmem:v8+s2+$0x0] =	vst.idx.add.s32.msk vm1, v2;
	v8 =	vshrl.u32 v12, $0x4;
	v12 =	vshrl.u32 v12, $0x14  }
0x65: {  	v14 =	vld [tilespmem:s20+$0x0];
	vm5 =	veq.s32 v12, v3;
	v8 =	vand.u32 $0xFFF0, v8;
	v12 =	vor.u32 v1, v13  }
0x66: {  	vm3 =	veq.s32 v4, v3;
	v13 =	vld [tilespmem:s20+$0xFFFFFFC0];
	v18 =	vor.u32 v1, v8;
	v8 =	vand.u32 $0xFFF0, v9  }
0x67: {  	v4 =	vld [tilespmem:s20+$0xFFFFFFE0];
	v19 =	vor.u32 v1, v8  }
0x68: {  	v20 =	vld [tilespmem:s20+$0xFFFFFFD0]  }
0x69: {  	vm4 =	veq.s32 v11, v3;
	vm7 =	veq.s32 v6, v3;
	v8 =	vand.u32 $0xFFF0, v10;
	[tilespmem:v7+s2+$0x0] =	vst.idx.add.s32.msk vm2, v2  }
0x6a: {  	v6 =	vshrl.u32 v16, $0x4;
	v7 =	vshrl.u32 v16, $0x14;
	v16 =	vor.u32 v1, v8;
	[tilespmem:v5+s2+$0x0] =	vst.idx.add.s32.msk vm0, v2  }
0x6b: {  	vm1 =	veq.s32 v7, v3;
	v5 =	vshrl.u32 v14, $0x14;
	v7 =	vshrl.u32 v13, $0x14;
	[tilespmem:v12+s2+$0x0] =	vst.idx.add.s32.msk vm6, v2  }
0x6c: {  	v6 =	vand.u32 $0xFFF0, v6;
	v9 =	vshrl.u32 v14, $0x4;
	v11 =	vld [tilespmem:s20+$0xFFFFFFB0]  }
.Ltmp2:
0x6d: {  	v8 =	vor.u32 v1, v6;
	v10 =	vshrl.u32 v13, $0x4;
	v12 =	vld [tilespmem:s20+$0xFFFFFFA0];
	v6 =	vshrl.u32 v20, $0x14;
	(pc) =	sbr.rel @p0 .LBB2_8-.Ltmp2, $4  }
0x6e: {  	v14 =	vshrl.u32 v17, $0x4;
	vm0 =	veq.s32 v5, v3;
	v5 =	vand.u32 $0xFFF0, v9;
	[tilespmem:v18+s2+$0x0] =	vst.idx.add.s32.msk vm5, v2  }
0x6f: {  	v17 =	vshrl.u32 v17, $0x14;
	v9 =	vshrl.u32 v4, $0x4;
	v5 =	vor.u32 v1, v5;
	[tilespmem:v15+s2+$0x0] =	vst.idx.add.s32.msk vm7, v2  }
0x70: {  	v13 =	vand.u32 $0xFFF0, v10;
	v15 =	vshrl.u32 v20, $0x4;
	[tilespmem:v19+s2+$0x0] =	vst.idx.add.s32.msk vm3, v2  }
0x71: {  	vm2 =	veq.s32 v17, v3;
	s20 =	sadd.s32 $0x400, s20;
	v10 =	vshrl.u32 v11, $0x4;
	v11 =	vshrl.u32 v11, $0x14;
	[tilespmem:v16+s2+$0x0] =	vst.idx.add.s32.msk vm4, v2  }
0x72: {  	_ =	sdelay $0x1  }
0x73: {  	v14 =	vand.u32 $0xFFF0, v14;
	v15 =	vand.u32 $0xFFF0, v15;
	vm3 =	veq.s32 v7, v3  }
0x74: {  	v7 =	vshrl.u32 v12, $0x4;
	v12 =	vshrl.u32 v12, $0x14;
	v14 =	vor.u32 v1, v14  }
0x75: {  	vm5 =	veq.s32 v6, v3;
	vm4 =	veq.s32 v12, v3;
	v12 =	vor.u32 v1, v13  }
0x76: {  	[tilespmem:v8+s2+$0x0] =	vst.idx.add.s32.msk vm1, v2;
	vm6 =	veq.s32 v11, v3;
	v8 =	vand.u32 $0xFFF0, v10;
	v6 =	vor.u32 v1, v15  }
0x77: {  	v4 =	vshrl.u32 v4, $0x14;
	v7 =	vand.u32 $0xFFF0, v7;
	v8 =	vor.u32 v1, v8  }
0x78: {  	[tilespmem:v5+s2+$0x0] =	vst.idx.add.s32.msk vm0, v2;
	vm1 =	veq.s32 v4, v3;
	v4 =	vand.u32 $0xFFF0, v9;
	v7 =	vor.u32 v1, v7  }
0x79: {  	v4 =	vor.u32 v1, v4;
	[tilespmem:v14+s2+$0x0] =	vst.idx.add.s32.msk vm2, v2  }
0x7a: {  	[tilespmem:v12+s2+$0x0] =	vst.idx.add.s32.msk vm3, v2  }
0x7b: {  	[tilespmem:v6+s2+$0x0] =	vst.idx.add.s32.msk vm5, v2  }
0x7c: {  	[tilespmem:v8+s2+$0x0] =	vst.idx.add.s32.msk vm6, v2  }
0x7d: {  	[tilespmem:v7+s2+$0x0] =	vst.idx.add.s32.msk vm4, v2  }
0x7e: {  	[tilespmem:v4+s2+$0x0] =	vst.idx.add.s32.msk vm1, v2  }
0x7f: {  	v5 =	vld [tilespmem:s18+$0xFFFFFF90]  }
0x80: {  	v6 =	vld [tilespmem:s18+$0x0]  }
0x81: {  	v9 =	vld [tilespmem:s18+$0xFFFFFFC0]  }
0x82: {  	v10 =	vld [tilespmem:s18+$0xFFFFFFF0]  }
0x83: {  	v11 =	vld [tilespmem:s18+$0xFFFFFFD0]  }
0x84: {  	v16 =	vld [tilespmem:s18+$0xFFFFFFB0];
	_ =	sdelay $0x1  }
0x85: {  	v4 =	vld [tilespmem:s18+$0xFFFFFFE0]  }
0x86: {  	v7 =	vshrl.u32 v5, $0x14;
	v5 =	vshrl.u32 v5, $0x4;
	v12 =	vshrl.u32 v6, $0x14  }
0x87: {  	v13 =	vshrl.u32 v6, $0x4;
	v15 =	vshrl.u32 v9, $0x4;
	v6 =	vshrl.u32 v11, $0x14  }
0x88: {  	v14 =	vshrl.u32 v10, $0x4;
	v17 =	vshrl.u32 v10, $0x14;
	v10 =	vshrl.u32 v16, $0x4  }
0x89: {  	vm1 =	veq.s32 v7, v3;
	v7 =	vshrl.u32 v9, $0x14;
	v5 =	vand.u32 $0xFFF0, v5  }
0x8a: {  	vm0 =	veq.s32 v12, v3;
	v9 =	vshrl.u32 v4, $0x4;
	v12 =	vld [tilespmem:s18+$0xFFFFFFA0];
	v8 =	vor.u32 v1, v5  }
0x8b: {  	vm2 =	veq.s32 v17, v3;
	v5 =	vand.u32 $0xFFF0, v13;
	v13 =	vand.u32 $0xFFF0, v15  }
0x8c: {  	s19 =	simm.s32 $0x0;
	s20 =	simm.s32 $0x10570;
	v15 =	vshrl.u32 v11, $0x4;
	v11 =	vshrl.u32 v16, $0x14;
	v5 =	vor.u32 v1, v5  }
.LBB2_10:
0x8d: {  	v16 =	vld [tilespmem:s20+$0xFFFFFF90];
	s19 =	sadd.s32 $0x8, s19;
	v15 =	vand.u32 $0xFFF0, v15;
	v14 =	vand.u32 $0xFFF0, v14;
	s18 =	simm.s32 $0x101F0  }
0x8e: {  	vm6 =	veq.s32 v7, v3;
	v17 =	vld [tilespmem:s20+$0xFFFFFFF0];
	p0 =	slt.u32 s19, $0xB0;
	v15 =	vor.u32 v1, v15;
	v7 =	vor.u32 v1, v14  }
0x8f: {  	v4 =	vshrl.u32 v4, $0x14;
	[tilespmem:v8+s2+$0x0] =	vst.idx.add.s32.msk vm1, v2;
	v8 =	vshrl.u32 v12, $0x4;
	v12 =	vshrl.u32 v12, $0x14  }
0x90: {  	v14 =	vld [tilespmem:s20+$0x0];
	vm5 =	veq.s32 v12, v3;
	v8 =	vand.u32 $0xFFF0, v8;
	v12 =	vor.u32 v1, v13  }
0x91: {  	vm3 =	veq.s32 v4, v3;
	v13 =	vld [tilespmem:s20+$0xFFFFFFC0];
	v18 =	vor.u32 v1, v8;
	v8 =	vand.u32 $0xFFF0, v9  }
0x92: {  	v4 =	vld [tilespmem:s20+$0xFFFFFFE0];
	v19 =	vor.u32 v1, v8  }
0x93: {  	v20 =	vld [tilespmem:s20+$0xFFFFFFD0]  }
0x94: {  	vm4 =	veq.s32 v11, v3;
	vm7 =	veq.s32 v6, v3;
	v8 =	vand.u32 $0xFFF0, v10;
	[tilespmem:v7+s2+$0x0] =	vst.idx.add.s32.msk vm2, v2  }
0x95: {  	v6 =	vshrl.u32 v16, $0x4;
	v7 =	vshrl.u32 v16, $0x14;
	v16 =	vor.u32 v1, v8;
	[tilespmem:v5+s2+$0x0] =	vst.idx.add.s32.msk vm0, v2  }
0x96: {  	vm1 =	veq.s32 v7, v3;
	v5 =	vshrl.u32 v14, $0x14;
	v7 =	vshrl.u32 v13, $0x14;
	[tilespmem:v12+s2+$0x0] =	vst.idx.add.s32.msk vm6, v2  }
0x97: {  	v6 =	vand.u32 $0xFFF0, v6;
	v9 =	vshrl.u32 v14, $0x4;
	v11 =	vld [tilespmem:s20+$0xFFFFFFB0]  }
.Ltmp3:
0x98: {  	v8 =	vor.u32 v1, v6;
	v10 =	vshrl.u32 v13, $0x4;
	v12 =	vld [tilespmem:s20+$0xFFFFFFA0];
	v6 =	vshrl.u32 v20, $0x14;
	(pc) =	sbr.rel @p0 .LBB2_10-.Ltmp3, $4  }
0x99: {  	v14 =	vshrl.u32 v17, $0x4;
	vm0 =	veq.s32 v5, v3;
	v5 =	vand.u32 $0xFFF0, v9;
	[tilespmem:v18+s2+$0x0] =	vst.idx.add.s32.msk vm5, v2  }
0x9a: {  	v17 =	vshrl.u32 v17, $0x14;
	v9 =	vshrl.u32 v4, $0x4;
	v5 =	vor.u32 v1, v5;
	[tilespmem:v15+s2+$0x0] =	vst.idx.add.s32.msk vm7, v2  }
0x9b: {  	v13 =	vand.u32 $0xFFF0, v10;
	v15 =	vshrl.u32 v20, $0x4;
	[tilespmem:v19+s2+$0x0] =	vst.idx.add.s32.msk vm3, v2  }
0x9c: {  	vm2 =	veq.s32 v17, v3;
	s20 =	sadd.s32 $0x400, s20;
	v10 =	vshrl.u32 v11, $0x4;
	v11 =	vshrl.u32 v11, $0x14;
	[tilespmem:v16+s2+$0x0] =	vst.idx.add.s32.msk vm4, v2  }
0x9d: {  	_ =	sdelay $0x1  }
0x9e: {  	v14 =	vand.u32 $0xFFF0, v14;
	v15 =	vand.u32 $0xFFF0, v15;
	vm3 =	veq.s32 v7, v3  }
0x9f: {  	v7 =	vshrl.u32 v12, $0x4;
	v12 =	vshrl.u32 v12, $0x14;
	v14 =	vor.u32 v1, v14  }
0xa0: {  	vm5 =	veq.s32 v6, v3;
	vm4 =	veq.s32 v12, v3;
	v12 =	vor.u32 v1, v13  }
0xa1: {  	[tilespmem:v8+s2+$0x0] =	vst.idx.add.s32.msk vm1, v2;
	vm6 =	veq.s32 v11, v3;
	v8 =	vand.u32 $0xFFF0, v10;
	v6 =	vor.u32 v1, v15  }
0xa2: {  	v4 =	vshrl.u32 v4, $0x14;
	v7 =	vand.u32 $0xFFF0, v7;
	v8 =	vor.u32 v1, v8  }
0xa3: {  	[tilespmem:v5+s2+$0x0] =	vst.idx.add.s32.msk vm0, v2;
	vm1 =	veq.s32 v4, v3;
	v4 =	vand.u32 $0xFFF0, v9;
	v7 =	vor.u32 v1, v7  }
0xa4: {  	v4 =	vor.u32 v1, v4;
	[tilespmem:v14+s2+$0x0] =	vst.idx.add.s32.msk vm2, v2  }
0xa5: {  	[tilespmem:v12+s2+$0x0] =	vst.idx.add.s32.msk vm3, v2  }
0xa6: {  	[tilespmem:v6+s2+$0x0] =	vst.idx.add.s32.msk vm5, v2  }
0xa7: {  	[tilespmem:v8+s2+$0x0] =	vst.idx.add.s32.msk vm6, v2  }
0xa8: {  	[tilespmem:v7+s2+$0x0] =	vst.idx.add.s32.msk vm4, v2  }
0xa9: {  	[tilespmem:v4+s2+$0x0] =	vst.idx.add.s32.msk vm1, v2  }
0xaa: {  	v5 =	vld [tilespmem:s18+$0xFFFFFF90]  }
0xab: {  	v6 =	vld [tilespmem:s18+$0x0]  }
0xac: {  	v9 =	vld [tilespmem:s18+$0xFFFFFFC0]  }
0xad: {  	v10 =	vld [tilespmem:s18+$0xFFFFFFF0]  }
0xae: {  	v11 =	vld [tilespmem:s18+$0xFFFFFFD0]  }
0xaf: {  	v16 =	vld [tilespmem:s18+$0xFFFFFFB0];
	_ =	sdelay $0x1  }
0xb0: {  	v4 =	vld [tilespmem:s18+$0xFFFFFFE0]  }
0xb1: {  	v7 =	vshrl.u32 v5, $0x14;
	v5 =	vshrl.u32 v5, $0x4;
	v12 =	vshrl.u32 v6, $0x14  }
0xb2: {  	v13 =	vshrl.u32 v6, $0x4;
	v15 =	vshrl.u32 v9, $0x4;
	v6 =	vshrl.u32 v11, $0x14  }
0xb3: {  	v14 =	vshrl.u32 v10, $0x4;
	v17 =	vshrl.u32 v10, $0x14;
	v10 =	vshrl.u32 v16, $0x4  }
0xb4: {  	vm1 =	veq.s32 v7, v3;
	v7 =	vshrl.u32 v9, $0x14;
	v5 =	vand.u32 $0xFFF0, v5  }
0xb5: {  	vm0 =	veq.s32 v12, v3;
	v9 =	vshrl.u32 v4, $0x4;
	v12 =	vld [tilespmem:s18+$0xFFFFFFA0];
	v8 =	vor.u32 v1, v5  }
0xb6: {  	vm2 =	veq.s32 v17, v3;
	v5 =	vand.u32 $0xFFF0, v13;
	v13 =	vand.u32 $0xFFF0, v15  }
0xb7: {  	s19 =	simm.s32 $0x0;
	s20 =	simm.s32 $0x105F0;
	v15 =	vshrl.u32 v11, $0x4;
	v11 =	vshrl.u32 v16, $0x14;
	v5 =	vor.u32 v1, v5  }
.LBB2_12:
0xb8: {  	v16 =	vld [tilespmem:s20+$0xFFFFFF90];
	s19 =	sadd.s32 $0x8, s19;
	v15 =	vand.u32 $0xFFF0, v15;
	v14 =	vand.u32 $0xFFF0, v14;
	s18 =	simm.s32 $0x10270  }
0xb9: {  	vm6 =	veq.s32 v7, v3;
	v17 =	vld [tilespmem:s20+$0xFFFFFFF0];
	p0 =	slt.u32 s19, $0xB0;
	v15 =	vor.u32 v1, v15;
	v7 =	vor.u32 v1, v14  }
0xba: {  	v4 =	vshrl.u32 v4, $0x14;
	[tilespmem:v8+s2+$0x0] =	vst.idx.add.s32.msk vm1, v2;
	v8 =	vshrl.u32 v12, $0x4;
	v12 =	vshrl.u32 v12, $0x14  }
0xbb: {  	v14 =	vld [tilespmem:s20+$0x0];
	vm5 =	veq.s32 v12, v3;
	v8 =	vand.u32 $0xFFF0, v8;
	v12 =	vor.u32 v1, v13  }
0xbc: {  	vm3 =	veq.s32 v4, v3;
	v13 =	vld [tilespmem:s20+$0xFFFFFFC0];
	v18 =	vor.u32 v1, v8;
	v8 =	vand.u32 $0xFFF0, v9  }
0xbd: {  	v4 =	vld [tilespmem:s20+$0xFFFFFFE0];
	v19 =	vor.u32 v1, v8  }
0xbe: {  	v20 =	vld [tilespmem:s20+$0xFFFFFFD0]  }
0xbf: {  	vm4 =	veq.s32 v11, v3;
	vm7 =	veq.s32 v6, v3;
	v8 =	vand.u32 $0xFFF0, v10;
	[tilespmem:v7+s2+$0x0] =	vst.idx.add.s32.msk vm2, v2  }
0xc0: {  	v6 =	vshrl.u32 v16, $0x4;
	v7 =	vshrl.u32 v16, $0x14;
	v16 =	vor.u32 v1, v8;
	[tilespmem:v5+s2+$0x0] =	vst.idx.add.s32.msk vm0, v2  }
0xc1: {  	vm1 =	veq.s32 v7, v3;
	v5 =	vshrl.u32 v14, $0x14;
	v7 =	vshrl.u32 v13, $0x14;
	[tilespmem:v12+s2+$0x0] =	vst.idx.add.s32.msk vm6, v2  }
0xc2: {  	v6 =	vand.u32 $0xFFF0, v6;
	v9 =	vshrl.u32 v14, $0x4;
	v11 =	vld [tilespmem:s20+$0xFFFFFFB0]  }
.Ltmp4:
0xc3: {  	v8 =	vor.u32 v1, v6;
	v10 =	vshrl.u32 v13, $0x4;
	v12 =	vld [tilespmem:s20+$0xFFFFFFA0];
	v6 =	vshrl.u32 v20, $0x14;
	(pc) =	sbr.rel @p0 .LBB2_12-.Ltmp4, $4  }
0xc4: {  	v14 =	vshrl.u32 v17, $0x4;
	vm0 =	veq.s32 v5, v3;
	v5 =	vand.u32 $0xFFF0, v9;
	[tilespmem:v18+s2+$0x0] =	vst.idx.add.s32.msk vm5, v2  }
0xc5: {  	v17 =	vshrl.u32 v17, $0x14;
	v9 =	vshrl.u32 v4, $0x4;
	v5 =	vor.u32 v1, v5;
	[tilespmem:v15+s2+$0x0] =	vst.idx.add.s32.msk vm7, v2  }
0xc6: {  	v13 =	vand.u32 $0xFFF0, v10;
	v15 =	vshrl.u32 v20, $0x4;
	[tilespmem:v19+s2+$0x0] =	vst.idx.add.s32.msk vm3, v2  }
0xc7: {  	vm2 =	veq.s32 v17, v3;
	s20 =	sadd.s32 $0x400, s20;
	v10 =	vshrl.u32 v11, $0x4;
	v11 =	vshrl.u32 v11, $0x14;
	[tilespmem:v16+s2+$0x0] =	vst.idx.add.s32.msk vm4, v2  }
0xc8: {  	_ =	sdelay $0x1  }
0xc9: {  	v14 =	vand.u32 $0xFFF0, v14;
	v15 =	vand.u32 $0xFFF0, v15;
	vm3 =	veq.s32 v7, v3  }
0xca: {  	v7 =	vshrl.u32 v12, $0x4;
	v12 =	vshrl.u32 v12, $0x14;
	v14 =	vor.u32 v1, v14  }
0xcb: {  	vm5 =	veq.s32 v6, v3;
	vm4 =	veq.s32 v12, v3;
	v12 =	vor.u32 v1, v13  }
0xcc: {  	[tilespmem:v8+s2+$0x0] =	vst.idx.add.s32.msk vm1, v2;
	vm6 =	veq.s32 v11, v3;
	v8 =	vand.u32 $0xFFF0, v10;
	v6 =	vor.u32 v1, v15  }
0xcd: {  	v4 =	vshrl.u32 v4, $0x14;
	v7 =	vand.u32 $0xFFF0, v7;
	v8 =	vor.u32 v1, v8  }
0xce: {  	[tilespmem:v5+s2+$0x0] =	vst.idx.add.s32.msk vm0, v2;
	vm1 =	veq.s32 v4, v3;
	v4 =	vand.u32 $0xFFF0, v9;
	v7 =	vor.u32 v1, v7  }
0xcf: {  	v4 =	vor.u32 v1, v4;
	[tilespmem:v14+s2+$0x0] =	vst.idx.add.s32.msk vm2, v2  }
0xd0: {  	[tilespmem:v12+s2+$0x0] =	vst.idx.add.s32.msk vm3, v2  }
0xd1: {  	[tilespmem:v6+s2+$0x0] =	vst.idx.add.s32.msk vm5, v2  }
0xd2: {  	[tilespmem:v8+s2+$0x0] =	vst.idx.add.s32.msk vm6, v2  }
0xd3: {  	[tilespmem:v7+s2+$0x0] =	vst.idx.add.s32.msk vm4, v2  }
0xd4: {  	[tilespmem:v4+s2+$0x0] =	vst.idx.add.s32.msk vm1, v2  }
0xd5: {  	v5 =	vld [tilespmem:s18+$0xFFFFFF90]  }
0xd6: {  	v6 =	vld [tilespmem:s18+$0x0]  }
0xd7: {  	v9 =	vld [tilespmem:s18+$0xFFFFFFC0]  }
0xd8: {  	v10 =	vld [tilespmem:s18+$0xFFFFFFF0]  }
0xd9: {  	v11 =	vld [tilespmem:s18+$0xFFFFFFD0]  }
0xda: {  	v16 =	vld [tilespmem:s18+$0xFFFFFFB0];
	_ =	sdelay $0x1  }
0xdb: {  	v4 =	vld [tilespmem:s18+$0xFFFFFFE0]  }
0xdc: {  	v7 =	vshrl.u32 v5, $0x14;
	v5 =	vshrl.u32 v5, $0x4;
	v12 =	vshrl.u32 v6, $0x14  }
0xdd: {  	v13 =	vshrl.u32 v6, $0x4;
	v15 =	vshrl.u32 v9, $0x4;
	v6 =	vshrl.u32 v11, $0x14  }
0xde: {  	v14 =	vshrl.u32 v10, $0x4;
	v17 =	vshrl.u32 v10, $0x14;
	v10 =	vshrl.u32 v16, $0x4  }
0xdf: {  	vm1 =	veq.s32 v7, v3;
	v7 =	vshrl.u32 v9, $0x14;
	v5 =	vand.u32 $0xFFF0, v5  }
0xe0: {  	vm0 =	veq.s32 v12, v3;
	v9 =	vshrl.u32 v4, $0x4;
	v12 =	vld [tilespmem:s18+$0xFFFFFFA0];
	v8 =	vor.u32 v1, v5  }
0xe1: {  	vm2 =	veq.s32 v17, v3;
	v5 =	vand.u32 $0xFFF0, v13;
	v13 =	vand.u32 $0xFFF0, v15  }
0xe2: {  	s19 =	simm.s32 $0x0;
	s20 =	simm.s32 $0x10670;
	v15 =	vshrl.u32 v11, $0x4;
	v11 =	vshrl.u32 v16, $0x14;
	v5 =	vor.u32 v1, v5  }
.LBB2_14:
0xe3: {  	v16 =	vld [tilespmem:s20+$0xFFFFFF90];
	s19 =	sadd.s32 $0x8, s19;
	v15 =	vand.u32 $0xFFF0, v15;
	v14 =	vand.u32 $0xFFF0, v14;
	s18 =	simm.s32 $0x102F0  }
0xe4: {  	vm6 =	veq.s32 v7, v3;
	v17 =	vld [tilespmem:s20+$0xFFFFFFF0];
	p0 =	slt.u32 s19, $0xB0;
	v15 =	vor.u32 v1, v15;
	v7 =	vor.u32 v1, v14  }
0xe5: {  	v4 =	vshrl.u32 v4, $0x14;
	[tilespmem:v8+s2+$0x0] =	vst.idx.add.s32.msk vm1, v2;
	v8 =	vshrl.u32 v12, $0x4;
	v12 =	vshrl.u32 v12, $0x14  }
0xe6: {  	v14 =	vld [tilespmem:s20+$0x0];
	vm5 =	veq.s32 v12, v3;
	v8 =	vand.u32 $0xFFF0, v8;
	v12 =	vor.u32 v1, v13  }
0xe7: {  	vm3 =	veq.s32 v4, v3;
	v13 =	vld [tilespmem:s20+$0xFFFFFFC0];
	v18 =	vor.u32 v1, v8;
	v8 =	vand.u32 $0xFFF0, v9  }
0xe8: {  	v4 =	vld [tilespmem:s20+$0xFFFFFFE0];
	v19 =	vor.u32 v1, v8  }
0xe9: {  	v20 =	vld [tilespmem:s20+$0xFFFFFFD0]  }
0xea: {  	vm4 =	veq.s32 v11, v3;
	vm7 =	veq.s32 v6, v3;
	v8 =	vand.u32 $0xFFF0, v10;
	[tilespmem:v7+s2+$0x0] =	vst.idx.add.s32.msk vm2, v2  }
0xeb: {  	v6 =	vshrl.u32 v16, $0x4;
	v7 =	vshrl.u32 v16, $0x14;
	v16 =	vor.u32 v1, v8;
	[tilespmem:v5+s2+$0x0] =	vst.idx.add.s32.msk vm0, v2  }
0xec: {  	vm1 =	veq.s32 v7, v3;
	v5 =	vshrl.u32 v14, $0x14;
	v7 =	vshrl.u32 v13, $0x14;
	[tilespmem:v12+s2+$0x0] =	vst.idx.add.s32.msk vm6, v2  }
0xed: {  	v6 =	vand.u32 $0xFFF0, v6;
	v9 =	vshrl.u32 v14, $0x4;
	v11 =	vld [tilespmem:s20+$0xFFFFFFB0]  }
.Ltmp5:
0xee: {  	v8 =	vor.u32 v1, v6;
	v10 =	vshrl.u32 v13, $0x4;
	v12 =	vld [tilespmem:s20+$0xFFFFFFA0];
	v6 =	vshrl.u32 v20, $0x14;
	(pc) =	sbr.rel @p0 .LBB2_14-.Ltmp5, $4  }
0xef: {  	v14 =	vshrl.u32 v17, $0x4;
	vm0 =	veq.s32 v5, v3;
	v5 =	vand.u32 $0xFFF0, v9;
	[tilespmem:v18+s2+$0x0] =	vst.idx.add.s32.msk vm5, v2  }
0xf0: {  	v17 =	vshrl.u32 v17, $0x14;
	v9 =	vshrl.u32 v4, $0x4;
	v5 =	vor.u32 v1, v5;
	[tilespmem:v15+s2+$0x0] =	vst.idx.add.s32.msk vm7, v2  }
0xf1: {  	v13 =	vand.u32 $0xFFF0, v10;
	v15 =	vshrl.u32 v20, $0x4;
	[tilespmem:v19+s2+$0x0] =	vst.idx.add.s32.msk vm3, v2  }
0xf2: {  	vm2 =	veq.s32 v17, v3;
	s20 =	sadd.s32 $0x400, s20;
	v10 =	vshrl.u32 v11, $0x4;
	v11 =	vshrl.u32 v11, $0x14;
	[tilespmem:v16+s2+$0x0] =	vst.idx.add.s32.msk vm4, v2  }
0xf3: {  	_ =	sdelay $0x1  }
0xf4: {  	v14 =	vand.u32 $0xFFF0, v14;
	v15 =	vand.u32 $0xFFF0, v15;
	vm3 =	veq.s32 v7, v3  }
0xf5: {  	v7 =	vshrl.u32 v12, $0x4;
	v12 =	vshrl.u32 v12, $0x14;
	v14 =	vor.u32 v1, v14  }
0xf6: {  	vm5 =	veq.s32 v6, v3;
	vm4 =	veq.s32 v12, v3;
	v12 =	vor.u32 v1, v13  }
0xf7: {  	[tilespmem:v8+s2+$0x0] =	vst.idx.add.s32.msk vm1, v2;
	vm6 =	veq.s32 v11, v3;
	v8 =	vand.u32 $0xFFF0, v10;
	v6 =	vor.u32 v1, v15  }
0xf8: {  	v4 =	vshrl.u32 v4, $0x14;
	v7 =	vand.u32 $0xFFF0, v7;
	v8 =	vor.u32 v1, v8  }
0xf9: {  	[tilespmem:v5+s2+$0x0] =	vst.idx.add.s32.msk vm0, v2;
	vm1 =	veq.s32 v4, v3;
	v4 =	vand.u32 $0xFFF0, v9;
	v7 =	vor.u32 v1, v7  }
0xfa: {  	v4 =	vor.u32 v1, v4;
	[tilespmem:v14+s2+$0x0] =	vst.idx.add.s32.msk vm2, v2  }
0xfb: {  	[tilespmem:v12+s2+$0x0] =	vst.idx.add.s32.msk vm3, v2  }
0xfc: {  	[tilespmem:v6+s2+$0x0] =	vst.idx.add.s32.msk vm5, v2  }
0xfd: {  	[tilespmem:v8+s2+$0x0] =	vst.idx.add.s32.msk vm6, v2  }
0xfe: {  	[tilespmem:v7+s2+$0x0] =	vst.idx.add.s32.msk vm4, v2  }
0xff: {  	[tilespmem:v4+s2+$0x0] =	vst.idx.add.s32.msk vm1, v2  }
0x100: {  	v5 =	vld [tilespmem:s18+$0xFFFFFF90]  }
0x101: {  	v6 =	vld [tilespmem:s18+$0x0]  }
0x102: {  	v9 =	vld [tilespmem:s18+$0xFFFFFFC0]  }
0x103: {  	v10 =	vld [tilespmem:s18+$0xFFFFFFF0]  }
0x104: {  	v11 =	vld [tilespmem:s18+$0xFFFFFFD0]  }
0x105: {  	v16 =	vld [tilespmem:s18+$0xFFFFFFB0];
	_ =	sdelay $0x1  }
0x106: {  	v4 =	vld [tilespmem:s18+$0xFFFFFFE0]  }
0x107: {  	v7 =	vshrl.u32 v5, $0x14;
	v5 =	vshrl.u32 v5, $0x4;
	v12 =	vshrl.u32 v6, $0x14  }
0x108: {  	v13 =	vshrl.u32 v6, $0x4;
	v15 =	vshrl.u32 v9, $0x4;
	v6 =	vshrl.u32 v11, $0x14  }
0x109: {  	v14 =	vshrl.u32 v10, $0x4;
	v17 =	vshrl.u32 v10, $0x14;
	v10 =	vshrl.u32 v16, $0x4  }
0x10a: {  	vm1 =	veq.s32 v7, v3;
	v7 =	vshrl.u32 v9, $0x14;
	v5 =	vand.u32 $0xFFF0, v5  }
0x10b: {  	vm0 =	veq.s32 v12, v3;
	v9 =	vshrl.u32 v4, $0x4;
	v12 =	vld [tilespmem:s18+$0xFFFFFFA0];
	v8 =	vor.u32 v1, v5  }
0x10c: {  	vm2 =	veq.s32 v17, v3;
	v5 =	vand.u32 $0xFFF0, v13;
	v13 =	vand.u32 $0xFFF0, v15  }
0x10d: {  	s19 =	simm.s32 $0x0;
	s20 =	simm.s32 $0x106F0;
	v15 =	vshrl.u32 v11, $0x4;
	v11 =	vshrl.u32 v16, $0x14;
	v5 =	vor.u32 v1, v5  }
.LBB2_16:
0x10e: {  	v16 =	vld [tilespmem:s20+$0xFFFFFF90];
	s19 =	sadd.s32 $0x8, s19;
	v15 =	vand.u32 $0xFFF0, v15;
	v14 =	vand.u32 $0xFFF0, v14;
	s18 =	simm.s32 $0x10370  }
0x10f: {  	vm6 =	veq.s32 v7, v3;
	v17 =	vld [tilespmem:s20+$0xFFFFFFF0];
	p0 =	slt.u32 s19, $0xB0;
	v15 =	vor.u32 v1, v15;
	v7 =	vor.u32 v1, v14  }
0x110: {  	v4 =	vshrl.u32 v4, $0x14;
	[tilespmem:v8+s2+$0x0] =	vst.idx.add.s32.msk vm1, v2;
	v8 =	vshrl.u32 v12, $0x4;
	v12 =	vshrl.u32 v12, $0x14  }
0x111: {  	v14 =	vld [tilespmem:s20+$0x0];
	vm5 =	veq.s32 v12, v3;
	v8 =	vand.u32 $0xFFF0, v8;
	v12 =	vor.u32 v1, v13  }
0x112: {  	vm3 =	veq.s32 v4, v3;
	v13 =	vld [tilespmem:s20+$0xFFFFFFC0];
	v18 =	vor.u32 v1, v8;
	v8 =	vand.u32 $0xFFF0, v9  }
0x113: {  	v4 =	vld [tilespmem:s20+$0xFFFFFFE0];
	v19 =	vor.u32 v1, v8  }
0x114: {  	v20 =	vld [tilespmem:s20+$0xFFFFFFD0]  }
0x115: {  	vm4 =	veq.s32 v11, v3;
	vm7 =	veq.s32 v6, v3;
	v8 =	vand.u32 $0xFFF0, v10;
	[tilespmem:v7+s2+$0x0] =	vst.idx.add.s32.msk vm2, v2  }
0x116: {  	v6 =	vshrl.u32 v16, $0x4;
	v7 =	vshrl.u32 v16, $0x14;
	v16 =	vor.u32 v1, v8;
	[tilespmem:v5+s2+$0x0] =	vst.idx.add.s32.msk vm0, v2  }
0x117: {  	vm1 =	veq.s32 v7, v3;
	v5 =	vshrl.u32 v14, $0x14;
	v7 =	vshrl.u32 v13, $0x14;
	[tilespmem:v12+s2+$0x0] =	vst.idx.add.s32.msk vm6, v2  }
0x118: {  	v6 =	vand.u32 $0xFFF0, v6;
	v9 =	vshrl.u32 v14, $0x4;
	v11 =	vld [tilespmem:s20+$0xFFFFFFB0]  }
.Ltmp6:
0x119: {  	v8 =	vor.u32 v1, v6;
	v10 =	vshrl.u32 v13, $0x4;
	v12 =	vld [tilespmem:s20+$0xFFFFFFA0];
	v6 =	vshrl.u32 v20, $0x14;
	(pc) =	sbr.rel @p0 .LBB2_16-.Ltmp6, $4  }
0x11a: {  	v14 =	vshrl.u32 v17, $0x4;
	vm0 =	veq.s32 v5, v3;
	v5 =	vand.u32 $0xFFF0, v9;
	[tilespmem:v18+s2+$0x0] =	vst.idx.add.s32.msk vm5, v2  }
0x11b: {  	v17 =	vshrl.u32 v17, $0x14;
	v9 =	vshrl.u32 v4, $0x4;
	v5 =	vor.u32 v1, v5;
	[tilespmem:v15+s2+$0x0] =	vst.idx.add.s32.msk vm7, v2  }
0x11c: {  	v13 =	vand.u32 $0xFFF0, v10;
	v15 =	vshrl.u32 v20, $0x4;
	[tilespmem:v19+s2+$0x0] =	vst.idx.add.s32.msk vm3, v2  }
0x11d: {  	vm2 =	veq.s32 v17, v3;
	s20 =	sadd.s32 $0x400, s20;
	v10 =	vshrl.u32 v11, $0x4;
	v11 =	vshrl.u32 v11, $0x14;
	[tilespmem:v16+s2+$0x0] =	vst.idx.add.s32.msk vm4, v2  }
0x11e: {  	_ =	sdelay $0x1  }
0x11f: {  	v14 =	vand.u32 $0xFFF0, v14;
	v15 =	vand.u32 $0xFFF0, v15;
	vm3 =	veq.s32 v7, v3  }
0x120: {  	v7 =	vshrl.u32 v12, $0x4;
	v12 =	vshrl.u32 v12, $0x14;
	v14 =	vor.u32 v1, v14  }
0x121: {  	vm5 =	veq.s32 v6, v3;
	vm4 =	veq.s32 v12, v3;
	v12 =	vor.u32 v1, v13  }
0x122: {  	[tilespmem:v8+s2+$0x0] =	vst.idx.add.s32.msk vm1, v2;
	vm6 =	veq.s32 v11, v3;
	v8 =	vand.u32 $0xFFF0, v10;
	v6 =	vor.u32 v1, v15  }
0x123: {  	v4 =	vshrl.u32 v4, $0x14;
	v7 =	vand.u32 $0xFFF0, v7;
	v8 =	vor.u32 v1, v8  }
0x124: {  	[tilespmem:v5+s2+$0x0] =	vst.idx.add.s32.msk vm0, v2;
	vm1 =	veq.s32 v4, v3;
	v4 =	vand.u32 $0xFFF0, v9;
	v7 =	vor.u32 v1, v7  }
0x125: {  	v4 =	vor.u32 v1, v4;
	[tilespmem:v14+s2+$0x0] =	vst.idx.add.s32.msk vm2, v2  }
0x126: {  	[tilespmem:v12+s2+$0x0] =	vst.idx.add.s32.msk vm3, v2  }
0x127: {  	[tilespmem:v6+s2+$0x0] =	vst.idx.add.s32.msk vm5, v2  }
0x128: {  	[tilespmem:v8+s2+$0x0] =	vst.idx.add.s32.msk vm6, v2  }
0x129: {  	[tilespmem:v7+s2+$0x0] =	vst.idx.add.s32.msk vm4, v2  }
0x12a: {  	[tilespmem:v4+s2+$0x0] =	vst.idx.add.s32.msk vm1, v2  }
0x12b: {  	v5 =	vld [tilespmem:s18+$0xFFFFFF90]  }
0x12c: {  	v6 =	vld [tilespmem:s18+$0x0]  }
0x12d: {  	v9 =	vld [tilespmem:s18+$0xFFFFFFC0]  }
0x12e: {  	v10 =	vld [tilespmem:s18+$0xFFFFFFF0]  }
0x12f: {  	v11 =	vld [tilespmem:s18+$0xFFFFFFD0]  }
0x130: {  	v16 =	vld [tilespmem:s18+$0xFFFFFFB0];
	_ =	sdelay $0x1  }
0x131: {  	v4 =	vld [tilespmem:s18+$0xFFFFFFE0]  }
0x132: {  	v7 =	vshrl.u32 v5, $0x14;
	v5 =	vshrl.u32 v5, $0x4;
	v12 =	vshrl.u32 v6, $0x14  }
0x133: {  	v13 =	vshrl.u32 v6, $0x4;
	v15 =	vshrl.u32 v9, $0x4;
	v6 =	vshrl.u32 v11, $0x14  }
0x134: {  	v14 =	vshrl.u32 v10, $0x4;
	v17 =	vshrl.u32 v10, $0x14;
	v10 =	vshrl.u32 v16, $0x4  }
0x135: {  	vm1 =	veq.s32 v7, v3;
	v7 =	vshrl.u32 v9, $0x14;
	v5 =	vand.u32 $0xFFF0, v5  }
0x136: {  	vm0 =	veq.s32 v12, v3;
	v9 =	vshrl.u32 v4, $0x4;
	v12 =	vld [tilespmem:s18+$0xFFFFFFA0];
	v8 =	vor.u32 v1, v5  }
0x137: {  	vm2 =	veq.s32 v17, v3;
	v5 =	vand.u32 $0xFFF0, v13;
	v13 =	vand.u32 $0xFFF0, v15  }
0x138: {  	s19 =	simm.s32 $0x0;
	s20 =	simm.s32 $0x10770;
	v15 =	vshrl.u32 v11, $0x4;
	v11 =	vshrl.u32 v16, $0x14;
	v5 =	vor.u32 v1, v5  }
.LBB2_18:
0x139: {  	v16 =	vld [tilespmem:s20+$0xFFFFFF90];
	s19 =	sadd.s32 $0x8, s19;
	v15 =	vand.u32 $0xFFF0, v15;
	v14 =	vand.u32 $0xFFF0, v14;
	s18 =	simm.s32 $0x103F0  }
0x13a: {  	vm6 =	veq.s32 v7, v3;
	v17 =	vld [tilespmem:s20+$0xFFFFFFF0];
	p0 =	slt.u32 s19, $0xB0;
	v15 =	vor.u32 v1, v15;
	v7 =	vor.u32 v1, v14  }
0x13b: {  	v4 =	vshrl.u32 v4, $0x14;
	[tilespmem:v8+s2+$0x0] =	vst.idx.add.s32.msk vm1, v2;
	v8 =	vshrl.u32 v12, $0x4;
	v12 =	vshrl.u32 v12, $0x14  }
0x13c: {  	v14 =	vld [tilespmem:s20+$0x0];
	vm5 =	veq.s32 v12, v3;
	v8 =	vand.u32 $0xFFF0, v8;
	v12 =	vor.u32 v1, v13  }
0x13d: {  	vm3 =	veq.s32 v4, v3;
	v13 =	vld [tilespmem:s20+$0xFFFFFFC0];
	v18 =	vor.u32 v1, v8;
	v8 =	vand.u32 $0xFFF0, v9  }
0x13e: {  	v4 =	vld [tilespmem:s20+$0xFFFFFFE0];
	v19 =	vor.u32 v1, v8  }
0x13f: {  	v20 =	vld [tilespmem:s20+$0xFFFFFFD0]  }
0x140: {  	vm4 =	veq.s32 v11, v3;
	vm7 =	veq.s32 v6, v3;
	v8 =	vand.u32 $0xFFF0, v10;
	[tilespmem:v7+s2+$0x0] =	vst.idx.add.s32.msk vm2, v2  }
0x141: {  	v6 =	vshrl.u32 v16, $0x4;
	v7 =	vshrl.u32 v16, $0x14;
	v16 =	vor.u32 v1, v8;
	[tilespmem:v5+s2+$0x0] =	vst.idx.add.s32.msk vm0, v2  }
0x142: {  	vm1 =	veq.s32 v7, v3;
	v5 =	vshrl.u32 v14, $0x14;
	v7 =	vshrl.u32 v13, $0x14;
	[tilespmem:v12+s2+$0x0] =	vst.idx.add.s32.msk vm6, v2  }
0x143: {  	v6 =	vand.u32 $0xFFF0, v6;
	v9 =	vshrl.u32 v14, $0x4;
	v11 =	vld [tilespmem:s20+$0xFFFFFFB0]  }
.Ltmp7:
0x144: {  	v8 =	vor.u32 v1, v6;
	v10 =	vshrl.u32 v13, $0x4;
	v12 =	vld [tilespmem:s20+$0xFFFFFFA0];
	v6 =	vshrl.u32 v20, $0x14;
	(pc) =	sbr.rel @p0 .LBB2_18-.Ltmp7, $4  }
0x145: {  	v14 =	vshrl.u32 v17, $0x4;
	vm0 =	veq.s32 v5, v3;
	v5 =	vand.u32 $0xFFF0, v9;
	[tilespmem:v18+s2+$0x0] =	vst.idx.add.s32.msk vm5, v2  }
0x146: {  	v17 =	vshrl.u32 v17, $0x14;
	v9 =	vshrl.u32 v4, $0x4;
	v5 =	vor.u32 v1, v5;
	[tilespmem:v15+s2+$0x0] =	vst.idx.add.s32.msk vm7, v2  }
0x147: {  	v13 =	vand.u32 $0xFFF0, v10;
	v15 =	vshrl.u32 v20, $0x4;
	[tilespmem:v19+s2+$0x0] =	vst.idx.add.s32.msk vm3, v2  }
0x148: {  	vm2 =	veq.s32 v17, v3;
	s20 =	sadd.s32 $0x400, s20;
	v10 =	vshrl.u32 v11, $0x4;
	v11 =	vshrl.u32 v11, $0x14;
	[tilespmem:v16+s2+$0x0] =	vst.idx.add.s32.msk vm4, v2  }
0x149: {  	_ =	sdelay $0x1  }
0x14a: {  	v14 =	vand.u32 $0xFFF0, v14;
	v15 =	vand.u32 $0xFFF0, v15;
	vm3 =	veq.s32 v7, v3  }
0x14b: {  	v7 =	vshrl.u32 v12, $0x4;
	v12 =	vshrl.u32 v12, $0x14;
	v14 =	vor.u32 v1, v14  }
0x14c: {  	vm5 =	veq.s32 v6, v3;
	vm4 =	veq.s32 v12, v3;
	v12 =	vor.u32 v1, v13  }
0x14d: {  	[tilespmem:v8+s2+$0x0] =	vst.idx.add.s32.msk vm1, v2;
	vm6 =	veq.s32 v11, v3;
	v8 =	vand.u32 $0xFFF0, v10;
	v6 =	vor.u32 v1, v15  }
0x14e: {  	v4 =	vshrl.u32 v4, $0x14;
	v7 =	vand.u32 $0xFFF0, v7;
	v8 =	vor.u32 v1, v8  }
0x14f: {  	[tilespmem:v5+s2+$0x0] =	vst.idx.add.s32.msk vm0, v2;
	vm1 =	veq.s32 v4, v3;
	v4 =	vand.u32 $0xFFF0, v9;
	v7 =	vor.u32 v1, v7  }
0x150: {  	v4 =	vor.u32 v1, v4;
	[tilespmem:v14+s2+$0x0] =	vst.idx.add.s32.msk vm2, v2  }
0x151: {  	[tilespmem:v12+s2+$0x0] =	vst.idx.add.s32.msk vm3, v2  }
0x152: {  	[tilespmem:v6+s2+$0x0] =	vst.idx.add.s32.msk vm5, v2  }
0x153: {  	[tilespmem:v8+s2+$0x0] =	vst.idx.add.s32.msk vm6, v2  }
0x154: {  	[tilespmem:v7+s2+$0x0] =	vst.idx.add.s32.msk vm4, v2  }
0x155: {  	[tilespmem:v4+s2+$0x0] =	vst.idx.add.s32.msk vm1, v2  }
0x156: {  	v5 =	vld [tilespmem:s18+$0xFFFFFF90]  }
0x157: {  	v6 =	vld [tilespmem:s18+$0x0]  }
0x158: {  	v8 =	vld [tilespmem:s18+$0xFFFFFFC0]  }
0x159: {  	v10 =	vld [tilespmem:s18+$0xFFFFFFF0]  }
0x15a: {  	v11 =	vld [tilespmem:s18+$0xFFFFFFD0]  }
0x15b: {  	v4 =	vld [tilespmem:s18+$0xFFFFFFE0];
	_ =	sdelay $0x1  }
0x15c: {  	v16 =	vld [tilespmem:s18+$0xFFFFFFB0]  }
0x15d: {  	v7 =	vshrl.u32 v5, $0x14;
	v5 =	vshrl.u32 v5, $0x4;
	v9 =	vshrl.u32 v8, $0x14  }
0x15e: {  	v12 =	vshrl.u32 v6, $0x14;
	v13 =	vshrl.u32 v6, $0x4;
	v15 =	vshrl.u32 v8, $0x4  }
0x15f: {  	v6 =	vshrl.u32 v11, $0x14;
	v14 =	vshrl.u32 v10, $0x4;
	v8 =	vshrl.u32 v4, $0x4  }
0x160: {  	v17 =	vshrl.u32 v10, $0x14;
	vm1 =	veq.s32 v7, v3;
	v5 =	vand.u32 $0xFFF0, v5  }
0x161: {  	v10 =	vshrl.u32 v16, $0x4;
	vm0 =	veq.s32 v12, v3;
	v12 =	vld [tilespmem:s18+$0xFFFFFFA0];
	v7 =	vor.u32 v1, v5  }
0x162: {  	vm2 =	veq.s32 v17, v3;
	v5 =	vand.u32 $0xFFF0, v13;
	v13 =	vand.u32 $0xFFF0, v15  }
0x163: {  	s19 =	simm.s32 $0x0;
	s18 =	simm.s32 $0x107F0;
	v15 =	vshrl.u32 v11, $0x4;
	v11 =	vshrl.u32 v16, $0x14;
	v5 =	vor.u32 v1, v5  }
.LBB2_20:
0x164: {  	v16 =	vld [tilespmem:s18+$0xFFFFFF90];
	s19 =	sadd.s32 $0x8, s19;
	v15 =	vand.u32 $0xFFF0, v15;
	v14 =	vand.u32 $0xFFF0, v14  }
0x165: {  	vm6 =	veq.s32 v9, v3;
	v17 =	vld [tilespmem:s18+$0xFFFFFFF0];
	p0 =	slt.u32 s19, $0xB0;
	v15 =	vor.u32 v1, v15;
	v9 =	vor.u32 v1, v14  }
0x166: {  	v4 =	vshrl.u32 v4, $0x14;
	[tilespmem:v7+s2+$0x0] =	vst.idx.add.s32.msk vm1, v2;
	v7 =	vshrl.u32 v12, $0x4;
	v12 =	vshrl.u32 v12, $0x14  }
0x167: {  	v14 =	vld [tilespmem:s18+$0x0];
	vm5 =	veq.s32 v12, v3;
	v7 =	vand.u32 $0xFFF0, v7;
	v12 =	vor.u32 v1, v13  }
0x168: {  	vm3 =	veq.s32 v4, v3;
	v13 =	vld [tilespmem:s18+$0xFFFFFFC0];
	v18 =	vor.u32 v1, v7;
	v7 =	vand.u32 $0xFFF0, v8  }
0x169: {  	v4 =	vld [tilespmem:s18+$0xFFFFFFE0];
	v19 =	vor.u32 v1, v7  }
0x16a: {  	v20 =	vld [tilespmem:s18+$0xFFFFFFD0]  }
0x16b: {  	vm4 =	veq.s32 v11, v3;
	vm7 =	veq.s32 v6, v3;
	v7 =	vand.u32 $0xFFF0, v10;
	[tilespmem:v9+s2+$0x0] =	vst.idx.add.s32.msk vm2, v2  }
0x16c: {  	v6 =	vshrl.u32 v16, $0x4;
	v8 =	vshrl.u32 v16, $0x14;
	v16 =	vor.u32 v1, v7;
	[tilespmem:v5+s2+$0x0] =	vst.idx.add.s32.msk vm0, v2  }
0x16d: {  	vm1 =	veq.s32 v8, v3;
	v5 =	vshrl.u32 v14, $0x14;
	v9 =	vshrl.u32 v13, $0x14;
	[tilespmem:v12+s2+$0x0] =	vst.idx.add.s32.msk vm6, v2  }
0x16e: {  	v6 =	vand.u32 $0xFFF0, v6;
	v8 =	vshrl.u32 v14, $0x4;
	v11 =	vld [tilespmem:s18+$0xFFFFFFB0]  }
.Ltmp8:
0x16f: {  	v7 =	vor.u32 v1, v6;
	v10 =	vshrl.u32 v13, $0x4;
	v12 =	vld [tilespmem:s18+$0xFFFFFFA0];
	v6 =	vshrl.u32 v20, $0x14;
	(pc) =	sbr.rel @p0 .LBB2_20-.Ltmp8, $4  }
0x170: {  	v14 =	vshrl.u32 v17, $0x4;
	vm0 =	veq.s32 v5, v3;
	v5 =	vand.u32 $0xFFF0, v8;
	[tilespmem:v18+s2+$0x0] =	vst.idx.add.s32.msk vm5, v2  }
0x171: {  	v17 =	vshrl.u32 v17, $0x14;
	v8 =	vshrl.u32 v4, $0x4;
	v5 =	vor.u32 v1, v5;
	[tilespmem:v15+s2+$0x0] =	vst.idx.add.s32.msk vm7, v2  }
0x172: {  	v13 =	vand.u32 $0xFFF0, v10;
	v15 =	vshrl.u32 v20, $0x4;
	[tilespmem:v19+s2+$0x0] =	vst.idx.add.s32.msk vm3, v2  }
0x173: {  	vm2 =	veq.s32 v17, v3;
	s18 =	sadd.s32 $0x400, s18;
	v10 =	vshrl.u32 v11, $0x4;
	v11 =	vshrl.u32 v11, $0x14;
	[tilespmem:v16+s2+$0x0] =	vst.idx.add.s32.msk vm4, v2  }
0x174: {  	_ = 	snop  }
0x175: {  	p0 =	seq.s32 s16, $0x43  }
0x176: {  	v14 =	vand.u32 $0xFFF0, v14;
	v15 =	vand.u32 $0xFFF0, v15;
	vm3 =	veq.s32 v9, v3;
	s17 =	sadd.s32 @!p0 $0x2, s17  }
0x177: {  	v9 =	vshrl.u32 v12, $0x4;
	v12 =	vshrl.u32 v12, $0x14;
	v14 =	vor.u32 v1, v14;
	s18 =	smulhi.u32 @!p0 $0x78787879, s17  }
0x178: {  	vm5 =	veq.s32 v6, v3;
	vm4 =	veq.s32 v12, v3;
	v12 =	vor.u32 v1, v13  }
0x179: {  	[tilespmem:v7+s2+$0x0] =	vst.idx.add.s32.msk vm1, v2;
	vm6 =	veq.s32 v11, v3;
	v7 =	vand.u32 $0xFFF0, v10;
	v6 =	vor.u32 v1, v15;
	s18 =	sshrl.u32 @!p0 s18, $0x4  }
0x17a: {  	v4 =	vshrl.u32 v4, $0x14;
	v9 =	vand.u32 $0xFFF0, v9;
	v7 =	vor.u32 v1, v7;
	s19 =	smul.u32 @!p0 $0x22, s18  }
0x17b: {  	[tilespmem:v5+s2+$0x0] =	vst.idx.add.s32.msk vm0, v2;
	vm1 =	veq.s32 v4, v3;
	v4 =	vand.u32 $0xFFF0, v8;
	v9 =	vor.u32 v1, v9;
	s18 =	sadd.s32 @!p0 s5, s18  }
0x17c: {  	v4 =	vor.u32 v1, v4;
	[tilespmem:v14+s2+$0x0] =	vst.idx.add.s32.msk vm2, v2;
	s18 =	smul.u32 @!p0 $0xC3800, s18;
	s17 =	ssub.s32 @!p0 s17, s19  }
0x17d: {  	[tilespmem:v12+s2+$0x0] =	vst.idx.add.s32.msk vm3, v2;
	s17 =	smul.u32 @!p0 $0x5C00, s17  }
0x17e: {  	[tilespmem:v6+s2+$0x0] =	vst.idx.add.s32.msk vm5, v2  }
0x17f: {  	[tilespmem:v7+s2+$0x0] =	vst.idx.add.s32.msk vm6, v2;
	s17 =	sadd.s32 @!p0 s17, s18  }
0x180: {  	[tilespmem:v9+s2+$0x0] =	vst.idx.add.s32.msk vm4, v2;
	s17 =	sshrl.u32 @!p0 s17, $0x3  }
0x181: {  	[tilespmem:v4+s2+$0x0] =	vst.idx.add.s32.msk vm1, v2;
	s19 =	simm.s32 @!p0 $0x10000;
	s18 =	simm.s32 @!p0 $0x0;
	s17 =	sadd.s32 @!p0 s3, s17  }
0x182: {  	[tilespmem:s19], [sflag:$0x1] =	stream.linear.gather @!p0 [hbm4b:s17+s18], $0x5C00, $0x38;
	[tilespmem:$0x1B880] =	vst v63  }
0x183: {  	_ =	swait.ge [sflag:s14], $0x5C00  }
0x184: {  	[sflag:s14] =	ssyncset.done $0x0  }
0x185: {  	s31 =	simm.s32 $0x15C40;
	[sflag:s14] =	ssyncadd.s32 $0xFFFFA400  }
0x186: {  	v5 =	vld [tilespmem:s31+$0xFFFFFFC0]  }
0x187: {  	v6 =	vld [tilespmem:s31+$0x30]  }
0x188: {  	v9 =	vld [tilespmem:s31+$0xFFFFFFF0]  }
0x189: {  	v10 =	vld [tilespmem:s31+$0x20]  }
0x18a: {  	v11 =	vld [tilespmem:s31+$0x0]  }
0x18b: {  	v16 =	vld [tilespmem:s31+$0xFFFFFFE0];
	_ =	sdelay $0x1  }
0x18c: {  	v4 =	vld [tilespmem:s31+$0x10]  }
0x18d: {  	v7 =	vshrl.u32 v5, $0x14;
	v5 =	vshrl.u32 v5, $0x4;
	v12 =	vshrl.u32 v6, $0x14  }
0x18e: {  	v13 =	vshrl.u32 v6, $0x4;
	v15 =	vshrl.u32 v9, $0x4;
	v6 =	vshrl.u32 v11, $0x14  }
0x18f: {  	v14 =	vshrl.u32 v10, $0x4;
	v17 =	vshrl.u32 v10, $0x14;
	v10 =	vshrl.u32 v16, $0x4  }
0x190: {  	vm1 =	veq.s32 v7, v3;
	v7 =	vshrl.u32 v9, $0x14;
	v5 =	vand.u32 $0xFFF0, v5  }
0x191: {  	vm0 =	veq.s32 v12, v3;
	v9 =	vshrl.u32 v4, $0x4;
	v12 =	vld [tilespmem:s31+$0xFFFFFFD0];
	v8 =	vor.u32 v1, v5  }
0x192: {  	vm2 =	veq.s32 v17, v3;
	v5 =	vand.u32 $0xFFF0, v13;
	v13 =	vand.u32 $0xFFF0, v15  }
0x193: {  	s16 =	sadd.s32 $0x1, s16;
	s18 =	simm.s32 $0x0;
	s19 =	simm.s32 $0x16040;
	v15 =	vshrl.u32 v11, $0x4;
	v11 =	vshrl.u32 v16, $0x14;
	v5 =	vor.u32 v1, v5  }
.LBB2_22:
0x194: {  	v16 =	vld [tilespmem:s19+$0xFFFFFFC0];
	s18 =	sadd.s32 $0x8, s18;
	v15 =	vand.u32 $0xFFF0, v15;
	v14 =	vand.u32 $0xFFF0, v14;
	s17 =	simm.s32 $0x15CF0  }
0x195: {  	vm6 =	veq.s32 v7, v3;
	v17 =	vld [tilespmem:s19+$0x20];
	p0 =	slt.u32 s18, $0xB0;
	v15 =	vor.u32 v1, v15;
	v7 =	vor.u32 v1, v14  }
0x196: {  	v4 =	vshrl.u32 v4, $0x14;
	[tilespmem:v8+s2+$0x0] =	vst.idx.add.s32.msk vm1, v2;
	v8 =	vshrl.u32 v12, $0x4;
	v12 =	vshrl.u32 v12, $0x14  }
0x197: {  	v14 =	vld [tilespmem:s19+$0x30];
	vm5 =	veq.s32 v12, v3;
	v8 =	vand.u32 $0xFFF0, v8;
	v12 =	vor.u32 v1, v13  }
0x198: {  	vm3 =	veq.s32 v4, v3;
	v13 =	vld [tilespmem:s19+$0xFFFFFFF0];
	v18 =	vor.u32 v1, v8;
	v8 =	vand.u32 $0xFFF0, v9  }
0x199: {  	v4 =	vld [tilespmem:s19+$0x10];
	v19 =	vor.u32 v1, v8  }
0x19a: {  	v20 =	vld [tilespmem:s19+$0x0]  }
0x19b: {  	vm4 =	veq.s32 v11, v3;
	vm7 =	veq.s32 v6, v3;
	v8 =	vand.u32 $0xFFF0, v10;
	[tilespmem:v7+s2+$0x0] =	vst.idx.add.s32.msk vm2, v2  }
0x19c: {  	v6 =	vshrl.u32 v16, $0x4;
	v7 =	vshrl.u32 v16, $0x14;
	v16 =	vor.u32 v1, v8;
	[tilespmem:v5+s2+$0x0] =	vst.idx.add.s32.msk vm0, v2  }
0x19d: {  	vm1 =	veq.s32 v7, v3;
	v5 =	vshrl.u32 v14, $0x14;
	v7 =	vshrl.u32 v13, $0x14;
	[tilespmem:v12+s2+$0x0] =	vst.idx.add.s32.msk vm6, v2  }
0x19e: {  	v6 =	vand.u32 $0xFFF0, v6;
	v9 =	vshrl.u32 v14, $0x4;
	v11 =	vld [tilespmem:s19+$0xFFFFFFE0]  }
.Ltmp9:
0x19f: {  	v8 =	vor.u32 v1, v6;
	v10 =	vshrl.u32 v13, $0x4;
	v12 =	vld [tilespmem:s19+$0xFFFFFFD0];
	v6 =	vshrl.u32 v20, $0x14;
	(pc) =	sbr.rel @p0 .LBB2_22-.Ltmp9, $4  }
0x1a0: {  	v14 =	vshrl.u32 v17, $0x4;
	vm0 =	veq.s32 v5, v3;
	v5 =	vand.u32 $0xFFF0, v9;
	[tilespmem:v18+s2+$0x0] =	vst.idx.add.s32.msk vm5, v2  }
0x1a1: {  	v17 =	vshrl.u32 v17, $0x14;
	v9 =	vshrl.u32 v4, $0x4;
	v5 =	vor.u32 v1, v5;
	[tilespmem:v15+s2+$0x0] =	vst.idx.add.s32.msk vm7, v2  }
0x1a2: {  	v13 =	vand.u32 $0xFFF0, v10;
	v15 =	vshrl.u32 v20, $0x4;
	[tilespmem:v19+s2+$0x0] =	vst.idx.add.s32.msk vm3, v2  }
0x1a3: {  	vm2 =	veq.s32 v17, v3;
	s19 =	sadd.s32 $0x400, s19;
	v10 =	vshrl.u32 v11, $0x4;
	v11 =	vshrl.u32 v11, $0x14;
	[tilespmem:v16+s2+$0x0] =	vst.idx.add.s32.msk vm4, v2  }
0x1a4: {  	_ =	sdelay $0x1  }
0x1a5: {  	v14 =	vand.u32 $0xFFF0, v14;
	v15 =	vand.u32 $0xFFF0, v15;
	vm3 =	veq.s32 v7, v3  }
0x1a6: {  	v7 =	vshrl.u32 v12, $0x4;
	v12 =	vshrl.u32 v12, $0x14;
	v14 =	vor.u32 v1, v14  }
0x1a7: {  	vm5 =	veq.s32 v6, v3;
	vm4 =	veq.s32 v12, v3;
	v12 =	vor.u32 v1, v13  }
0x1a8: {  	[tilespmem:v8+s2+$0x0] =	vst.idx.add.s32.msk vm1, v2;
	vm6 =	veq.s32 v11, v3;
	v8 =	vand.u32 $0xFFF0, v10;
	v6 =	vor.u32 v1, v15  }
0x1a9: {  	v4 =	vshrl.u32 v4, $0x14;
	v7 =	vand.u32 $0xFFF0, v7;
	v8 =	vor.u32 v1, v8  }
0x1aa: {  	[tilespmem:v5+s2+$0x0] =	vst.idx.add.s32.msk vm0, v2;
	vm1 =	veq.s32 v4, v3;
	v4 =	vand.u32 $0xFFF0, v9;
	v7 =	vor.u32 v1, v7  }
0x1ab: {  	v4 =	vor.u32 v1, v4;
	[tilespmem:v14+s2+$0x0] =	vst.idx.add.s32.msk vm2, v2  }
0x1ac: {  	[tilespmem:v12+s2+$0x0] =	vst.idx.add.s32.msk vm3, v2  }
0x1ad: {  	[tilespmem:v6+s2+$0x0] =	vst.idx.add.s32.msk vm5, v2  }
0x1ae: {  	[tilespmem:v8+s2+$0x0] =	vst.idx.add.s32.msk vm6, v2  }
0x1af: {  	[tilespmem:v7+s2+$0x0] =	vst.idx.add.s32.msk vm4, v2  }
0x1b0: {  	[tilespmem:v4+s2+$0x0] =	vst.idx.add.s32.msk vm1, v2  }
0x1b1: {  	v5 =	vld [tilespmem:s17+$0xFFFFFF90]  }
0x1b2: {  	v6 =	vld [tilespmem:s17+$0x0]  }
0x1b3: {  	v9 =	vld [tilespmem:s17+$0xFFFFFFC0]  }
0x1b4: {  	v10 =	vld [tilespmem:s17+$0xFFFFFFF0]  }
0x1b5: {  	v11 =	vld [tilespmem:s17+$0xFFFFFFD0]  }
0x1b6: {  	v16 =	vld [tilespmem:s17+$0xFFFFFFB0];
	_ =	sdelay $0x1  }
0x1b7: {  	v4 =	vld [tilespmem:s17+$0xFFFFFFE0]  }
0x1b8: {  	v7 =	vshrl.u32 v5, $0x14;
	v5 =	vshrl.u32 v5, $0x4;
	v12 =	vshrl.u32 v6, $0x14  }
0x1b9: {  	v13 =	vshrl.u32 v6, $0x4;
	v15 =	vshrl.u32 v9, $0x4;
	v6 =	vshrl.u32 v11, $0x14  }
0x1ba: {  	v14 =	vshrl.u32 v10, $0x4;
	v17 =	vshrl.u32 v10, $0x14;
	v10 =	vshrl.u32 v16, $0x4  }
0x1bb: {  	vm1 =	veq.s32 v7, v3;
	v7 =	vshrl.u32 v9, $0x14;
	v5 =	vand.u32 $0xFFF0, v5  }
0x1bc: {  	vm0 =	veq.s32 v12, v3;
	v9 =	vshrl.u32 v4, $0x4;
	v12 =	vld [tilespmem:s17+$0xFFFFFFA0];
	v8 =	vor.u32 v1, v5  }
0x1bd: {  	vm2 =	veq.s32 v17, v3;
	v5 =	vand.u32 $0xFFF0, v13;
	v13 =	vand.u32 $0xFFF0, v15  }
0x1be: {  	s18 =	simm.s32 $0x0;
	s19 =	simm.s32 $0x160F0;
	v15 =	vshrl.u32 v11, $0x4;
	v11 =	vshrl.u32 v16, $0x14;
	v5 =	vor.u32 v1, v5  }
.LBB2_24:
0x1bf: {  	v16 =	vld [tilespmem:s19+$0xFFFFFF90];
	s18 =	sadd.s32 $0x8, s18;
	v15 =	vand.u32 $0xFFF0, v15;
	v14 =	vand.u32 $0xFFF0, v14;
	s17 =	simm.s32 $0x15D70  }
0x1c0: {  	vm6 =	veq.s32 v7, v3;
	v17 =	vld [tilespmem:s19+$0xFFFFFFF0];
	p0 =	slt.u32 s18, $0xB0;
	v15 =	vor.u32 v1, v15;
	v7 =	vor.u32 v1, v14  }
0x1c1: {  	v4 =	vshrl.u32 v4, $0x14;
	[tilespmem:v8+s2+$0x0] =	vst.idx.add.s32.msk vm1, v2;
	v8 =	vshrl.u32 v12, $0x4;
	v12 =	vshrl.u32 v12, $0x14  }
0x1c2: {  	v14 =	vld [tilespmem:s19+$0x0];
	vm5 =	veq.s32 v12, v3;
	v8 =	vand.u32 $0xFFF0, v8;
	v12 =	vor.u32 v1, v13  }
0x1c3: {  	vm3 =	veq.s32 v4, v3;
	v13 =	vld [tilespmem:s19+$0xFFFFFFC0];
	v18 =	vor.u32 v1, v8;
	v8 =	vand.u32 $0xFFF0, v9  }
0x1c4: {  	v4 =	vld [tilespmem:s19+$0xFFFFFFE0];
	v19 =	vor.u32 v1, v8  }
0x1c5: {  	v20 =	vld [tilespmem:s19+$0xFFFFFFD0]  }
0x1c6: {  	vm4 =	veq.s32 v11, v3;
	vm7 =	veq.s32 v6, v3;
	v8 =	vand.u32 $0xFFF0, v10;
	[tilespmem:v7+s2+$0x0] =	vst.idx.add.s32.msk vm2, v2  }
0x1c7: {  	v6 =	vshrl.u32 v16, $0x4;
	v7 =	vshrl.u32 v16, $0x14;
	v16 =	vor.u32 v1, v8;
	[tilespmem:v5+s2+$0x0] =	vst.idx.add.s32.msk vm0, v2  }
0x1c8: {  	vm1 =	veq.s32 v7, v3;
	v5 =	vshrl.u32 v14, $0x14;
	v7 =	vshrl.u32 v13, $0x14;
	[tilespmem:v12+s2+$0x0] =	vst.idx.add.s32.msk vm6, v2  }
0x1c9: {  	v6 =	vand.u32 $0xFFF0, v6;
	v9 =	vshrl.u32 v14, $0x4;
	v11 =	vld [tilespmem:s19+$0xFFFFFFB0]  }
.Ltmp10:
0x1ca: {  	v8 =	vor.u32 v1, v6;
	v10 =	vshrl.u32 v13, $0x4;
	v12 =	vld [tilespmem:s19+$0xFFFFFFA0];
	v6 =	vshrl.u32 v20, $0x14;
	(pc) =	sbr.rel @p0 .LBB2_24-.Ltmp10, $4  }
0x1cb: {  	v14 =	vshrl.u32 v17, $0x4;
	vm0 =	veq.s32 v5, v3;
	v5 =	vand.u32 $0xFFF0, v9;
	[tilespmem:v18+s2+$0x0] =	vst.idx.add.s32.msk vm5, v2  }
0x1cc: {  	v17 =	vshrl.u32 v17, $0x14;
	v9 =	vshrl.u32 v4, $0x4;
	v5 =	vor.u32 v1, v5;
	[tilespmem:v15+s2+$0x0] =	vst.idx.add.s32.msk vm7, v2  }
0x1cd: {  	v13 =	vand.u32 $0xFFF0, v10;
	v15 =	vshrl.u32 v20, $0x4;
	[tilespmem:v19+s2+$0x0] =	vst.idx.add.s32.msk vm3, v2  }
0x1ce: {  	vm2 =	veq.s32 v17, v3;
	s19 =	sadd.s32 $0x400, s19;
	v10 =	vshrl.u32 v11, $0x4;
	v11 =	vshrl.u32 v11, $0x14;
	[tilespmem:v16+s2+$0x0] =	vst.idx.add.s32.msk vm4, v2  }
0x1cf: {  	_ =	sdelay $0x1  }
0x1d0: {  	v14 =	vand.u32 $0xFFF0, v14;
	v15 =	vand.u32 $0xFFF0, v15;
	vm3 =	veq.s32 v7, v3  }
0x1d1: {  	v7 =	vshrl.u32 v12, $0x4;
	v12 =	vshrl.u32 v12, $0x14;
	v14 =	vor.u32 v1, v14  }
0x1d2: {  	vm5 =	veq.s32 v6, v3;
	vm4 =	veq.s32 v12, v3;
	v12 =	vor.u32 v1, v13  }
0x1d3: {  	[tilespmem:v8+s2+$0x0] =	vst.idx.add.s32.msk vm1, v2;
	vm6 =	veq.s32 v11, v3;
	v8 =	vand.u32 $0xFFF0, v10;
	v6 =	vor.u32 v1, v15  }
0x1d4: {  	v4 =	vshrl.u32 v4, $0x14;
	v7 =	vand.u32 $0xFFF0, v7;
	v8 =	vor.u32 v1, v8  }
0x1d5: {  	[tilespmem:v5+s2+$0x0] =	vst.idx.add.s32.msk vm0, v2;
	vm1 =	veq.s32 v4, v3;
	v4 =	vand.u32 $0xFFF0, v9;
	v7 =	vor.u32 v1, v7  }
0x1d6: {  	v4 =	vor.u32 v1, v4;
	[tilespmem:v14+s2+$0x0] =	vst.idx.add.s32.msk vm2, v2  }
0x1d7: {  	[tilespmem:v12+s2+$0x0] =	vst.idx.add.s32.msk vm3, v2  }
0x1d8: {  	[tilespmem:v6+s2+$0x0] =	vst.idx.add.s32.msk vm5, v2  }
0x1d9: {  	[tilespmem:v8+s2+$0x0] =	vst.idx.add.s32.msk vm6, v2  }
0x1da: {  	[tilespmem:v7+s2+$0x0] =	vst.idx.add.s32.msk vm4, v2  }
0x1db: {  	[tilespmem:v4+s2+$0x0] =	vst.idx.add.s32.msk vm1, v2  }
0x1dc: {  	v5 =	vld [tilespmem:s17+$0xFFFFFF90]  }
0x1dd: {  	v6 =	vld [tilespmem:s17+$0x0]  }
0x1de: {  	v9 =	vld [tilespmem:s17+$0xFFFFFFC0]  }
0x1df: {  	v10 =	vld [tilespmem:s17+$0xFFFFFFF0]  }
0x1e0: {  	v11 =	vld [tilespmem:s17+$0xFFFFFFD0]  }
0x1e1: {  	v16 =	vld [tilespmem:s17+$0xFFFFFFB0];
	_ =	sdelay $0x1  }
0x1e2: {  	v4 =	vld [tilespmem:s17+$0xFFFFFFE0]  }
0x1e3: {  	v7 =	vshrl.u32 v5, $0x14;
	v5 =	vshrl.u32 v5, $0x4;
	v12 =	vshrl.u32 v6, $0x14  }
0x1e4: {  	v13 =	vshrl.u32 v6, $0x4;
	v15 =	vshrl.u32 v9, $0x4;
	v6 =	vshrl.u32 v11, $0x14  }
0x1e5: {  	v14 =	vshrl.u32 v10, $0x4;
	v17 =	vshrl.u32 v10, $0x14;
	v10 =	vshrl.u32 v16, $0x4  }
0x1e6: {  	vm1 =	veq.s32 v7, v3;
	v7 =	vshrl.u32 v9, $0x14;
	v5 =	vand.u32 $0xFFF0, v5  }
0x1e7: {  	vm0 =	veq.s32 v12, v3;
	v9 =	vshrl.u32 v4, $0x4;
	v12 =	vld [tilespmem:s17+$0xFFFFFFA0];
	v8 =	vor.u32 v1, v5  }
0x1e8: {  	vm2 =	veq.s32 v17, v3;
	v5 =	vand.u32 $0xFFF0, v13;
	v13 =	vand.u32 $0xFFF0, v15  }
0x1e9: {  	s18 =	simm.s32 $0x0;
	s19 =	simm.s32 $0x16170;
	v15 =	vshrl.u32 v11, $0x4;
	v11 =	vshrl.u32 v16, $0x14;
	v5 =	vor.u32 v1, v5  }
.LBB2_26:
0x1ea: {  	v16 =	vld [tilespmem:s19+$0xFFFFFF90];
	s18 =	sadd.s32 $0x8, s18;
	v15 =	vand.u32 $0xFFF0, v15;
	v14 =	vand.u32 $0xFFF0, v14;
	s17 =	simm.s32 $0x15DF0  }
0x1eb: {  	vm6 =	veq.s32 v7, v3;
	v17 =	vld [tilespmem:s19+$0xFFFFFFF0];
	p0 =	slt.u32 s18, $0xB0;
	v15 =	vor.u32 v1, v15;
	v7 =	vor.u32 v1, v14  }
0x1ec: {  	v4 =	vshrl.u32 v4, $0x14;
	[tilespmem:v8+s2+$0x0] =	vst.idx.add.s32.msk vm1, v2;
	v8 =	vshrl.u32 v12, $0x4;
	v12 =	vshrl.u32 v12, $0x14  }
0x1ed: {  	v14 =	vld [tilespmem:s19+$0x0];
	vm5 =	veq.s32 v12, v3;
	v8 =	vand.u32 $0xFFF0, v8;
	v12 =	vor.u32 v1, v13  }
0x1ee: {  	vm3 =	veq.s32 v4, v3;
	v13 =	vld [tilespmem:s19+$0xFFFFFFC0];
	v18 =	vor.u32 v1, v8;
	v8 =	vand.u32 $0xFFF0, v9  }
0x1ef: {  	v4 =	vld [tilespmem:s19+$0xFFFFFFE0];
	v19 =	vor.u32 v1, v8  }
0x1f0: {  	v20 =	vld [tilespmem:s19+$0xFFFFFFD0]  }
0x1f1: {  	vm4 =	veq.s32 v11, v3;
	vm7 =	veq.s32 v6, v3;
	v8 =	vand.u32 $0xFFF0, v10;
	[tilespmem:v7+s2+$0x0] =	vst.idx.add.s32.msk vm2, v2  }
0x1f2: {  	v6 =	vshrl.u32 v16, $0x4;
	v7 =	vshrl.u32 v16, $0x14;
	v16 =	vor.u32 v1, v8;
	[tilespmem:v5+s2+$0x0] =	vst.idx.add.s32.msk vm0, v2  }
0x1f3: {  	vm1 =	veq.s32 v7, v3;
	v5 =	vshrl.u32 v14, $0x14;
	v7 =	vshrl.u32 v13, $0x14;
	[tilespmem:v12+s2+$0x0] =	vst.idx.add.s32.msk vm6, v2  }
0x1f4: {  	v6 =	vand.u32 $0xFFF0, v6;
	v9 =	vshrl.u32 v14, $0x4;
	v11 =	vld [tilespmem:s19+$0xFFFFFFB0]  }
.Ltmp11:
0x1f5: {  	v8 =	vor.u32 v1, v6;
	v10 =	vshrl.u32 v13, $0x4;
	v12 =	vld [tilespmem:s19+$0xFFFFFFA0];
	v6 =	vshrl.u32 v20, $0x14;
	(pc) =	sbr.rel @p0 .LBB2_26-.Ltmp11, $4  }
0x1f6: {  	v14 =	vshrl.u32 v17, $0x4;
	vm0 =	veq.s32 v5, v3;
	v5 =	vand.u32 $0xFFF0, v9;
	[tilespmem:v18+s2+$0x0] =	vst.idx.add.s32.msk vm5, v2  }
0x1f7: {  	v17 =	vshrl.u32 v17, $0x14;
	v9 =	vshrl.u32 v4, $0x4;
	v5 =	vor.u32 v1, v5;
	[tilespmem:v15+s2+$0x0] =	vst.idx.add.s32.msk vm7, v2  }
0x1f8: {  	v13 =	vand.u32 $0xFFF0, v10;
	v15 =	vshrl.u32 v20, $0x4;
	[tilespmem:v19+s2+$0x0] =	vst.idx.add.s32.msk vm3, v2  }
0x1f9: {  	vm2 =	veq.s32 v17, v3;
	s19 =	sadd.s32 $0x400, s19;
	v10 =	vshrl.u32 v11, $0x4;
	v11 =	vshrl.u32 v11, $0x14;
	[tilespmem:v16+s2+$0x0] =	vst.idx.add.s32.msk vm4, v2  }
0x1fa: {  	_ =	sdelay $0x1  }
0x1fb: {  	v14 =	vand.u32 $0xFFF0, v14;
	v15 =	vand.u32 $0xFFF0, v15;
	vm3 =	veq.s32 v7, v3  }
0x1fc: {  	v7 =	vshrl.u32 v12, $0x4;
	v12 =	vshrl.u32 v12, $0x14;
	v14 =	vor.u32 v1, v14  }
0x1fd: {  	vm5 =	veq.s32 v6, v3;
	vm4 =	veq.s32 v12, v3;
	v12 =	vor.u32 v1, v13  }
0x1fe: {  	[tilespmem:v8+s2+$0x0] =	vst.idx.add.s32.msk vm1, v2;
	vm6 =	veq.s32 v11, v3;
	v8 =	vand.u32 $0xFFF0, v10;
	v6 =	vor.u32 v1, v15  }
0x1ff: {  	v4 =	vshrl.u32 v4, $0x14;
	v7 =	vand.u32 $0xFFF0, v7;
	v8 =	vor.u32 v1, v8  }
0x200: {  	[tilespmem:v5+s2+$0x0] =	vst.idx.add.s32.msk vm0, v2;
	vm1 =	veq.s32 v4, v3;
	v4 =	vand.u32 $0xFFF0, v9;
	v7 =	vor.u32 v1, v7  }
0x201: {  	v4 =	vor.u32 v1, v4;
	[tilespmem:v14+s2+$0x0] =	vst.idx.add.s32.msk vm2, v2  }
0x202: {  	[tilespmem:v12+s2+$0x0] =	vst.idx.add.s32.msk vm3, v2  }
0x203: {  	[tilespmem:v6+s2+$0x0] =	vst.idx.add.s32.msk vm5, v2  }
0x204: {  	[tilespmem:v8+s2+$0x0] =	vst.idx.add.s32.msk vm6, v2  }
0x205: {  	[tilespmem:v7+s2+$0x0] =	vst.idx.add.s32.msk vm4, v2  }
0x206: {  	[tilespmem:v4+s2+$0x0] =	vst.idx.add.s32.msk vm1, v2  }
0x207: {  	v5 =	vld [tilespmem:s17+$0xFFFFFF90]  }
0x208: {  	v6 =	vld [tilespmem:s17+$0x0]  }
0x209: {  	v9 =	vld [tilespmem:s17+$0xFFFFFFC0]  }
0x20a: {  	v10 =	vld [tilespmem:s17+$0xFFFFFFF0]  }
0x20b: {  	v11 =	vld [tilespmem:s17+$0xFFFFFFD0]  }
0x20c: {  	v16 =	vld [tilespmem:s17+$0xFFFFFFB0];
	_ =	sdelay $0x1  }
0x20d: {  	v4 =	vld [tilespmem:s17+$0xFFFFFFE0]  }
0x20e: {  	v7 =	vshrl.u32 v5, $0x14;
	v5 =	vshrl.u32 v5, $0x4;
	v12 =	vshrl.u32 v6, $0x14  }
0x20f: {  	v13 =	vshrl.u32 v6, $0x4;
	v15 =	vshrl.u32 v9, $0x4;
	v6 =	vshrl.u32 v11, $0x14  }
0x210: {  	v14 =	vshrl.u32 v10, $0x4;
	v17 =	vshrl.u32 v10, $0x14;
	v10 =	vshrl.u32 v16, $0x4  }
0x211: {  	vm1 =	veq.s32 v7, v3;
	v7 =	vshrl.u32 v9, $0x14;
	v5 =	vand.u32 $0xFFF0, v5  }
0x212: {  	vm0 =	veq.s32 v12, v3;
	v9 =	vshrl.u32 v4, $0x4;
	v12 =	vld [tilespmem:s17+$0xFFFFFFA0];
	v8 =	vor.u32 v1, v5  }
0x213: {  	vm2 =	veq.s32 v17, v3;
	v5 =	vand.u32 $0xFFF0, v13;
	v13 =	vand.u32 $0xFFF0, v15  }
0x214: {  	s18 =	simm.s32 $0x0;
	s19 =	simm.s32 $0x161F0;
	v15 =	vshrl.u32 v11, $0x4;
	v11 =	vshrl.u32 v16, $0x14;
	v5 =	vor.u32 v1, v5  }
.LBB2_28:
0x215: {  	v16 =	vld [tilespmem:s19+$0xFFFFFF90];
	s18 =	sadd.s32 $0x8, s18;
	v15 =	vand.u32 $0xFFF0, v15;
	v14 =	vand.u32 $0xFFF0, v14;
	s17 =	simm.s32 $0x15E70  }
0x216: {  	vm6 =	veq.s32 v7, v3;
	v17 =	vld [tilespmem:s19+$0xFFFFFFF0];
	p0 =	slt.u32 s18, $0xB0;
	v15 =	vor.u32 v1, v15;
	v7 =	vor.u32 v1, v14  }
0x217: {  	v4 =	vshrl.u32 v4, $0x14;
	[tilespmem:v8+s2+$0x0] =	vst.idx.add.s32.msk vm1, v2;
	v8 =	vshrl.u32 v12, $0x4;
	v12 =	vshrl.u32 v12, $0x14  }
0x218: {  	v14 =	vld [tilespmem:s19+$0x0];
	vm5 =	veq.s32 v12, v3;
	v8 =	vand.u32 $0xFFF0, v8;
	v12 =	vor.u32 v1, v13  }
0x219: {  	vm3 =	veq.s32 v4, v3;
	v13 =	vld [tilespmem:s19+$0xFFFFFFC0];
	v18 =	vor.u32 v1, v8;
	v8 =	vand.u32 $0xFFF0, v9  }
0x21a: {  	v4 =	vld [tilespmem:s19+$0xFFFFFFE0];
	v19 =	vor.u32 v1, v8  }
0x21b: {  	v20 =	vld [tilespmem:s19+$0xFFFFFFD0]  }
0x21c: {  	vm4 =	veq.s32 v11, v3;
	vm7 =	veq.s32 v6, v3;
	v8 =	vand.u32 $0xFFF0, v10;
	[tilespmem:v7+s2+$0x0] =	vst.idx.add.s32.msk vm2, v2  }
0x21d: {  	v6 =	vshrl.u32 v16, $0x4;
	v7 =	vshrl.u32 v16, $0x14;
	v16 =	vor.u32 v1, v8;
	[tilespmem:v5+s2+$0x0] =	vst.idx.add.s32.msk vm0, v2  }
0x21e: {  	vm1 =	veq.s32 v7, v3;
	v5 =	vshrl.u32 v14, $0x14;
	v7 =	vshrl.u32 v13, $0x14;
	[tilespmem:v12+s2+$0x0] =	vst.idx.add.s32.msk vm6, v2  }
0x21f: {  	v6 =	vand.u32 $0xFFF0, v6;
	v9 =	vshrl.u32 v14, $0x4;
	v11 =	vld [tilespmem:s19+$0xFFFFFFB0]  }
.Ltmp12:
0x220: {  	v8 =	vor.u32 v1, v6;
	v10 =	vshrl.u32 v13, $0x4;
	v12 =	vld [tilespmem:s19+$0xFFFFFFA0];
	v6 =	vshrl.u32 v20, $0x14;
	(pc) =	sbr.rel @p0 .LBB2_28-.Ltmp12, $4  }
0x221: {  	v14 =	vshrl.u32 v17, $0x4;
	vm0 =	veq.s32 v5, v3;
	v5 =	vand.u32 $0xFFF0, v9;
	[tilespmem:v18+s2+$0x0] =	vst.idx.add.s32.msk vm5, v2  }
0x222: {  	v17 =	vshrl.u32 v17, $0x14;
	v9 =	vshrl.u32 v4, $0x4;
	v5 =	vor.u32 v1, v5;
	[tilespmem:v15+s2+$0x0] =	vst.idx.add.s32.msk vm7, v2  }
0x223: {  	v13 =	vand.u32 $0xFFF0, v10;
	v15 =	vshrl.u32 v20, $0x4;
	[tilespmem:v19+s2+$0x0] =	vst.idx.add.s32.msk vm3, v2  }
0x224: {  	vm2 =	veq.s32 v17, v3;
	s19 =	sadd.s32 $0x400, s19;
	v10 =	vshrl.u32 v11, $0x4;
	v11 =	vshrl.u32 v11, $0x14;
	[tilespmem:v16+s2+$0x0] =	vst.idx.add.s32.msk vm4, v2  }
0x225: {  	_ =	sdelay $0x1  }
0x226: {  	v14 =	vand.u32 $0xFFF0, v14;
	v15 =	vand.u32 $0xFFF0, v15;
	vm3 =	veq.s32 v7, v3  }
0x227: {  	v7 =	vshrl.u32 v12, $0x4;
	v12 =	vshrl.u32 v12, $0x14;
	v14 =	vor.u32 v1, v14  }
0x228: {  	vm5 =	veq.s32 v6, v3;
	vm4 =	veq.s32 v12, v3;
	v12 =	vor.u32 v1, v13  }
0x229: {  	[tilespmem:v8+s2+$0x0] =	vst.idx.add.s32.msk vm1, v2;
	vm6 =	veq.s32 v11, v3;
	v8 =	vand.u32 $0xFFF0, v10;
	v6 =	vor.u32 v1, v15  }
0x22a: {  	v4 =	vshrl.u32 v4, $0x14;
	v7 =	vand.u32 $0xFFF0, v7;
	v8 =	vor.u32 v1, v8  }
0x22b: {  	[tilespmem:v5+s2+$0x0] =	vst.idx.add.s32.msk vm0, v2;
	vm1 =	veq.s32 v4, v3;
	v4 =	vand.u32 $0xFFF0, v9;
	v7 =	vor.u32 v1, v7  }
0x22c: {  	v4 =	vor.u32 v1, v4;
	[tilespmem:v14+s2+$0x0] =	vst.idx.add.s32.msk vm2, v2  }
0x22d: {  	[tilespmem:v12+s2+$0x0] =	vst.idx.add.s32.msk vm3, v2  }
0x22e: {  	[tilespmem:v6+s2+$0x0] =	vst.idx.add.s32.msk vm5, v2  }
0x22f: {  	[tilespmem:v8+s2+$0x0] =	vst.idx.add.s32.msk vm6, v2  }
0x230: {  	[tilespmem:v7+s2+$0x0] =	vst.idx.add.s32.msk vm4, v2  }
0x231: {  	[tilespmem:v4+s2+$0x0] =	vst.idx.add.s32.msk vm1, v2  }
0x232: {  	v5 =	vld [tilespmem:s17+$0xFFFFFF90]  }
0x233: {  	v6 =	vld [tilespmem:s17+$0x0]  }
0x234: {  	v9 =	vld [tilespmem:s17+$0xFFFFFFC0]  }
0x235: {  	v10 =	vld [tilespmem:s17+$0xFFFFFFF0]  }
0x236: {  	v11 =	vld [tilespmem:s17+$0xFFFFFFD0]  }
0x237: {  	v16 =	vld [tilespmem:s17+$0xFFFFFFB0];
	_ =	sdelay $0x1  }
0x238: {  	v4 =	vld [tilespmem:s17+$0xFFFFFFE0]  }
0x239: {  	v7 =	vshrl.u32 v5, $0x14;
	v5 =	vshrl.u32 v5, $0x4;
	v12 =	vshrl.u32 v6, $0x14  }
0x23a: {  	v13 =	vshrl.u32 v6, $0x4;
	v15 =	vshrl.u32 v9, $0x4;
	v6 =	vshrl.u32 v11, $0x14  }
0x23b: {  	v14 =	vshrl.u32 v10, $0x4;
	v17 =	vshrl.u32 v10, $0x14;
	v10 =	vshrl.u32 v16, $0x4  }
0x23c: {  	vm1 =	veq.s32 v7, v3;
	v7 =	vshrl.u32 v9, $0x14;
	v5 =	vand.u32 $0xFFF0, v5  }
0x23d: {  	vm0 =	veq.s32 v12, v3;
	v9 =	vshrl.u32 v4, $0x4;
	v12 =	vld [tilespmem:s17+$0xFFFFFFA0];
	v8 =	vor.u32 v1, v5  }
0x23e: {  	vm2 =	veq.s32 v17, v3;
	v5 =	vand.u32 $0xFFF0, v13;
	v13 =	vand.u32 $0xFFF0, v15  }
0x23f: {  	s18 =	simm.s32 $0x0;
	s19 =	simm.s32 $0x16270;
	v15 =	vshrl.u32 v11, $0x4;
	v11 =	vshrl.u32 v16, $0x14;
	v5 =	vor.u32 v1, v5  }
.LBB2_30:
0x240: {  	v16 =	vld [tilespmem:s19+$0xFFFFFF90];
	s18 =	sadd.s32 $0x8, s18;
	v15 =	vand.u32 $0xFFF0, v15;
	v14 =	vand.u32 $0xFFF0, v14;
	s17 =	simm.s32 $0x15EF0  }
0x241: {  	vm6 =	veq.s32 v7, v3;
	v17 =	vld [tilespmem:s19+$0xFFFFFFF0];
	p0 =	slt.u32 s18, $0xB0;
	v15 =	vor.u32 v1, v15;
	v7 =	vor.u32 v1, v14  }
0x242: {  	v4 =	vshrl.u32 v4, $0x14;
	[tilespmem:v8+s2+$0x0] =	vst.idx.add.s32.msk vm1, v2;
	v8 =	vshrl.u32 v12, $0x4;
	v12 =	vshrl.u32 v12, $0x14  }
0x243: {  	v14 =	vld [tilespmem:s19+$0x0];
	vm5 =	veq.s32 v12, v3;
	v8 =	vand.u32 $0xFFF0, v8;
	v12 =	vor.u32 v1, v13  }
0x244: {  	vm3 =	veq.s32 v4, v3;
	v13 =	vld [tilespmem:s19+$0xFFFFFFC0];
	v18 =	vor.u32 v1, v8;
	v8 =	vand.u32 $0xFFF0, v9  }
0x245: {  	v4 =	vld [tilespmem:s19+$0xFFFFFFE0];
	v19 =	vor.u32 v1, v8  }
0x246: {  	v20 =	vld [tilespmem:s19+$0xFFFFFFD0]  }
0x247: {  	vm4 =	veq.s32 v11, v3;
	vm7 =	veq.s32 v6, v3;
	v8 =	vand.u32 $0xFFF0, v10;
	[tilespmem:v7+s2+$0x0] =	vst.idx.add.s32.msk vm2, v2  }
0x248: {  	v6 =	vshrl.u32 v16, $0x4;
	v7 =	vshrl.u32 v16, $0x14;
	v16 =	vor.u32 v1, v8;
	[tilespmem:v5+s2+$0x0] =	vst.idx.add.s32.msk vm0, v2  }
0x249: {  	vm1 =	veq.s32 v7, v3;
	v5 =	vshrl.u32 v14, $0x14;
	v7 =	vshrl.u32 v13, $0x14;
	[tilespmem:v12+s2+$0x0] =	vst.idx.add.s32.msk vm6, v2  }
0x24a: {  	v6 =	vand.u32 $0xFFF0, v6;
	v9 =	vshrl.u32 v14, $0x4;
	v11 =	vld [tilespmem:s19+$0xFFFFFFB0]  }
.Ltmp13:
0x24b: {  	v8 =	vor.u32 v1, v6;
	v10 =	vshrl.u32 v13, $0x4;
	v12 =	vld [tilespmem:s19+$0xFFFFFFA0];
	v6 =	vshrl.u32 v20, $0x14;
	(pc) =	sbr.rel @p0 .LBB2_30-.Ltmp13, $4  }
0x24c: {  	v14 =	vshrl.u32 v17, $0x4;
	vm0 =	veq.s32 v5, v3;
	v5 =	vand.u32 $0xFFF0, v9;
	[tilespmem:v18+s2+$0x0] =	vst.idx.add.s32.msk vm5, v2  }
0x24d: {  	v17 =	vshrl.u32 v17, $0x14;
	v9 =	vshrl.u32 v4, $0x4;
	v5 =	vor.u32 v1, v5;
	[tilespmem:v15+s2+$0x0] =	vst.idx.add.s32.msk vm7, v2  }
0x24e: {  	v13 =	vand.u32 $0xFFF0, v10;
	v15 =	vshrl.u32 v20, $0x4;
	[tilespmem:v19+s2+$0x0] =	vst.idx.add.s32.msk vm3, v2  }
0x24f: {  	vm2 =	veq.s32 v17, v3;
	s19 =	sadd.s32 $0x400, s19;
	v10 =	vshrl.u32 v11, $0x4;
	v11 =	vshrl.u32 v11, $0x14;
	[tilespmem:v16+s2+$0x0] =	vst.idx.add.s32.msk vm4, v2  }
0x250: {  	_ =	sdelay $0x1  }
0x251: {  	v14 =	vand.u32 $0xFFF0, v14;
	v15 =	vand.u32 $0xFFF0, v15;
	vm3 =	veq.s32 v7, v3  }
0x252: {  	v7 =	vshrl.u32 v12, $0x4;
	v12 =	vshrl.u32 v12, $0x14;
	v14 =	vor.u32 v1, v14  }
0x253: {  	vm5 =	veq.s32 v6, v3;
	vm4 =	veq.s32 v12, v3;
	v12 =	vor.u32 v1, v13  }
0x254: {  	[tilespmem:v8+s2+$0x0] =	vst.idx.add.s32.msk vm1, v2;
	vm6 =	veq.s32 v11, v3;
	v8 =	vand.u32 $0xFFF0, v10;
	v6 =	vor.u32 v1, v15  }
0x255: {  	v4 =	vshrl.u32 v4, $0x14;
	v7 =	vand.u32 $0xFFF0, v7;
	v8 =	vor.u32 v1, v8  }
0x256: {  	[tilespmem:v5+s2+$0x0] =	vst.idx.add.s32.msk vm0, v2;
	vm1 =	veq.s32 v4, v3;
	v4 =	vand.u32 $0xFFF0, v9;
	v7 =	vor.u32 v1, v7  }
0x257: {  	v4 =	vor.u32 v1, v4;
	[tilespmem:v14+s2+$0x0] =	vst.idx.add.s32.msk vm2, v2  }
0x258: {  	[tilespmem:v12+s2+$0x0] =	vst.idx.add.s32.msk vm3, v2  }
0x259: {  	[tilespmem:v6+s2+$0x0] =	vst.idx.add.s32.msk vm5, v2  }
0x25a: {  	[tilespmem:v8+s2+$0x0] =	vst.idx.add.s32.msk vm6, v2  }
0x25b: {  	[tilespmem:v7+s2+$0x0] =	vst.idx.add.s32.msk vm4, v2  }
0x25c: {  	[tilespmem:v4+s2+$0x0] =	vst.idx.add.s32.msk vm1, v2  }
0x25d: {  	v5 =	vld [tilespmem:s17+$0xFFFFFF90]  }
0x25e: {  	v6 =	vld [tilespmem:s17+$0x0]  }
0x25f: {  	v9 =	vld [tilespmem:s17+$0xFFFFFFC0]  }
0x260: {  	v10 =	vld [tilespmem:s17+$0xFFFFFFF0]  }
0x261: {  	v11 =	vld [tilespmem:s17+$0xFFFFFFD0]  }
0x262: {  	v16 =	vld [tilespmem:s17+$0xFFFFFFB0];
	_ =	sdelay $0x1  }
0x263: {  	v4 =	vld [tilespmem:s17+$0xFFFFFFE0]  }
0x264: {  	v7 =	vshrl.u32 v5, $0x14;
	v5 =	vshrl.u32 v5, $0x4;
	v12 =	vshrl.u32 v6, $0x14  }
0x265: {  	v13 =	vshrl.u32 v6, $0x4;
	v15 =	vshrl.u32 v9, $0x4;
	v6 =	vshrl.u32 v11, $0x14  }
0x266: {  	v14 =	vshrl.u32 v10, $0x4;
	v17 =	vshrl.u32 v10, $0x14;
	v10 =	vshrl.u32 v16, $0x4  }
0x267: {  	vm1 =	veq.s32 v7, v3;
	v7 =	vshrl.u32 v9, $0x14;
	v5 =	vand.u32 $0xFFF0, v5  }
0x268: {  	vm0 =	veq.s32 v12, v3;
	v9 =	vshrl.u32 v4, $0x4;
	v12 =	vld [tilespmem:s17+$0xFFFFFFA0];
	v8 =	vor.u32 v1, v5  }
0x269: {  	vm2 =	veq.s32 v17, v3;
	v5 =	vand.u32 $0xFFF0, v13;
	v13 =	vand.u32 $0xFFF0, v15  }
0x26a: {  	s18 =	simm.s32 $0x0;
	s19 =	simm.s32 $0x162F0;
	v15 =	vshrl.u32 v11, $0x4;
	v11 =	vshrl.u32 v16, $0x14;
	v5 =	vor.u32 v1, v5  }
.LBB2_32:
0x26b: {  	v16 =	vld [tilespmem:s19+$0xFFFFFF90];
	s18 =	sadd.s32 $0x8, s18;
	v15 =	vand.u32 $0xFFF0, v15;
	v14 =	vand.u32 $0xFFF0, v14;
	s17 =	simm.s32 $0x15F70  }
0x26c: {  	vm6 =	veq.s32 v7, v3;
	v17 =	vld [tilespmem:s19+$0xFFFFFFF0];
	p0 =	slt.u32 s18, $0xB0;
	v15 =	vor.u32 v1, v15;
	v7 =	vor.u32 v1, v14  }
0x26d: {  	v4 =	vshrl.u32 v4, $0x14;
	[tilespmem:v8+s2+$0x0] =	vst.idx.add.s32.msk vm1, v2;
	v8 =	vshrl.u32 v12, $0x4;
	v12 =	vshrl.u32 v12, $0x14  }
0x26e: {  	v14 =	vld [tilespmem:s19+$0x0];
	vm5 =	veq.s32 v12, v3;
	v8 =	vand.u32 $0xFFF0, v8;
	v12 =	vor.u32 v1, v13  }
0x26f: {  	vm3 =	veq.s32 v4, v3;
	v13 =	vld [tilespmem:s19+$0xFFFFFFC0];
	v18 =	vor.u32 v1, v8;
	v8 =	vand.u32 $0xFFF0, v9  }
0x270: {  	v4 =	vld [tilespmem:s19+$0xFFFFFFE0];
	v19 =	vor.u32 v1, v8  }
0x271: {  	v20 =	vld [tilespmem:s19+$0xFFFFFFD0]  }
0x272: {  	vm4 =	veq.s32 v11, v3;
	vm7 =	veq.s32 v6, v3;
	v8 =	vand.u32 $0xFFF0, v10;
	[tilespmem:v7+s2+$0x0] =	vst.idx.add.s32.msk vm2, v2  }
0x273: {  	v6 =	vshrl.u32 v16, $0x4;
	v7 =	vshrl.u32 v16, $0x14;
	v16 =	vor.u32 v1, v8;
	[tilespmem:v5+s2+$0x0] =	vst.idx.add.s32.msk vm0, v2  }
0x274: {  	vm1 =	veq.s32 v7, v3;
	v5 =	vshrl.u32 v14, $0x14;
	v7 =	vshrl.u32 v13, $0x14;
	[tilespmem:v12+s2+$0x0] =	vst.idx.add.s32.msk vm6, v2  }
0x275: {  	v6 =	vand.u32 $0xFFF0, v6;
	v9 =	vshrl.u32 v14, $0x4;
	v11 =	vld [tilespmem:s19+$0xFFFFFFB0]  }
.Ltmp14:
0x276: {  	v8 =	vor.u32 v1, v6;
	v10 =	vshrl.u32 v13, $0x4;
	v12 =	vld [tilespmem:s19+$0xFFFFFFA0];
	v6 =	vshrl.u32 v20, $0x14;
	(pc) =	sbr.rel @p0 .LBB2_32-.Ltmp14, $4  }
0x277: {  	v14 =	vshrl.u32 v17, $0x4;
	vm0 =	veq.s32 v5, v3;
	v5 =	vand.u32 $0xFFF0, v9;
	[tilespmem:v18+s2+$0x0] =	vst.idx.add.s32.msk vm5, v2  }
0x278: {  	v17 =	vshrl.u32 v17, $0x14;
	v9 =	vshrl.u32 v4, $0x4;
	v5 =	vor.u32 v1, v5;
	[tilespmem:v15+s2+$0x0] =	vst.idx.add.s32.msk vm7, v2  }
0x279: {  	v13 =	vand.u32 $0xFFF0, v10;
	v15 =	vshrl.u32 v20, $0x4;
	[tilespmem:v19+s2+$0x0] =	vst.idx.add.s32.msk vm3, v2  }
0x27a: {  	vm2 =	veq.s32 v17, v3;
	s19 =	sadd.s32 $0x400, s19;
	v10 =	vshrl.u32 v11, $0x4;
	v11 =	vshrl.u32 v11, $0x14;
	[tilespmem:v16+s2+$0x0] =	vst.idx.add.s32.msk vm4, v2  }
0x27b: {  	_ =	sdelay $0x1  }
0x27c: {  	v14 =	vand.u32 $0xFFF0, v14;
	v15 =	vand.u32 $0xFFF0, v15;
	vm3 =	veq.s32 v7, v3  }
0x27d: {  	v7 =	vshrl.u32 v12, $0x4;
	v12 =	vshrl.u32 v12, $0x14;
	v14 =	vor.u32 v1, v14  }
0x27e: {  	vm5 =	veq.s32 v6, v3;
	vm4 =	veq.s32 v12, v3;
	v12 =	vor.u32 v1, v13  }
0x27f: {  	[tilespmem:v8+s2+$0x0] =	vst.idx.add.s32.msk vm1, v2;
	vm6 =	veq.s32 v11, v3;
	v8 =	vand.u32 $0xFFF0, v10;
	v6 =	vor.u32 v1, v15  }
0x280: {  	v4 =	vshrl.u32 v4, $0x14;
	v7 =	vand.u32 $0xFFF0, v7;
	v8 =	vor.u32 v1, v8  }
0x281: {  	[tilespmem:v5+s2+$0x0] =	vst.idx.add.s32.msk vm0, v2;
	vm1 =	veq.s32 v4, v3;
	v4 =	vand.u32 $0xFFF0, v9;
	v7 =	vor.u32 v1, v7  }
0x282: {  	v4 =	vor.u32 v1, v4;
	[tilespmem:v14+s2+$0x0] =	vst.idx.add.s32.msk vm2, v2  }
0x283: {  	[tilespmem:v12+s2+$0x0] =	vst.idx.add.s32.msk vm3, v2  }
0x284: {  	[tilespmem:v6+s2+$0x0] =	vst.idx.add.s32.msk vm5, v2  }
0x285: {  	[tilespmem:v8+s2+$0x0] =	vst.idx.add.s32.msk vm6, v2  }
0x286: {  	[tilespmem:v7+s2+$0x0] =	vst.idx.add.s32.msk vm4, v2  }
0x287: {  	[tilespmem:v4+s2+$0x0] =	vst.idx.add.s32.msk vm1, v2  }
0x288: {  	v5 =	vld [tilespmem:s17+$0xFFFFFF90]  }
0x289: {  	v6 =	vld [tilespmem:s17+$0x0]  }
0x28a: {  	v9 =	vld [tilespmem:s17+$0xFFFFFFC0]  }
0x28b: {  	v10 =	vld [tilespmem:s17+$0xFFFFFFF0]  }
0x28c: {  	v11 =	vld [tilespmem:s17+$0xFFFFFFD0]  }
0x28d: {  	v16 =	vld [tilespmem:s17+$0xFFFFFFB0];
	_ =	sdelay $0x1  }
0x28e: {  	v4 =	vld [tilespmem:s17+$0xFFFFFFE0]  }
0x28f: {  	v7 =	vshrl.u32 v5, $0x14;
	v5 =	vshrl.u32 v5, $0x4;
	v12 =	vshrl.u32 v6, $0x14  }
0x290: {  	v13 =	vshrl.u32 v6, $0x4;
	v15 =	vshrl.u32 v9, $0x4;
	v6 =	vshrl.u32 v11, $0x14  }
0x291: {  	v14 =	vshrl.u32 v10, $0x4;
	v17 =	vshrl.u32 v10, $0x14;
	v10 =	vshrl.u32 v16, $0x4  }
0x292: {  	vm1 =	veq.s32 v7, v3;
	v7 =	vshrl.u32 v9, $0x14;
	v5 =	vand.u32 $0xFFF0, v5  }
0x293: {  	vm0 =	veq.s32 v12, v3;
	v9 =	vshrl.u32 v4, $0x4;
	v12 =	vld [tilespmem:s17+$0xFFFFFFA0];
	v8 =	vor.u32 v1, v5  }
0x294: {  	vm2 =	veq.s32 v17, v3;
	v5 =	vand.u32 $0xFFF0, v13;
	v13 =	vand.u32 $0xFFF0, v15  }
0x295: {  	s18 =	simm.s32 $0x0;
	s19 =	simm.s32 $0x16370;
	v15 =	vshrl.u32 v11, $0x4;
	v11 =	vshrl.u32 v16, $0x14;
	v5 =	vor.u32 v1, v5  }
.LBB2_34:
0x296: {  	v16 =	vld [tilespmem:s19+$0xFFFFFF90];
	s18 =	sadd.s32 $0x8, s18;
	v15 =	vand.u32 $0xFFF0, v15;
	v14 =	vand.u32 $0xFFF0, v14;
	s17 =	simm.s32 $0x15FF0  }
0x297: {  	vm6 =	veq.s32 v7, v3;
	v17 =	vld [tilespmem:s19+$0xFFFFFFF0];
	p0 =	slt.u32 s18, $0xB0;
	v15 =	vor.u32 v1, v15;
	v7 =	vor.u32 v1, v14  }
0x298: {  	v4 =	vshrl.u32 v4, $0x14;
	[tilespmem:v8+s2+$0x0] =	vst.idx.add.s32.msk vm1, v2;
	v8 =	vshrl.u32 v12, $0x4;
	v12 =	vshrl.u32 v12, $0x14  }
0x299: {  	v14 =	vld [tilespmem:s19+$0x0];
	vm5 =	veq.s32 v12, v3;
	v8 =	vand.u32 $0xFFF0, v8;
	v12 =	vor.u32 v1, v13  }
0x29a: {  	vm3 =	veq.s32 v4, v3;
	v13 =	vld [tilespmem:s19+$0xFFFFFFC0];
	v18 =	vor.u32 v1, v8;
	v8 =	vand.u32 $0xFFF0, v9  }
0x29b: {  	v4 =	vld [tilespmem:s19+$0xFFFFFFE0];
	v19 =	vor.u32 v1, v8  }
0x29c: {  	v20 =	vld [tilespmem:s19+$0xFFFFFFD0]  }
0x29d: {  	vm4 =	veq.s32 v11, v3;
	vm7 =	veq.s32 v6, v3;
	v8 =	vand.u32 $0xFFF0, v10;
	[tilespmem:v7+s2+$0x0] =	vst.idx.add.s32.msk vm2, v2  }
0x29e: {  	v6 =	vshrl.u32 v16, $0x4;
	v7 =	vshrl.u32 v16, $0x14;
	v16 =	vor.u32 v1, v8;
	[tilespmem:v5+s2+$0x0] =	vst.idx.add.s32.msk vm0, v2  }
0x29f: {  	vm1 =	veq.s32 v7, v3;
	v5 =	vshrl.u32 v14, $0x14;
	v7 =	vshrl.u32 v13, $0x14;
	[tilespmem:v12+s2+$0x0] =	vst.idx.add.s32.msk vm6, v2  }
0x2a0: {  	v6 =	vand.u32 $0xFFF0, v6;
	v9 =	vshrl.u32 v14, $0x4;
	v11 =	vld [tilespmem:s19+$0xFFFFFFB0]  }
.Ltmp15:
0x2a1: {  	v8 =	vor.u32 v1, v6;
	v10 =	vshrl.u32 v13, $0x4;
	v12 =	vld [tilespmem:s19+$0xFFFFFFA0];
	v6 =	vshrl.u32 v20, $0x14;
	(pc) =	sbr.rel @p0 .LBB2_34-.Ltmp15, $4  }
0x2a2: {  	v14 =	vshrl.u32 v17, $0x4;
	vm0 =	veq.s32 v5, v3;
	v5 =	vand.u32 $0xFFF0, v9;
	[tilespmem:v18+s2+$0x0] =	vst.idx.add.s32.msk vm5, v2  }
0x2a3: {  	v17 =	vshrl.u32 v17, $0x14;
	v9 =	vshrl.u32 v4, $0x4;
	v5 =	vor.u32 v1, v5;
	[tilespmem:v15+s2+$0x0] =	vst.idx.add.s32.msk vm7, v2  }
0x2a4: {  	v13 =	vand.u32 $0xFFF0, v10;
	v15 =	vshrl.u32 v20, $0x4;
	[tilespmem:v19+s2+$0x0] =	vst.idx.add.s32.msk vm3, v2  }
0x2a5: {  	vm2 =	veq.s32 v17, v3;
	s19 =	sadd.s32 $0x400, s19;
	v10 =	vshrl.u32 v11, $0x4;
	v11 =	vshrl.u32 v11, $0x14;
	[tilespmem:v16+s2+$0x0] =	vst.idx.add.s32.msk vm4, v2  }
0x2a6: {  	_ =	sdelay $0x1  }
0x2a7: {  	v14 =	vand.u32 $0xFFF0, v14;
	v15 =	vand.u32 $0xFFF0, v15;
	vm3 =	veq.s32 v7, v3  }
0x2a8: {  	v7 =	vshrl.u32 v12, $0x4;
	v12 =	vshrl.u32 v12, $0x14;
	v14 =	vor.u32 v1, v14  }
0x2a9: {  	vm5 =	veq.s32 v6, v3;
	vm4 =	veq.s32 v12, v3;
	v12 =	vor.u32 v1, v13  }
0x2aa: {  	[tilespmem:v8+s2+$0x0] =	vst.idx.add.s32.msk vm1, v2;
	vm6 =	veq.s32 v11, v3;
	v8 =	vand.u32 $0xFFF0, v10;
	v6 =	vor.u32 v1, v15  }
0x2ab: {  	v4 =	vshrl.u32 v4, $0x14;
	v7 =	vand.u32 $0xFFF0, v7;
	v8 =	vor.u32 v1, v8  }
0x2ac: {  	[tilespmem:v5+s2+$0x0] =	vst.idx.add.s32.msk vm0, v2;
	vm1 =	veq.s32 v4, v3;
	v4 =	vand.u32 $0xFFF0, v9;
	v7 =	vor.u32 v1, v7  }
0x2ad: {  	v4 =	vor.u32 v1, v4;
	[tilespmem:v14+s2+$0x0] =	vst.idx.add.s32.msk vm2, v2  }
0x2ae: {  	[tilespmem:v12+s2+$0x0] =	vst.idx.add.s32.msk vm3, v2  }
0x2af: {  	[tilespmem:v6+s2+$0x0] =	vst.idx.add.s32.msk vm5, v2  }
0x2b0: {  	[tilespmem:v8+s2+$0x0] =	vst.idx.add.s32.msk vm6, v2  }
0x2b1: {  	[tilespmem:v7+s2+$0x0] =	vst.idx.add.s32.msk vm4, v2  }
0x2b2: {  	[tilespmem:v4+s2+$0x0] =	vst.idx.add.s32.msk vm1, v2  }
0x2b3: {  	v5 =	vld [tilespmem:s17+$0xFFFFFF90]  }
0x2b4: {  	v6 =	vld [tilespmem:s17+$0x0]  }
0x2b5: {  	v9 =	vld [tilespmem:s17+$0xFFFFFFC0]  }
0x2b6: {  	v10 =	vld [tilespmem:s17+$0xFFFFFFF0]  }
0x2b7: {  	v11 =	vld [tilespmem:s17+$0xFFFFFFD0]  }
0x2b8: {  	v16 =	vld [tilespmem:s17+$0xFFFFFFB0];
	_ =	sdelay $0x1  }
0x2b9: {  	v4 =	vld [tilespmem:s17+$0xFFFFFFE0]  }
0x2ba: {  	v7 =	vshrl.u32 v5, $0x14;
	v5 =	vshrl.u32 v5, $0x4;
	v12 =	vshrl.u32 v6, $0x14  }
0x2bb: {  	v13 =	vshrl.u32 v6, $0x4;
	v15 =	vshrl.u32 v9, $0x4;
	v6 =	vshrl.u32 v11, $0x14  }
0x2bc: {  	v14 =	vshrl.u32 v10, $0x4;
	v17 =	vshrl.u32 v10, $0x14;
	v10 =	vshrl.u32 v16, $0x4  }
0x2bd: {  	vm1 =	veq.s32 v7, v3;
	v7 =	vshrl.u32 v9, $0x14;
	v5 =	vand.u32 $0xFFF0, v5  }
0x2be: {  	vm0 =	veq.s32 v12, v3;
	v9 =	vshrl.u32 v4, $0x4;
	v12 =	vld [tilespmem:s17+$0xFFFFFFA0];
	v8 =	vor.u32 v1, v5  }
0x2bf: {  	vm2 =	veq.s32 v17, v3;
	v5 =	vand.u32 $0xFFF0, v13;
	v13 =	vand.u32 $0xFFF0, v15  }
0x2c0: {  	s18 =	simm.s32 $0x0;
	s17 =	simm.s32 $0x163F0;
	v15 =	vshrl.u32 v11, $0x4;
	v11 =	vshrl.u32 v16, $0x14;
	v5 =	vor.u32 v1, v5  }
.LBB2_36:
0x2c1: {  	v16 =	vld [tilespmem:s17+$0xFFFFFF90];
	s18 =	sadd.s32 $0x8, s18;
	v15 =	vand.u32 $0xFFF0, v15;
	v14 =	vand.u32 $0xFFF0, v14  }
0x2c2: {  	vm6 =	veq.s32 v7, v3;
	v17 =	vld [tilespmem:s17+$0xFFFFFFF0];
	p0 =	slt.u32 s18, $0xB0;
	v15 =	vor.u32 v1, v15;
	v7 =	vor.u32 v1, v14  }
0x2c3: {  	v4 =	vshrl.u32 v4, $0x14;
	[tilespmem:v8+s2+$0x0] =	vst.idx.add.s32.msk vm1, v2;
	v8 =	vshrl.u32 v12, $0x4;
	v12 =	vshrl.u32 v12, $0x14  }
0x2c4: {  	v14 =	vld [tilespmem:s17+$0x0];
	vm5 =	veq.s32 v12, v3;
	v8 =	vand.u32 $0xFFF0, v8;
	v12 =	vor.u32 v1, v13  }
0x2c5: {  	vm3 =	veq.s32 v4, v3;
	v13 =	vld [tilespmem:s17+$0xFFFFFFC0];
	v18 =	vor.u32 v1, v8;
	v8 =	vand.u32 $0xFFF0, v9  }
0x2c6: {  	v4 =	vld [tilespmem:s17+$0xFFFFFFE0];
	v19 =	vor.u32 v1, v8  }
0x2c7: {  	v20 =	vld [tilespmem:s17+$0xFFFFFFD0]  }
0x2c8: {  	vm4 =	veq.s32 v11, v3;
	vm7 =	veq.s32 v6, v3;
	v8 =	vand.u32 $0xFFF0, v10;
	[tilespmem:v7+s2+$0x0] =	vst.idx.add.s32.msk vm2, v2  }
0x2c9: {  	v6 =	vshrl.u32 v16, $0x4;
	v7 =	vshrl.u32 v16, $0x14;
	v16 =	vor.u32 v1, v8;
	[tilespmem:v5+s2+$0x0] =	vst.idx.add.s32.msk vm0, v2  }
0x2ca: {  	vm1 =	veq.s32 v7, v3;
	v5 =	vshrl.u32 v14, $0x14;
	v7 =	vshrl.u32 v13, $0x14;
	[tilespmem:v12+s2+$0x0] =	vst.idx.add.s32.msk vm6, v2  }
0x2cb: {  	v6 =	vand.u32 $0xFFF0, v6;
	v9 =	vshrl.u32 v14, $0x4;
	v11 =	vld [tilespmem:s17+$0xFFFFFFB0]  }
.Ltmp16:
0x2cc: {  	v8 =	vor.u32 v1, v6;
	v10 =	vshrl.u32 v13, $0x4;
	v12 =	vld [tilespmem:s17+$0xFFFFFFA0];
	v6 =	vshrl.u32 v20, $0x14;
	(pc) =	sbr.rel @p0 .LBB2_36-.Ltmp16, $4  }
0x2cd: {  	v14 =	vshrl.u32 v17, $0x4;
	vm0 =	veq.s32 v5, v3;
	v5 =	vand.u32 $0xFFF0, v9;
	[tilespmem:v18+s2+$0x0] =	vst.idx.add.s32.msk vm5, v2  }
0x2ce: {  	v17 =	vshrl.u32 v17, $0x14;
	v9 =	vshrl.u32 v4, $0x4;
	v5 =	vor.u32 v1, v5;
	[tilespmem:v15+s2+$0x0] =	vst.idx.add.s32.msk vm7, v2  }
0x2cf: {  	v13 =	vand.u32 $0xFFF0, v10;
	v15 =	vshrl.u32 v20, $0x4;
	[tilespmem:v19+s2+$0x0] =	vst.idx.add.s32.msk vm3, v2  }
0x2d0: {  	vm2 =	veq.s32 v17, v3;
	s17 =	sadd.s32 $0x400, s17;
	v10 =	vshrl.u32 v11, $0x4;
	v11 =	vshrl.u32 v11, $0x14;
	[tilespmem:v16+s2+$0x0] =	vst.idx.add.s32.msk vm4, v2  }
0x2d1: {  	_ = 	snop  }
0x2d2: {  	v14 =	vand.u32 $0xFFF0, v14;
	v15 =	vand.u32 $0xFFF0, v15;
	vm3 =	veq.s32 v7, v3  }
0x2d3: {  	v59 =	vshrl.u32 v12, $0x4;
	v60 =	vshrl.u32 v12, $0x14;
	v14 =	vor.u32 v1, v14  }
0x2d4: {  	v61 =	vor.u32 v1, v13;
	v4 =	vshrl.u32 v4, $0x14;
	vm5 =	veq.s32 v6, v3  }
0x2d5: {  	vm6 =	veq.s32 v11, v3;
	v63 =	vand.u32 $0xFFF0, v10;
	v62 =	vor.u32 v1, v15  }
0x2d6: {  	[tilespmem:v8+s2+$0x0] =	vst.idx.add.s32.msk vm1, v2;
	vm4 =	veq.s32 v60, v3;
	v7 =	vand.u32 $0xFFF0, v59;
	v8 =	vor.u32 v1, v63  }
0x2d7: {  	[tilespmem:v5+s2+$0x0] =	vst.idx.add.s32.msk vm0, v2;
	vm15 =	veq.s32 v4, v3;
	v4 =	vand.u32 $0xFFF0, v9;
	v7 =	vor.u32 v1, v7  }
0x2d8: {  	v4 =	vor.u32 v1, v4;
	[tilespmem:v14+s2+$0x0] =	vst.idx.add.s32.msk vm2, v2  }
0x2d9: {  	[tilespmem:v61+s2+$0x0] =	vst.idx.add.s32.msk vm3, v2  }
0x2da: {  	[tilespmem:v62+s2+$0x0] =	vst.idx.add.s32.msk vm5, v2  }
0x2db: {  	[tilespmem:v8+s2+$0x0] =	vst.idx.add.s32.msk vm6, v2  }
0x2dc: {  	[tilespmem:v7+s2+$0x0] =	vst.idx.add.s32.msk vm4, v2  }
0x2dd: {  	[tilespmem:v4+s2+$0x0] =	vst.idx.add.s32.msk vm15, v2  }
0x2de: {  	p0 =	seq.s32 s16, $0x44  }
.Ltmp17:
0x2df: {  	_ = 	snop;
	(pc) =	sbr.rel @!p0 .LBB2_5-.Ltmp17, $1  }
0x2e0: {  	_ =	sdelay $0x3  }
0x2e1: {  	s15 =	sadd.s32 $0x1, s15  }
0x2e2: {  	p0 =	sne.s32 s15, s8  }
.Ltmp18:
0x2e3: {  	_ = 	snop;
	(pc) =	sbr.rel @p0 .LBB2_1-.Ltmp18, $4  }
0x2e4: {  	[hbm4b:s7+s2] =	stream.linear.scatter [tilespmem:s2], [sflag:$0x3], $0x10000, $0x38;
	[tilespmem:$0x1B880] =	vst v63  }
0x2e5: {  	_ =	swait.ge [sflag:s10], $0x10000  }
0x2e6: {  	[sflag:s10] =	ssyncset.done $0x0  }
0x2e7: {  	[sflag:s10] =	ssyncadd.s32 $0xFFFF0000  }
0x2e8: {  	_ =	sfence.sel $0x180000  }
0x2e9: {  	[bflag:$0x0] =	sbarrier.arrive $0xFFFF  }
0x2ea: {  	p0 =	sne.s32 s1, $0x0;
	_ =	strace $0x9000004A  }
0x2eb: {  	s0 =	sadd.s32 @!p0 $0x100000, s0;
	[bflag:$0x2] =	sbarrier.arrive $0xFFFF  }
0x2ec: {  	[sflag:s0] =	ssyncadd.tile.s32 @!p0 $0x1;
	_ =	shalt  }
.Lfunc_end2:
_tile_overlayer_lowered:
.L_overlay_start_2:
0x2ed: {  	(tag) =	ssettag $0x2  }
0x2ee: {  	s0 =	rddreg [dreg:$0x0];
	s2 =	stileid.u32  }
0x2ef: {  	s1 =	rddreg [dreg:$0x1];
	p0 =	sne.s32 s2, $0x0  }
0x2f0: {  	s3 =	rddreg [dreg:$0x2];
	[bflag:$0x3] =	sbarrier.arrive $0xFFFF;
	s2 =	simm.s32 @!p0 $0x1C03  }
0x2f1: {  	[timem:s3], [sflag:s2] =	dma.local @!p0 [hbm:s0], s1  }
0x2f2: {  	s0 =	simm.s32 @!p0 $0x3  }
0x2f3: {  	_ =	swait.ge @!p0 [sflag:s0], s1  }
0x2f4: {  	s1 =	ssub.s32 @!p0 $0x0, s1;
	[sflag:s0] =	ssyncset.done @!p0 $0x0  }
0x2f5: {  	[sflag:s0] =	ssyncadd.s32 @!p0 s1  }
0x2f6: {  	[bflag:$0x3] =	sbarrier.arrive $0xFFFF  }
0x2f7: {  	_ =	shalt  }

// kernel: kernel.13.cloned.1.call-start
scs
__scs_entry_jumppad:
0x0: {  	(pc) =	sbr.rel $0x88, $3  }
0x1: {  	(tag) =	ssettag $0x0;
	lr =	simm.s32 $0x1  }
0x2: {  	[smem:$0x3F9F] =	sst lr;
	_ =	strace $0xD0000000  }
0x3: {  	_ = 	snop  }
0x4: {  	_ = 	snop  }
0x5: {  	_ = 	snop  }
0x6: {  	_ = 	snop  }
0x7: {  	_ = 	snop  }
__scs_overlays_trampoline_lowered:
0x8: {  	[smem:$0x3FAE] =	sst s0  }
0x9: {  	[smem:$0x3FAF] =	sst s1  }
0xa: {  	[smem:$0x3FB0] =	sst s2  }
0xb: {  	[smem:$0x3FB1] =	sst s3  }
0xc: {  	[smem:$0x3FB2] =	sst s4  }
0xd: {  	[smem:$0x3FB3] =	sst s5  }
0xe: {  	[smem:$0x3FB4] =	sst s6  }
0xf: {  	[smem:$0x3FB5] =	sst s7  }
0x10: {  	[smem:$0x3FB6] =	sst s8  }
0x11: {  	[smem:$0x3FB7] =	sst s9;
	s0 =	simm.s32 @!p0 $0x0  }
0x12: {  	s1 =	sld [smem:$0x3F9D];
	s0 =	simm.s32 @p0 $0x1  }
0x13: {  	[smem:$0x3FB8] =	sst s0;
	s0 =	simm.s32 @!p1 $0x0  }
0x14: {  	s2 =	sld [smem:$0x3F9C];
	s0 =	simm.s32 @p1 $0x1  }
0x15: {  	[smem:$0x3FB9] =	sst s0;
	s0 =	simm.s32 @!p2 $0x0  }
0x16: {  	s3 =	sld [smem:$0x3FDB];
	s0 =	simm.s32 @p2 $0x1  }
0x17: {  	s4 =	simm.s32 $0x1BF5;
	[smem:$0x3FBB] =	sst s0  }
0x18: {  	s0 =	sld [smem:$0x3F9E];
	_ =	swait.ge [sflag:s4], $0x0  }
0x19: {  	s7 =	sld [smem:$0x3F9F]  }
0x1a: {  	s8 =	sadd.s32 $0xFFFFE003, lr  }
0x1b: {  	s9 =	sadd.s32 $0xFFFFFEF7, lr;
	s5 =	simm.s32 $0xFFFFFFFF;
	p2 =	slt.u32 s8, $0xFFFFF086  }
0x1c: {  	p1 =	slt.u32 s9, $0xF7A;
	s5 =	simm.s32 @!p2 $0x0  }
0x1d: {  	s5 =	simm.s32 @p1 $0x1;
	p0 =	seq.s32 s7, s2  }
0x1e: {  	s7 =	smul.u32 @!p0 $0xF7A, s2;
	p2 =	seq.s32 @!p0 s5, $0x0  }
0x1f: {  	s9 =	smul.u32 $0xF7A, s1;
	s8 =	simm.s32 @!p0 $0x1BF5;
	p2 =	por !p2, p0  }
0x20: {  	[sflag:s8] =	ssyncset.s32 @!p0 $0xFFFFF086;
	s6 =	sadd.s32 @!p0 s3, s7;
	s7 =	simm.s32 @!p0 $0x108  }
0x21: {  	s3 =	sadd.s32 s3, s9;
	s6 =	sadd.s32 @!p0 $0x88, s6;
	s7 =	simm.s32 @p2 $0x1082  }
0x22: {  	[simem:s7], [sflag:s8] =	dma.local @!p0 [hbm:s6], $0xF7A  }
0x23: {  	s9 =	sor.u32 $0xD0000000, s2;
	s6 =	simm.s32 $0x108;
	_ =	swait.ge @!p0 [sflag:s8], $0x0  }
0x24: {  	s3 =	sadd.s32 $0x88, s3;
	s6 =	simm.s32 @!p1 $0x1082;
	[sflag:s4] =	ssyncset.s32 $0xFFFFF086  }
0x25: {  	[simem:s6], [sflag:s4] =	dma.local [hbm:s3], $0xF7A  }
0x26: {  	[smem:$0x3F9F] =	sst s1;
	(tag) =	ssettag s2;
	_ =	strace s9  }
0x27: {  	s1 =	sld [smem:$0x3FAF]  }
0x28: {  	s2 =	sld [smem:$0x3FB0]  }
0x29: {  	s4 =	sld [smem:$0x3FB2]  }
0x2a: {  	p0 =	seq.s32 s5, $0x0;
	s5 =	sld [smem:$0x3FB3]  }
0x2b: {  	s6 =	sld [smem:$0x3FB4]  }
0x2c: {  	s7 =	sld [smem:$0x3FB5]  }
0x2d: {  	s3 =	simm.s32 $0x108;
	s8 =	sld [smem:$0x3FB6]  }
0x2e: {  	s3 =	simm.s32 @!p0 $0x1082;
	s9 =	sld [smem:$0x3FB7]  }
0x2f: {  	lr =	sadd.s32 s0, s3;
	s0 =	sld [smem:$0x3FAE]  }
0x30: {  	s3 =	sld [smem:$0x3FB1]  }
0x31: {  	[smem:$0x3FBA] =	sst s10  }
0x32: {  	s10 =	sld [smem:$0x3FB8];
	_ =	sdelay $0x3  }
0x33: {  	p0 =	seq.s32 s10, $0x1;
	s10 =	sld [smem:$0x3FBA];
	_ =	sdelay $0x3  }
0x34: {  	[smem:$0x3FBA] =	sst s10  }
0x35: {  	s10 =	sld [smem:$0x3FB9];
	_ =	sdelay $0x3  }
0x36: {  	p1 =	seq.s32 s10, $0x1;
	s10 =	sld [smem:$0x3FBA];
	_ =	sdelay $0x3  }
0x37: {  	[smem:$0x3FBA] =	sst s10  }
0x38: {  	s10 =	sld [smem:$0x3FBB]  }
0x39: {  	_ = 	snop;
	(pc) =	sbr.ind lr, $3  }
0x3a: {  	_ = 	snop  }
0x3b: {  	_ = 	snop  }
0x3c: {  	p2 =	seq.s32 s10, $0x1;
	s10 =	sld [smem:$0x3FBA]  }
0x3d: {  	_ =	shalt  }
0x3e: {  	_ =	shalt  }
0x3f: {  	_ =	shalt  }
0x40: {  	_ =	shalt  }
0x41: {  	_ =	shalt  }
0x42: {  	_ =	shalt  }
0x43: {  	_ =	shalt  }
0x44: {  	_ =	shalt  }
0x45: {  	_ =	shalt  }
0x46: {  	_ =	shalt  }
0x47: {  	_ =	shalt  }
0x48: {  	_ =	shalt  }
0x49: {  	_ =	shalt  }
0x4a: {  	_ =	shalt  }
0x4b: {  	_ =	shalt  }
0x4c: {  	_ =	shalt  }
0x4d: {  	_ =	shalt  }
0x4e: {  	_ =	shalt  }
0x4f: {  	_ =	shalt  }
0x50: {  	_ =	shalt  }
0x51: {  	_ =	shalt  }
0x52: {  	_ =	shalt  }
0x53: {  	_ =	shalt  }
0x54: {  	_ =	shalt  }
0x55: {  	_ =	shalt  }
0x56: {  	_ =	shalt  }
0x57: {  	_ =	shalt  }
0x58: {  	_ =	shalt  }
0x59: {  	_ =	shalt  }
0x5a: {  	_ =	shalt  }
0x5b: {  	_ =	shalt  }
0x5c: {  	_ =	shalt  }
0x5d: {  	_ =	shalt  }
0x5e: {  	_ =	shalt  }
0x5f: {  	_ =	shalt  }
0x60: {  	_ =	shalt  }
0x61: {  	_ =	shalt  }
0x62: {  	_ =	shalt  }
0x63: {  	_ =	shalt  }
0x64: {  	_ =	shalt  }
0x65: {  	_ =	shalt  }
0x66: {  	_ =	shalt  }
0x67: {  	_ =	shalt  }
0x68: {  	_ =	shalt  }
0x69: {  	_ =	shalt  }
0x6a: {  	_ =	shalt  }
0x6b: {  	_ =	shalt  }
0x6c: {  	_ =	shalt  }
0x6d: {  	_ =	shalt  }
0x6e: {  	_ =	shalt  }
0x6f: {  	_ =	shalt  }
0x70: {  	_ =	shalt  }
0x71: {  	_ =	shalt  }
0x72: {  	_ =	shalt  }
0x73: {  	_ =	shalt  }
0x74: {  	_ =	shalt  }
0x75: {  	_ =	shalt  }
0x76: {  	_ =	shalt  }
0x77: {  	_ =	shalt  }
0x78: {  	_ =	shalt  }
0x79: {  	_ =	shalt  }
0x7a: {  	_ =	shalt  }
0x7b: {  	_ =	shalt  }
0x7c: {  	_ =	shalt  }
0x7d: {  	_ =	shalt  }
0x7e: {  	_ =	shalt  }
0x7f: {  	_ =	shalt  }
0x80: {  	_ =	shalt  }
0x81: {  	_ =	shalt  }
0x82: {  	_ =	shalt  }
0x83: {  	_ =	shalt  }
0x84: {  	_ =	shalt  }
0x85: {  	_ =	shalt  }
0x86: {  	_ =	shalt  }
0x87: {  	_ =	shalt  }
.Lfunc_end0:
.L_simem_size_0:
called_computation.2_lowered:
.L_overlay_start_0:
0x88: {  	s2 =	sld [smem:$0x3FD9]  }
0x89: {  	s3 =	sld [smem:$0x3FFE];
	_ =	sdelay $0x1  }
0x8a: {  	s1 =	srdreg.scid  }
0x8b: {  	s0 =	sand.u32 $0x1, s1  }
0x8c: {  	s16 =	sshll.u32 s0, $0xA;
	s2 =	sadd.s32 s3, s2  }
0x8d: {  	s2 =	sadd.s32 s2, s16  }
0x8e: {  	[smem:$0x3FC6] =	sst s2  }
0x8f: {  	_ = 	snop  }
0x90: {  	(tm) =	ssettm $0x1  }
0x91: {  	s17 =	sld [smem:$0x3FFB];
	_ =	sdelay $0x3  }
0x92: {  	_ =	strace s17  }
0x93: {  	s2 =	sld [smem:$0x3FFC];
	_ =	sdelay $0x3  }
0x94: {  	_ =	strace s2  }
0x95: {  	s2 =	sld [smem:$0x3FFD];
	_ =	sdelay $0x3  }
0x96: {  	_ =	strace s2  }
0x97: {  	_ =	strace $0x8FFFFFFF  }
0x98: {  	s18 =	sld [smem:$0x3FDB];
	_ =	sdelay $0x1  }
0x99: {  	s19 =	simm.s32 $_scs_section_size  }
0x9a: {  	s4 =	simm.s32 $_size__tile_overlayer_lowered;
	s5 =	simm.s32 $_tile_overlayer_lowered  }
0x9b: {  	s22 =	simm.s32 $0x1BFF;
	s21 =	sshll.u32 s5, $0x1;
	s2 =	sadd.s32 s19, s18  }
0x9c: {  	s6 =	simm.s32 $0x0;
	s20 =	sshll.u32 s4, $0x1;
	s4 =	sadd.s32 s21, s2  }
0x9d: {  	[timem:s6], [sflag:s22] =	dma.local [hbm:s4], s20  }
0x9e: {  	_ =	swait.ge [sflag:s22], s20  }
0x9f: {  	s3 =	ssub.s32 $0x0, s20;
	[sflag:s22] =	ssyncset.done $0x0  }
0xa0: {  	[sflag:s22] =	ssyncadd.s32 s3;
	_ =	sdelay $0x1  }
0xa1: {  	s23 =	simm.s32 $0x1B8B  }
0xa2: {  	_ =	swait.ge [sflag:s23], $0x1  }
0xa3: {  	[sflag:s23] =	ssyncset.done $0x0  }
0xa4: {  	s25 =	simm.s32 $0x1B8E;
	s24 =	sld [smem:$0x3FFE];
	[sflag:s23] =	ssyncadd.s32 $0xFFFFFFFF  }
0xa5: {  	s26 =	simm.s32 $execute0_lowered;
	[smem:$0x3FD2] =	sst s25  }
0xa6: {  	s4 =	sshll.u32 s26, $0x1;
	_ =	strace $0x8000004C;
	[dreg:$0x1] =	wrdreg $0xFFFFFFFF  }
0xa7: {  	s28 =	simm.s32 $_size_execute0_lowered;
	s2 =	sadd.s32 s2, s4;
	[dreg:$0x0] =	wrdreg $0x0  }
0xa8: {  	s4 =	sshll.u32 s28, $0x1;
	[dreg:$0x2] =	wrdreg s2  }
0xa9: {  	[dreg:$0x3] =	wrdreg s4  }
0xaa: {  	[dreg:$0x4] =	wrdreg $0xC0  }
0xab: {  	_ =	task [dreg:s6], $0x5FFFF  }
0xac: {  	[dreg:$0x1] =	wrdreg $0xFFFFFFFF  }
0xad: {  	[dreg:$0x0] =	wrdreg $0x60  }
0xae: {  	[dreg:$0x2] =	wrdreg s24  }
0xaf: {  	[dreg:$0x3] =	wrdreg $0x9  }
0xb0: {  	_ =	task.clear_ibuf [dreg:s6], $0x4FFFF;
	_ =	strace $0x9000004C  }
0xb1: {  	s29 =	simm.s32 $0x9;
	_ =	strace $0x8000004E  }
0xb2: {  	_ =	swait.ge [sflag:s29], $0x1  }
0xb3: {  	[sflag:s29] =	ssyncadd.s32 $0xFFFFFFFF  }
0xb4: {  	_ =	strace $0x9000004E  }
0xb5: {  	_ =	sfence  }
0xb6: {  	s30 =	sld [smem:$0x0];
	_ =	sdelay $0x2  }
0xb7: {  	s31 =	sshll.u32 s1, $0xD;
	s1 =	sshrl.u32 s1, $0x2  }
0xb8: {  	s3 =	sand.u32 $0x4000, s31;
	s1 =	sadd.s32 s1, s30  }
0xb9: {  	s0 =	sor.u32 s3, s0;
	s1 =	sshll.u32 s1, $0x11  }
0xba: {  	s0 =	sor.u32 s1, s0  }
0xbb: {  	s0 =	sadd.s32 $0x8F2B, s0  }
0xbc: {  	[sflag:s0] =	ssyncadd.remote.s32 $0x1  }
0xbd: {  	_ =	sfence.sel $0xFFFF  }
0xbe: {  	[dreg:$0x0] =	wrdreg $0xFFFFFFFF;
	(pc) =	sbr.abs _section_cstart, $3  }
0xbf: {  	[dreg:$0x1] =	wrdreg $0xFFFFFFFF  }
0xc0: {  	_ =	task.clear_ibuf [dreg:s6], $0x2FFFF;
	_ =	strace $0x9FFFFFFF  }
0xc1: {  	(tm) =	ssettm $0x7FFFFFFF  }
tec
execute0_lowered:
.L_overlay_start_1:
0x0: {  	(tag) =	ssettag $0x1  }
0x1: {  	s5 =	rddreg [dreg:$0x0]  }
0x2: {  	s0 =	rddreg [dreg:$0x1]  }
0x3: {  	s2 =	simm.s32 $0x0;
	s3 =	srdreg.scid;
	s1 =	stileid.u32  }
0x4: {  	s10 =	simm.s32 $0x3;
	s11 =	simm.s32 $0x1000;
	s12 =	simm.s32 $0x6C00  }
0x5: {  	s13 =	simm.s32 $0x1;
	s14 =	simm.s32 $0x2;
	s15 =	simm.s32 $0x0  }
0x6: {  	[smem:$0x7FF] =	sst s2;
	s4 =	sand.u32 $0x1, s3;
	s6 =	sshll.u32 s1, $0x1  }
0x7: {  	s3 =	sadd.s32 $0x1870000, s5;
	_ =	strace $0x8000004D;
	s6 =	sor.u32 s4, s6  }
0x8: {  	s8 =	ssub.s32 $0x2, s4;
	s7 =	sshll.u32 s6, $0x9;
	s9 =	smul.u32 $0x61C00, s6  }
0x9: {  	s4 =	sadd.s32 $0x800, s5;
	s31 =	sshrl.u32 s8, $0x1;
	s7 =	sadd.s32 s7, s5  }
0xa: {  	s8 =	ssub.s32 s8, s31;
	s5 =	sshll.u32 s6, $0x2;
	s6 =	sadd.s32 s3, s9  }
0xb: {  	v0 =	vimm.s32 $0x0;
	v1 =	vlaneseq.u32;
	v2 =	vimm.s32 $0x1;
	s7 =	sadd.s32 $0xA00, s7;
	s8 =	smax.u32 s8, $0x1;
	s9 =	simm.s32 $0xC800  }
.LBB2_1:
0xc: {  	s16 =	simm.s32 $0x40;
	s17 =	simm.s32 $0x0  }
.LBB2_2:
0xd: {  	p0 =	sne.s32 s16, $0x3FC0;
	[tilespmem:s17+$0x0] =	vst v0;
	s17 =	smov.u32 s16;
	s16 =	sadd.s32 $0x40, s16  }
.Ltmp0:
0xe: {  	(pc) =	sbr.rel @p0 .LBB2_2-.Ltmp0, $2  }
0xf: {  	_ =	sdelay $0x2  }
0x10: {  	s17 =	sshra.s32 s17, $0x2  }
0x11: {  	[tilespmem:s17+$0x0] =	vst v0;
	s16 =	simm.s32 $0x0  }
0x12: {  	[tilespmem:s9], [sflag:$0x3] =	stream.linear.gather [hbm4b:s4+s16], $0x80, $0x38;
	[tilespmem:$0xC880] =	vst v63  }
0x13: {  	_ =	swait.ge [sflag:s10], $0x80  }
0x14: {  	[sflag:s10] =	ssyncset.done $0x0  }
0x15: {  	[sflag:s10] =	ssyncadd.s32 $0xFFFFFF80  }
0x16: {  	v3 =	vld [tilespmem:$0xC800];
	_ =	sdelay $0x3  }
0x17: {  	[tilespmem:s11], [sflag:$0x1] =	stream.linear.gather [hbm4b:s6+s16], $0x5C00, $0x38;
	[tilespmem:$0xC880] =	vst v63  }
.LBB2_5:
0x18: {  	s17 =	sshllo.u32 s16, $0x1  }
0x19: {  	s18 =	sand.u32 $0xFF, s17  }
0x1a: {  	s18 =	smul.u32 $0xF1, s18  }
0x1b: {  	s19 =	smul.u32 $0xF1, s16  }
0x1c: {  	s18 =	sshrl.u32 s18, $0xD  }
0x1d: {  	s19 =	sshrl.u32 s19, $0xC;
	s18 =	smul.u32 $0x22, s18  }
0x1e: {  	s19 =	sand.u32 $0xF, s19  }
0x1f: {  	s19 =	sadd.s32 s19, s5;
	s17 =	ssub.s32 s17, s18  }
0x20: {  	s30 =	smul.u32 $0xC3800, s19;
	s17 =	sand.u32 $0xFF, s17  }
0x21: {  	s17 =	smul.u32 $0x5C00, s17;
	_ =	sdelay $0x1  }
0x22: {  	s17 =	sadd.s32 s30, s17  }
0x23: {  	s17 =	sshrl.u32 s17, $0x3  }
0x24: {  	s17 =	sadd.s32 s3, s17  }
0x25: {  	[tilespmem:s12], [sflag:$0x2] =	stream.linear.gather [hbm4b:s17+s2], $0x5C00, $0x38;
	[tilespmem:$0xC880] =	vst v63  }
0x26: {  	_ =	swait.ge [sflag:s13], $0x5C00  }
0x27: {  	[sflag:s13] =	ssyncset.done $0x0  }
0x28: {  	s31 =	simm.s32 $0x1040;
	[sflag:s13] =	ssyncadd.s32 $0xFFFFA400  }
0x29: {  	v4 =	vld [tilespmem:s31+$0x30]  }
0x2a: {  	v5 =	vld [tilespmem:s31+$0xFFFFFFD0]  }
0x2b: {  	v6 =	vld [tilespmem:s31+$0xFFFFFFE0]  }
0x2c: {  	v12 =	vld [tilespmem:s31+$0xFFFFFFC0];
	_ =	sdelay $0x1  }
0x2d: {  	v7 =	vld [tilespmem:s31+$0xFFFFFFF0]  }
0x2e: {  	v8 =	vshll.u32 v4, $0x4;
	v4 =	vshrl.u32 v4, $0x8  }
0x2f: {  	v9 =	vld [tilespmem:s31+$0x0];
	v10 =	vshll.u32 v5, $0x4;
	v5 =	vshrl.u32 v5, $0x8;
	v17 =	vshrl.u32 v6, $0x8  }
0x30: {  	v11 =	vld [tilespmem:s31+$0x10];
	v14 =	vshll.u32 v12, $0x4;
	v19 =	vshrl.u32 v12, $0x8;
	vm2 =	veq.s32 v4, v3  }
0x31: {  	v13 =	vld [tilespmem:s31+$0x20];
	v4 =	vor.u32 v1, v8;
	v8 =	vshll.u32 v6, $0x4;
	v16 =	vor.u32 v1, v10  }
0x32: {  	v6 =	vshrl.u32 v7, $0x8;
	vm1 =	veq.s32 v19, v3;
	vm0 =	veq.s32 v5, v3  }
0x33: {  	v15 =	vand.u32 $0xFFF, v4;
	v4 =	vshll.u32 v7, $0x4;
	v18 =	vor.u32 v1, v8  }
0x34: {  	v7 =	vshll.u32 v9, $0x4;
	v9 =	vshrl.u32 v9, $0x8;
	v8 =	vor.u32 v1, v4  }
0x35: {  	v4 =	vshll.u32 v11, $0x4;
	v10 =	vor.u32 v1, v7;
	v11 =	vshrl.u32 v11, $0x8  }
0x36: {  	v7 =	vshll.u32 v13, $0x4;
	v5 =	vand.u32 $0xFFF, v18;
	v12 =	vor.u32 v1, v4  }
0x37: {  	s20 =	simm.s32 $0x1440;
	v4 =	vor.u32 v1, v14;
	v14 =	vshrl.u32 v13, $0x8;
	v13 =	vor.u32 v1, v7  }
0x38: {  	s19 =	simm.s32 $0x0;
	s18 =	simm.s32 $0x10F0;
	s17 =	sshll.u32 s16, $0x1;
	v7 =	vand.u32 $0xFFF, v16;
	v4 =	vand.u32 $0xFFF, v4;
	[tilespmem:v15+s2+$0x0] =	vst.idx.add.s32.msk vm2, v2;
	vm2 =	veq.s32 v17, v3  }
.LBB2_6:
0x39: {  	v15 =	vld [tilespmem:s20+$0x30];
	s19 =	sadd.s32 $0x8, s19;
	vm6 =	veq.s32 v6, v3;
	v16 =	vand.u32 $0xFFF, v8;
	vm4 =	veq.s32 v9, v3  }
0x3a: {  	v17 =	vand.u32 $0xFFF, v10;
	vm5 =	veq.s32 v11, v3;
	v18 =	vand.u32 $0xFFF, v12;
	v6 =	vld [tilespmem:s20+$0xFFFFFFD0];
	p0 =	slt.u32 s19, $0xB0  }
0x3b: {  	vm3 =	veq.s32 v14, v3;
	v19 =	vand.u32 $0xFFF, v13;
	v8 =	vld [tilespmem:s20+$0xFFFFFFE0]  }
0x3c: {  	v9 =	vld [tilespmem:s20+$0xFFFFFFF0]  }
0x3d: {  	v10 =	vld [tilespmem:s20+$0x0]  }
0x3e: {  	v11 =	vld [tilespmem:s20+$0x10];
	v12 =	vshll.u32 v15, $0x4;
	v13 =	vshrl.u32 v15, $0x8  }
0x3f: {  	v14 =	vshll.u32 v6, $0x4;
	v15 =	vld [tilespmem:s20+$0x20];
	vm7 =	veq.s32 v13, v3;
	v12 =	vor.u32 v1, v12  }
0x40: {  	v20 =	vshrl.u32 v6, $0x8;
	v13 =	vld [tilespmem:s20+$0xFFFFFFC0];
	v6 =	vshll.u32 v8, $0x4;
	v21 =	vand.u32 $0xFFF, v12  }
0x41: {  	v22 =	vor.u32 v1, v14;
	v23 =	vshrl.u32 v8, $0x8;
	v8 =	vshll.u32 v9, $0x4;
	[tilespmem:v4+s2+$0x0] =	vst.idx.add.s32.msk vm1, v2  }
0x42: {  	v24 =	vor.u32 v1, v6;
	v6 =	vshrl.u32 v9, $0x8;
	v4 =	vshll.u32 v10, $0x4;
	[tilespmem:v7+s2+$0x0] =	vst.idx.add.s32.msk vm0, v2  }
0x43: {  	v8 =	vor.u32 v1, v8;
	v9 =	vshrl.u32 v10, $0x8;
	v7 =	vshll.u32 v11, $0x4;
	[tilespmem:v5+s2+$0x0] =	vst.idx.add.s32.msk vm2, v2  }
.Ltmp1:
0x44: {  	v10 =	vor.u32 v1, v4;
	v11 =	vshrl.u32 v11, $0x8;
	v4 =	vshll.u32 v15, $0x4;
	[tilespmem:v16+s2+$0x0] =	vst.idx.add.s32.msk vm6, v2;
	(pc) =	sbr.rel @p0 .LBB2_6-.Ltmp1, $4  }
0x45: {  	v12 =	vor.u32 v1, v7;
	v5 =	vshll.u32 v13, $0x4;
	v16 =	vshrl.u32 v13, $0x8;
	[tilespmem:v21+s2+$0x0] =	vst.idx.add.s32.msk vm7, v2  }
0x46: {  	v14 =	vshrl.u32 v15, $0x8;
	v13 =	vor.u32 v1, v4;
	v5 =	vor.u32 v1, v5;
	[tilespmem:v17+s2+$0x0] =	vst.idx.add.s32.msk vm4, v2  }
0x47: {  	vm0 =	veq.s32 v20, v3;
	vm1 =	veq.s32 v16, v3;
	v4 =	vand.u32 $0xFFF, v5;
	[tilespmem:v18+s2+$0x0] =	vst.idx.add.s32.msk vm5, v2  }
0x48: {  	s20 =	sadd.s32 $0x400, s20;
	vm2 =	veq.s32 v23, v3;
	v7 =	vand.u32 $0xFFF, v22;
	v5 =	vand.u32 $0xFFF, v24;
	[tilespmem:v19+s2+$0x0] =	vst.idx.add.s32.msk vm3, v2  }
0x49: {  	_ =	sdelay $0x1  }
0x4a: {  	vm3 =	veq.s32 v6, v3  }
0x4b: {  	v6 =	vand.u32 $0xFFF, v8;
	vm4 =	veq.s32 v9, v3  }
0x4c: {  	v8 =	vand.u32 $0xFFF, v10;
	vm5 =	veq.s32 v11, v3  }
0x4d: {  	v9 =	vand.u32 $0xFFF, v12;
	vm6 =	veq.s32 v14, v3;
	[tilespmem:v4+s2+$0x0] =	vst.idx.add.s32.msk vm1, v2  }
0x4e: {  	v4 =	vand.u32 $0xFFF, v13;
	[tilespmem:v7+s2+$0x0] =	vst.idx.add.s32.msk vm0, v2  }
0x4f: {  	[tilespmem:v5+s2+$0x0] =	vst.idx.add.s32.msk vm2, v2  }
0x50: {  	[tilespmem:v6+s2+$0x0] =	vst.idx.add.s32.msk vm3, v2  }
0x51: {  	[tilespmem:v8+s2+$0x0] =	vst.idx.add.s32.msk vm4, v2  }
0x52: {  	[tilespmem:v9+s2+$0x0] =	vst.idx.add.s32.msk vm5, v2  }
0x53: {  	[tilespmem:v4+s2+$0x0] =	vst.idx.add.s32.msk vm6, v2  }
0x54: {  	v4 =	vld [tilespmem:s18+$0x0]  }
0x55: {  	v5 =	vld [tilespmem:s18+$0xFFFFFFA0]  }
0x56: {  	v6 =	vld [tilespmem:s18+$0xFFFFFFB0]  }
0x57: {  	v12 =	vld [tilespmem:s18+$0xFFFFFF90];
	_ =	sdelay $0x1  }
0x58: {  	v7 =	vld [tilespmem:s18+$0xFFFFFFC0]  }
0x59: {  	v8 =	vshll.u32 v4, $0x4;
	v4 =	vshrl.u32 v4, $0x8  }
0x5a: {  	v9 =	vld [tilespmem:s18+$0xFFFFFFD0];
	v10 =	vshll.u32 v5, $0x4;
	v5 =	vshrl.u32 v5, $0x8;
	v17 =	vshrl.u32 v6, $0x8  }
0x5b: {  	v11 =	vld [tilespmem:s18+$0xFFFFFFE0];
	v14 =	vshll.u32 v12, $0x4;
	v19 =	vshrl.u32 v12, $0x8;
	vm2 =	veq.s32 v4, v3  }
0x5c: {  	v13 =	vld [tilespmem:s18+$0xFFFFFFF0];
	v4 =	vor.u32 v1, v8;
	v8 =	vshll.u32 v6, $0x4;
	v16 =	vor.u32 v1, v10  }
0x5d: {  	v6 =	vshrl.u32 v7, $0x8;
	vm1 =	veq.s32 v19, v3;
	vm0 =	veq.s32 v5, v3  }
0x5e: {  	v15 =	vand.u32 $0xFFF, v4;
	v4 =	vshll.u32 v7, $0x4;
	v18 =	vor.u32 v1, v8  }
0x5f: {  	v7 =	vshll.u32 v9, $0x4;
	v9 =	vshrl.u32 v9, $0x8;
	v8 =	vor.u32 v1, v4  }
0x60: {  	v4 =	vshll.u32 v11, $0x4;
	v10 =	vor.u32 v1, v7;
	v11 =	vshrl.u32 v11, $0x8  }
0x61: {  	v7 =	vshll.u32 v13, $0x4;
	v5 =	vand.u32 $0xFFF, v18;
	v12 =	vor.u32 v1, v4  }
0x62: {  	v4 =	vor.u32 v1, v14;
	v14 =	vshrl.u32 v13, $0x8;
	v13 =	vor.u32 v1, v7  }
0x63: {  	s19 =	simm.s32 $0x0;
	s20 =	simm.s32 $0x14F0;
	s18 =	simm.s32 $0x1170;
	v7 =	vand.u32 $0xFFF, v16;
	v4 =	vand.u32 $0xFFF, v4;
	[tilespmem:v15+s2+$0x0] =	vst.idx.add.s32.msk vm2, v2;
	vm2 =	veq.s32 v17, v3  }
.LBB2_8:
0x64: {  	v15 =	vld [tilespmem:s20+$0x0];
	s19 =	sadd.s32 $0x8, s19;
	vm6 =	veq.s32 v6, v3;
	v16 =	vand.u32 $0xFFF, v8;
	vm4 =	veq.s32 v9, v3  }
0x65: {  	v17 =	vand.u32 $0xFFF, v10;
	vm5 =	veq.s32 v11, v3;
	v18 =	vand.u32 $0xFFF, v12;
	v6 =	vld [tilespmem:s20+$0xFFFFFFA0];
	p0 =	slt.u32 s19, $0xB0  }
0x66: {  	vm3 =	veq.s32 v14, v3;
	v19 =	vand.u32 $0xFFF, v13;
	v8 =	vld [tilespmem:s20+$0xFFFFFFB0]  }
0x67: {  	v9 =	vld [tilespmem:s20+$0xFFFFFFC0]  }
0x68: {  	v10 =	vld [tilespmem:s20+$0xFFFFFFD0]  }
0x69: {  	v11 =	vld [tilespmem:s20+$0xFFFFFFE0];
	v12 =	vshll.u32 v15, $0x4;
	v13 =	vshrl.u32 v15, $0x8  }
0x6a: {  	v14 =	vshll.u32 v6, $0x4;
	v15 =	vld [tilespmem:s20+$0xFFFFFFF0];
	vm7 =	veq.s32 v13, v3;
	v12 =	vor.u32 v1, v12  }
0x6b: {  	v20 =	vshrl.u32 v6, $0x8;
	v13 =	vld [tilespmem:s20+$0xFFFFFF90];
	v6 =	vshll.u32 v8, $0x4;
	v21 =	vand.u32 $0xFFF, v12  }
0x6c: {  	v22 =	vor.u32 v1, v14;
	v23 =	vshrl.u32 v8, $0x8;
	v8 =	vshll.u32 v9, $0x4;
	[tilespmem:v4+s2+$0x0] =	vst.idx.add.s32.msk vm1, v2  }
0x6d: {  	v24 =	vor.u32 v1, v6;
	v6 =	vshrl.u32 v9, $0x8;
	v4 =	vshll.u32 v10, $0x4;
	[tilespmem:v7+s2+$0x0] =	vst.idx.add.s32.msk vm0, v2  }
0x6e: {  	v8 =	vor.u32 v1, v8;
	v9 =	vshrl.u32 v10, $0x8;
	v7 =	vshll.u32 v11, $0x4;
	[tilespmem:v5+s2+$0x0] =	vst.idx.add.s32.msk vm2, v2  }
.Ltmp2:
0x6f: {  	v10 =	vor.u32 v1, v4;
	v11 =	vshrl.u32 v11, $0x8;
	v4 =	vshll.u32 v15, $0x4;
	[tilespmem:v16+s2+$0x0] =	vst.idx.add.s32.msk vm6, v2;
	(pc) =	sbr.rel @p0 .LBB2_8-.Ltmp2, $4  }
0x70: {  	v12 =	vor.u32 v1, v7;
	v5 =	vshll.u32 v13, $0x4;
	v16 =	vshrl.u32 v13, $0x8;
	[tilespmem:v21+s2+$0x0] =	vst.idx.add.s32.msk vm7, v2  }
0x71: {  	v14 =	vshrl.u32 v15, $0x8;
	v13 =	vor.u32 v1, v4;
	v5 =	vor.u32 v1, v5;
	[tilespmem:v17+s2+$0x0] =	vst.idx.add.s32.msk vm4, v2  }
0x72: {  	vm0 =	veq.s32 v20, v3;
	vm1 =	veq.s32 v16, v3;
	v4 =	vand.u32 $0xFFF, v5;
	[tilespmem:v18+s2+$0x0] =	vst.idx.add.s32.msk vm5, v2  }
0x73: {  	s20 =	sadd.s32 $0x400, s20;
	vm2 =	veq.s32 v23, v3;
	v7 =	vand.u32 $0xFFF, v22;
	v5 =	vand.u32 $0xFFF, v24;
	[tilespmem:v19+s2+$0x0] =	vst.idx.add.s32.msk vm3, v2  }
0x74: {  	_ =	sdelay $0x1  }
0x75: {  	vm3 =	veq.s32 v6, v3  }
0x76: {  	v6 =	vand.u32 $0xFFF, v8;
	vm4 =	veq.s32 v9, v3  }
0x77: {  	v8 =	vand.u32 $0xFFF, v10;
	vm5 =	veq.s32 v11, v3  }
0x78: {  	v9 =	vand.u32 $0xFFF, v12;
	vm6 =	veq.s32 v14, v3;
	[tilespmem:v4+s2+$0x0] =	vst.idx.add.s32.msk vm1, v2  }
0x79: {  	v4 =	vand.u32 $0xFFF, v13;
	[tilespmem:v7+s2+$0x0] =	vst.idx.add.s32.msk vm0, v2  }
0x7a: {  	[tilespmem:v5+s2+$0x0] =	vst.idx.add.s32.msk vm2, v2  }
0x7b: {  	[tilespmem:v6+s2+$0x0] =	vst.idx.add.s32.msk vm3, v2  }
0x7c: {  	[tilespmem:v8+s2+$0x0] =	vst.idx.add.s32.msk vm4, v2  }
0x7d: {  	[tilespmem:v9+s2+$0x0] =	vst.idx.add.s32.msk vm5, v2  }
0x7e: {  	[tilespmem:v4+s2+$0x0] =	vst.idx.add.s32.msk vm6, v2  }
0x7f: {  	v4 =	vld [tilespmem:s18+$0x0]  }
0x80: {  	v5 =	vld [tilespmem:s18+$0xFFFFFFA0]  }
0x81: {  	v6 =	vld [tilespmem:s18+$0xFFFFFFB0]  }
0x82: {  	v12 =	vld [tilespmem:s18+$0xFFFFFF90];
	_ =	sdelay $0x1  }
0x83: {  	v7 =	vld [tilespmem:s18+$0xFFFFFFC0]  }
0x84: {  	v8 =	vshll.u32 v4, $0x4;
	v4 =	vshrl.u32 v4, $0x8  }
0x85: {  	v9 =	vld [tilespmem:s18+$0xFFFFFFD0];
	v10 =	vshll.u32 v5, $0x4;
	v5 =	vshrl.u32 v5, $0x8;
	v17 =	vshrl.u32 v6, $0x8  }
0x86: {  	v11 =	vld [tilespmem:s18+$0xFFFFFFE0];
	v14 =	vshll.u32 v12, $0x4;
	v19 =	vshrl.u32 v12, $0x8;
	vm2 =	veq.s32 v4, v3  }
0x87: {  	v13 =	vld [tilespmem:s18+$0xFFFFFFF0];
	v4 =	vor.u32 v1, v8;
	v8 =	vshll.u32 v6, $0x4;
	v16 =	vor.u32 v1, v10  }
0x88: {  	v6 =	vshrl.u32 v7, $0x8;
	vm1 =	veq.s32 v19, v3;
	vm0 =	veq.s32 v5, v3  }
0x89: {  	v15 =	vand.u32 $0xFFF, v4;
	v4 =	vshll.u32 v7, $0x4;
	v18 =	vor.u32 v1, v8  }
0x8a: {  	v7 =	vshll.u32 v9, $0x4;
	v9 =	vshrl.u32 v9, $0x8;
	v8 =	vor.u32 v1, v4  }
0x8b: {  	v4 =	vshll.u32 v11, $0x4;
	v10 =	vor.u32 v1, v7;
	v11 =	vshrl.u32 v11, $0x8  }
0x8c: {  	v7 =	vshll.u32 v13, $0x4;
	v5 =	vand.u32 $0xFFF, v18;
	v12 =	vor.u32 v1, v4  }
0x8d: {  	v4 =	vor.u32 v1, v14;
	v14 =	vshrl.u32 v13, $0x8;
	v13 =	vor.u32 v1, v7  }
0x8e: {  	s19 =	simm.s32 $0x0;
	s20 =	simm.s32 $0x1570;
	s18 =	simm.s32 $0x11F0;
	v7 =	vand.u32 $0xFFF, v16;
	v4 =	vand.u32 $0xFFF, v4;
	[tilespmem:v15+s2+$0x0] =	vst.idx.add.s32.msk vm2, v2;
	vm2 =	veq.s32 v17, v3  }
.LBB2_10:
0x8f: {  	v15 =	vld [tilespmem:s20+$0x0];
	s19 =	sadd.s32 $0x8, s19;
	vm6 =	veq.s32 v6, v3;
	v16 =	vand.u32 $0xFFF, v8;
	vm4 =	veq.s32 v9, v3  }
0x90: {  	v17 =	vand.u32 $0xFFF, v10;
	vm5 =	veq.s32 v11, v3;
	v18 =	vand.u32 $0xFFF, v12;
	v6 =	vld [tilespmem:s20+$0xFFFFFFA0];
	p0 =	slt.u32 s19, $0xB0  }
0x91: {  	vm3 =	veq.s32 v14, v3;
	v19 =	vand.u32 $0xFFF, v13;
	v8 =	vld [tilespmem:s20+$0xFFFFFFB0]  }
0x92: {  	v9 =	vld [tilespmem:s20+$0xFFFFFFC0]  }
0x93: {  	v10 =	vld [tilespmem:s20+$0xFFFFFFD0]  }
0x94: {  	v11 =	vld [tilespmem:s20+$0xFFFFFFE0];
	v12 =	vshll.u32 v15, $0x4;
	v13 =	vshrl.u32 v15, $0x8  }
0x95: {  	v14 =	vshll.u32 v6, $0x4;
	v15 =	vld [tilespmem:s20+$0xFFFFFFF0];
	vm7 =	veq.s32 v13, v3;
	v12 =	vor.u32 v1, v12  }
0x96: {  	v20 =	vshrl.u32 v6, $0x8;
	v13 =	vld [tilespmem:s20+$0xFFFFFF90];
	v6 =	vshll.u32 v8, $0x4;
	v21 =	vand.u32 $0xFFF, v12  }
0x97: {  	v22 =	vor.u32 v1, v14;
	v23 =	vshrl.u32 v8, $0x8;
	v8 =	vshll.u32 v9, $0x4;
	[tilespmem:v4+s2+$0x0] =	vst.idx.add.s32.msk vm1, v2  }
0x98: {  	v24 =	vor.u32 v1, v6;
	v6 =	vshrl.u32 v9, $0x8;
	v4 =	vshll.u32 v10, $0x4;
	[tilespmem:v7+s2+$0x0] =	vst.idx.add.s32.msk vm0, v2  }
0x99: {  	v8 =	vor.u32 v1, v8;
	v9 =	vshrl.u32 v10, $0x8;
	v7 =	vshll.u32 v11, $0x4;
	[tilespmem:v5+s2+$0x0] =	vst.idx.add.s32.msk vm2, v2  }
.Ltmp3:
0x9a: {  	v10 =	vor.u32 v1, v4;
	v11 =	vshrl.u32 v11, $0x8;
	v4 =	vshll.u32 v15, $0x4;
	[tilespmem:v16+s2+$0x0] =	vst.idx.add.s32.msk vm6, v2;
	(pc) =	sbr.rel @p0 .LBB2_10-.Ltmp3, $4  }
0x9b: {  	v12 =	vor.u32 v1, v7;
	v5 =	vshll.u32 v13, $0x4;
	v16 =	vshrl.u32 v13, $0x8;
	[tilespmem:v21+s2+$0x0] =	vst.idx.add.s32.msk vm7, v2  }
0x9c: {  	v14 =	vshrl.u32 v15, $0x8;
	v13 =	vor.u32 v1, v4;
	v5 =	vor.u32 v1, v5;
	[tilespmem:v17+s2+$0x0] =	vst.idx.add.s32.msk vm4, v2  }
0x9d: {  	vm0 =	veq.s32 v20, v3;
	vm1 =	veq.s32 v16, v3;
	v4 =	vand.u32 $0xFFF, v5;
	[tilespmem:v18+s2+$0x0] =	vst.idx.add.s32.msk vm5, v2  }
0x9e: {  	s20 =	sadd.s32 $0x400, s20;
	vm2 =	veq.s32 v23, v3;
	v7 =	vand.u32 $0xFFF, v22;
	v5 =	vand.u32 $0xFFF, v24;
	[tilespmem:v19+s2+$0x0] =	vst.idx.add.s32.msk vm3, v2  }
0x9f: {  	_ =	sdelay $0x1  }
0xa0: {  	vm3 =	veq.s32 v6, v3  }
0xa1: {  	v6 =	vand.u32 $0xFFF, v8;
	vm4 =	veq.s32 v9, v3  }
0xa2: {  	v8 =	vand.u32 $0xFFF, v10;
	vm5 =	veq.s32 v11, v3  }
0xa3: {  	v9 =	vand.u32 $0xFFF, v12;
	vm6 =	veq.s32 v14, v3;
	[tilespmem:v4+s2+$0x0] =	vst.idx.add.s32.msk vm1, v2  }
0xa4: {  	v4 =	vand.u32 $0xFFF, v13;
	[tilespmem:v7+s2+$0x0] =	vst.idx.add.s32.msk vm0, v2  }
0xa5: {  	[tilespmem:v5+s2+$0x0] =	vst.idx.add.s32.msk vm2, v2  }
0xa6: {  	[tilespmem:v6+s2+$0x0] =	vst.idx.add.s32.msk vm3, v2  }
0xa7: {  	[tilespmem:v8+s2+$0x0] =	vst.idx.add.s32.msk vm4, v2  }
0xa8: {  	[tilespmem:v9+s2+$0x0] =	vst.idx.add.s32.msk vm5, v2  }
0xa9: {  	[tilespmem:v4+s2+$0x0] =	vst.idx.add.s32.msk vm6, v2  }
0xaa: {  	v4 =	vld [tilespmem:s18+$0x0]  }
0xab: {  	v5 =	vld [tilespmem:s18+$0xFFFFFFA0]  }
0xac: {  	v6 =	vld [tilespmem:s18+$0xFFFFFFB0]  }
0xad: {  	v12 =	vld [tilespmem:s18+$0xFFFFFF90];
	_ =	sdelay $0x1  }
0xae: {  	v7 =	vld [tilespmem:s18+$0xFFFFFFC0]  }
0xaf: {  	v8 =	vshll.u32 v4, $0x4;
	v4 =	vshrl.u32 v4, $0x8  }
0xb0: {  	v9 =	vld [tilespmem:s18+$0xFFFFFFD0];
	v10 =	vshll.u32 v5, $0x4;
	v5 =	vshrl.u32 v5, $0x8;
	v17 =	vshrl.u32 v6, $0x8  }
0xb1: {  	v11 =	vld [tilespmem:s18+$0xFFFFFFE0];
	v14 =	vshll.u32 v12, $0x4;
	v19 =	vshrl.u32 v12, $0x8;
	vm2 =	veq.s32 v4, v3  }
0xb2: {  	v13 =	vld [tilespmem:s18+$0xFFFFFFF0];
	v4 =	vor.u32 v1, v8;
	v8 =	vshll.u32 v6, $0x4;
	v16 =	vor.u32 v1, v10  }
0xb3: {  	v6 =	vshrl.u32 v7, $0x8;
	vm1 =	veq.s32 v19, v3;
	vm0 =	veq.s32 v5, v3  }
0xb4: {  	v15 =	vand.u32 $0xFFF, v4;
	v4 =	vshll.u32 v7, $0x4;
	v18 =	vor.u32 v1, v8  }
0xb5: {  	v7 =	vshll.u32 v9, $0x4;
	v9 =	vshrl.u32 v9, $0x8;
	v8 =	vor.u32 v1, v4  }
0xb6: {  	v4 =	vshll.u32 v11, $0x4;
	v10 =	vor.u32 v1, v7;
	v11 =	vshrl.u32 v11, $0x8  }
0xb7: {  	v7 =	vshll.u32 v13, $0x4;
	v5 =	vand.u32 $0xFFF, v18;
	v12 =	vor.u32 v1, v4  }
0xb8: {  	v4 =	vor.u32 v1, v14;
	v14 =	vshrl.u32 v13, $0x8;
	v13 =	vor.u32 v1, v7  }
0xb9: {  	s19 =	simm.s32 $0x0;
	s20 =	simm.s32 $0x15F0;
	s18 =	simm.s32 $0x1270;
	v7 =	vand.u32 $0xFFF, v16;
	v4 =	vand.u32 $0xFFF, v4;
	[tilespmem:v15+s2+$0x0] =	vst.idx.add.s32.msk vm2, v2;
	vm2 =	veq.s32 v17, v3  }
.LBB2_12:
0xba: {  	v15 =	vld [tilespmem:s20+$0x0];
	s19 =	sadd.s32 $0x8, s19;
	vm6 =	veq.s32 v6, v3;
	v16 =	vand.u32 $0xFFF, v8;
	vm4 =	veq.s32 v9, v3  }
0xbb: {  	v17 =	vand.u32 $0xFFF, v10;
	vm5 =	veq.s32 v11, v3;
	v18 =	vand.u32 $0xFFF, v12;
	v6 =	vld [tilespmem:s20+$0xFFFFFFA0];
	p0 =	slt.u32 s19, $0xB0  }
0xbc: {  	vm3 =	veq.s32 v14, v3;
	v19 =	vand.u32 $0xFFF, v13;
	v8 =	vld [tilespmem:s20+$0xFFFFFFB0]  }
0xbd: {  	v9 =	vld [tilespmem:s20+$0xFFFFFFC0]  }
0xbe: {  	v10 =	vld [tilespmem:s20+$0xFFFFFFD0]  }
0xbf: {  	v11 =	vld [tilespmem:s20+$0xFFFFFFE0];
	v12 =	vshll.u32 v15, $0x4;
	v13 =	vshrl.u32 v15, $0x8  }
0xc0: {  	v14 =	vshll.u32 v6, $0x4;
	v15 =	vld [tilespmem:s20+$0xFFFFFFF0];
	vm7 =	veq.s32 v13, v3;
	v12 =	vor.u32 v1, v12  }
0xc1: {  	v20 =	vshrl.u32 v6, $0x8;
	v13 =	vld [tilespmem:s20+$0xFFFFFF90];
	v6 =	vshll.u32 v8, $0x4;
	v21 =	vand.u32 $0xFFF, v12  }
0xc2: {  	v22 =	vor.u32 v1, v14;
	v23 =	vshrl.u32 v8, $0x8;
	v8 =	vshll.u32 v9, $0x4;
	[tilespmem:v4+s2+$0x0] =	vst.idx.add.s32.msk vm1, v2  }
0xc3: {  	v24 =	vor.u32 v1, v6;
	v6 =	vshrl.u32 v9, $0x8;
	v4 =	vshll.u32 v10, $0x4;
	[tilespmem:v7+s2+$0x0] =	vst.idx.add.s32.msk vm0, v2  }
0xc4: {  	v8 =	vor.u32 v1, v8;
	v9 =	vshrl.u32 v10, $0x8;
	v7 =	vshll.u32 v11, $0x4;
	[tilespmem:v5+s2+$0x0] =	vst.idx.add.s32.msk vm2, v2  }
.Ltmp4:
0xc5: {  	v10 =	vor.u32 v1, v4;
	v11 =	vshrl.u32 v11, $0x8;
	v4 =	vshll.u32 v15, $0x4;
	[tilespmem:v16+s2+$0x0] =	vst.idx.add.s32.msk vm6, v2;
	(pc) =	sbr.rel @p0 .LBB2_12-.Ltmp4, $4  }
0xc6: {  	v12 =	vor.u32 v1, v7;
	v5 =	vshll.u32 v13, $0x4;
	v16 =	vshrl.u32 v13, $0x8;
	[tilespmem:v21+s2+$0x0] =	vst.idx.add.s32.msk vm7, v2  }
0xc7: {  	v14 =	vshrl.u32 v15, $0x8;
	v13 =	vor.u32 v1, v4;
	v5 =	vor.u32 v1, v5;
	[tilespmem:v17+s2+$0x0] =	vst.idx.add.s32.msk vm4, v2  }
0xc8: {  	vm0 =	veq.s32 v20, v3;
	vm1 =	veq.s32 v16, v3;
	v4 =	vand.u32 $0xFFF, v5;
	[tilespmem:v18+s2+$0x0] =	vst.idx.add.s32.msk vm5, v2  }
0xc9: {  	s20 =	sadd.s32 $0x400, s20;
	vm2 =	veq.s32 v23, v3;
	v7 =	vand.u32 $0xFFF, v22;
	v5 =	vand.u32 $0xFFF, v24;
	[tilespmem:v19+s2+$0x0] =	vst.idx.add.s32.msk vm3, v2  }
0xca: {  	_ =	sdelay $0x1  }
0xcb: {  	vm3 =	veq.s32 v6, v3  }
0xcc: {  	v6 =	vand.u32 $0xFFF, v8;
	vm4 =	veq.s32 v9, v3  }
0xcd: {  	v8 =	vand.u32 $0xFFF, v10;
	vm5 =	veq.s32 v11, v3  }
0xce: {  	v9 =	vand.u32 $0xFFF, v12;
	vm6 =	veq.s32 v14, v3;
	[tilespmem:v4+s2+$0x0] =	vst.idx.add.s32.msk vm1, v2  }
0xcf: {  	v4 =	vand.u32 $0xFFF, v13;
	[tilespmem:v7+s2+$0x0] =	vst.idx.add.s32.msk vm0, v2  }
0xd0: {  	[tilespmem:v5+s2+$0x0] =	vst.idx.add.s32.msk vm2, v2  }
0xd1: {  	[tilespmem:v6+s2+$0x0] =	vst.idx.add.s32.msk vm3, v2  }
0xd2: {  	[tilespmem:v8+s2+$0x0] =	vst.idx.add.s32.msk vm4, v2  }
0xd3: {  	[tilespmem:v9+s2+$0x0] =	vst.idx.add.s32.msk vm5, v2  }
0xd4: {  	[tilespmem:v4+s2+$0x0] =	vst.idx.add.s32.msk vm6, v2  }
0xd5: {  	v4 =	vld [tilespmem:s18+$0x0]  }
0xd6: {  	v5 =	vld [tilespmem:s18+$0xFFFFFFA0]  }
0xd7: {  	v6 =	vld [tilespmem:s18+$0xFFFFFFB0]  }
0xd8: {  	v12 =	vld [tilespmem:s18+$0xFFFFFF90];
	_ =	sdelay $0x1  }
0xd9: {  	v7 =	vld [tilespmem:s18+$0xFFFFFFC0]  }
0xda: {  	v8 =	vshll.u32 v4, $0x4;
	v4 =	vshrl.u32 v4, $0x8  }
0xdb: {  	v9 =	vld [tilespmem:s18+$0xFFFFFFD0];
	v10 =	vshll.u32 v5, $0x4;
	v5 =	vshrl.u32 v5, $0x8;
	v17 =	vshrl.u32 v6, $0x8  }
0xdc: {  	v11 =	vld [tilespmem:s18+$0xFFFFFFE0];
	v14 =	vshll.u32 v12, $0x4;
	v19 =	vshrl.u32 v12, $0x8;
	vm2 =	veq.s32 v4, v3  }
0xdd: {  	v13 =	vld [tilespmem:s18+$0xFFFFFFF0];
	v4 =	vor.u32 v1, v8;
	v8 =	vshll.u32 v6, $0x4;
	v16 =	vor.u32 v1, v10  }
0xde: {  	v6 =	vshrl.u32 v7, $0x8;
	vm1 =	veq.s32 v19, v3;
	vm0 =	veq.s32 v5, v3  }
0xdf: {  	v15 =	vand.u32 $0xFFF, v4;
	v4 =	vshll.u32 v7, $0x4;
	v18 =	vor.u32 v1, v8  }
0xe0: {  	v7 =	vshll.u32 v9, $0x4;
	v9 =	vshrl.u32 v9, $0x8;
	v8 =	vor.u32 v1, v4  }
0xe1: {  	v4 =	vshll.u32 v11, $0x4;
	v10 =	vor.u32 v1, v7;
	v11 =	vshrl.u32 v11, $0x8  }
0xe2: {  	v7 =	vshll.u32 v13, $0x4;
	v5 =	vand.u32 $0xFFF, v18;
	v12 =	vor.u32 v1, v4  }
0xe3: {  	v4 =	vor.u32 v1, v14;
	v14 =	vshrl.u32 v13, $0x8;
	v13 =	vor.u32 v1, v7  }
0xe4: {  	s19 =	simm.s32 $0x0;
	s20 =	simm.s32 $0x1670;
	s18 =	simm.s32 $0x12F0;
	v7 =	vand.u32 $0xFFF, v16;
	v4 =	vand.u32 $0xFFF, v4;
	[tilespmem:v15+s2+$0x0] =	vst.idx.add.s32.msk vm2, v2;
	vm2 =	veq.s32 v17, v3  }
.LBB2_14:
0xe5: {  	v15 =	vld [tilespmem:s20+$0x0];
	s19 =	sadd.s32 $0x8, s19;
	vm6 =	veq.s32 v6, v3;
	v16 =	vand.u32 $0xFFF, v8;
	vm4 =	veq.s32 v9, v3  }
0xe6: {  	v17 =	vand.u32 $0xFFF, v10;
	vm5 =	veq.s32 v11, v3;
	v18 =	vand.u32 $0xFFF, v12;
	v6 =	vld [tilespmem:s20+$0xFFFFFFA0];
	p0 =	slt.u32 s19, $0xB0  }
0xe7: {  	vm3 =	veq.s32 v14, v3;
	v19 =	vand.u32 $0xFFF, v13;
	v8 =	vld [tilespmem:s20+$0xFFFFFFB0]  }
0xe8: {  	v9 =	vld [tilespmem:s20+$0xFFFFFFC0]  }
0xe9: {  	v10 =	vld [tilespmem:s20+$0xFFFFFFD0]  }
0xea: {  	v11 =	vld [tilespmem:s20+$0xFFFFFFE0];
	v12 =	vshll.u32 v15, $0x4;
	v13 =	vshrl.u32 v15, $0x8  }
0xeb: {  	v14 =	vshll.u32 v6, $0x4;
	v15 =	vld [tilespmem:s20+$0xFFFFFFF0];
	vm7 =	veq.s32 v13, v3;
	v12 =	vor.u32 v1, v12  }
0xec: {  	v20 =	vshrl.u32 v6, $0x8;
	v13 =	vld [tilespmem:s20+$0xFFFFFF90];
	v6 =	vshll.u32 v8, $0x4;
	v21 =	vand.u32 $0xFFF, v12  }
0xed: {  	v22 =	vor.u32 v1, v14;
	v23 =	vshrl.u32 v8, $0x8;
	v8 =	vshll.u32 v9, $0x4;
	[tilespmem:v4+s2+$0x0] =	vst.idx.add.s32.msk vm1, v2  }
0xee: {  	v24 =	vor.u32 v1, v6;
	v6 =	vshrl.u32 v9, $0x8;
	v4 =	vshll.u32 v10, $0x4;
	[tilespmem:v7+s2+$0x0] =	vst.idx.add.s32.msk vm0, v2  }
0xef: {  	v8 =	vor.u32 v1, v8;
	v9 =	vshrl.u32 v10, $0x8;
	v7 =	vshll.u32 v11, $0x4;
	[tilespmem:v5+s2+$0x0] =	vst.idx.add.s32.msk vm2, v2  }
.Ltmp5:
0xf0: {  	v10 =	vor.u32 v1, v4;
	v11 =	vshrl.u32 v11, $0x8;
	v4 =	vshll.u32 v15, $0x4;
	[tilespmem:v16+s2+$0x0] =	vst.idx.add.s32.msk vm6, v2;
	(pc) =	sbr.rel @p0 .LBB2_14-.Ltmp5, $4  }
0xf1: {  	v12 =	vor.u32 v1, v7;
	v5 =	vshll.u32 v13, $0x4;
	v16 =	vshrl.u32 v13, $0x8;
	[tilespmem:v21+s2+$0x0] =	vst.idx.add.s32.msk vm7, v2  }
0xf2: {  	v14 =	vshrl.u32 v15, $0x8;
	v13 =	vor.u32 v1, v4;
	v5 =	vor.u32 v1, v5;
	[tilespmem:v17+s2+$0x0] =	vst.idx.add.s32.msk vm4, v2  }
0xf3: {  	vm0 =	veq.s32 v20, v3;
	vm1 =	veq.s32 v16, v3;
	v4 =	vand.u32 $0xFFF, v5;
	[tilespmem:v18+s2+$0x0] =	vst.idx.add.s32.msk vm5, v2  }
0xf4: {  	s20 =	sadd.s32 $0x400, s20;
	vm2 =	veq.s32 v23, v3;
	v7 =	vand.u32 $0xFFF, v22;
	v5 =	vand.u32 $0xFFF, v24;
	[tilespmem:v19+s2+$0x0] =	vst.idx.add.s32.msk vm3, v2  }
0xf5: {  	_ =	sdelay $0x1  }
0xf6: {  	vm3 =	veq.s32 v6, v3  }
0xf7: {  	v6 =	vand.u32 $0xFFF, v8;
	vm4 =	veq.s32 v9, v3  }
0xf8: {  	v8 =	vand.u32 $0xFFF, v10;
	vm5 =	veq.s32 v11, v3  }
0xf9: {  	v9 =	vand.u32 $0xFFF, v12;
	vm6 =	veq.s32 v14, v3;
	[tilespmem:v4+s2+$0x0] =	vst.idx.add.s32.msk vm1, v2  }
0xfa: {  	v4 =	vand.u32 $0xFFF, v13;
	[tilespmem:v7+s2+$0x0] =	vst.idx.add.s32.msk vm0, v2  }
0xfb: {  	[tilespmem:v5+s2+$0x0] =	vst.idx.add.s32.msk vm2, v2  }
0xfc: {  	[tilespmem:v6+s2+$0x0] =	vst.idx.add.s32.msk vm3, v2  }
0xfd: {  	[tilespmem:v8+s2+$0x0] =	vst.idx.add.s32.msk vm4, v2  }
0xfe: {  	[tilespmem:v9+s2+$0x0] =	vst.idx.add.s32.msk vm5, v2  }
0xff: {  	[tilespmem:v4+s2+$0x0] =	vst.idx.add.s32.msk vm6, v2  }
0x100: {  	v4 =	vld [tilespmem:s18+$0x0]  }
0x101: {  	v5 =	vld [tilespmem:s18+$0xFFFFFFA0]  }
0x102: {  	v6 =	vld [tilespmem:s18+$0xFFFFFFB0]  }
0x103: {  	v12 =	vld [tilespmem:s18+$0xFFFFFF90];
	_ =	sdelay $0x1  }
0x104: {  	v7 =	vld [tilespmem:s18+$0xFFFFFFC0]  }
0x105: {  	v8 =	vshll.u32 v4, $0x4;
	v4 =	vshrl.u32 v4, $0x8  }
0x106: {  	v9 =	vld [tilespmem:s18+$0xFFFFFFD0];
	v10 =	vshll.u32 v5, $0x4;
	v5 =	vshrl.u32 v5, $0x8;
	v17 =	vshrl.u32 v6, $0x8  }
0x107: {  	v11 =	vld [tilespmem:s18+$0xFFFFFFE0];
	v14 =	vshll.u32 v12, $0x4;
	v19 =	vshrl.u32 v12, $0x8;
	vm2 =	veq.s32 v4, v3  }
0x108: {  	v13 =	vld [tilespmem:s18+$0xFFFFFFF0];
	v4 =	vor.u32 v1, v8;
	v8 =	vshll.u32 v6, $0x4;
	v16 =	vor.u32 v1, v10  }
0x109: {  	v6 =	vshrl.u32 v7, $0x8;
	vm1 =	veq.s32 v19, v3;
	vm0 =	veq.s32 v5, v3  }
0x10a: {  	v15 =	vand.u32 $0xFFF, v4;
	v4 =	vshll.u32 v7, $0x4;
	v18 =	vor.u32 v1, v8  }
0x10b: {  	v7 =	vshll.u32 v9, $0x4;
	v9 =	vshrl.u32 v9, $0x8;
	v8 =	vor.u32 v1, v4  }
0x10c: {  	v4 =	vshll.u32 v11, $0x4;
	v10 =	vor.u32 v1, v7;
	v11 =	vshrl.u32 v11, $0x8  }
0x10d: {  	v7 =	vshll.u32 v13, $0x4;
	v5 =	vand.u32 $0xFFF, v18;
	v12 =	vor.u32 v1, v4  }
0x10e: {  	v4 =	vor.u32 v1, v14;
	v14 =	vshrl.u32 v13, $0x8;
	v13 =	vor.u32 v1, v7  }
0x10f: {  	s19 =	simm.s32 $0x0;
	s20 =	simm.s32 $0x16F0;
	s18 =	simm.s32 $0x1370;
	v7 =	vand.u32 $0xFFF, v16;
	v4 =	vand.u32 $0xFFF, v4;
	[tilespmem:v15+s2+$0x0] =	vst.idx.add.s32.msk vm2, v2;
	vm2 =	veq.s32 v17, v3  }
.LBB2_16:
0x110: {  	v15 =	vld [tilespmem:s20+$0x0];
	s19 =	sadd.s32 $0x8, s19;
	vm6 =	veq.s32 v6, v3;
	v16 =	vand.u32 $0xFFF, v8;
	vm4 =	veq.s32 v9, v3  }
0x111: {  	v17 =	vand.u32 $0xFFF, v10;
	vm5 =	veq.s32 v11, v3;
	v18 =	vand.u32 $0xFFF, v12;
	v6 =	vld [tilespmem:s20+$0xFFFFFFA0];
	p0 =	slt.u32 s19, $0xB0  }
0x112: {  	vm3 =	veq.s32 v14, v3;
	v19 =	vand.u32 $0xFFF, v13;
	v8 =	vld [tilespmem:s20+$0xFFFFFFB0]  }
0x113: {  	v9 =	vld [tilespmem:s20+$0xFFFFFFC0]  }
0x114: {  	v10 =	vld [tilespmem:s20+$0xFFFFFFD0]  }
0x115: {  	v11 =	vld [tilespmem:s20+$0xFFFFFFE0];
	v12 =	vshll.u32 v15, $0x4;
	v13 =	vshrl.u32 v15, $0x8  }
0x116: {  	v14 =	vshll.u32 v6, $0x4;
	v15 =	vld [tilespmem:s20+$0xFFFFFFF0];
	vm7 =	veq.s32 v13, v3;
	v12 =	vor.u32 v1, v12  }
0x117: {  	v20 =	vshrl.u32 v6, $0x8;
	v13 =	vld [tilespmem:s20+$0xFFFFFF90];
	v6 =	vshll.u32 v8, $0x4;
	v21 =	vand.u32 $0xFFF, v12  }
0x118: {  	v22 =	vor.u32 v1, v14;
	v23 =	vshrl.u32 v8, $0x8;
	v8 =	vshll.u32 v9, $0x4;
	[tilespmem:v4+s2+$0x0] =	vst.idx.add.s32.msk vm1, v2  }
0x119: {  	v24 =	vor.u32 v1, v6;
	v6 =	vshrl.u32 v9, $0x8;
	v4 =	vshll.u32 v10, $0x4;
	[tilespmem:v7+s2+$0x0] =	vst.idx.add.s32.msk vm0, v2  }
0x11a: {  	v8 =	vor.u32 v1, v8;
	v9 =	vshrl.u32 v10, $0x8;
	v7 =	vshll.u32 v11, $0x4;
	[tilespmem:v5+s2+$0x0] =	vst.idx.add.s32.msk vm2, v2  }
.Ltmp6:
0x11b: {  	v10 =	vor.u32 v1, v4;
	v11 =	vshrl.u32 v11, $0x8;
	v4 =	vshll.u32 v15, $0x4;
	[tilespmem:v16+s2+$0x0] =	vst.idx.add.s32.msk vm6, v2;
	(pc) =	sbr.rel @p0 .LBB2_16-.Ltmp6, $4  }
0x11c: {  	v12 =	vor.u32 v1, v7;
	v5 =	vshll.u32 v13, $0x4;
	v16 =	vshrl.u32 v13, $0x8;
	[tilespmem:v21+s2+$0x0] =	vst.idx.add.s32.msk vm7, v2  }
0x11d: {  	v14 =	vshrl.u32 v15, $0x8;
	v13 =	vor.u32 v1, v4;
	v5 =	vor.u32 v1, v5;
	[tilespmem:v17+s2+$0x0] =	vst.idx.add.s32.msk vm4, v2  }
0x11e: {  	vm0 =	veq.s32 v20, v3;
	vm1 =	veq.s32 v16, v3;
	v4 =	vand.u32 $0xFFF, v5;
	[tilespmem:v18+s2+$0x0] =	vst.idx.add.s32.msk vm5, v2  }
0x11f: {  	s20 =	sadd.s32 $0x400, s20;
	vm2 =	veq.s32 v23, v3;
	v7 =	vand.u32 $0xFFF, v22;
	v5 =	vand.u32 $0xFFF, v24;
	[tilespmem:v19+s2+$0x0] =	vst.idx.add.s32.msk vm3, v2  }
0x120: {  	_ =	sdelay $0x1  }
0x121: {  	vm3 =	veq.s32 v6, v3  }
0x122: {  	v6 =	vand.u32 $0xFFF, v8;
	vm4 =	veq.s32 v9, v3  }
0x123: {  	v8 =	vand.u32 $0xFFF, v10;
	vm5 =	veq.s32 v11, v3  }
0x124: {  	v9 =	vand.u32 $0xFFF, v12;
	vm6 =	veq.s32 v14, v3;
	[tilespmem:v4+s2+$0x0] =	vst.idx.add.s32.msk vm1, v2  }
0x125: {  	v4 =	vand.u32 $0xFFF, v13;
	[tilespmem:v7+s2+$0x0] =	vst.idx.add.s32.msk vm0, v2  }
0x126: {  	[tilespmem:v5+s2+$0x0] =	vst.idx.add.s32.msk vm2, v2  }
0x127: {  	[tilespmem:v6+s2+$0x0] =	vst.idx.add.s32.msk vm3, v2  }
0x128: {  	[tilespmem:v8+s2+$0x0] =	vst.idx.add.s32.msk vm4, v2  }
0x129: {  	[tilespmem:v9+s2+$0x0] =	vst.idx.add.s32.msk vm5, v2  }
0x12a: {  	[tilespmem:v4+s2+$0x0] =	vst.idx.add.s32.msk vm6, v2  }
0x12b: {  	v4 =	vld [tilespmem:s18+$0x0]  }
0x12c: {  	v5 =	vld [tilespmem:s18+$0xFFFFFFA0]  }
0x12d: {  	v6 =	vld [tilespmem:s18+$0xFFFFFFB0]  }
0x12e: {  	v12 =	vld [tilespmem:s18+$0xFFFFFF90];
	_ =	sdelay $0x1  }
0x12f: {  	v7 =	vld [tilespmem:s18+$0xFFFFFFC0]  }
0x130: {  	v8 =	vshll.u32 v4, $0x4;
	v4 =	vshrl.u32 v4, $0x8  }
0x131: {  	v9 =	vld [tilespmem:s18+$0xFFFFFFD0];
	v10 =	vshll.u32 v5, $0x4;
	v5 =	vshrl.u32 v5, $0x8;
	v17 =	vshrl.u32 v6, $0x8  }
0x132: {  	v11 =	vld [tilespmem:s18+$0xFFFFFFE0];
	v14 =	vshll.u32 v12, $0x4;
	v19 =	vshrl.u32 v12, $0x8;
	vm2 =	veq.s32 v4, v3  }
0x133: {  	v13 =	vld [tilespmem:s18+$0xFFFFFFF0];
	v4 =	vor.u32 v1, v8;
	v8 =	vshll.u32 v6, $0x4;
	v16 =	vor.u32 v1, v10  }
0x134: {  	v6 =	vshrl.u32 v7, $0x8;
	vm1 =	veq.s32 v19, v3;
	vm0 =	veq.s32 v5, v3  }
0x135: {  	v15 =	vand.u32 $0xFFF, v4;
	v4 =	vshll.u32 v7, $0x4;
	v18 =	vor.u32 v1, v8  }
0x136: {  	v7 =	vshll.u32 v9, $0x4;
	v9 =	vshrl.u32 v9, $0x8;
	v8 =	vor.u32 v1, v4  }
0x137: {  	v4 =	vshll.u32 v11, $0x4;
	v10 =	vor.u32 v1, v7;
	v11 =	vshrl.u32 v11, $0x8  }
0x138: {  	v7 =	vshll.u32 v13, $0x4;
	v5 =	vand.u32 $0xFFF, v18;
	v12 =	vor.u32 v1, v4  }
0x139: {  	v4 =	vor.u32 v1, v14;
	v14 =	vshrl.u32 v13, $0x8;
	v13 =	vor.u32 v1, v7  }
0x13a: {  	s19 =	simm.s32 $0x0;
	s20 =	simm.s32 $0x1770;
	s18 =	simm.s32 $0x13F0;
	v7 =	vand.u32 $0xFFF, v16;
	v4 =	vand.u32 $0xFFF, v4;
	[tilespmem:v15+s2+$0x0] =	vst.idx.add.s32.msk vm2, v2;
	vm2 =	veq.s32 v17, v3  }
.LBB2_18:
0x13b: {  	v15 =	vld [tilespmem:s20+$0x0];
	s19 =	sadd.s32 $0x8, s19;
	vm6 =	veq.s32 v6, v3;
	v16 =	vand.u32 $0xFFF, v8;
	vm4 =	veq.s32 v9, v3  }
0x13c: {  	v17 =	vand.u32 $0xFFF, v10;
	vm5 =	veq.s32 v11, v3;
	v18 =	vand.u32 $0xFFF, v12;
	v6 =	vld [tilespmem:s20+$0xFFFFFFA0];
	p0 =	slt.u32 s19, $0xB0  }
0x13d: {  	vm3 =	veq.s32 v14, v3;
	v19 =	vand.u32 $0xFFF, v13;
	v8 =	vld [tilespmem:s20+$0xFFFFFFB0]  }
0x13e: {  	v9 =	vld [tilespmem:s20+$0xFFFFFFC0]  }
0x13f: {  	v10 =	vld [tilespmem:s20+$0xFFFFFFD0]  }
0x140: {  	v11 =	vld [tilespmem:s20+$0xFFFFFFE0];
	v12 =	vshll.u32 v15, $0x4;
	v13 =	vshrl.u32 v15, $0x8  }
0x141: {  	v14 =	vshll.u32 v6, $0x4;
	v15 =	vld [tilespmem:s20+$0xFFFFFFF0];
	vm7 =	veq.s32 v13, v3;
	v12 =	vor.u32 v1, v12  }
0x142: {  	v20 =	vshrl.u32 v6, $0x8;
	v13 =	vld [tilespmem:s20+$0xFFFFFF90];
	v6 =	vshll.u32 v8, $0x4;
	v21 =	vand.u32 $0xFFF, v12  }
0x143: {  	v22 =	vor.u32 v1, v14;
	v23 =	vshrl.u32 v8, $0x8;
	v8 =	vshll.u32 v9, $0x4;
	[tilespmem:v4+s2+$0x0] =	vst.idx.add.s32.msk vm1, v2  }
0x144: {  	v24 =	vor.u32 v1, v6;
	v6 =	vshrl.u32 v9, $0x8;
	v4 =	vshll.u32 v10, $0x4;
	[tilespmem:v7+s2+$0x0] =	vst.idx.add.s32.msk vm0, v2  }
0x145: {  	v8 =	vor.u32 v1, v8;
	v9 =	vshrl.u32 v10, $0x8;
	v7 =	vshll.u32 v11, $0x4;
	[tilespmem:v5+s2+$0x0] =	vst.idx.add.s32.msk vm2, v2  }
.Ltmp7:
0x146: {  	v10 =	vor.u32 v1, v4;
	v11 =	vshrl.u32 v11, $0x8;
	v4 =	vshll.u32 v15, $0x4;
	[tilespmem:v16+s2+$0x0] =	vst.idx.add.s32.msk vm6, v2;
	(pc) =	sbr.rel @p0 .LBB2_18-.Ltmp7, $4  }
0x147: {  	v12 =	vor.u32 v1, v7;
	v5 =	vshll.u32 v13, $0x4;
	v16 =	vshrl.u32 v13, $0x8;
	[tilespmem:v21+s2+$0x0] =	vst.idx.add.s32.msk vm7, v2  }
0x148: {  	v14 =	vshrl.u32 v15, $0x8;
	v13 =	vor.u32 v1, v4;
	v5 =	vor.u32 v1, v5;
	[tilespmem:v17+s2+$0x0] =	vst.idx.add.s32.msk vm4, v2  }
0x149: {  	vm0 =	veq.s32 v20, v3;
	vm1 =	veq.s32 v16, v3;
	v4 =	vand.u32 $0xFFF, v5;
	[tilespmem:v18+s2+$0x0] =	vst.idx.add.s32.msk vm5, v2  }
0x14a: {  	s20 =	sadd.s32 $0x400, s20;
	vm2 =	veq.s32 v23, v3;
	v7 =	vand.u32 $0xFFF, v22;
	v5 =	vand.u32 $0xFFF, v24;
	[tilespmem:v19+s2+$0x0] =	vst.idx.add.s32.msk vm3, v2  }
0x14b: {  	_ =	sdelay $0x1  }
0x14c: {  	vm3 =	veq.s32 v6, v3  }
0x14d: {  	v6 =	vand.u32 $0xFFF, v8;
	vm4 =	veq.s32 v9, v3  }
0x14e: {  	v8 =	vand.u32 $0xFFF, v10;
	vm5 =	veq.s32 v11, v3  }
0x14f: {  	v9 =	vand.u32 $0xFFF, v12;
	vm6 =	veq.s32 v14, v3;
	[tilespmem:v4+s2+$0x0] =	vst.idx.add.s32.msk vm1, v2  }
0x150: {  	v4 =	vand.u32 $0xFFF, v13;
	[tilespmem:v7+s2+$0x0] =	vst.idx.add.s32.msk vm0, v2  }
0x151: {  	[tilespmem:v5+s2+$0x0] =	vst.idx.add.s32.msk vm2, v2  }
0x152: {  	[tilespmem:v6+s2+$0x0] =	vst.idx.add.s32.msk vm3, v2  }
0x153: {  	[tilespmem:v8+s2+$0x0] =	vst.idx.add.s32.msk vm4, v2  }
0x154: {  	[tilespmem:v9+s2+$0x0] =	vst.idx.add.s32.msk vm5, v2  }
0x155: {  	[tilespmem:v4+s2+$0x0] =	vst.idx.add.s32.msk vm6, v2  }
0x156: {  	v4 =	vld [tilespmem:s18+$0x0]  }
0x157: {  	v5 =	vld [tilespmem:s18+$0xFFFFFFA0]  }
0x158: {  	v6 =	vld [tilespmem:s18+$0xFFFFFFB0]  }
0x159: {  	v7 =	vld [tilespmem:s18+$0xFFFFFFC0]  }
0x15a: {  	v12 =	vld [tilespmem:s18+$0xFFFFFF90];
	_ =	sdelay $0x1  }
0x15b: {  	v9 =	vld [tilespmem:s18+$0xFFFFFFD0];
	v8 =	vshll.u32 v4, $0x4;
	v4 =	vshrl.u32 v4, $0x8  }
0x15c: {  	v11 =	vld [tilespmem:s18+$0xFFFFFFE0];
	v10 =	vshll.u32 v5, $0x4;
	v15 =	vshrl.u32 v5, $0x8;
	v5 =	vshll.u32 v6, $0x4  }
0x15d: {  	v17 =	vshrl.u32 v6, $0x8;
	v6 =	vshll.u32 v7, $0x4;
	v7 =	vshrl.u32 v7, $0x8  }
0x15e: {  	v13 =	vld [tilespmem:s18+$0xFFFFFFF0];
	v14 =	vshll.u32 v12, $0x4;
	v19 =	vshrl.u32 v12, $0x8;
	vm1 =	veq.s32 v4, v3  }
0x15f: {  	v4 =	vor.u32 v1, v8;
	v16 =	vor.u32 v1, v10;
	v18 =	vor.u32 v1, v5  }
0x160: {  	v5 =	vshll.u32 v9, $0x4;
	v8 =	vor.u32 v1, v6;
	v4 =	vand.u32 $0xFFF, v4  }
0x161: {  	v9 =	vshrl.u32 v9, $0x8;
	v6 =	vshll.u32 v11, $0x4;
	v11 =	vshrl.u32 v11, $0x8  }
0x162: {  	vm2 =	veq.s32 v19, v3;
	vm0 =	veq.s32 v15, v3;
	v10 =	vor.u32 v1, v5  }
0x163: {  	v5 =	vshll.u32 v13, $0x4;
	v12 =	vor.u32 v1, v6;
	v6 =	vor.u32 v1, v14  }
0x164: {  	v14 =	vshrl.u32 v13, $0x8;
	v13 =	vor.u32 v1, v5;
	v5 =	vand.u32 $0xFFF, v6  }
0x165: {  	s19 =	simm.s32 $0x17F0;
	s18 =	simm.s32 $0x0;
	v6 =	vand.u32 $0xFFF, v16;
	[tilespmem:v4+s2+$0x0] =	vst.idx.add.s32.msk vm1, v2;
	vm1 =	veq.s32 v17, v3;
	v4 =	vand.u32 $0xFFF, v18  }
.LBB2_20:
0x166: {  	v15 =	vld [tilespmem:s19+$0x0];
	s18 =	sadd.s32 $0x8, s18;
	vm6 =	veq.s32 v7, v3;
	v16 =	vand.u32 $0xFFF, v8;
	vm4 =	veq.s32 v9, v3  }
0x167: {  	v17 =	vand.u32 $0xFFF, v10;
	vm5 =	veq.s32 v11, v3;
	v18 =	vand.u32 $0xFFF, v12;
	v7 =	vld [tilespmem:s19+$0xFFFFFFA0];
	p0 =	slt.u32 s18, $0xB0  }
0x168: {  	vm3 =	veq.s32 v14, v3;
	v19 =	vand.u32 $0xFFF, v13;
	v8 =	vld [tilespmem:s19+$0xFFFFFFB0]  }
0x169: {  	v9 =	vld [tilespmem:s19+$0xFFFFFFC0]  }
0x16a: {  	v10 =	vld [tilespmem:s19+$0xFFFFFFD0]  }
0x16b: {  	v11 =	vld [tilespmem:s19+$0xFFFFFFE0];
	v12 =	vshll.u32 v15, $0x4;
	v13 =	vshrl.u32 v15, $0x8  }
0x16c: {  	v14 =	vshll.u32 v7, $0x4;
	v15 =	vld [tilespmem:s19+$0xFFFFFFF0];
	vm7 =	veq.s32 v13, v3;
	v12 =	vor.u32 v1, v12  }
0x16d: {  	v20 =	vshrl.u32 v7, $0x8;
	v13 =	vld [tilespmem:s19+$0xFFFFFF90];
	v7 =	vshll.u32 v8, $0x4;
	v21 =	vand.u32 $0xFFF, v12  }
0x16e: {  	v22 =	vor.u32 v1, v14;
	v23 =	vshrl.u32 v8, $0x8;
	v8 =	vshll.u32 v9, $0x4;
	[tilespmem:v5+s2+$0x0] =	vst.idx.add.s32.msk vm2, v2  }
0x16f: {  	v24 =	vor.u32 v1, v7;
	v7 =	vshrl.u32 v9, $0x8;
	v5 =	vshll.u32 v10, $0x4;
	[tilespmem:v6+s2+$0x0] =	vst.idx.add.s32.msk vm0, v2  }
0x170: {  	v8 =	vor.u32 v1, v8;
	v9 =	vshrl.u32 v10, $0x8;
	v6 =	vshll.u32 v11, $0x4;
	[tilespmem:v4+s2+$0x0] =	vst.idx.add.s32.msk vm1, v2  }
.Ltmp8:
0x171: {  	v10 =	vor.u32 v1, v5;
	v11 =	vshrl.u32 v11, $0x8;
	v4 =	vshll.u32 v15, $0x4;
	[tilespmem:v16+s2+$0x0] =	vst.idx.add.s32.msk vm6, v2;
	(pc) =	sbr.rel @p0 .LBB2_20-.Ltmp8, $4  }
0x172: {  	v12 =	vor.u32 v1, v6;
	v5 =	vshll.u32 v13, $0x4;
	v16 =	vshrl.u32 v13, $0x8;
	[tilespmem:v21+s2+$0x0] =	vst.idx.add.s32.msk vm7, v2  }
0x173: {  	v14 =	vshrl.u32 v15, $0x8;
	v13 =	vor.u32 v1, v4;
	v5 =	vor.u32 v1, v5;
	[tilespmem:v17+s2+$0x0] =	vst.idx.add.s32.msk vm4, v2  }
0x174: {  	vm0 =	veq.s32 v20, v3;
	vm2 =	veq.s32 v16, v3;
	v5 =	vand.u32 $0xFFF, v5;
	[tilespmem:v18+s2+$0x0] =	vst.idx.add.s32.msk vm5, v2  }
0x175: {  	s19 =	sadd.s32 $0x400, s19;
	vm1 =	veq.s32 v23, v3;
	v6 =	vand.u32 $0xFFF, v22;
	v4 =	vand.u32 $0xFFF, v24;
	[tilespmem:v19+s2+$0x0] =	vst.idx.add.s32.msk vm3, v2  }
0x176: {  	p0 =	seq.s32 s16, $0x43  }
0x177: {  	s17 =	sadd.s32 @!p0 $0x2, s17  }
0x178: {  	s18 =	smulhi.u32 @!p0 $0x78787879, s17  }
0x179: {  	vm3 =	veq.s32 v7, v3  }
0x17a: {  	v7 =	vand.u32 $0xFFF, v8;
	vm4 =	veq.s32 v9, v3;
	s18 =	sshrl.u32 @!p0 s18, $0x4  }
0x17b: {  	v8 =	vand.u32 $0xFFF, v10;
	vm5 =	veq.s32 v11, v3;
	s19 =	smul.u32 @!p0 $0x22, s18  }
0x17c: {  	v9 =	vand.u32 $0xFFF, v12;
	vm6 =	veq.s32 v14, v3;
	[tilespmem:v5+s2+$0x0] =	vst.idx.add.s32.msk vm2, v2;
	s18 =	sadd.s32 @!p0 s5, s18  }
0x17d: {  	v5 =	vand.u32 $0xFFF, v13;
	[tilespmem:v6+s2+$0x0] =	vst.idx.add.s32.msk vm0, v2;
	s18 =	smul.u32 @!p0 $0xC3800, s18;
	s17 =	ssub.s32 @!p0 s17, s19  }
0x17e: {  	[tilespmem:v4+s2+$0x0] =	vst.idx.add.s32.msk vm1, v2;
	s17 =	smul.u32 @!p0 $0x5C00, s17  }
0x17f: {  	[tilespmem:v7+s2+$0x0] =	vst.idx.add.s32.msk vm3, v2  }
0x180: {  	[tilespmem:v8+s2+$0x0] =	vst.idx.add.s32.msk vm4, v2;
	s17 =	sadd.s32 @!p0 s17, s18  }
0x181: {  	[tilespmem:v9+s2+$0x0] =	vst.idx.add.s32.msk vm5, v2;
	s17 =	sshrl.u32 @!p0 s17, $0x3  }
0x182: {  	[tilespmem:v5+s2+$0x0] =	vst.idx.add.s32.msk vm6, v2;
	s19 =	simm.s32 @!p0 $0x1000;
	s18 =	simm.s32 @!p0 $0x0;
	s17 =	sadd.s32 @!p0 s3, s17  }
0x183: {  	[tilespmem:s19], [sflag:$0x1] =	stream.linear.gather @!p0 [hbm4b:s17+s18], $0x5C00, $0x38;
	[tilespmem:$0xC880] =	vst v63  }
0x184: {  	_ =	swait.ge [sflag:s14], $0x5C00  }
0x185: {  	[sflag:s14] =	ssyncset.done $0x0  }
0x186: {  	s31 =	simm.s32 $0x6C40;
	[sflag:s14] =	ssyncadd.s32 $0xFFFFA400  }
0x187: {  	v4 =	vld [tilespmem:s31+$0x30]  }
0x188: {  	v5 =	vld [tilespmem:s31+$0xFFFFFFD0]  }
0x189: {  	v6 =	vld [tilespmem:s31+$0xFFFFFFE0]  }
0x18a: {  	v12 =	vld [tilespmem:s31+$0xFFFFFFC0];
	_ =	sdelay $0x1  }
0x18b: {  	v7 =	vld [tilespmem:s31+$0xFFFFFFF0]  }
0x18c: {  	v8 =	vshll.u32 v4, $0x4;
	v4 =	vshrl.u32 v4, $0x8  }
0x18d: {  	v9 =	vld [tilespmem:s31+$0x0];
	v10 =	vshll.u32 v5, $0x4;
	v5 =	vshrl.u32 v5, $0x8;
	v17 =	vshrl.u32 v6, $0x8  }
0x18e: {  	v11 =	vld [tilespmem:s31+$0x10];
	v14 =	vshll.u32 v12, $0x4;
	v19 =	vshrl.u32 v12, $0x8;
	vm2 =	veq.s32 v4, v3  }
0x18f: {  	v13 =	vld [tilespmem:s31+$0x20];
	v4 =	vor.u32 v1, v8;
	v8 =	vshll.u32 v6, $0x4;
	v16 =	vor.u32 v1, v10  }
0x190: {  	v6 =	vshrl.u32 v7, $0x8;
	vm1 =	veq.s32 v19, v3;
	vm0 =	veq.s32 v5, v3  }
0x191: {  	v15 =	vand.u32 $0xFFF, v4;
	v4 =	vshll.u32 v7, $0x4;
	v18 =	vor.u32 v1, v8  }
0x192: {  	v7 =	vshll.u32 v9, $0x4;
	v9 =	vshrl.u32 v9, $0x8;
	v8 =	vor.u32 v1, v4  }
0x193: {  	v4 =	vshll.u32 v11, $0x4;
	v10 =	vor.u32 v1, v7;
	v11 =	vshrl.u32 v11, $0x8  }
0x194: {  	v7 =	vshll.u32 v13, $0x4;
	v5 =	vand.u32 $0xFFF, v18;
	v12 =	vor.u32 v1, v4  }
0x195: {  	s16 =	sadd.s32 $0x1, s16;
	v4 =	vor.u32 v1, v14;
	v14 =	vshrl.u32 v13, $0x8;
	v13 =	vor.u32 v1, v7  }
0x196: {  	s18 =	simm.s32 $0x0;
	s17 =	simm.s32 $0x6CF0;
	s19 =	simm.s32 $0x7040;
	v7 =	vand.u32 $0xFFF, v16;
	v4 =	vand.u32 $0xFFF, v4;
	[tilespmem:v15+s2+$0x0] =	vst.idx.add.s32.msk vm2, v2;
	vm2 =	veq.s32 v17, v3  }
.LBB2_22:
0x197: {  	v15 =	vld [tilespmem:s19+$0x30];
	s18 =	sadd.s32 $0x8, s18;
	vm6 =	veq.s32 v6, v3;
	v16 =	vand.u32 $0xFFF, v8;
	vm4 =	veq.s32 v9, v3  }
0x198: {  	v17 =	vand.u32 $0xFFF, v10;
	vm5 =	veq.s32 v11, v3;
	v18 =	vand.u32 $0xFFF, v12;
	v6 =	vld [tilespmem:s19+$0xFFFFFFD0];
	p0 =	slt.u32 s18, $0xB0  }
0x199: {  	vm3 =	veq.s32 v14, v3;
	v19 =	vand.u32 $0xFFF, v13;
	v8 =	vld [tilespmem:s19+$0xFFFFFFE0]  }
0x19a: {  	v9 =	vld [tilespmem:s19+$0xFFFFFFF0]  }
0x19b: {  	v10 =	vld [tilespmem:s19+$0x0]  }
0x19c: {  	v11 =	vld [tilespmem:s19+$0x10];
	v12 =	vshll.u32 v15, $0x4;
	v13 =	vshrl.u32 v15, $0x8  }
0x19d: {  	v14 =	vshll.u32 v6, $0x4;
	v15 =	vld [tilespmem:s19+$0x20];
	vm7 =	veq.s32 v13, v3;
	v12 =	vor.u32 v1, v12  }
0x19e: {  	v20 =	vshrl.u32 v6, $0x8;
	v13 =	vld [tilespmem:s19+$0xFFFFFFC0];
	v6 =	vshll.u32 v8, $0x4;
	v21 =	vand.u32 $0xFFF, v12  }
0x19f: {  	v22 =	vor.u32 v1, v14;
	v23 =	vshrl.u32 v8, $0x8;
	v8 =	vshll.u32 v9, $0x4;
	[tilespmem:v4+s2+$0x0] =	vst.idx.add.s32.msk vm1, v2  }
0x1a0: {  	v24 =	vor.u32 v1, v6;
	v6 =	vshrl.u32 v9, $0x8;
	v4 =	vshll.u32 v10, $0x4;
	[tilespmem:v7+s2+$0x0] =	vst.idx.add.s32.msk vm0, v2  }
0x1a1: {  	v8 =	vor.u32 v1, v8;
	v9 =	vshrl.u32 v10, $0x8;
	v7 =	vshll.u32 v11, $0x4;
	[tilespmem:v5+s2+$0x0] =	vst.idx.add.s32.msk vm2, v2  }
.Ltmp9:
0x1a2: {  	v10 =	vor.u32 v1, v4;
	v11 =	vshrl.u32 v11, $0x8;
	v4 =	vshll.u32 v15, $0x4;
	[tilespmem:v16+s2+$0x0] =	vst.idx.add.s32.msk vm6, v2;
	(pc) =	sbr.rel @p0 .LBB2_22-.Ltmp9, $4  }
0x1a3: {  	v12 =	vor.u32 v1, v7;
	v5 =	vshll.u32 v13, $0x4;
	v16 =	vshrl.u32 v13, $0x8;
	[tilespmem:v21+s2+$0x0] =	vst.idx.add.s32.msk vm7, v2  }
0x1a4: {  	v14 =	vshrl.u32 v15, $0x8;
	v13 =	vor.u32 v1, v4;
	v5 =	vor.u32 v1, v5;
	[tilespmem:v17+s2+$0x0] =	vst.idx.add.s32.msk vm4, v2  }
0x1a5: {  	vm0 =	veq.s32 v20, v3;
	vm1 =	veq.s32 v16, v3;
	v4 =	vand.u32 $0xFFF, v5;
	[tilespmem:v18+s2+$0x0] =	vst.idx.add.s32.msk vm5, v2  }
0x1a6: {  	s19 =	sadd.s32 $0x400, s19;
	vm2 =	veq.s32 v23, v3;
	v7 =	vand.u32 $0xFFF, v22;
	v5 =	vand.u32 $0xFFF, v24;
	[tilespmem:v19+s2+$0x0] =	vst.idx.add.s32.msk vm3, v2  }
0x1a7: {  	_ =	sdelay $0x1  }
0x1a8: {  	vm3 =	veq.s32 v6, v3  }
0x1a9: {  	v6 =	vand.u32 $0xFFF, v8;
	vm4 =	veq.s32 v9, v3  }
0x1aa: {  	v8 =	vand.u32 $0xFFF, v10;
	vm5 =	veq.s32 v11, v3  }
0x1ab: {  	v9 =	vand.u32 $0xFFF, v12;
	vm6 =	veq.s32 v14, v3;
	[tilespmem:v4+s2+$0x0] =	vst.idx.add.s32.msk vm1, v2  }
0x1ac: {  	v4 =	vand.u32 $0xFFF, v13;
	[tilespmem:v7+s2+$0x0] =	vst.idx.add.s32.msk vm0, v2  }
0x1ad: {  	[tilespmem:v5+s2+$0x0] =	vst.idx.add.s32.msk vm2, v2  }
0x1ae: {  	[tilespmem:v6+s2+$0x0] =	vst.idx.add.s32.msk vm3, v2  }
0x1af: {  	[tilespmem:v8+s2+$0x0] =	vst.idx.add.s32.msk vm4, v2  }
0x1b0: {  	[tilespmem:v9+s2+$0x0] =	vst.idx.add.s32.msk vm5, v2  }
0x1b1: {  	[tilespmem:v4+s2+$0x0] =	vst.idx.add.s32.msk vm6, v2  }
0x1b2: {  	v4 =	vld [tilespmem:s17+$0x0]  }
0x1b3: {  	v5 =	vld [tilespmem:s17+$0xFFFFFFA0]  }
0x1b4: {  	v6 =	vld [tilespmem:s17+$0xFFFFFFB0]  }
0x1b5: {  	v12 =	vld [tilespmem:s17+$0xFFFFFF90];
	_ =	sdelay $0x1  }
0x1b6: {  	v7 =	vld [tilespmem:s17+$0xFFFFFFC0]  }
0x1b7: {  	v8 =	vshll.u32 v4, $0x4;
	v4 =	vshrl.u32 v4, $0x8  }
0x1b8: {  	v9 =	vld [tilespmem:s17+$0xFFFFFFD0];
	v10 =	vshll.u32 v5, $0x4;
	v5 =	vshrl.u32 v5, $0x8;
	v17 =	vshrl.u32 v6, $0x8  }
0x1b9: {  	v11 =	vld [tilespmem:s17+$0xFFFFFFE0];
	v14 =	vshll.u32 v12, $0x4;
	v19 =	vshrl.u32 v12, $0x8;
	vm2 =	veq.s32 v4, v3  }
0x1ba: {  	v13 =	vld [tilespmem:s17+$0xFFFFFFF0];
	v4 =	vor.u32 v1, v8;
	v8 =	vshll.u32 v6, $0x4;
	v16 =	vor.u32 v1, v10  }
0x1bb: {  	v6 =	vshrl.u32 v7, $0x8;
	vm1 =	veq.s32 v19, v3;
	vm0 =	veq.s32 v5, v3  }
0x1bc: {  	v15 =	vand.u32 $0xFFF, v4;
	v4 =	vshll.u32 v7, $0x4;
	v18 =	vor.u32 v1, v8  }
0x1bd: {  	v7 =	vshll.u32 v9, $0x4;
	v9 =	vshrl.u32 v9, $0x8;
	v8 =	vor.u32 v1, v4  }
0x1be: {  	v4 =	vshll.u32 v11, $0x4;
	v10 =	vor.u32 v1, v7;
	v11 =	vshrl.u32 v11, $0x8  }
0x1bf: {  	v7 =	vshll.u32 v13, $0x4;
	v5 =	vand.u32 $0xFFF, v18;
	v12 =	vor.u32 v1, v4  }
0x1c0: {  	v4 =	vor.u32 v1, v14;
	v14 =	vshrl.u32 v13, $0x8;
	v13 =	vor.u32 v1, v7  }
0x1c1: {  	s18 =	simm.s32 $0x0;
	s19 =	simm.s32 $0x70F0;
	s17 =	simm.s32 $0x6D70;
	v7 =	vand.u32 $0xFFF, v16;
	v4 =	vand.u32 $0xFFF, v4;
	[tilespmem:v15+s2+$0x0] =	vst.idx.add.s32.msk vm2, v2;
	vm2 =	veq.s32 v17, v3  }
.LBB2_24:
0x1c2: {  	v15 =	vld [tilespmem:s19+$0x0];
	s18 =	sadd.s32 $0x8, s18;
	vm6 =	veq.s32 v6, v3;
	v16 =	vand.u32 $0xFFF, v8;
	vm4 =	veq.s32 v9, v3  }
0x1c3: {  	v17 =	vand.u32 $0xFFF, v10;
	vm5 =	veq.s32 v11, v3;
	v18 =	vand.u32 $0xFFF, v12;
	v6 =	vld [tilespmem:s19+$0xFFFFFFA0];
	p0 =	slt.u32 s18, $0xB0  }
0x1c4: {  	vm3 =	veq.s32 v14, v3;
	v19 =	vand.u32 $0xFFF, v13;
	v8 =	vld [tilespmem:s19+$0xFFFFFFB0]  }
0x1c5: {  	v9 =	vld [tilespmem:s19+$0xFFFFFFC0]  }
0x1c6: {  	v10 =	vld [tilespmem:s19+$0xFFFFFFD0]  }
0x1c7: {  	v11 =	vld [tilespmem:s19+$0xFFFFFFE0];
	v12 =	vshll.u32 v15, $0x4;
	v13 =	vshrl.u32 v15, $0x8  }
0x1c8: {  	v14 =	vshll.u32 v6, $0x4;
	v15 =	vld [tilespmem:s19+$0xFFFFFFF0];
	vm7 =	veq.s32 v13, v3;
	v12 =	vor.u32 v1, v12  }
0x1c9: {  	v20 =	vshrl.u32 v6, $0x8;
	v13 =	vld [tilespmem:s19+$0xFFFFFF90];
	v6 =	vshll.u32 v8, $0x4;
	v21 =	vand.u32 $0xFFF, v12  }
0x1ca: {  	v22 =	vor.u32 v1, v14;
	v23 =	vshrl.u32 v8, $0x8;
	v8 =	vshll.u32 v9, $0x4;
	[tilespmem:v4+s2+$0x0] =	vst.idx.add.s32.msk vm1, v2  }
0x1cb: {  	v24 =	vor.u32 v1, v6;
	v6 =	vshrl.u32 v9, $0x8;
	v4 =	vshll.u32 v10, $0x4;
	[tilespmem:v7+s2+$0x0] =	vst.idx.add.s32.msk vm0, v2  }
0x1cc: {  	v8 =	vor.u32 v1, v8;
	v9 =	vshrl.u32 v10, $0x8;
	v7 =	vshll.u32 v11, $0x4;
	[tilespmem:v5+s2+$0x0] =	vst.idx.add.s32.msk vm2, v2  }
.Ltmp10:
0x1cd: {  	v10 =	vor.u32 v1, v4;
	v11 =	vshrl.u32 v11, $0x8;
	v4 =	vshll.u32 v15, $0x4;
	[tilespmem:v16+s2+$0x0] =	vst.idx.add.s32.msk vm6, v2;
	(pc) =	sbr.rel @p0 .LBB2_24-.Ltmp10, $4  }
0x1ce: {  	v12 =	vor.u32 v1, v7;
	v5 =	vshll.u32 v13, $0x4;
	v16 =	vshrl.u32 v13, $0x8;
	[tilespmem:v21+s2+$0x0] =	vst.idx.add.s32.msk vm7, v2  }
0x1cf: {  	v14 =	vshrl.u32 v15, $0x8;
	v13 =	vor.u32 v1, v4;
	v5 =	vor.u32 v1, v5;
	[tilespmem:v17+s2+$0x0] =	vst.idx.add.s32.msk vm4, v2  }
0x1d0: {  	vm0 =	veq.s32 v20, v3;
	vm1 =	veq.s32 v16, v3;
	v4 =	vand.u32 $0xFFF, v5;
	[tilespmem:v18+s2+$0x0] =	vst.idx.add.s32.msk vm5, v2  }
0x1d1: {  	s19 =	sadd.s32 $0x400, s19;
	vm2 =	veq.s32 v23, v3;
	v7 =	vand.u32 $0xFFF, v22;
	v5 =	vand.u32 $0xFFF, v24;
	[tilespmem:v19+s2+$0x0] =	vst.idx.add.s32.msk vm3, v2  }
0x1d2: {  	_ =	sdelay $0x1  }
0x1d3: {  	vm3 =	veq.s32 v6, v3  }
0x1d4: {  	v6 =	vand.u32 $0xFFF, v8;
	vm4 =	veq.s32 v9, v3  }
0x1d5: {  	v8 =	vand.u32 $0xFFF, v10;
	vm5 =	veq.s32 v11, v3  }
0x1d6: {  	v9 =	vand.u32 $0xFFF, v12;
	vm6 =	veq.s32 v14, v3;
	[tilespmem:v4+s2+$0x0] =	vst.idx.add.s32.msk vm1, v2  }
0x1d7: {  	v4 =	vand.u32 $0xFFF, v13;
	[tilespmem:v7+s2+$0x0] =	vst.idx.add.s32.msk vm0, v2  }
0x1d8: {  	[tilespmem:v5+s2+$0x0] =	vst.idx.add.s32.msk vm2, v2  }
0x1d9: {  	[tilespmem:v6+s2+$0x0] =	vst.idx.add.s32.msk vm3, v2  }
0x1da: {  	[tilespmem:v8+s2+$0x0] =	vst.idx.add.s32.msk vm4, v2  }
0x1db: {  	[tilespmem:v9+s2+$0x0] =	vst.idx.add.s32.msk vm5, v2  }
0x1dc: {  	[tilespmem:v4+s2+$0x0] =	vst.idx.add.s32.msk vm6, v2  }
0x1dd: {  	v4 =	vld [tilespmem:s17+$0x0]  }
0x1de: {  	v5 =	vld [tilespmem:s17+$0xFFFFFFA0]  }
0x1df: {  	v6 =	vld [tilespmem:s17+$0xFFFFFFB0]  }
0x1e0: {  	v12 =	vld [tilespmem:s17+$0xFFFFFF90];
	_ =	sdelay $0x1  }
0x1e1: {  	v7 =	vld [tilespmem:s17+$0xFFFFFFC0]  }
0x1e2: {  	v8 =	vshll.u32 v4, $0x4;
	v4 =	vshrl.u32 v4, $0x8  }
0x1e3: {  	v9 =	vld [tilespmem:s17+$0xFFFFFFD0];
	v10 =	vshll.u32 v5, $0x4;
	v5 =	vshrl.u32 v5, $0x8;
	v17 =	vshrl.u32 v6, $0x8  }
0x1e4: {  	v11 =	vld [tilespmem:s17+$0xFFFFFFE0];
	v14 =	vshll.u32 v12, $0x4;
	v19 =	vshrl.u32 v12, $0x8;
	vm2 =	veq.s32 v4, v3  }
0x1e5: {  	v13 =	vld [tilespmem:s17+$0xFFFFFFF0];
	v4 =	vor.u32 v1, v8;
	v8 =	vshll.u32 v6, $0x4;
	v16 =	vor.u32 v1, v10  }
0x1e6: {  	v6 =	vshrl.u32 v7, $0x8;
	vm1 =	veq.s32 v19, v3;
	vm0 =	veq.s32 v5, v3  }
0x1e7: {  	v15 =	vand.u32 $0xFFF, v4;
	v4 =	vshll.u32 v7, $0x4;
	v18 =	vor.u32 v1, v8  }
0x1e8: {  	v7 =	vshll.u32 v9, $0x4;
	v9 =	vshrl.u32 v9, $0x8;
	v8 =	vor.u32 v1, v4  }
0x1e9: {  	v4 =	vshll.u32 v11, $0x4;
	v10 =	vor.u32 v1, v7;
	v11 =	vshrl.u32 v11, $0x8  }
0x1ea: {  	v7 =	vshll.u32 v13, $0x4;
	v5 =	vand.u32 $0xFFF, v18;
	v12 =	vor.u32 v1, v4  }
0x1eb: {  	v4 =	vor.u32 v1, v14;
	v14 =	vshrl.u32 v13, $0x8;
	v13 =	vor.u32 v1, v7  }
0x1ec: {  	s18 =	simm.s32 $0x0;
	s19 =	simm.s32 $0x7170;
	s17 =	simm.s32 $0x6DF0;
	v7 =	vand.u32 $0xFFF, v16;
	v4 =	vand.u32 $0xFFF, v4;
	[tilespmem:v15+s2+$0x0] =	vst.idx.add.s32.msk vm2, v2;
	vm2 =	veq.s32 v17, v3  }
.LBB2_26:
0x1ed: {  	v15 =	vld [tilespmem:s19+$0x0];
	s18 =	sadd.s32 $0x8, s18;
	vm6 =	veq.s32 v6, v3;
	v16 =	vand.u32 $0xFFF, v8;
	vm4 =	veq.s32 v9, v3  }
0x1ee: {  	v17 =	vand.u32 $0xFFF, v10;
	vm5 =	veq.s32 v11, v3;
	v18 =	vand.u32 $0xFFF, v12;
	v6 =	vld [tilespmem:s19+$0xFFFFFFA0];
	p0 =	slt.u32 s18, $0xB0  }
0x1ef: {  	vm3 =	veq.s32 v14, v3;
	v19 =	vand.u32 $0xFFF, v13;
	v8 =	vld [tilespmem:s19+$0xFFFFFFB0]  }
0x1f0: {  	v9 =	vld [tilespmem:s19+$0xFFFFFFC0]  }
0x1f1: {  	v10 =	vld [tilespmem:s19+$0xFFFFFFD0]  }
0x1f2: {  	v11 =	vld [tilespmem:s19+$0xFFFFFFE0];
	v12 =	vshll.u32 v15, $0x4;
	v13 =	vshrl.u32 v15, $0x8  }
0x1f3: {  	v14 =	vshll.u32 v6, $0x4;
	v15 =	vld [tilespmem:s19+$0xFFFFFFF0];
	vm7 =	veq.s32 v13, v3;
	v12 =	vor.u32 v1, v12  }
0x1f4: {  	v20 =	vshrl.u32 v6, $0x8;
	v13 =	vld [tilespmem:s19+$0xFFFFFF90];
	v6 =	vshll.u32 v8, $0x4;
	v21 =	vand.u32 $0xFFF, v12  }
0x1f5: {  	v22 =	vor.u32 v1, v14;
	v23 =	vshrl.u32 v8, $0x8;
	v8 =	vshll.u32 v9, $0x4;
	[tilespmem:v4+s2+$0x0] =	vst.idx.add.s32.msk vm1, v2  }
0x1f6: {  	v24 =	vor.u32 v1, v6;
	v6 =	vshrl.u32 v9, $0x8;
	v4 =	vshll.u32 v10, $0x4;
	[tilespmem:v7+s2+$0x0] =	vst.idx.add.s32.msk vm0, v2  }
0x1f7: {  	v8 =	vor.u32 v1, v8;
	v9 =	vshrl.u32 v10, $0x8;
	v7 =	vshll.u32 v11, $0x4;
	[tilespmem:v5+s2+$0x0] =	vst.idx.add.s32.msk vm2, v2  }
.Ltmp11:
0x1f8: {  	v10 =	vor.u32 v1, v4;
	v11 =	vshrl.u32 v11, $0x8;
	v4 =	vshll.u32 v15, $0x4;
	[tilespmem:v16+s2+$0x0] =	vst.idx.add.s32.msk vm6, v2;
	(pc) =	sbr.rel @p0 .LBB2_26-.Ltmp11, $4  }
0x1f9: {  	v12 =	vor.u32 v1, v7;
	v5 =	vshll.u32 v13, $0x4;
	v16 =	vshrl.u32 v13, $0x8;
	[tilespmem:v21+s2+$0x0] =	vst.idx.add.s32.msk vm7, v2  }
0x1fa: {  	v14 =	vshrl.u32 v15, $0x8;
	v13 =	vor.u32 v1, v4;
	v5 =	vor.u32 v1, v5;
	[tilespmem:v17+s2+$0x0] =	vst.idx.add.s32.msk vm4, v2  }
0x1fb: {  	vm0 =	veq.s32 v20, v3;
	vm1 =	veq.s32 v16, v3;
	v4 =	vand.u32 $0xFFF, v5;
	[tilespmem:v18+s2+$0x0] =	vst.idx.add.s32.msk vm5, v2  }
0x1fc: {  	s19 =	sadd.s32 $0x400, s19;
	vm2 =	veq.s32 v23, v3;
	v7 =	vand.u32 $0xFFF, v22;
	v5 =	vand.u32 $0xFFF, v24;
	[tilespmem:v19+s2+$0x0] =	vst.idx.add.s32.msk vm3, v2  }
0x1fd: {  	_ =	sdelay $0x1  }
0x1fe: {  	vm3 =	veq.s32 v6, v3  }
0x1ff: {  	v6 =	vand.u32 $0xFFF, v8;
	vm4 =	veq.s32 v9, v3  }
0x200: {  	v8 =	vand.u32 $0xFFF, v10;
	vm5 =	veq.s32 v11, v3  }
0x201: {  	v9 =	vand.u32 $0xFFF, v12;
	vm6 =	veq.s32 v14, v3;
	[tilespmem:v4+s2+$0x0] =	vst.idx.add.s32.msk vm1, v2  }
0x202: {  	v4 =	vand.u32 $0xFFF, v13;
	[tilespmem:v7+s2+$0x0] =	vst.idx.add.s32.msk vm0, v2  }
0x203: {  	[tilespmem:v5+s2+$0x0] =	vst.idx.add.s32.msk vm2, v2  }
0x204: {  	[tilespmem:v6+s2+$0x0] =	vst.idx.add.s32.msk vm3, v2  }
0x205: {  	[tilespmem:v8+s2+$0x0] =	vst.idx.add.s32.msk vm4, v2  }
0x206: {  	[tilespmem:v9+s2+$0x0] =	vst.idx.add.s32.msk vm5, v2  }
0x207: {  	[tilespmem:v4+s2+$0x0] =	vst.idx.add.s32.msk vm6, v2  }
0x208: {  	v4 =	vld [tilespmem:s17+$0x0]  }
0x209: {  	v5 =	vld [tilespmem:s17+$0xFFFFFFA0]  }
0x20a: {  	v6 =	vld [tilespmem:s17+$0xFFFFFFB0]  }
0x20b: {  	v12 =	vld [tilespmem:s17+$0xFFFFFF90];
	_ =	sdelay $0x1  }
0x20c: {  	v7 =	vld [tilespmem:s17+$0xFFFFFFC0]  }
0x20d: {  	v8 =	vshll.u32 v4, $0x4;
	v4 =	vshrl.u32 v4, $0x8  }
0x20e: {  	v9 =	vld [tilespmem:s17+$0xFFFFFFD0];
	v10 =	vshll.u32 v5, $0x4;
	v5 =	vshrl.u32 v5, $0x8;
	v17 =	vshrl.u32 v6, $0x8  }
0x20f: {  	v11 =	vld [tilespmem:s17+$0xFFFFFFE0];
	v14 =	vshll.u32 v12, $0x4;
	v19 =	vshrl.u32 v12, $0x8;
	vm2 =	veq.s32 v4, v3  }
0x210: {  	v13 =	vld [tilespmem:s17+$0xFFFFFFF0];
	v4 =	vor.u32 v1, v8;
	v8 =	vshll.u32 v6, $0x4;
	v16 =	vor.u32 v1, v10  }
0x211: {  	v6 =	vshrl.u32 v7, $0x8;
	vm1 =	veq.s32 v19, v3;
	vm0 =	veq.s32 v5, v3  }
0x212: {  	v15 =	vand.u32 $0xFFF, v4;
	v4 =	vshll.u32 v7, $0x4;
	v18 =	vor.u32 v1, v8  }
0x213: {  	v7 =	vshll.u32 v9, $0x4;
	v9 =	vshrl.u32 v9, $0x8;
	v8 =	vor.u32 v1, v4  }
0x214: {  	v4 =	vshll.u32 v11, $0x4;
	v10 =	vor.u32 v1, v7;
	v11 =	vshrl.u32 v11, $0x8  }
0x215: {  	v7 =	vshll.u32 v13, $0x4;
	v5 =	vand.u32 $0xFFF, v18;
	v12 =	vor.u32 v1, v4  }
0x216: {  	v4 =	vor.u32 v1, v14;
	v14 =	vshrl.u32 v13, $0x8;
	v13 =	vor.u32 v1, v7  }
0x217: {  	s18 =	simm.s32 $0x0;
	s19 =	simm.s32 $0x71F0;
	s17 =	simm.s32 $0x6E70;
	v7 =	vand.u32 $0xFFF, v16;
	v4 =	vand.u32 $0xFFF, v4;
	[tilespmem:v15+s2+$0x0] =	vst.idx.add.s32.msk vm2, v2;
	vm2 =	veq.s32 v17, v3  }
.LBB2_28:
0x218: {  	v15 =	vld [tilespmem:s19+$0x0];
	s18 =	sadd.s32 $0x8, s18;
	vm6 =	veq.s32 v6, v3;
	v16 =	vand.u32 $0xFFF, v8;
	vm4 =	veq.s32 v9, v3  }
0x219: {  	v17 =	vand.u32 $0xFFF, v10;
	vm5 =	veq.s32 v11, v3;
	v18 =	vand.u32 $0xFFF, v12;
	v6 =	vld [tilespmem:s19+$0xFFFFFFA0];
	p0 =	slt.u32 s18, $0xB0  }
0x21a: {  	vm3 =	veq.s32 v14, v3;
	v19 =	vand.u32 $0xFFF, v13;
	v8 =	vld [tilespmem:s19+$0xFFFFFFB0]  }
0x21b: {  	v9 =	vld [tilespmem:s19+$0xFFFFFFC0]  }
0x21c: {  	v10 =	vld [tilespmem:s19+$0xFFFFFFD0]  }
0x21d: {  	v11 =	vld [tilespmem:s19+$0xFFFFFFE0];
	v12 =	vshll.u32 v15, $0x4;
	v13 =	vshrl.u32 v15, $0x8  }
0x21e: {  	v14 =	vshll.u32 v6, $0x4;
	v15 =	vld [tilespmem:s19+$0xFFFFFFF0];
	vm7 =	veq.s32 v13, v3;
	v12 =	vor.u32 v1, v12  }
0x21f: {  	v20 =	vshrl.u32 v6, $0x8;
	v13 =	vld [tilespmem:s19+$0xFFFFFF90];
	v6 =	vshll.u32 v8, $0x4;
	v21 =	vand.u32 $0xFFF, v12  }
0x220: {  	v22 =	vor.u32 v1, v14;
	v23 =	vshrl.u32 v8, $0x8;
	v8 =	vshll.u32 v9, $0x4;
	[tilespmem:v4+s2+$0x0] =	vst.idx.add.s32.msk vm1, v2  }
0x221: {  	v24 =	vor.u32 v1, v6;
	v6 =	vshrl.u32 v9, $0x8;
	v4 =	vshll.u32 v10, $0x4;
	[tilespmem:v7+s2+$0x0] =	vst.idx.add.s32.msk vm0, v2  }
0x222: {  	v8 =	vor.u32 v1, v8;
	v9 =	vshrl.u32 v10, $0x8;
	v7 =	vshll.u32 v11, $0x4;
	[tilespmem:v5+s2+$0x0] =	vst.idx.add.s32.msk vm2, v2  }
.Ltmp12:
0x223: {  	v10 =	vor.u32 v1, v4;
	v11 =	vshrl.u32 v11, $0x8;
	v4 =	vshll.u32 v15, $0x4;
	[tilespmem:v16+s2+$0x0] =	vst.idx.add.s32.msk vm6, v2;
	(pc) =	sbr.rel @p0 .LBB2_28-.Ltmp12, $4  }
0x224: {  	v12 =	vor.u32 v1, v7;
	v5 =	vshll.u32 v13, $0x4;
	v16 =	vshrl.u32 v13, $0x8;
	[tilespmem:v21+s2+$0x0] =	vst.idx.add.s32.msk vm7, v2  }
0x225: {  	v14 =	vshrl.u32 v15, $0x8;
	v13 =	vor.u32 v1, v4;
	v5 =	vor.u32 v1, v5;
	[tilespmem:v17+s2+$0x0] =	vst.idx.add.s32.msk vm4, v2  }
0x226: {  	vm0 =	veq.s32 v20, v3;
	vm1 =	veq.s32 v16, v3;
	v4 =	vand.u32 $0xFFF, v5;
	[tilespmem:v18+s2+$0x0] =	vst.idx.add.s32.msk vm5, v2  }
0x227: {  	s19 =	sadd.s32 $0x400, s19;
	vm2 =	veq.s32 v23, v3;
	v7 =	vand.u32 $0xFFF, v22;
	v5 =	vand.u32 $0xFFF, v24;
	[tilespmem:v19+s2+$0x0] =	vst.idx.add.s32.msk vm3, v2  }
0x228: {  	_ =	sdelay $0x1  }
0x229: {  	vm3 =	veq.s32 v6, v3  }
0x22a: {  	v6 =	vand.u32 $0xFFF, v8;
	vm4 =	veq.s32 v9, v3  }
0x22b: {  	v8 =	vand.u32 $0xFFF, v10;
	vm5 =	veq.s32 v11, v3  }
0x22c: {  	v9 =	vand.u32 $0xFFF, v12;
	vm6 =	veq.s32 v14, v3;
	[tilespmem:v4+s2+$0x0] =	vst.idx.add.s32.msk vm1, v2  }
0x22d: {  	v4 =	vand.u32 $0xFFF, v13;
	[tilespmem:v7+s2+$0x0] =	vst.idx.add.s32.msk vm0, v2  }
0x22e: {  	[tilespmem:v5+s2+$0x0] =	vst.idx.add.s32.msk vm2, v2  }
0x22f: {  	[tilespmem:v6+s2+$0x0] =	vst.idx.add.s32.msk vm3, v2  }
0x230: {  	[tilespmem:v8+s2+$0x0] =	vst.idx.add.s32.msk vm4, v2  }
0x231: {  	[tilespmem:v9+s2+$0x0] =	vst.idx.add.s32.msk vm5, v2  }
0x232: {  	[tilespmem:v4+s2+$0x0] =	vst.idx.add.s32.msk vm6, v2  }
0x233: {  	v4 =	vld [tilespmem:s17+$0x0]  }
0x234: {  	v5 =	vld [tilespmem:s17+$0xFFFFFFA0]  }
0x235: {  	v6 =	vld [tilespmem:s17+$0xFFFFFFB0]  }
0x236: {  	v12 =	vld [tilespmem:s17+$0xFFFFFF90];
	_ =	sdelay $0x1  }
0x237: {  	v7 =	vld [tilespmem:s17+$0xFFFFFFC0]  }
0x238: {  	v8 =	vshll.u32 v4, $0x4;
	v4 =	vshrl.u32 v4, $0x8  }
0x239: {  	v9 =	vld [tilespmem:s17+$0xFFFFFFD0];
	v10 =	vshll.u32 v5, $0x4;
	v5 =	vshrl.u32 v5, $0x8;
	v17 =	vshrl.u32 v6, $0x8  }
0x23a: {  	v11 =	vld [tilespmem:s17+$0xFFFFFFE0];
	v14 =	vshll.u32 v12, $0x4;
	v19 =	vshrl.u32 v12, $0x8;
	vm2 =	veq.s32 v4, v3  }
0x23b: {  	v13 =	vld [tilespmem:s17+$0xFFFFFFF0];
	v4 =	vor.u32 v1, v8;
	v8 =	vshll.u32 v6, $0x4;
	v16 =	vor.u32 v1, v10  }
0x23c: {  	v6 =	vshrl.u32 v7, $0x8;
	vm1 =	veq.s32 v19, v3;
	vm0 =	veq.s32 v5, v3  }
0x23d: {  	v15 =	vand.u32 $0xFFF, v4;
	v4 =	vshll.u32 v7, $0x4;
	v18 =	vor.u32 v1, v8  }
0x23e: {  	v7 =	vshll.u32 v9, $0x4;
	v9 =	vshrl.u32 v9, $0x8;
	v8 =	vor.u32 v1, v4  }
0x23f: {  	v4 =	vshll.u32 v11, $0x4;
	v10 =	vor.u32 v1, v7;
	v11 =	vshrl.u32 v11, $0x8  }
0x240: {  	v7 =	vshll.u32 v13, $0x4;
	v5 =	vand.u32 $0xFFF, v18;
	v12 =	vor.u32 v1, v4  }
0x241: {  	v4 =	vor.u32 v1, v14;
	v14 =	vshrl.u32 v13, $0x8;
	v13 =	vor.u32 v1, v7  }
0x242: {  	s18 =	simm.s32 $0x0;
	s19 =	simm.s32 $0x7270;
	s17 =	simm.s32 $0x6EF0;
	v7 =	vand.u32 $0xFFF, v16;
	v4 =	vand.u32 $0xFFF, v4;
	[tilespmem:v15+s2+$0x0] =	vst.idx.add.s32.msk vm2, v2;
	vm2 =	veq.s32 v17, v3  }
.LBB2_30:
0x243: {  	v15 =	vld [tilespmem:s19+$0x0];
	s18 =	sadd.s32 $0x8, s18;
	vm6 =	veq.s32 v6, v3;
	v16 =	vand.u32 $0xFFF, v8;
	vm4 =	veq.s32 v9, v3  }
0x244: {  	v17 =	vand.u32 $0xFFF, v10;
	vm5 =	veq.s32 v11, v3;
	v18 =	vand.u32 $0xFFF, v12;
	v6 =	vld [tilespmem:s19+$0xFFFFFFA0];
	p0 =	slt.u32 s18, $0xB0  }
0x245: {  	vm3 =	veq.s32 v14, v3;
	v19 =	vand.u32 $0xFFF, v13;
	v8 =	vld [tilespmem:s19+$0xFFFFFFB0]  }
0x246: {  	v9 =	vld [tilespmem:s19+$0xFFFFFFC0]  }
0x247: {  	v10 =	vld [tilespmem:s19+$0xFFFFFFD0]  }
0x248: {  	v11 =	vld [tilespmem:s19+$0xFFFFFFE0];
	v12 =	vshll.u32 v15, $0x4;
	v13 =	vshrl.u32 v15, $0x8  }
0x249: {  	v14 =	vshll.u32 v6, $0x4;
	v15 =	vld [tilespmem:s19+$0xFFFFFFF0];
	vm7 =	veq.s32 v13, v3;
	v12 =	vor.u32 v1, v12  }
0x24a: {  	v20 =	vshrl.u32 v6, $0x8;
	v13 =	vld [tilespmem:s19+$0xFFFFFF90];
	v6 =	vshll.u32 v8, $0x4;
	v21 =	vand.u32 $0xFFF, v12  }
0x24b: {  	v22 =	vor.u32 v1, v14;
	v23 =	vshrl.u32 v8, $0x8;
	v8 =	vshll.u32 v9, $0x4;
	[tilespmem:v4+s2+$0x0] =	vst.idx.add.s32.msk vm1, v2  }
0x24c: {  	v24 =	vor.u32 v1, v6;
	v6 =	vshrl.u32 v9, $0x8;
	v4 =	vshll.u32 v10, $0x4;
	[tilespmem:v7+s2+$0x0] =	vst.idx.add.s32.msk vm0, v2  }
0x24d: {  	v8 =	vor.u32 v1, v8;
	v9 =	vshrl.u32 v10, $0x8;
	v7 =	vshll.u32 v11, $0x4;
	[tilespmem:v5+s2+$0x0] =	vst.idx.add.s32.msk vm2, v2  }
.Ltmp13:
0x24e: {  	v10 =	vor.u32 v1, v4;
	v11 =	vshrl.u32 v11, $0x8;
	v4 =	vshll.u32 v15, $0x4;
	[tilespmem:v16+s2+$0x0] =	vst.idx.add.s32.msk vm6, v2;
	(pc) =	sbr.rel @p0 .LBB2_30-.Ltmp13, $4  }
0x24f: {  	v12 =	vor.u32 v1, v7;
	v5 =	vshll.u32 v13, $0x4;
	v16 =	vshrl.u32 v13, $0x8;
	[tilespmem:v21+s2+$0x0] =	vst.idx.add.s32.msk vm7, v2  }
0x250: {  	v14 =	vshrl.u32 v15, $0x8;
	v13 =	vor.u32 v1, v4;
	v5 =	vor.u32 v1, v5;
	[tilespmem:v17+s2+$0x0] =	vst.idx.add.s32.msk vm4, v2  }
0x251: {  	vm0 =	veq.s32 v20, v3;
	vm1 =	veq.s32 v16, v3;
	v4 =	vand.u32 $0xFFF, v5;
	[tilespmem:v18+s2+$0x0] =	vst.idx.add.s32.msk vm5, v2  }
0x252: {  	s19 =	sadd.s32 $0x400, s19;
	vm2 =	veq.s32 v23, v3;
	v7 =	vand.u32 $0xFFF, v22;
	v5 =	vand.u32 $0xFFF, v24;
	[tilespmem:v19+s2+$0x0] =	vst.idx.add.s32.msk vm3, v2  }
0x253: {  	_ =	sdelay $0x1  }
0x254: {  	vm3 =	veq.s32 v6, v3  }
0x255: {  	v6 =	vand.u32 $0xFFF, v8;
	vm4 =	veq.s32 v9, v3  }
0x256: {  	v8 =	vand.u32 $0xFFF, v10;
	vm5 =	veq.s32 v11, v3  }
0x257: {  	v9 =	vand.u32 $0xFFF, v12;
	vm6 =	veq.s32 v14, v3;
	[tilespmem:v4+s2+$0x0] =	vst.idx.add.s32.msk vm1, v2  }
0x258: {  	v4 =	vand.u32 $0xFFF, v13;
	[tilespmem:v7+s2+$0x0] =	vst.idx.add.s32.msk vm0, v2  }
0x259: {  	[tilespmem:v5+s2+$0x0] =	vst.idx.add.s32.msk vm2, v2  }
0x25a: {  	[tilespmem:v6+s2+$0x0] =	vst.idx.add.s32.msk vm3, v2  }
0x25b: {  	[tilespmem:v8+s2+$0x0] =	vst.idx.add.s32.msk vm4, v2  }
0x25c: {  	[tilespmem:v9+s2+$0x0] =	vst.idx.add.s32.msk vm5, v2  }
0x25d: {  	[tilespmem:v4+s2+$0x0] =	vst.idx.add.s32.msk vm6, v2  }
0x25e: {  	v4 =	vld [tilespmem:s17+$0x0]  }
0x25f: {  	v5 =	vld [tilespmem:s17+$0xFFFFFFA0]  }
0x260: {  	v6 =	vld [tilespmem:s17+$0xFFFFFFB0]  }
0x261: {  	v12 =	vld [tilespmem:s17+$0xFFFFFF90];
	_ =	sdelay $0x1  }
0x262: {  	v7 =	vld [tilespmem:s17+$0xFFFFFFC0]  }
0x263: {  	v8 =	vshll.u32 v4, $0x4;
	v4 =	vshrl.u32 v4, $0x8  }
0x264: {  	v9 =	vld [tilespmem:s17+$0xFFFFFFD0];
	v10 =	vshll.u32 v5, $0x4;
	v5 =	vshrl.u32 v5, $0x8;
	v17 =	vshrl.u32 v6, $0x8  }
0x265: {  	v11 =	vld [tilespmem:s17+$0xFFFFFFE0];
	v14 =	vshll.u32 v12, $0x4;
	v19 =	vshrl.u32 v12, $0x8;
	vm2 =	veq.s32 v4, v3  }
0x266: {  	v13 =	vld [tilespmem:s17+$0xFFFFFFF0];
	v4 =	vor.u32 v1, v8;
	v8 =	vshll.u32 v6, $0x4;
	v16 =	vor.u32 v1, v10  }
0x267: {  	v6 =	vshrl.u32 v7, $0x8;
	vm1 =	veq.s32 v19, v3;
	vm0 =	veq.s32 v5, v3  }
0x268: {  	v15 =	vand.u32 $0xFFF, v4;
	v4 =	vshll.u32 v7, $0x4;
	v18 =	vor.u32 v1, v8  }
0x269: {  	v7 =	vshll.u32 v9, $0x4;
	v9 =	vshrl.u32 v9, $0x8;
	v8 =	vor.u32 v1, v4  }
0x26a: {  	v4 =	vshll.u32 v11, $0x4;
	v10 =	vor.u32 v1, v7;
	v11 =	vshrl.u32 v11, $0x8  }
0x26b: {  	v7 =	vshll.u32 v13, $0x4;
	v5 =	vand.u32 $0xFFF, v18;
	v12 =	vor.u32 v1, v4  }
0x26c: {  	v4 =	vor.u32 v1, v14;
	v14 =	vshrl.u32 v13, $0x8;
	v13 =	vor.u32 v1, v7  }
0x26d: {  	s18 =	simm.s32 $0x0;
	s19 =	simm.s32 $0x72F0;
	s17 =	simm.s32 $0x6F70;
	v7 =	vand.u32 $0xFFF, v16;
	v4 =	vand.u32 $0xFFF, v4;
	[tilespmem:v15+s2+$0x0] =	vst.idx.add.s32.msk vm2, v2;
	vm2 =	veq.s32 v17, v3  }
.LBB2_32:
0x26e: {  	v15 =	vld [tilespmem:s19+$0x0];
	s18 =	sadd.s32 $0x8, s18;
	vm6 =	veq.s32 v6, v3;
	v16 =	vand.u32 $0xFFF, v8;
	vm4 =	veq.s32 v9, v3  }
0x26f: {  	v17 =	vand.u32 $0xFFF, v10;
	vm5 =	veq.s32 v11, v3;
	v18 =	vand.u32 $0xFFF, v12;
	v6 =	vld [tilespmem:s19+$0xFFFFFFA0];
	p0 =	slt.u32 s18, $0xB0  }
0x270: {  	vm3 =	veq.s32 v14, v3;
	v19 =	vand.u32 $0xFFF, v13;
	v8 =	vld [tilespmem:s19+$0xFFFFFFB0]  }
0x271: {  	v9 =	vld [tilespmem:s19+$0xFFFFFFC0]  }
0x272: {  	v10 =	vld [tilespmem:s19+$0xFFFFFFD0]  }
0x273: {  	v11 =	vld [tilespmem:s19+$0xFFFFFFE0];
	v12 =	vshll.u32 v15, $0x4;
	v13 =	vshrl.u32 v15, $0x8  }
0x274: {  	v14 =	vshll.u32 v6, $0x4;
	v15 =	vld [tilespmem:s19+$0xFFFFFFF0];
	vm7 =	veq.s32 v13, v3;
	v12 =	vor.u32 v1, v12  }
0x275: {  	v20 =	vshrl.u32 v6, $0x8;
	v13 =	vld [tilespmem:s19+$0xFFFFFF90];
	v6 =	vshll.u32 v8, $0x4;
	v21 =	vand.u32 $0xFFF, v12  }
0x276: {  	v22 =	vor.u32 v1, v14;
	v23 =	vshrl.u32 v8, $0x8;
	v8 =	vshll.u32 v9, $0x4;
	[tilespmem:v4+s2+$0x0] =	vst.idx.add.s32.msk vm1, v2  }
0x277: {  	v24 =	vor.u32 v1, v6;
	v6 =	vshrl.u32 v9, $0x8;
	v4 =	vshll.u32 v10, $0x4;
	[tilespmem:v7+s2+$0x0] =	vst.idx.add.s32.msk vm0, v2  }
0x278: {  	v8 =	vor.u32 v1, v8;
	v9 =	vshrl.u32 v10, $0x8;
	v7 =	vshll.u32 v11, $0x4;
	[tilespmem:v5+s2+$0x0] =	vst.idx.add.s32.msk vm2, v2  }
.Ltmp14:
0x279: {  	v10 =	vor.u32 v1, v4;
	v11 =	vshrl.u32 v11, $0x8;
	v4 =	vshll.u32 v15, $0x4;
	[tilespmem:v16+s2+$0x0] =	vst.idx.add.s32.msk vm6, v2;
	(pc) =	sbr.rel @p0 .LBB2_32-.Ltmp14, $4  }
0x27a: {  	v12 =	vor.u32 v1, v7;
	v5 =	vshll.u32 v13, $0x4;
	v16 =	vshrl.u32 v13, $0x8;
	[tilespmem:v21+s2+$0x0] =	vst.idx.add.s32.msk vm7, v2  }
0x27b: {  	v14 =	vshrl.u32 v15, $0x8;
	v13 =	vor.u32 v1, v4;
	v5 =	vor.u32 v1, v5;
	[tilespmem:v17+s2+$0x0] =	vst.idx.add.s32.msk vm4, v2  }
0x27c: {  	vm0 =	veq.s32 v20, v3;
	vm1 =	veq.s32 v16, v3;
	v4 =	vand.u32 $0xFFF, v5;
	[tilespmem:v18+s2+$0x0] =	vst.idx.add.s32.msk vm5, v2  }
0x27d: {  	s19 =	sadd.s32 $0x400, s19;
	vm2 =	veq.s32 v23, v3;
	v7 =	vand.u32 $0xFFF, v22;
	v5 =	vand.u32 $0xFFF, v24;
	[tilespmem:v19+s2+$0x0] =	vst.idx.add.s32.msk vm3, v2  }
0x27e: {  	_ =	sdelay $0x1  }
0x27f: {  	vm3 =	veq.s32 v6, v3  }
0x280: {  	v6 =	vand.u32 $0xFFF, v8;
	vm4 =	veq.s32 v9, v3  }
0x281: {  	v8 =	vand.u32 $0xFFF, v10;
	vm5 =	veq.s32 v11, v3  }
0x282: {  	v9 =	vand.u32 $0xFFF, v12;
	vm6 =	veq.s32 v14, v3;
	[tilespmem:v4+s2+$0x0] =	vst.idx.add.s32.msk vm1, v2  }
0x283: {  	v4 =	vand.u32 $0xFFF, v13;
	[tilespmem:v7+s2+$0x0] =	vst.idx.add.s32.msk vm0, v2  }
0x284: {  	[tilespmem:v5+s2+$0x0] =	vst.idx.add.s32.msk vm2, v2  }
0x285: {  	[tilespmem:v6+s2+$0x0] =	vst.idx.add.s32.msk vm3, v2  }
0x286: {  	[tilespmem:v8+s2+$0x0] =	vst.idx.add.s32.msk vm4, v2  }
0x287: {  	[tilespmem:v9+s2+$0x0] =	vst.idx.add.s32.msk vm5, v2  }
0x288: {  	[tilespmem:v4+s2+$0x0] =	vst.idx.add.s32.msk vm6, v2  }
0x289: {  	v4 =	vld [tilespmem:s17+$0x0]  }
0x28a: {  	v5 =	vld [tilespmem:s17+$0xFFFFFFA0]  }
0x28b: {  	v6 =	vld [tilespmem:s17+$0xFFFFFFB0]  }
0x28c: {  	v12 =	vld [tilespmem:s17+$0xFFFFFF90];
	_ =	sdelay $0x1  }
0x28d: {  	v7 =	vld [tilespmem:s17+$0xFFFFFFC0]  }
0x28e: {  	v8 =	vshll.u32 v4, $0x4;
	v4 =	vshrl.u32 v4, $0x8  }
0x28f: {  	v9 =	vld [tilespmem:s17+$0xFFFFFFD0];
	v10 =	vshll.u32 v5, $0x4;
	v5 =	vshrl.u32 v5, $0x8;
	v17 =	vshrl.u32 v6, $0x8  }
0x290: {  	v11 =	vld [tilespmem:s17+$0xFFFFFFE0];
	v14 =	vshll.u32 v12, $0x4;
	v19 =	vshrl.u32 v12, $0x8;
	vm2 =	veq.s32 v4, v3  }
0x291: {  	v13 =	vld [tilespmem:s17+$0xFFFFFFF0];
	v4 =	vor.u32 v1, v8;
	v8 =	vshll.u32 v6, $0x4;
	v16 =	vor.u32 v1, v10  }
0x292: {  	v6 =	vshrl.u32 v7, $0x8;
	vm1 =	veq.s32 v19, v3;
	vm0 =	veq.s32 v5, v3  }
0x293: {  	v15 =	vand.u32 $0xFFF, v4;
	v4 =	vshll.u32 v7, $0x4;
	v18 =	vor.u32 v1, v8  }
0x294: {  	v7 =	vshll.u32 v9, $0x4;
	v9 =	vshrl.u32 v9, $0x8;
	v8 =	vor.u32 v1, v4  }
0x295: {  	v4 =	vshll.u32 v11, $0x4;
	v10 =	vor.u32 v1, v7;
	v11 =	vshrl.u32 v11, $0x8  }
0x296: {  	v7 =	vshll.u32 v13, $0x4;
	v5 =	vand.u32 $0xFFF, v18;
	v12 =	vor.u32 v1, v4  }
0x297: {  	v4 =	vor.u32 v1, v14;
	v14 =	vshrl.u32 v13, $0x8;
	v13 =	vor.u32 v1, v7  }
0x298: {  	s18 =	simm.s32 $0x0;
	s19 =	simm.s32 $0x7370;
	s17 =	simm.s32 $0x6FF0;
	v7 =	vand.u32 $0xFFF, v16;
	v4 =	vand.u32 $0xFFF, v4;
	[tilespmem:v15+s2+$0x0] =	vst.idx.add.s32.msk vm2, v2;
	vm2 =	veq.s32 v17, v3  }
.LBB2_34:
0x299: {  	v15 =	vld [tilespmem:s19+$0x0];
	s18 =	sadd.s32 $0x8, s18;
	vm6 =	veq.s32 v6, v3;
	v16 =	vand.u32 $0xFFF, v8;
	vm4 =	veq.s32 v9, v3  }
0x29a: {  	v17 =	vand.u32 $0xFFF, v10;
	vm5 =	veq.s32 v11, v3;
	v18 =	vand.u32 $0xFFF, v12;
	v6 =	vld [tilespmem:s19+$0xFFFFFFA0];
	p0 =	slt.u32 s18, $0xB0  }
0x29b: {  	vm3 =	veq.s32 v14, v3;
	v19 =	vand.u32 $0xFFF, v13;
	v8 =	vld [tilespmem:s19+$0xFFFFFFB0]  }
0x29c: {  	v9 =	vld [tilespmem:s19+$0xFFFFFFC0]  }
0x29d: {  	v10 =	vld [tilespmem:s19+$0xFFFFFFD0]  }
0x29e: {  	v11 =	vld [tilespmem:s19+$0xFFFFFFE0];
	v12 =	vshll.u32 v15, $0x4;
	v13 =	vshrl.u32 v15, $0x8  }
0x29f: {  	v14 =	vshll.u32 v6, $0x4;
	v15 =	vld [tilespmem:s19+$0xFFFFFFF0];
	vm7 =	veq.s32 v13, v3;
	v12 =	vor.u32 v1, v12  }
0x2a0: {  	v20 =	vshrl.u32 v6, $0x8;
	v13 =	vld [tilespmem:s19+$0xFFFFFF90];
	v6 =	vshll.u32 v8, $0x4;
	v21 =	vand.u32 $0xFFF, v12  }
0x2a1: {  	v22 =	vor.u32 v1, v14;
	v23 =	vshrl.u32 v8, $0x8;
	v8 =	vshll.u32 v9, $0x4;
	[tilespmem:v4+s2+$0x0] =	vst.idx.add.s32.msk vm1, v2  }
0x2a2: {  	v24 =	vor.u32 v1, v6;
	v6 =	vshrl.u32 v9, $0x8;
	v4 =	vshll.u32 v10, $0x4;
	[tilespmem:v7+s2+$0x0] =	vst.idx.add.s32.msk vm0, v2  }
0x2a3: {  	v8 =	vor.u32 v1, v8;
	v9 =	vshrl.u32 v10, $0x8;
	v7 =	vshll.u32 v11, $0x4;
	[tilespmem:v5+s2+$0x0] =	vst.idx.add.s32.msk vm2, v2  }
.Ltmp15:
0x2a4: {  	v10 =	vor.u32 v1, v4;
	v11 =	vshrl.u32 v11, $0x8;
	v4 =	vshll.u32 v15, $0x4;
	[tilespmem:v16+s2+$0x0] =	vst.idx.add.s32.msk vm6, v2;
	(pc) =	sbr.rel @p0 .LBB2_34-.Ltmp15, $4  }
0x2a5: {  	v12 =	vor.u32 v1, v7;
	v5 =	vshll.u32 v13, $0x4;
	v16 =	vshrl.u32 v13, $0x8;
	[tilespmem:v21+s2+$0x0] =	vst.idx.add.s32.msk vm7, v2  }
0x2a6: {  	v14 =	vshrl.u32 v15, $0x8;
	v13 =	vor.u32 v1, v4;
	v5 =	vor.u32 v1, v5;
	[tilespmem:v17+s2+$0x0] =	vst.idx.add.s32.msk vm4, v2  }
0x2a7: {  	vm0 =	veq.s32 v20, v3;
	vm1 =	veq.s32 v16, v3;
	v4 =	vand.u32 $0xFFF, v5;
	[tilespmem:v18+s2+$0x0] =	vst.idx.add.s32.msk vm5, v2  }
0x2a8: {  	s19 =	sadd.s32 $0x400, s19;
	vm2 =	veq.s32 v23, v3;
	v7 =	vand.u32 $0xFFF, v22;
	v5 =	vand.u32 $0xFFF, v24;
	[tilespmem:v19+s2+$0x0] =	vst.idx.add.s32.msk vm3, v2  }
0x2a9: {  	_ =	sdelay $0x1  }
0x2aa: {  	vm3 =	veq.s32 v6, v3  }
0x2ab: {  	v6 =	vand.u32 $0xFFF, v8;
	vm4 =	veq.s32 v9, v3  }
0x2ac: {  	v8 =	vand.u32 $0xFFF, v10;
	vm5 =	veq.s32 v11, v3  }
0x2ad: {  	v9 =	vand.u32 $0xFFF, v12;
	vm6 =	veq.s32 v14, v3;
	[tilespmem:v4+s2+$0x0] =	vst.idx.add.s32.msk vm1, v2  }
0x2ae: {  	v4 =	vand.u32 $0xFFF, v13;
	[tilespmem:v7+s2+$0x0] =	vst.idx.add.s32.msk vm0, v2  }
0x2af: {  	[tilespmem:v5+s2+$0x0] =	vst.idx.add.s32.msk vm2, v2  }
0x2b0: {  	[tilespmem:v6+s2+$0x0] =	vst.idx.add.s32.msk vm3, v2  }
0x2b1: {  	[tilespmem:v8+s2+$0x0] =	vst.idx.add.s32.msk vm4, v2  }
0x2b2: {  	[tilespmem:v9+s2+$0x0] =	vst.idx.add.s32.msk vm5, v2  }
0x2b3: {  	[tilespmem:v4+s2+$0x0] =	vst.idx.add.s32.msk vm6, v2  }
0x2b4: {  	v4 =	vld [tilespmem:s17+$0x0]  }
0x2b5: {  	v5 =	vld [tilespmem:s17+$0xFFFFFFA0]  }
0x2b6: {  	v6 =	vld [tilespmem:s17+$0xFFFFFFB0]  }
0x2b7: {  	v7 =	vld [tilespmem:s17+$0xFFFFFFC0]  }
0x2b8: {  	v12 =	vld [tilespmem:s17+$0xFFFFFF90];
	_ =	sdelay $0x1  }
0x2b9: {  	v9 =	vld [tilespmem:s17+$0xFFFFFFD0];
	v8 =	vshll.u32 v4, $0x4;
	v4 =	vshrl.u32 v4, $0x8  }
0x2ba: {  	v11 =	vld [tilespmem:s17+$0xFFFFFFE0];
	v10 =	vshll.u32 v5, $0x4;
	v15 =	vshrl.u32 v5, $0x8;
	v5 =	vshll.u32 v6, $0x4  }
0x2bb: {  	v17 =	vshrl.u32 v6, $0x8;
	v6 =	vshll.u32 v7, $0x4;
	v7 =	vshrl.u32 v7, $0x8  }
0x2bc: {  	v13 =	vld [tilespmem:s17+$0xFFFFFFF0];
	v14 =	vshll.u32 v12, $0x4;
	v19 =	vshrl.u32 v12, $0x8;
	vm1 =	veq.s32 v4, v3  }
0x2bd: {  	v4 =	vor.u32 v1, v8;
	v16 =	vor.u32 v1, v10;
	v18 =	vor.u32 v1, v5  }
0x2be: {  	v5 =	vshll.u32 v9, $0x4;
	v8 =	vor.u32 v1, v6;
	v4 =	vand.u32 $0xFFF, v4  }
0x2bf: {  	v9 =	vshrl.u32 v9, $0x8;
	v6 =	vshll.u32 v11, $0x4;
	v11 =	vshrl.u32 v11, $0x8  }
0x2c0: {  	vm2 =	veq.s32 v19, v3;
	vm0 =	veq.s32 v15, v3;
	v10 =	vor.u32 v1, v5  }
0x2c1: {  	v5 =	vshll.u32 v13, $0x4;
	v12 =	vor.u32 v1, v6;
	v6 =	vor.u32 v1, v14  }
0x2c2: {  	v14 =	vshrl.u32 v13, $0x8;
	v13 =	vor.u32 v1, v5;
	v5 =	vand.u32 $0xFFF, v6  }
0x2c3: {  	s18 =	simm.s32 $0x73F0;
	s17 =	simm.s32 $0x0;
	v6 =	vand.u32 $0xFFF, v16;
	[tilespmem:v4+s2+$0x0] =	vst.idx.add.s32.msk vm1, v2;
	vm1 =	veq.s32 v17, v3;
	v4 =	vand.u32 $0xFFF, v18  }
.LBB2_36:
0x2c4: {  	v15 =	vld [tilespmem:s18+$0x0];
	s17 =	sadd.s32 $0x8, s17;
	vm6 =	veq.s32 v7, v3;
	v16 =	vand.u32 $0xFFF, v8;
	vm4 =	veq.s32 v9, v3  }
0x2c5: {  	v17 =	vand.u32 $0xFFF, v10;
	vm5 =	veq.s32 v11, v3;
	v18 =	vand.u32 $0xFFF, v12;
	v7 =	vld [tilespmem:s18+$0xFFFFFFA0];
	p0 =	slt.u32 s17, $0xB0  }
0x2c6: {  	vm3 =	veq.s32 v14, v3;
	v19 =	vand.u32 $0xFFF, v13;
	v8 =	vld [tilespmem:s18+$0xFFFFFFB0]  }
0x2c7: {  	v9 =	vld [tilespmem:s18+$0xFFFFFFC0]  }
0x2c8: {  	v10 =	vld [tilespmem:s18+$0xFFFFFFD0]  }
0x2c9: {  	v11 =	vld [tilespmem:s18+$0xFFFFFFE0];
	v12 =	vshll.u32 v15, $0x4;
	v13 =	vshrl.u32 v15, $0x8  }
0x2ca: {  	v14 =	vshll.u32 v7, $0x4;
	v15 =	vld [tilespmem:s18+$0xFFFFFFF0];
	vm7 =	veq.s32 v13, v3;
	v12 =	vor.u32 v1, v12  }
0x2cb: {  	v20 =	vshrl.u32 v7, $0x8;
	v13 =	vld [tilespmem:s18+$0xFFFFFF90];
	v7 =	vshll.u32 v8, $0x4;
	v21 =	vand.u32 $0xFFF, v12  }
0x2cc: {  	v22 =	vor.u32 v1, v14;
	v23 =	vshrl.u32 v8, $0x8;
	v8 =	vshll.u32 v9, $0x4;
	[tilespmem:v5+s2+$0x0] =	vst.idx.add.s32.msk vm2, v2  }
0x2cd: {  	v24 =	vor.u32 v1, v7;
	v7 =	vshrl.u32 v9, $0x8;
	v5 =	vshll.u32 v10, $0x4;
	[tilespmem:v6+s2+$0x0] =	vst.idx.add.s32.msk vm0, v2  }
0x2ce: {  	v8 =	vor.u32 v1, v8;
	v9 =	vshrl.u32 v10, $0x8;
	v6 =	vshll.u32 v11, $0x4;
	[tilespmem:v4+s2+$0x0] =	vst.idx.add.s32.msk vm1, v2  }
.Ltmp16:
0x2cf: {  	v10 =	vor.u32 v1, v5;
	v11 =	vshrl.u32 v11, $0x8;
	v4 =	vshll.u32 v15, $0x4;
	[tilespmem:v16+s2+$0x0] =	vst.idx.add.s32.msk vm6, v2;
	(pc) =	sbr.rel @p0 .LBB2_36-.Ltmp16, $4  }
0x2d0: {  	v12 =	vor.u32 v1, v6;
	v5 =	vshll.u32 v13, $0x4;
	v16 =	vshrl.u32 v13, $0x8;
	[tilespmem:v21+s2+$0x0] =	vst.idx.add.s32.msk vm7, v2  }
0x2d1: {  	v14 =	vshrl.u32 v15, $0x8;
	v13 =	vor.u32 v1, v4;
	v5 =	vor.u32 v1, v5;
	[tilespmem:v17+s2+$0x0] =	vst.idx.add.s32.msk vm4, v2  }
0x2d2: {  	vm0 =	veq.s32 v20, v3;
	vm2 =	veq.s32 v16, v3;
	v5 =	vand.u32 $0xFFF, v5;
	[tilespmem:v18+s2+$0x0] =	vst.idx.add.s32.msk vm5, v2  }
0x2d3: {  	s18 =	sadd.s32 $0x400, s18;
	vm1 =	veq.s32 v23, v3;
	v6 =	vand.u32 $0xFFF, v22;
	v4 =	vand.u32 $0xFFF, v24;
	[tilespmem:v19+s2+$0x0] =	vst.idx.add.s32.msk vm3, v2  }
0x2d4: {  	_ =	sdelay $0x1  }
0x2d5: {  	vm3 =	veq.s32 v7, v3  }
0x2d6: {  	v61 =	vand.u32 $0xFFF, v8;
	vm4 =	veq.s32 v9, v3  }
0x2d7: {  	v62 =	vand.u32 $0xFFF, v10;
	vm5 =	veq.s32 v11, v3  }
0x2d8: {  	v63 =	vand.u32 $0xFFF, v12;
	vm6 =	veq.s32 v14, v3;
	[tilespmem:v5+s2+$0x0] =	vst.idx.add.s32.msk vm2, v2  }
0x2d9: {  	v5 =	vand.u32 $0xFFF, v13;
	[tilespmem:v6+s2+$0x0] =	vst.idx.add.s32.msk vm0, v2  }
0x2da: {  	[tilespmem:v4+s2+$0x0] =	vst.idx.add.s32.msk vm1, v2  }
0x2db: {  	[tilespmem:v61+s2+$0x0] =	vst.idx.add.s32.msk vm3, v2  }
0x2dc: {  	[tilespmem:v62+s2+$0x0] =	vst.idx.add.s32.msk vm4, v2  }
0x2dd: {  	[tilespmem:v63+s2+$0x0] =	vst.idx.add.s32.msk vm5, v2  }
0x2de: {  	[tilespmem:v5+s2+$0x0] =	vst.idx.add.s32.msk vm6, v2  }
0x2df: {  	p0 =	seq.s32 s16, $0x44  }
.Ltmp17:
0x2e0: {  	_ = 	snop;
	(pc) =	sbr.rel @!p0 .LBB2_5-.Ltmp17, $1  }
0x2e1: {  	_ =	sdelay $0x3  }
0x2e2: {  	s15 =	sadd.s32 $0x1, s15  }
0x2e3: {  	p0 =	sne.s32 s15, s8  }
.Ltmp18:
0x2e4: {  	_ = 	snop;
	(pc) =	sbr.rel @p0 .LBB2_1-.Ltmp18, $4  }
0x2e5: {  	[hbm4b:s7+s2] =	stream.linear.scatter [tilespmem:s2], [sflag:$0x3], $0x1000, $0x38;
	[tilespmem:$0xC880] =	vst v63  }
0x2e6: {  	_ =	swait.ge [sflag:s10], $0x1000  }
0x2e7: {  	[sflag:s10] =	ssyncset.done $0x0  }
0x2e8: {  	[sflag:s10] =	ssyncadd.s32 $0xFFFFF000  }
0x2e9: {  	_ =	sfence.sel $0x180000  }
0x2ea: {  	[bflag:$0x0] =	sbarrier.arrive $0xFFFF  }
0x2eb: {  	p0 =	sne.s32 s1, $0x0;
	_ =	strace $0x9000004D  }
0x2ec: {  	s0 =	sadd.s32 @!p0 $0x100000, s0;
	[bflag:$0x2] =	sbarrier.arrive $0xFFFF  }
0x2ed: {  	[sflag:s0] =	ssyncadd.tile.s32 @!p0 $0x1;
	_ =	shalt  }
.Lfunc_end2:
_tile_overlayer_lowered:
.L_overlay_start_2:
0x2ee: {  	(tag) =	ssettag $0x2  }
0x2ef: {  	s0 =	rddreg [dreg:$0x0];
	s2 =	stileid.u32  }
0x2f0: {  	s1 =	rddreg [dreg:$0x1];
	p0 =	sne.s32 s2, $0x0  }
0x2f1: {  	s3 =	rddreg [dreg:$0x2];
	[bflag:$0x3] =	sbarrier.arrive $0xFFFF;
	s2 =	simm.s32 @!p0 $0x1C03  }
0x2f2: {  	[timem:s3], [sflag:s2] =	dma.local @!p0 [hbm:s0], s1  }
0x2f3: {  	s0 =	simm.s32 @!p0 $0x3  }
0x2f4: {  	_ =	swait.ge @!p0 [sflag:s0], s1  }
0x2f5: {  	s1 =	ssub.s32 @!p0 $0x0, s1;
	[sflag:s0] =	ssyncset.done @!p0 $0x0  }
0x2f6: {  	[sflag:s0] =	ssyncadd.s32 @!p0 s1  }
0x2f7: {  	[bflag:$0x3] =	sbarrier.arrive $0xFFFF  }
0x2f8: {  	_ =	shalt  }

// kernel: kernel.7.cloned.1.call-start
scs
__scs_entry_jumppad:
0x0: {  	(pc) =	sbr.rel $0x88, $3  }
0x1: {  	(tag) =	ssettag $0x0;
	lr =	simm.s32 $0x1  }
0x2: {  	[smem:$0x3F9F] =	sst lr;
	_ =	strace $0xD0000000  }
0x3: {  	_ = 	snop  }
0x4: {  	_ = 	snop  }
0x5: {  	_ = 	snop  }
0x6: {  	_ = 	snop  }
0x7: {  	_ = 	snop  }
__scs_overlays_trampoline_lowered:
0x8: {  	[smem:$0x3FAE] =	sst s0  }
0x9: {  	[smem:$0x3FAF] =	sst s1  }
0xa: {  	[smem:$0x3FB0] =	sst s2  }
0xb: {  	[smem:$0x3FB1] =	sst s3  }
0xc: {  	[smem:$0x3FB2] =	sst s4  }
0xd: {  	[smem:$0x3FB3] =	sst s5  }
0xe: {  	[smem:$0x3FB4] =	sst s6  }
0xf: {  	[smem:$0x3FB5] =	sst s7  }
0x10: {  	[smem:$0x3FB6] =	sst s8  }
0x11: {  	[smem:$0x3FB7] =	sst s9;
	s0 =	simm.s32 @!p0 $0x0  }
0x12: {  	s1 =	sld [smem:$0x3F9D];
	s0 =	simm.s32 @p0 $0x1  }
0x13: {  	[smem:$0x3FB8] =	sst s0;
	s0 =	simm.s32 @!p1 $0x0  }
0x14: {  	s2 =	sld [smem:$0x3F9C];
	s0 =	simm.s32 @p1 $0x1  }
0x15: {  	[smem:$0x3FB9] =	sst s0;
	s0 =	simm.s32 @!p2 $0x0  }
0x16: {  	s3 =	sld [smem:$0x3FDB];
	s0 =	simm.s32 @p2 $0x1  }
0x17: {  	s4 =	simm.s32 $0x1BF5;
	[smem:$0x3FBB] =	sst s0  }
0x18: {  	s0 =	sld [smem:$0x3F9E];
	_ =	swait.ge [sflag:s4], $0x0  }
0x19: {  	s7 =	sld [smem:$0x3F9F]  }
0x1a: {  	s8 =	sadd.s32 $0xFFFFE003, lr  }
0x1b: {  	s9 =	sadd.s32 $0xFFFFFEF7, lr;
	s5 =	simm.s32 $0xFFFFFFFF;
	p2 =	slt.u32 s8, $0xFFFFF086  }
0x1c: {  	p1 =	slt.u32 s9, $0xF7A;
	s5 =	simm.s32 @!p2 $0x0  }
0x1d: {  	s5 =	simm.s32 @p1 $0x1;
	p0 =	seq.s32 s7, s2  }
0x1e: {  	s7 =	smul.u32 @!p0 $0xF7A, s2;
	p2 =	seq.s32 @!p0 s5, $0x0  }
0x1f: {  	s9 =	smul.u32 $0xF7A, s1;
	s8 =	simm.s32 @!p0 $0x1BF5;
	p2 =	por !p2, p0  }
0x20: {  	[sflag:s8] =	ssyncset.s32 @!p0 $0xFFFFF086;
	s6 =	sadd.s32 @!p0 s3, s7;
	s7 =	simm.s32 @!p0 $0x108  }
0x21: {  	s3 =	sadd.s32 s3, s9;
	s6 =	sadd.s32 @!p0 $0x88, s6;
	s7 =	simm.s32 @p2 $0x1082  }
0x22: {  	[simem:s7], [sflag:s8] =	dma.local @!p0 [hbm:s6], $0xF7A  }
0x23: {  	s9 =	sor.u32 $0xD0000000, s2;
	s6 =	simm.s32 $0x108;
	_ =	swait.ge @!p0 [sflag:s8], $0x0  }
0x24: {  	s3 =	sadd.s32 $0x88, s3;
	s6 =	simm.s32 @!p1 $0x1082;
	[sflag:s4] =	ssyncset.s32 $0xFFFFF086  }
0x25: {  	[simem:s6], [sflag:s4] =	dma.local [hbm:s3], $0xF7A  }
0x26: {  	[smem:$0x3F9F] =	sst s1;
	(tag) =	ssettag s2;
	_ =	strace s9  }
0x27: {  	s1 =	sld [smem:$0x3FAF]  }
0x28: {  	s2 =	sld [smem:$0x3FB0]  }
0x29: {  	s4 =	sld [smem:$0x3FB2]  }
0x2a: {  	p0 =	seq.s32 s5, $0x0;
	s5 =	sld [smem:$0x3FB3]  }
0x2b: {  	s6 =	sld [smem:$0x3FB4]  }
0x2c: {  	s7 =	sld [smem:$0x3FB5]  }
0x2d: {  	s3 =	simm.s32 $0x108;
	s8 =	sld [smem:$0x3FB6]  }
0x2e: {  	s3 =	simm.s32 @!p0 $0x1082;
	s9 =	sld [smem:$0x3FB7]  }
0x2f: {  	lr =	sadd.s32 s0, s3;
	s0 =	sld [smem:$0x3FAE]  }
0x30: {  	s3 =	sld [smem:$0x3FB1]  }
0x31: {  	[smem:$0x3FBA] =	sst s10  }
0x32: {  	s10 =	sld [smem:$0x3FB8];
	_ =	sdelay $0x3  }
0x33: {  	p0 =	seq.s32 s10, $0x1;
	s10 =	sld [smem:$0x3FBA];
	_ =	sdelay $0x3  }
0x34: {  	[smem:$0x3FBA] =	sst s10  }
0x35: {  	s10 =	sld [smem:$0x3FB9];
	_ =	sdelay $0x3  }
0x36: {  	p1 =	seq.s32 s10, $0x1;
	s10 =	sld [smem:$0x3FBA];
	_ =	sdelay $0x3  }
0x37: {  	[smem:$0x3FBA] =	sst s10  }
0x38: {  	s10 =	sld [smem:$0x3FBB]  }
0x39: {  	_ = 	snop;
	(pc) =	sbr.ind lr, $3  }
0x3a: {  	_ = 	snop  }
0x3b: {  	_ = 	snop  }
0x3c: {  	p2 =	seq.s32 s10, $0x1;
	s10 =	sld [smem:$0x3FBA]  }
0x3d: {  	_ =	shalt  }
0x3e: {  	_ =	shalt  }
0x3f: {  	_ =	shalt  }
0x40: {  	_ =	shalt  }
0x41: {  	_ =	shalt  }
0x42: {  	_ =	shalt  }
0x43: {  	_ =	shalt  }
0x44: {  	_ =	shalt  }
0x45: {  	_ =	shalt  }
0x46: {  	_ =	shalt  }
0x47: {  	_ =	shalt  }
0x48: {  	_ =	shalt  }
0x49: {  	_ =	shalt  }
0x4a: {  	_ =	shalt  }
0x4b: {  	_ =	shalt  }
0x4c: {  	_ =	shalt  }
0x4d: {  	_ =	shalt  }
0x4e: {  	_ =	shalt  }
0x4f: {  	_ =	shalt  }
0x50: {  	_ =	shalt  }
0x51: {  	_ =	shalt  }
0x52: {  	_ =	shalt  }
0x53: {  	_ =	shalt  }
0x54: {  	_ =	shalt  }
0x55: {  	_ =	shalt  }
0x56: {  	_ =	shalt  }
0x57: {  	_ =	shalt  }
0x58: {  	_ =	shalt  }
0x59: {  	_ =	shalt  }
0x5a: {  	_ =	shalt  }
0x5b: {  	_ =	shalt  }
0x5c: {  	_ =	shalt  }
0x5d: {  	_ =	shalt  }
0x5e: {  	_ =	shalt  }
0x5f: {  	_ =	shalt  }
0x60: {  	_ =	shalt  }
0x61: {  	_ =	shalt  }
0x62: {  	_ =	shalt  }
0x63: {  	_ =	shalt  }
0x64: {  	_ =	shalt  }
0x65: {  	_ =	shalt  }
0x66: {  	_ =	shalt  }
0x67: {  	_ =	shalt  }
0x68: {  	_ =	shalt  }
0x69: {  	_ =	shalt  }
0x6a: {  	_ =	shalt  }
0x6b: {  	_ =	shalt  }
0x6c: {  	_ =	shalt  }
0x6d: {  	_ =	shalt  }
0x6e: {  	_ =	shalt  }
0x6f: {  	_ =	shalt  }
0x70: {  	_ =	shalt  }
0x71: {  	_ =	shalt  }
0x72: {  	_ =	shalt  }
0x73: {  	_ =	shalt  }
0x74: {  	_ =	shalt  }
0x75: {  	_ =	shalt  }
0x76: {  	_ =	shalt  }
0x77: {  	_ =	shalt  }
0x78: {  	_ =	shalt  }
0x79: {  	_ =	shalt  }
0x7a: {  	_ =	shalt  }
0x7b: {  	_ =	shalt  }
0x7c: {  	_ =	shalt  }
0x7d: {  	_ =	shalt  }
0x7e: {  	_ =	shalt  }
0x7f: {  	_ =	shalt  }
0x80: {  	_ =	shalt  }
0x81: {  	_ =	shalt  }
0x82: {  	_ =	shalt  }
0x83: {  	_ =	shalt  }
0x84: {  	_ =	shalt  }
0x85: {  	_ =	shalt  }
0x86: {  	_ =	shalt  }
0x87: {  	_ =	shalt  }
.Lfunc_end0:
.L_simem_size_0:
called_computation_lowered:
.L_overlay_start_0:
0x88: {  	s2 =	sld [smem:$0x3FD9]  }
0x89: {  	s3 =	sld [smem:$0x3FFE];
	_ =	sdelay $0x1  }
0x8a: {  	s1 =	srdreg.scid  }
0x8b: {  	s0 =	sand.u32 $0x1, s1  }
0x8c: {  	s16 =	sshll.u32 s0, $0xA;
	s2 =	sadd.s32 s3, s2  }
0x8d: {  	s2 =	sadd.s32 s2, s16  }
0x8e: {  	[smem:$0x3FC6] =	sst s2  }
0x8f: {  	_ = 	snop  }
0x90: {  	(tm) =	ssettm $0x1  }
0x91: {  	s17 =	sld [smem:$0x3FFB];
	_ =	sdelay $0x3  }
0x92: {  	_ =	strace s17  }
0x93: {  	s2 =	sld [smem:$0x3FFC];
	_ =	sdelay $0x3  }
0x94: {  	_ =	strace s2  }
0x95: {  	s2 =	sld [smem:$0x3FFD];
	_ =	sdelay $0x3  }
0x96: {  	_ =	strace s2  }
0x97: {  	_ =	strace $0x8FFFFFFF  }
0x98: {  	s18 =	sld [smem:$0x3FDB];
	_ =	sdelay $0x1  }
0x99: {  	s19 =	simm.s32 $_scs_section_size  }
0x9a: {  	s4 =	simm.s32 $_size__tile_overlayer_lowered;
	s5 =	simm.s32 $_tile_overlayer_lowered  }
0x9b: {  	s22 =	simm.s32 $0x1BFF;
	s21 =	sshll.u32 s5, $0x1;
	s2 =	sadd.s32 s19, s18  }
0x9c: {  	s6 =	simm.s32 $0x0;
	s20 =	sshll.u32 s4, $0x1;
	s4 =	sadd.s32 s21, s2  }
0x9d: {  	[timem:s6], [sflag:s22] =	dma.local [hbm:s4], s20  }
0x9e: {  	_ =	swait.ge [sflag:s22], s20  }
0x9f: {  	s3 =	ssub.s32 $0x0, s20;
	[sflag:s22] =	ssyncset.done $0x0  }
0xa0: {  	[sflag:s22] =	ssyncadd.s32 s3;
	_ =	sdelay $0x1  }
0xa1: {  	s23 =	simm.s32 $0x1B8B  }
0xa2: {  	_ =	swait.ge [sflag:s23], $0x1  }
0xa3: {  	[sflag:s23] =	ssyncset.done $0x0  }
0xa4: {  	s25 =	simm.s32 $0x1B8E;
	s24 =	sld [smem:$0x3FFE];
	[sflag:s23] =	ssyncadd.s32 $0xFFFFFFFF  }
0xa5: {  	s26 =	simm.s32 $execute0_lowered;
	[smem:$0x3FD2] =	sst s25  }
0xa6: {  	s4 =	sshll.u32 s26, $0x1;
	_ =	strace $0x80000046;
	[dreg:$0x1] =	wrdreg $0xFFFFFFFF  }
0xa7: {  	s28 =	simm.s32 $_size_execute0_lowered;
	s2 =	sadd.s32 s2, s4;
	[dreg:$0x0] =	wrdreg $0x0  }
0xa8: {  	s4 =	sshll.u32 s28, $0x1;
	[dreg:$0x2] =	wrdreg s2  }
0xa9: {  	[dreg:$0x3] =	wrdreg s4  }
0xaa: {  	[dreg:$0x4] =	wrdreg $0xC0  }
0xab: {  	_ =	task [dreg:s6], $0x5FFFF  }
0xac: {  	[dreg:$0x1] =	wrdreg $0xFFFFFFFF  }
0xad: {  	[dreg:$0x0] =	wrdreg $0x60  }
0xae: {  	[dreg:$0x2] =	wrdreg s24  }
0xaf: {  	[dreg:$0x3] =	wrdreg $0x9  }
0xb0: {  	_ =	task.clear_ibuf [dreg:s6], $0x4FFFF;
	_ =	strace $0x90000046  }
0xb1: {  	s29 =	simm.s32 $0x9;
	_ =	strace $0x80000048  }
0xb2: {  	_ =	swait.ge [sflag:s29], $0x1  }
0xb3: {  	[sflag:s29] =	ssyncadd.s32 $0xFFFFFFFF  }
0xb4: {  	_ =	strace $0x90000048  }
0xb5: {  	_ =	sfence  }
0xb6: {  	s30 =	sld [smem:$0x0];
	_ =	sdelay $0x2  }
0xb7: {  	s31 =	sshll.u32 s1, $0xD;
	s1 =	sshrl.u32 s1, $0x2  }
0xb8: {  	s3 =	sand.u32 $0x4000, s31;
	s1 =	sadd.s32 s1, s30  }
0xb9: {  	s0 =	sor.u32 s3, s0;
	s1 =	sshll.u32 s1, $0x11  }
0xba: {  	s0 =	sor.u32 s1, s0  }
0xbb: {  	s0 =	sadd.s32 $0x8F2B, s0  }
0xbc: {  	[sflag:s0] =	ssyncadd.remote.s32 $0x1  }
0xbd: {  	_ =	sfence.sel $0xFFFF  }
0xbe: {  	[dreg:$0x0] =	wrdreg $0xFFFFFFFF;
	(pc) =	sbr.abs _section_cstart, $3  }
0xbf: {  	[dreg:$0x1] =	wrdreg $0xFFFFFFFF  }
0xc0: {  	_ =	task.clear_ibuf [dreg:s6], $0x2FFFF;
	_ =	strace $0x9FFFFFFF  }
0xc1: {  	(tm) =	ssettm $0x7FFFFFFF  }
tec
execute0_lowered:
.L_overlay_start_1:
0x0: {  	(tag) =	ssettag $0x1  }
0x1: {  	s6 =	rddreg [dreg:$0x0]  }
0x2: {  	s0 =	rddreg [dreg:$0x1]  }
0x3: {  	s2 =	simm.s32 $0x0;
	s3 =	srdreg.scid;
	s1 =	stileid.u32  }
0x4: {  	s10 =	simm.s32 $0x1;
	s11 =	simm.s32 $0x2;
	s12 =	simm.s32 $0x3  }
0x5: {  	[smem:$0x7FF] =	sst s2;
	s3 =	sand.u32 $0x1, s3;
	s4 =	sshll.u32 s1, $0x1  }
0x6: {  	s13 =	simm.s32 $0x0;
	_ =	strace $0x80000047;
	s7 =	sor.u32 s3, s4  }
0x7: {  	s5 =	ssub.s32 $0x2, s3;
	s3 =	sadd.s32 $0x1870000, s6;
	s8 =	smul.u32 $0x61C00, s7  }
0x8: {  	s31 =	sshrl.u32 s5, $0x1;
	s4 =	sshll.u32 s7, $0x2;
	s7 =	sshll.u32 s7, $0xD  }
0x9: {  	s9 =	ssub.s32 s5, s31;
	s6 =	sadd.s32 s6, s7;
	s5 =	sadd.s32 s3, s8  }
0xa: {  	v0 =	vimm.s32 $0x0;
	v1 =	vlaneseq.u32;
	v2 =	vimm.s32 $0x1;
	s7 =	smax.u32 s9, $0x1;
	s8 =	simm.s32 $0x10000;
	s9 =	simm.s32 $0x15C00  }
.LBB2_1:
0xb: {  	s14 =	simm.s32 $0x40;
	s15 =	simm.s32 $0x0  }
.LBB2_2:
0xc: {  	p0 =	sne.s32 s14, $0x3FFC0;
	[tilespmem:s15+$0x0] =	vst v0;
	s15 =	smov.u32 s14;
	s14 =	sadd.s32 $0x40, s14  }
.Ltmp0:
0xd: {  	(pc) =	sbr.rel @p0 .LBB2_2-.Ltmp0, $2  }
0xe: {  	_ =	sdelay $0x2  }
0xf: {  	s15 =	sshra.s32 s15, $0x2  }
0x10: {  	[tilespmem:s15+$0x0] =	vst v0;
	s14 =	simm.s32 $0x0  }
0x11: {  	[tilespmem:s8], [sflag:$0x1] =	stream.linear.gather [hbm4b:s5+s14], $0x5C00, $0x38;
	[tilespmem:$0x1B800] =	vst v63  }
.LBB2_5:
0x12: {  	s15 =	sshllo.u32 s14, $0x1  }
0x13: {  	s16 =	sand.u32 $0xFF, s15  }
0x14: {  	s16 =	smul.u32 $0xF1, s16  }
0x15: {  	s17 =	smul.u32 $0xF1, s14  }
0x16: {  	s16 =	sshrl.u32 s16, $0xD  }
0x17: {  	s17 =	sshrl.u32 s17, $0xC;
	s16 =	smul.u32 $0x22, s16  }
0x18: {  	s17 =	sand.u32 $0xF, s17  }
0x19: {  	s17 =	sadd.s32 s17, s4;
	s15 =	ssub.s32 s15, s16  }
0x1a: {  	s30 =	smul.u32 $0xC3800, s17;
	s15 =	sand.u32 $0xFF, s15  }
0x1b: {  	s15 =	smul.u32 $0x5C00, s15;
	_ =	sdelay $0x1  }
0x1c: {  	s15 =	sadd.s32 s30, s15  }
0x1d: {  	s15 =	sshrl.u32 s15, $0x3  }
0x1e: {  	s15 =	sadd.s32 s3, s15  }
0x1f: {  	[tilespmem:s9], [sflag:$0x2] =	stream.linear.gather [hbm4b:s15+s2], $0x5C00, $0x38;
	[tilespmem:$0x1B800] =	vst v63  }
0x20: {  	_ =	swait.ge [sflag:s10], $0x5C00  }
0x21: {  	[sflag:s10] =	ssyncset.done $0x0  }
0x22: {  	s31 =	simm.s32 $0x10040;
	[sflag:s10] =	ssyncadd.s32 $0xFFFFA400  }
0x23: {  	v3 =	vld [tilespmem:s31+$0x30]  }
0x24: {  	v4 =	vld [tilespmem:s31+$0xFFFFFFD0]  }
0x25: {  	v5 =	vld [tilespmem:s31+$0xFFFFFFE0]  }
0x26: {  	v6 =	vld [tilespmem:s31+$0xFFFFFFF0];
	_ =	sdelay $0x1  }
0x27: {  	v7 =	vld [tilespmem:s31+$0x0];
	v3 =	vshrl.u32 v3, $0x10  }
0x28: {  	v8 =	vld [tilespmem:s31+$0x10];
	v4 =	vshrl.u32 v4, $0x10;
	v3 =	vand.u32 $0xFFF0, v3  }
0x29: {  	v11 =	vld [tilespmem:s31+$0xFFFFFFC0];
	v5 =	vshrl.u32 v5, $0x10;
	v4 =	vand.u32 $0xFFF0, v4;
	v10 =	vor.u32 v1, v3  }
0x2a: {  	v9 =	vld [tilespmem:s31+$0x20];
	v4 =	vor.u32 v1, v4;
	v3 =	vand.u32 $0xFFF0, v5;
	v5 =	vshrl.u32 v6, $0x10  }
0x2b: {  	v6 =	vor.u32 v1, v3;
	v3 =	vand.u32 $0xFFF0, v5  }
0x2c: {  	v5 =	vshrl.u32 v7, $0x10;
	v7 =	vor.u32 v1, v3;
	_ =	sdelay $0x1  }
0x2d: {  	v63 =	vshrl.u32 v11, $0x10;
	v3 =	vand.u32 $0xFFF0, v5;
	v5 =	vshrl.u32 v8, $0x10;
	[tilespmem:v10+s2+$0x0] =	vst.idx.add.s32.msk $0xffff, v2  }
0x2e: {  	v8 =	vshrl.u32 v9, $0x10;
	v3 =	vor.u32 v1, v3;
	v5 =	vand.u32 $0xFFF0, v5;
	[tilespmem:v4+s2+$0x0] =	vst.idx.add.s32.msk $0xffff, v2  }
0x2f: {  	s18 =	simm.s32 $0x10440;
	v4 =	vor.u32 v1, v5;
	v5 =	vand.u32 $0xFFF0, v8;
	v8 =	vand.u32 $0xFFF0, v63;
	[tilespmem:v6+s2+$0x0] =	vst.idx.add.s32.msk $0xffff, v2  }
0x30: {  	s17 =	simm.s32 $0x0;
	s16 =	simm.s32 $0x100F0;
	s15 =	sshll.u32 s14, $0x1;
	v5 =	vor.u32 v1, v5;
	v6 =	vor.u32 v1, v8;
	[tilespmem:v7+s2+$0x0] =	vst.idx.add.s32.msk $0xffff, v2  }
.LBB2_6:
0x31: {  	v7 =	vld [tilespmem:s18+$0x30];
	s17 =	sadd.s32 $0x8, s17  }
0x32: {  	v8 =	vld [tilespmem:s18+$0xFFFFFFD0];
	p0 =	slt.u32 s17, $0xB0  }
0x33: {  	v9 =	vld [tilespmem:s18+$0xFFFFFFE0]  }
0x34: {  	v10 =	vld [tilespmem:s18+$0xFFFFFFF0]  }
0x35: {  	v11 =	vld [tilespmem:s18+$0x0]  }
0x36: {  	v12 =	vld [tilespmem:s18+$0x10];
	v7 =	vshrl.u32 v7, $0x10  }
0x37: {  	v8 =	vshrl.u32 v8, $0x10;
	v13 =	vld [tilespmem:s18+$0x20];
	v7 =	vand.u32 $0xFFF0, v7  }
0x38: {  	v14 =	vld [tilespmem:s18+$0xFFFFFFC0];
	v8 =	vand.u32 $0xFFF0, v8;
	v9 =	vshrl.u32 v9, $0x10;
	v7 =	vor.u32 v1, v7  }
0x39: {  	v8 =	vor.u32 v1, v8;
	v9 =	vand.u32 $0xFFF0, v9;
	v10 =	vshrl.u32 v10, $0x10;
	[tilespmem:v6+s2+$0x0] =	vst.idx.add.s32.msk $0xffff, v2  }
0x3a: {  	v9 =	vor.u32 v1, v9;
	v6 =	vand.u32 $0xFFF0, v10;
	v10 =	vshrl.u32 v11, $0x10;
	[tilespmem:v3+s2+$0x0] =	vst.idx.add.s32.msk $0xffff, v2  }
0x3b: {  	v11 =	vor.u32 v1, v6;
	v3 =	vand.u32 $0xFFF0, v10;
	v6 =	vshrl.u32 v12, $0x10;
	[tilespmem:v4+s2+$0x0] =	vst.idx.add.s32.msk $0xffff, v2  }
.Ltmp1:
0x3c: {  	v3 =	vor.u32 v1, v3;
	v4 =	vand.u32 $0xFFF0, v6;
	v6 =	vshrl.u32 v13, $0x10;
	[tilespmem:v5+s2+$0x0] =	vst.idx.add.s32.msk $0xffff, v2;
	(pc) =	sbr.rel @p0 .LBB2_6-.Ltmp1, $4  }
0x3d: {  	v5 =	vshrl.u32 v14, $0x10;
	v4 =	vor.u32 v1, v4;
	v6 =	vand.u32 $0xFFF0, v6;
	[tilespmem:v7+s2+$0x0] =	vst.idx.add.s32.msk $0xffff, v2  }
0x3e: {  	v7 =	vand.u32 $0xFFF0, v5;
	[tilespmem:v8+s2+$0x0] =	vst.idx.add.s32.msk $0xffff, v2;
	v5 =	vor.u32 v1, v6  }
0x3f: {  	v6 =	vor.u32 v1, v7;
	[tilespmem:v9+s2+$0x0] =	vst.idx.add.s32.msk $0xffff, v2  }
0x40: {  	s18 =	sadd.s32 $0x400, s18;
	[tilespmem:v11+s2+$0x0] =	vst.idx.add.s32.msk $0xffff, v2  }
0x41: {  	_ =	sdelay $0x3  }
0x42: {  	[tilespmem:v6+s2+$0x0] =	vst.idx.add.s32.msk $0xffff, v2  }
0x43: {  	[tilespmem:v3+s2+$0x0] =	vst.idx.add.s32.msk $0xffff, v2  }
0x44: {  	[tilespmem:v4+s2+$0x0] =	vst.idx.add.s32.msk $0xffff, v2  }
0x45: {  	[tilespmem:v5+s2+$0x0] =	vst.idx.add.s32.msk $0xffff, v2  }
0x46: {  	v3 =	vld [tilespmem:s16+$0x0]  }
0x47: {  	v4 =	vld [tilespmem:s16+$0xFFFFFFA0]  }
0x48: {  	v5 =	vld [tilespmem:s16+$0xFFFFFFB0]  }
0x49: {  	v6 =	vld [tilespmem:s16+$0xFFFFFFC0];
	_ =	sdelay $0x1  }
0x4a: {  	v7 =	vld [tilespmem:s16+$0xFFFFFFD0];
	v3 =	vshrl.u32 v3, $0x10  }
0x4b: {  	v8 =	vld [tilespmem:s16+$0xFFFFFFE0];
	v4 =	vshrl.u32 v4, $0x10;
	v3 =	vand.u32 $0xFFF0, v3  }
0x4c: {  	v11 =	vld [tilespmem:s16+$0xFFFFFF90];
	v5 =	vshrl.u32 v5, $0x10;
	v4 =	vand.u32 $0xFFF0, v4;
	v10 =	vor.u32 v1, v3  }
0x4d: {  	v9 =	vld [tilespmem:s16+$0xFFFFFFF0];
	v4 =	vor.u32 v1, v4;
	v3 =	vand.u32 $0xFFF0, v5;
	v5 =	vshrl.u32 v6, $0x10  }
0x4e: {  	v6 =	vor.u32 v1, v3;
	v3 =	vand.u32 $0xFFF0, v5  }
0x4f: {  	v5 =	vshrl.u32 v7, $0x10;
	v7 =	vor.u32 v1, v3;
	_ =	sdelay $0x1  }
0x50: {  	v63 =	vshrl.u32 v11, $0x10;
	v3 =	vand.u32 $0xFFF0, v5;
	v5 =	vshrl.u32 v8, $0x10;
	[tilespmem:v10+s2+$0x0] =	vst.idx.add.s32.msk $0xffff, v2  }
0x51: {  	v8 =	vshrl.u32 v9, $0x10;
	v3 =	vor.u32 v1, v3;
	v5 =	vand.u32 $0xFFF0, v5;
	[tilespmem:v4+s2+$0x0] =	vst.idx.add.s32.msk $0xffff, v2  }
0x52: {  	v4 =	vor.u32 v1, v5;
	v5 =	vand.u32 $0xFFF0, v8;
	v8 =	vand.u32 $0xFFF0, v63;
	[tilespmem:v6+s2+$0x0] =	vst.idx.add.s32.msk $0xffff, v2  }
0x53: {  	s17 =	simm.s32 $0x0;
	s18 =	simm.s32 $0x104F0;
	s16 =	simm.s32 $0x10170;
	v5 =	vor.u32 v1, v5;
	v6 =	vor.u32 v1, v8;
	[tilespmem:v7+s2+$0x0] =	vst.idx.add.s32.msk $0xffff, v2  }
.LBB2_8:
0x54: {  	v7 =	vld [tilespmem:s18+$0x0];
	s17 =	sadd.s32 $0x8, s17  }
0x55: {  	v8 =	vld [tilespmem:s18+$0xFFFFFFA0];
	p0 =	slt.u32 s17, $0xB0  }
0x56: {  	v9 =	vld [tilespmem:s18+$0xFFFFFFB0]  }
0x57: {  	v10 =	vld [tilespmem:s18+$0xFFFFFFC0]  }
0x58: {  	v11 =	vld [tilespmem:s18+$0xFFFFFFD0]  }
0x59: {  	v12 =	vld [tilespmem:s18+$0xFFFFFFE0];
	v7 =	vshrl.u32 v7, $0x10  }
0x5a: {  	v8 =	vshrl.u32 v8, $0x10;
	v13 =	vld [tilespmem:s18+$0xFFFFFFF0];
	v7 =	vand.u32 $0xFFF0, v7  }
0x5b: {  	v14 =	vld [tilespmem:s18+$0xFFFFFF90];
	v8 =	vand.u32 $0xFFF0, v8;
	v9 =	vshrl.u32 v9, $0x10;
	v7 =	vor.u32 v1, v7  }
0x5c: {  	v8 =	vor.u32 v1, v8;
	v9 =	vand.u32 $0xFFF0, v9;
	v10 =	vshrl.u32 v10, $0x10;
	[tilespmem:v6+s2+$0x0] =	vst.idx.add.s32.msk $0xffff, v2  }
0x5d: {  	v9 =	vor.u32 v1, v9;
	v6 =	vand.u32 $0xFFF0, v10;
	v10 =	vshrl.u32 v11, $0x10;
	[tilespmem:v3+s2+$0x0] =	vst.idx.add.s32.msk $0xffff, v2  }
0x5e: {  	v11 =	vor.u32 v1, v6;
	v3 =	vand.u32 $0xFFF0, v10;
	v6 =	vshrl.u32 v12, $0x10;
	[tilespmem:v4+s2+$0x0] =	vst.idx.add.s32.msk $0xffff, v2  }
.Ltmp2:
0x5f: {  	v3 =	vor.u32 v1, v3;
	v4 =	vand.u32 $0xFFF0, v6;
	v6 =	vshrl.u32 v13, $0x10;
	[tilespmem:v5+s2+$0x0] =	vst.idx.add.s32.msk $0xffff, v2;
	(pc) =	sbr.rel @p0 .LBB2_8-.Ltmp2, $4  }
0x60: {  	v5 =	vshrl.u32 v14, $0x10;
	v4 =	vor.u32 v1, v4;
	v6 =	vand.u32 $0xFFF0, v6;
	[tilespmem:v7+s2+$0x0] =	vst.idx.add.s32.msk $0xffff, v2  }
0x61: {  	v7 =	vand.u32 $0xFFF0, v5;
	[tilespmem:v8+s2+$0x0] =	vst.idx.add.s32.msk $0xffff, v2;
	v5 =	vor.u32 v1, v6  }
0x62: {  	v6 =	vor.u32 v1, v7;
	[tilespmem:v9+s2+$0x0] =	vst.idx.add.s32.msk $0xffff, v2  }
0x63: {  	s18 =	sadd.s32 $0x400, s18;
	[tilespmem:v11+s2+$0x0] =	vst.idx.add.s32.msk $0xffff, v2  }
0x64: {  	_ =	sdelay $0x3  }
0x65: {  	[tilespmem:v6+s2+$0x0] =	vst.idx.add.s32.msk $0xffff, v2  }
0x66: {  	[tilespmem:v3+s2+$0x0] =	vst.idx.add.s32.msk $0xffff, v2  }
0x67: {  	[tilespmem:v4+s2+$0x0] =	vst.idx.add.s32.msk $0xffff, v2  }
0x68: {  	[tilespmem:v5+s2+$0x0] =	vst.idx.add.s32.msk $0xffff, v2  }
0x69: {  	v3 =	vld [tilespmem:s16+$0x0]  }
0x6a: {  	v4 =	vld [tilespmem:s16+$0xFFFFFFA0]  }
0x6b: {  	v5 =	vld [tilespmem:s16+$0xFFFFFFB0]  }
0x6c: {  	v6 =	vld [tilespmem:s16+$0xFFFFFFC0];
	_ =	sdelay $0x1  }
0x6d: {  	v7 =	vld [tilespmem:s16+$0xFFFFFFD0];
	v3 =	vshrl.u32 v3, $0x10  }
0x6e: {  	v8 =	vld [tilespmem:s16+$0xFFFFFFE0];
	v4 =	vshrl.u32 v4, $0x10;
	v3 =	vand.u32 $0xFFF0, v3  }
0x6f: {  	v11 =	vld [tilespmem:s16+$0xFFFFFF90];
	v5 =	vshrl.u32 v5, $0x10;
	v4 =	vand.u32 $0xFFF0, v4;
	v10 =	vor.u32 v1, v3  }
0x70: {  	v9 =	vld [tilespmem:s16+$0xFFFFFFF0];
	v4 =	vor.u32 v1, v4;
	v3 =	vand.u32 $0xFFF0, v5;
	v5 =	vshrl.u32 v6, $0x10  }
0x71: {  	v6 =	vor.u32 v1, v3;
	v3 =	vand.u32 $0xFFF0, v5  }
0x72: {  	v5 =	vshrl.u32 v7, $0x10;
	v7 =	vor.u32 v1, v3;
	_ =	sdelay $0x1  }
0x73: {  	v63 =	vshrl.u32 v11, $0x10;
	v3 =	vand.u32 $0xFFF0, v5;
	v5 =	vshrl.u32 v8, $0x10;
	[tilespmem:v10+s2+$0x0] =	vst.idx.add.s32.msk $0xffff, v2  }
0x74: {  	v8 =	vshrl.u32 v9, $0x10;
	v3 =	vor.u32 v1, v3;
	v5 =	vand.u32 $0xFFF0, v5;
	[tilespmem:v4+s2+$0x0] =	vst.idx.add.s32.msk $0xffff, v2  }
0x75: {  	v4 =	vor.u32 v1, v5;
	v5 =	vand.u32 $0xFFF0, v8;
	v8 =	vand.u32 $0xFFF0, v63;
	[tilespmem:v6+s2+$0x0] =	vst.idx.add.s32.msk $0xffff, v2  }
0x76: {  	s17 =	simm.s32 $0x0;
	s18 =	simm.s32 $0x10570;
	s16 =	simm.s32 $0x101F0;
	v5 =	vor.u32 v1, v5;
	v6 =	vor.u32 v1, v8;
	[tilespmem:v7+s2+$0x0] =	vst.idx.add.s32.msk $0xffff, v2  }
.LBB2_10:
0x77: {  	v7 =	vld [tilespmem:s18+$0x0];
	s17 =	sadd.s32 $0x8, s17  }
0x78: {  	v8 =	vld [tilespmem:s18+$0xFFFFFFA0];
	p0 =	slt.u32 s17, $0xB0  }
0x79: {  	v9 =	vld [tilespmem:s18+$0xFFFFFFB0]  }
0x7a: {  	v10 =	vld [tilespmem:s18+$0xFFFFFFC0]  }
0x7b: {  	v11 =	vld [tilespmem:s18+$0xFFFFFFD0]  }
0x7c: {  	v12 =	vld [tilespmem:s18+$0xFFFFFFE0];
	v7 =	vshrl.u32 v7, $0x10  }
0x7d: {  	v8 =	vshrl.u32 v8, $0x10;
	v13 =	vld [tilespmem:s18+$0xFFFFFFF0];
	v7 =	vand.u32 $0xFFF0, v7  }
0x7e: {  	v14 =	vld [tilespmem:s18+$0xFFFFFF90];
	v8 =	vand.u32 $0xFFF0, v8;
	v9 =	vshrl.u32 v9, $0x10;
	v7 =	vor.u32 v1, v7  }
0x7f: {  	v8 =	vor.u32 v1, v8;
	v9 =	vand.u32 $0xFFF0, v9;
	v10 =	vshrl.u32 v10, $0x10;
	[tilespmem:v6+s2+$0x0] =	vst.idx.add.s32.msk $0xffff, v2  }
0x80: {  	v9 =	vor.u32 v1, v9;
	v6 =	vand.u32 $0xFFF0, v10;
	v10 =	vshrl.u32 v11, $0x10;
	[tilespmem:v3+s2+$0x0] =	vst.idx.add.s32.msk $0xffff, v2  }
0x81: {  	v11 =	vor.u32 v1, v6;
	v3 =	vand.u32 $0xFFF0, v10;
	v6 =	vshrl.u32 v12, $0x10;
	[tilespmem:v4+s2+$0x0] =	vst.idx.add.s32.msk $0xffff, v2  }
.Ltmp3:
0x82: {  	v3 =	vor.u32 v1, v3;
	v4 =	vand.u32 $0xFFF0, v6;
	v6 =	vshrl.u32 v13, $0x10;
	[tilespmem:v5+s2+$0x0] =	vst.idx.add.s32.msk $0xffff, v2;
	(pc) =	sbr.rel @p0 .LBB2_10-.Ltmp3, $4  }
0x83: {  	v5 =	vshrl.u32 v14, $0x10;
	v4 =	vor.u32 v1, v4;
	v6 =	vand.u32 $0xFFF0, v6;
	[tilespmem:v7+s2+$0x0] =	vst.idx.add.s32.msk $0xffff, v2  }
0x84: {  	v7 =	vand.u32 $0xFFF0, v5;
	[tilespmem:v8+s2+$0x0] =	vst.idx.add.s32.msk $0xffff, v2;
	v5 =	vor.u32 v1, v6  }
0x85: {  	v6 =	vor.u32 v1, v7;
	[tilespmem:v9+s2+$0x0] =	vst.idx.add.s32.msk $0xffff, v2  }
0x86: {  	s18 =	sadd.s32 $0x400, s18;
	[tilespmem:v11+s2+$0x0] =	vst.idx.add.s32.msk $0xffff, v2  }
0x87: {  	_ =	sdelay $0x3  }
0x88: {  	[tilespmem:v6+s2+$0x0] =	vst.idx.add.s32.msk $0xffff, v2  }
0x89: {  	[tilespmem:v3+s2+$0x0] =	vst.idx.add.s32.msk $0xffff, v2  }
0x8a: {  	[tilespmem:v4+s2+$0x0] =	vst.idx.add.s32.msk $0xffff, v2  }
0x8b: {  	[tilespmem:v5+s2+$0x0] =	vst.idx.add.s32.msk $0xffff, v2  }
0x8c: {  	v3 =	vld [tilespmem:s16+$0x0]  }
0x8d: {  	v4 =	vld [tilespmem:s16+$0xFFFFFFA0]  }
0x8e: {  	v5 =	vld [tilespmem:s16+$0xFFFFFFB0]  }
0x8f: {  	v6 =	vld [tilespmem:s16+$0xFFFFFFC0];
	_ =	sdelay $0x1  }
0x90: {  	v7 =	vld [tilespmem:s16+$0xFFFFFFD0];
	v3 =	vshrl.u32 v3, $0x10  }
0x91: {  	v8 =	vld [tilespmem:s16+$0xFFFFFFE0];
	v4 =	vshrl.u32 v4, $0x10;
	v3 =	vand.u32 $0xFFF0, v3  }
0x92: {  	v11 =	vld [tilespmem:s16+$0xFFFFFF90];
	v5 =	vshrl.u32 v5, $0x10;
	v4 =	vand.u32 $0xFFF0, v4;
	v10 =	vor.u32 v1, v3  }
0x93: {  	v9 =	vld [tilespmem:s16+$0xFFFFFFF0];
	v4 =	vor.u32 v1, v4;
	v3 =	vand.u32 $0xFFF0, v5;
	v5 =	vshrl.u32 v6, $0x10  }
0x94: {  	v6 =	vor.u32 v1, v3;
	v3 =	vand.u32 $0xFFF0, v5  }
0x95: {  	v5 =	vshrl.u32 v7, $0x10;
	v7 =	vor.u32 v1, v3;
	_ =	sdelay $0x1  }
0x96: {  	v63 =	vshrl.u32 v11, $0x10;
	v3 =	vand.u32 $0xFFF0, v5;
	v5 =	vshrl.u32 v8, $0x10;
	[tilespmem:v10+s2+$0x0] =	vst.idx.add.s32.msk $0xffff, v2  }
0x97: {  	v8 =	vshrl.u32 v9, $0x10;
	v3 =	vor.u32 v1, v3;
	v5 =	vand.u32 $0xFFF0, v5;
	[tilespmem:v4+s2+$0x0] =	vst.idx.add.s32.msk $0xffff, v2  }
0x98: {  	v4 =	vor.u32 v1, v5;
	v5 =	vand.u32 $0xFFF0, v8;
	v8 =	vand.u32 $0xFFF0, v63;
	[tilespmem:v6+s2+$0x0] =	vst.idx.add.s32.msk $0xffff, v2  }
0x99: {  	s17 =	simm.s32 $0x0;
	s18 =	simm.s32 $0x105F0;
	s16 =	simm.s32 $0x10270;
	v5 =	vor.u32 v1, v5;
	v6 =	vor.u32 v1, v8;
	[tilespmem:v7+s2+$0x0] =	vst.idx.add.s32.msk $0xffff, v2  }
.LBB2_12:
0x9a: {  	v7 =	vld [tilespmem:s18+$0x0];
	s17 =	sadd.s32 $0x8, s17  }
0x9b: {  	v8 =	vld [tilespmem:s18+$0xFFFFFFA0];
	p0 =	slt.u32 s17, $0xB0  }
0x9c: {  	v9 =	vld [tilespmem:s18+$0xFFFFFFB0]  }
0x9d: {  	v10 =	vld [tilespmem:s18+$0xFFFFFFC0]  }
0x9e: {  	v11 =	vld [tilespmem:s18+$0xFFFFFFD0]  }
0x9f: {  	v12 =	vld [tilespmem:s18+$0xFFFFFFE0];
	v7 =	vshrl.u32 v7, $0x10  }
0xa0: {  	v8 =	vshrl.u32 v8, $0x10;
	v13 =	vld [tilespmem:s18+$0xFFFFFFF0];
	v7 =	vand.u32 $0xFFF0, v7  }
0xa1: {  	v14 =	vld [tilespmem:s18+$0xFFFFFF90];
	v8 =	vand.u32 $0xFFF0, v8;
	v9 =	vshrl.u32 v9, $0x10;
	v7 =	vor.u32 v1, v7  }
0xa2: {  	v8 =	vor.u32 v1, v8;
	v9 =	vand.u32 $0xFFF0, v9;
	v10 =	vshrl.u32 v10, $0x10;
	[tilespmem:v6+s2+$0x0] =	vst.idx.add.s32.msk $0xffff, v2  }
0xa3: {  	v9 =	vor.u32 v1, v9;
	v6 =	vand.u32 $0xFFF0, v10;
	v10 =	vshrl.u32 v11, $0x10;
	[tilespmem:v3+s2+$0x0] =	vst.idx.add.s32.msk $0xffff, v2  }
0xa4: {  	v11 =	vor.u32 v1, v6;
	v3 =	vand.u32 $0xFFF0, v10;
	v6 =	vshrl.u32 v12, $0x10;
	[tilespmem:v4+s2+$0x0] =	vst.idx.add.s32.msk $0xffff, v2  }
.Ltmp4:
0xa5: {  	v3 =	vor.u32 v1, v3;
	v4 =	vand.u32 $0xFFF0, v6;
	v6 =	vshrl.u32 v13, $0x10;
	[tilespmem:v5+s2+$0x0] =	vst.idx.add.s32.msk $0xffff, v2;
	(pc) =	sbr.rel @p0 .LBB2_12-.Ltmp4, $4  }
0xa6: {  	v5 =	vshrl.u32 v14, $0x10;
	v4 =	vor.u32 v1, v4;
	v6 =	vand.u32 $0xFFF0, v6;
	[tilespmem:v7+s2+$0x0] =	vst.idx.add.s32.msk $0xffff, v2  }
0xa7: {  	v7 =	vand.u32 $0xFFF0, v5;
	[tilespmem:v8+s2+$0x0] =	vst.idx.add.s32.msk $0xffff, v2;
	v5 =	vor.u32 v1, v6  }
0xa8: {  	v6 =	vor.u32 v1, v7;
	[tilespmem:v9+s2+$0x0] =	vst.idx.add.s32.msk $0xffff, v2  }
0xa9: {  	s18 =	sadd.s32 $0x400, s18;
	[tilespmem:v11+s2+$0x0] =	vst.idx.add.s32.msk $0xffff, v2  }
0xaa: {  	_ =	sdelay $0x3  }
0xab: {  	[tilespmem:v6+s2+$0x0] =	vst.idx.add.s32.msk $0xffff, v2  }
0xac: {  	[tilespmem:v3+s2+$0x0] =	vst.idx.add.s32.msk $0xffff, v2  }
0xad: {  	[tilespmem:v4+s2+$0x0] =	vst.idx.add.s32.msk $0xffff, v2  }
0xae: {  	[tilespmem:v5+s2+$0x0] =	vst.idx.add.s32.msk $0xffff, v2  }
0xaf: {  	v3 =	vld [tilespmem:s16+$0x0]  }
0xb0: {  	v4 =	vld [tilespmem:s16+$0xFFFFFFA0]  }
0xb1: {  	v5 =	vld [tilespmem:s16+$0xFFFFFFB0]  }
0xb2: {  	v6 =	vld [tilespmem:s16+$0xFFFFFFC0];
	_ =	sdelay $0x1  }
0xb3: {  	v7 =	vld [tilespmem:s16+$0xFFFFFFD0];
	v3 =	vshrl.u32 v3, $0x10  }
0xb4: {  	v8 =	vld [tilespmem:s16+$0xFFFFFFE0];
	v4 =	vshrl.u32 v4, $0x10;
	v3 =	vand.u32 $0xFFF0, v3  }
0xb5: {  	v11 =	vld [tilespmem:s16+$0xFFFFFF90];
	v5 =	vshrl.u32 v5, $0x10;
	v4 =	vand.u32 $0xFFF0, v4;
	v10 =	vor.u32 v1, v3  }
0xb6: {  	v9 =	vld [tilespmem:s16+$0xFFFFFFF0];
	v4 =	vor.u32 v1, v4;
	v3 =	vand.u32 $0xFFF0, v5;
	v5 =	vshrl.u32 v6, $0x10  }
0xb7: {  	v6 =	vor.u32 v1, v3;
	v3 =	vand.u32 $0xFFF0, v5  }
0xb8: {  	v5 =	vshrl.u32 v7, $0x10;
	v7 =	vor.u32 v1, v3;
	_ =	sdelay $0x1  }
0xb9: {  	v63 =	vshrl.u32 v11, $0x10;
	v3 =	vand.u32 $0xFFF0, v5;
	v5 =	vshrl.u32 v8, $0x10;
	[tilespmem:v10+s2+$0x0] =	vst.idx.add.s32.msk $0xffff, v2  }
0xba: {  	v8 =	vshrl.u32 v9, $0x10;
	v3 =	vor.u32 v1, v3;
	v5 =	vand.u32 $0xFFF0, v5;
	[tilespmem:v4+s2+$0x0] =	vst.idx.add.s32.msk $0xffff, v2  }
0xbb: {  	v4 =	vor.u32 v1, v5;
	v5 =	vand.u32 $0xFFF0, v8;
	v8 =	vand.u32 $0xFFF0, v63;
	[tilespmem:v6+s2+$0x0] =	vst.idx.add.s32.msk $0xffff, v2  }
0xbc: {  	s17 =	simm.s32 $0x0;
	s18 =	simm.s32 $0x10670;
	s16 =	simm.s32 $0x102F0;
	v5 =	vor.u32 v1, v5;
	v6 =	vor.u32 v1, v8;
	[tilespmem:v7+s2+$0x0] =	vst.idx.add.s32.msk $0xffff, v2  }
.LBB2_14:
0xbd: {  	v7 =	vld [tilespmem:s18+$0x0];
	s17 =	sadd.s32 $0x8, s17  }
0xbe: {  	v8 =	vld [tilespmem:s18+$0xFFFFFFA0];
	p0 =	slt.u32 s17, $0xB0  }
0xbf: {  	v9 =	vld [tilespmem:s18+$0xFFFFFFB0]  }
0xc0: {  	v10 =	vld [tilespmem:s18+$0xFFFFFFC0]  }
0xc1: {  	v11 =	vld [tilespmem:s18+$0xFFFFFFD0]  }
0xc2: {  	v12 =	vld [tilespmem:s18+$0xFFFFFFE0];
	v7 =	vshrl.u32 v7, $0x10  }
0xc3: {  	v8 =	vshrl.u32 v8, $0x10;
	v13 =	vld [tilespmem:s18+$0xFFFFFFF0];
	v7 =	vand.u32 $0xFFF0, v7  }
0xc4: {  	v14 =	vld [tilespmem:s18+$0xFFFFFF90];
	v8 =	vand.u32 $0xFFF0, v8;
	v9 =	vshrl.u32 v9, $0x10;
	v7 =	vor.u32 v1, v7  }
0xc5: {  	v8 =	vor.u32 v1, v8;
	v9 =	vand.u32 $0xFFF0, v9;
	v10 =	vshrl.u32 v10, $0x10;
	[tilespmem:v6+s2+$0x0] =	vst.idx.add.s32.msk $0xffff, v2  }
0xc6: {  	v9 =	vor.u32 v1, v9;
	v6 =	vand.u32 $0xFFF0, v10;
	v10 =	vshrl.u32 v11, $0x10;
	[tilespmem:v3+s2+$0x0] =	vst.idx.add.s32.msk $0xffff, v2  }
0xc7: {  	v11 =	vor.u32 v1, v6;
	v3 =	vand.u32 $0xFFF0, v10;
	v6 =	vshrl.u32 v12, $0x10;
	[tilespmem:v4+s2+$0x0] =	vst.idx.add.s32.msk $0xffff, v2  }
.Ltmp5:
0xc8: {  	v3 =	vor.u32 v1, v3;
	v4 =	vand.u32 $0xFFF0, v6;
	v6 =	vshrl.u32 v13, $0x10;
	[tilespmem:v5+s2+$0x0] =	vst.idx.add.s32.msk $0xffff, v2;
	(pc) =	sbr.rel @p0 .LBB2_14-.Ltmp5, $4  }
0xc9: {  	v5 =	vshrl.u32 v14, $0x10;
	v4 =	vor.u32 v1, v4;
	v6 =	vand.u32 $0xFFF0, v6;
	[tilespmem:v7+s2+$0x0] =	vst.idx.add.s32.msk $0xffff, v2  }
0xca: {  	v7 =	vand.u32 $0xFFF0, v5;
	[tilespmem:v8+s2+$0x0] =	vst.idx.add.s32.msk $0xffff, v2;
	v5 =	vor.u32 v1, v6  }
0xcb: {  	v6 =	vor.u32 v1, v7;
	[tilespmem:v9+s2+$0x0] =	vst.idx.add.s32.msk $0xffff, v2  }
0xcc: {  	s18 =	sadd.s32 $0x400, s18;
	[tilespmem:v11+s2+$0x0] =	vst.idx.add.s32.msk $0xffff, v2  }
0xcd: {  	_ =	sdelay $0x3  }
0xce: {  	[tilespmem:v6+s2+$0x0] =	vst.idx.add.s32.msk $0xffff, v2  }
0xcf: {  	[tilespmem:v3+s2+$0x0] =	vst.idx.add.s32.msk $0xffff, v2  }
0xd0: {  	[tilespmem:v4+s2+$0x0] =	vst.idx.add.s32.msk $0xffff, v2  }
0xd1: {  	[tilespmem:v5+s2+$0x0] =	vst.idx.add.s32.msk $0xffff, v2  }
0xd2: {  	v3 =	vld [tilespmem:s16+$0x0]  }
0xd3: {  	v4 =	vld [tilespmem:s16+$0xFFFFFFA0]  }
0xd4: {  	v5 =	vld [tilespmem:s16+$0xFFFFFFB0]  }
0xd5: {  	v6 =	vld [tilespmem:s16+$0xFFFFFFC0];
	_ =	sdelay $0x1  }
0xd6: {  	v7 =	vld [tilespmem:s16+$0xFFFFFFD0];
	v3 =	vshrl.u32 v3, $0x10  }
0xd7: {  	v8 =	vld [tilespmem:s16+$0xFFFFFFE0];
	v4 =	vshrl.u32 v4, $0x10;
	v3 =	vand.u32 $0xFFF0, v3  }
0xd8: {  	v11 =	vld [tilespmem:s16+$0xFFFFFF90];
	v5 =	vshrl.u32 v5, $0x10;
	v4 =	vand.u32 $0xFFF0, v4;
	v10 =	vor.u32 v1, v3  }
0xd9: {  	v9 =	vld [tilespmem:s16+$0xFFFFFFF0];
	v4 =	vor.u32 v1, v4;
	v3 =	vand.u32 $0xFFF0, v5;
	v5 =	vshrl.u32 v6, $0x10  }
0xda: {  	v6 =	vor.u32 v1, v3;
	v3 =	vand.u32 $0xFFF0, v5  }
0xdb: {  	v5 =	vshrl.u32 v7, $0x10;
	v7 =	vor.u32 v1, v3;
	_ =	sdelay $0x1  }
0xdc: {  	v63 =	vshrl.u32 v11, $0x10;
	v3 =	vand.u32 $0xFFF0, v5;
	v5 =	vshrl.u32 v8, $0x10;
	[tilespmem:v10+s2+$0x0] =	vst.idx.add.s32.msk $0xffff, v2  }
0xdd: {  	v8 =	vshrl.u32 v9, $0x10;
	v3 =	vor.u32 v1, v3;
	v5 =	vand.u32 $0xFFF0, v5;
	[tilespmem:v4+s2+$0x0] =	vst.idx.add.s32.msk $0xffff, v2  }
0xde: {  	v4 =	vor.u32 v1, v5;
	v5 =	vand.u32 $0xFFF0, v8;
	v8 =	vand.u32 $0xFFF0, v63;
	[tilespmem:v6+s2+$0x0] =	vst.idx.add.s32.msk $0xffff, v2  }
0xdf: {  	s17 =	simm.s32 $0x0;
	s18 =	simm.s32 $0x106F0;
	s16 =	simm.s32 $0x10370;
	v5 =	vor.u32 v1, v5;
	v6 =	vor.u32 v1, v8;
	[tilespmem:v7+s2+$0x0] =	vst.idx.add.s32.msk $0xffff, v2  }
.LBB2_16:
0xe0: {  	v7 =	vld [tilespmem:s18+$0x0];
	s17 =	sadd.s32 $0x8, s17  }
0xe1: {  	v8 =	vld [tilespmem:s18+$0xFFFFFFA0];
	p0 =	slt.u32 s17, $0xB0  }
0xe2: {  	v9 =	vld [tilespmem:s18+$0xFFFFFFB0]  }
0xe3: {  	v10 =	vld [tilespmem:s18+$0xFFFFFFC0]  }
0xe4: {  	v11 =	vld [tilespmem:s18+$0xFFFFFFD0]  }
0xe5: {  	v12 =	vld [tilespmem:s18+$0xFFFFFFE0];
	v7 =	vshrl.u32 v7, $0x10  }
0xe6: {  	v8 =	vshrl.u32 v8, $0x10;
	v13 =	vld [tilespmem:s18+$0xFFFFFFF0];
	v7 =	vand.u32 $0xFFF0, v7  }
0xe7: {  	v14 =	vld [tilespmem:s18+$0xFFFFFF90];
	v8 =	vand.u32 $0xFFF0, v8;
	v9 =	vshrl.u32 v9, $0x10;
	v7 =	vor.u32 v1, v7  }
0xe8: {  	v8 =	vor.u32 v1, v8;
	v9 =	vand.u32 $0xFFF0, v9;
	v10 =	vshrl.u32 v10, $0x10;
	[tilespmem:v6+s2+$0x0] =	vst.idx.add.s32.msk $0xffff, v2  }
0xe9: {  	v9 =	vor.u32 v1, v9;
	v6 =	vand.u32 $0xFFF0, v10;
	v10 =	vshrl.u32 v11, $0x10;
	[tilespmem:v3+s2+$0x0] =	vst.idx.add.s32.msk $0xffff, v2  }
0xea: {  	v11 =	vor.u32 v1, v6;
	v3 =	vand.u32 $0xFFF0, v10;
	v6 =	vshrl.u32 v12, $0x10;
	[tilespmem:v4+s2+$0x0] =	vst.idx.add.s32.msk $0xffff, v2  }
.Ltmp6:
0xeb: {  	v3 =	vor.u32 v1, v3;
	v4 =	vand.u32 $0xFFF0, v6;
	v6 =	vshrl.u32 v13, $0x10;
	[tilespmem:v5+s2+$0x0] =	vst.idx.add.s32.msk $0xffff, v2;
	(pc) =	sbr.rel @p0 .LBB2_16-.Ltmp6, $4  }
0xec: {  	v5 =	vshrl.u32 v14, $0x10;
	v4 =	vor.u32 v1, v4;
	v6 =	vand.u32 $0xFFF0, v6;
	[tilespmem:v7+s2+$0x0] =	vst.idx.add.s32.msk $0xffff, v2  }
0xed: {  	v7 =	vand.u32 $0xFFF0, v5;
	[tilespmem:v8+s2+$0x0] =	vst.idx.add.s32.msk $0xffff, v2;
	v5 =	vor.u32 v1, v6  }
0xee: {  	v6 =	vor.u32 v1, v7;
	[tilespmem:v9+s2+$0x0] =	vst.idx.add.s32.msk $0xffff, v2  }
0xef: {  	s18 =	sadd.s32 $0x400, s18;
	[tilespmem:v11+s2+$0x0] =	vst.idx.add.s32.msk $0xffff, v2  }
0xf0: {  	_ =	sdelay $0x3  }
0xf1: {  	[tilespmem:v6+s2+$0x0] =	vst.idx.add.s32.msk $0xffff, v2  }
0xf2: {  	[tilespmem:v3+s2+$0x0] =	vst.idx.add.s32.msk $0xffff, v2  }
0xf3: {  	[tilespmem:v4+s2+$0x0] =	vst.idx.add.s32.msk $0xffff, v2  }
0xf4: {  	[tilespmem:v5+s2+$0x0] =	vst.idx.add.s32.msk $0xffff, v2  }
0xf5: {  	v3 =	vld [tilespmem:s16+$0x0]  }
0xf6: {  	v4 =	vld [tilespmem:s16+$0xFFFFFFA0]  }
0xf7: {  	v5 =	vld [tilespmem:s16+$0xFFFFFFB0]  }
0xf8: {  	v6 =	vld [tilespmem:s16+$0xFFFFFFC0];
	_ =	sdelay $0x1  }
0xf9: {  	v7 =	vld [tilespmem:s16+$0xFFFFFFD0];
	v3 =	vshrl.u32 v3, $0x10  }
0xfa: {  	v8 =	vld [tilespmem:s16+$0xFFFFFFE0];
	v4 =	vshrl.u32 v4, $0x10;
	v3 =	vand.u32 $0xFFF0, v3  }
0xfb: {  	v11 =	vld [tilespmem:s16+$0xFFFFFF90];
	v5 =	vshrl.u32 v5, $0x10;
	v4 =	vand.u32 $0xFFF0, v4;
	v10 =	vor.u32 v1, v3  }
0xfc: {  	v9 =	vld [tilespmem:s16+$0xFFFFFFF0];
	v4 =	vor.u32 v1, v4;
	v3 =	vand.u32 $0xFFF0, v5;
	v5 =	vshrl.u32 v6, $0x10  }
0xfd: {  	v6 =	vor.u32 v1, v3;
	v3 =	vand.u32 $0xFFF0, v5  }
0xfe: {  	v5 =	vshrl.u32 v7, $0x10;
	v7 =	vor.u32 v1, v3;
	_ =	sdelay $0x1  }
0xff: {  	v63 =	vshrl.u32 v11, $0x10;
	v3 =	vand.u32 $0xFFF0, v5;
	v5 =	vshrl.u32 v8, $0x10;
	[tilespmem:v10+s2+$0x0] =	vst.idx.add.s32.msk $0xffff, v2  }
0x100: {  	v8 =	vshrl.u32 v9, $0x10;
	v3 =	vor.u32 v1, v3;
	v5 =	vand.u32 $0xFFF0, v5;
	[tilespmem:v4+s2+$0x0] =	vst.idx.add.s32.msk $0xffff, v2  }
0x101: {  	v4 =	vor.u32 v1, v5;
	v5 =	vand.u32 $0xFFF0, v8;
	v8 =	vand.u32 $0xFFF0, v63;
	[tilespmem:v6+s2+$0x0] =	vst.idx.add.s32.msk $0xffff, v2  }
0x102: {  	s17 =	simm.s32 $0x0;
	s18 =	simm.s32 $0x10770;
	s16 =	simm.s32 $0x103F0;
	v5 =	vor.u32 v1, v5;
	v6 =	vor.u32 v1, v8;
	[tilespmem:v7+s2+$0x0] =	vst.idx.add.s32.msk $0xffff, v2  }
.LBB2_18:
0x103: {  	v7 =	vld [tilespmem:s18+$0x0];
	s17 =	sadd.s32 $0x8, s17  }
0x104: {  	v8 =	vld [tilespmem:s18+$0xFFFFFFA0];
	p0 =	slt.u32 s17, $0xB0  }
0x105: {  	v9 =	vld [tilespmem:s18+$0xFFFFFFB0]  }
0x106: {  	v10 =	vld [tilespmem:s18+$0xFFFFFFC0]  }
0x107: {  	v11 =	vld [tilespmem:s18+$0xFFFFFFD0]  }
0x108: {  	v12 =	vld [tilespmem:s18+$0xFFFFFFE0];
	v7 =	vshrl.u32 v7, $0x10  }
0x109: {  	v8 =	vshrl.u32 v8, $0x10;
	v13 =	vld [tilespmem:s18+$0xFFFFFFF0];
	v7 =	vand.u32 $0xFFF0, v7  }
0x10a: {  	v14 =	vld [tilespmem:s18+$0xFFFFFF90];
	v8 =	vand.u32 $0xFFF0, v8;
	v9 =	vshrl.u32 v9, $0x10;
	v7 =	vor.u32 v1, v7  }
0x10b: {  	v8 =	vor.u32 v1, v8;
	v9 =	vand.u32 $0xFFF0, v9;
	v10 =	vshrl.u32 v10, $0x10;
	[tilespmem:v6+s2+$0x0] =	vst.idx.add.s32.msk $0xffff, v2  }
0x10c: {  	v9 =	vor.u32 v1, v9;
	v6 =	vand.u32 $0xFFF0, v10;
	v10 =	vshrl.u32 v11, $0x10;
	[tilespmem:v3+s2+$0x0] =	vst.idx.add.s32.msk $0xffff, v2  }
0x10d: {  	v11 =	vor.u32 v1, v6;
	v3 =	vand.u32 $0xFFF0, v10;
	v6 =	vshrl.u32 v12, $0x10;
	[tilespmem:v4+s2+$0x0] =	vst.idx.add.s32.msk $0xffff, v2  }
.Ltmp7:
0x10e: {  	v3 =	vor.u32 v1, v3;
	v4 =	vand.u32 $0xFFF0, v6;
	v6 =	vshrl.u32 v13, $0x10;
	[tilespmem:v5+s2+$0x0] =	vst.idx.add.s32.msk $0xffff, v2;
	(pc) =	sbr.rel @p0 .LBB2_18-.Ltmp7, $4  }
0x10f: {  	v5 =	vshrl.u32 v14, $0x10;
	v4 =	vor.u32 v1, v4;
	v6 =	vand.u32 $0xFFF0, v6;
	[tilespmem:v7+s2+$0x0] =	vst.idx.add.s32.msk $0xffff, v2  }
0x110: {  	v7 =	vand.u32 $0xFFF0, v5;
	[tilespmem:v8+s2+$0x0] =	vst.idx.add.s32.msk $0xffff, v2;
	v5 =	vor.u32 v1, v6  }
0x111: {  	v6 =	vor.u32 v1, v7;
	[tilespmem:v9+s2+$0x0] =	vst.idx.add.s32.msk $0xffff, v2  }
0x112: {  	s18 =	sadd.s32 $0x400, s18;
	[tilespmem:v11+s2+$0x0] =	vst.idx.add.s32.msk $0xffff, v2  }
0x113: {  	_ =	sdelay $0x3  }
0x114: {  	[tilespmem:v6+s2+$0x0] =	vst.idx.add.s32.msk $0xffff, v2  }
0x115: {  	[tilespmem:v3+s2+$0x0] =	vst.idx.add.s32.msk $0xffff, v2  }
0x116: {  	[tilespmem:v4+s2+$0x0] =	vst.idx.add.s32.msk $0xffff, v2  }
0x117: {  	[tilespmem:v5+s2+$0x0] =	vst.idx.add.s32.msk $0xffff, v2  }
0x118: {  	v3 =	vld [tilespmem:s16+$0x0]  }
0x119: {  	v4 =	vld [tilespmem:s16+$0xFFFFFFA0]  }
0x11a: {  	v5 =	vld [tilespmem:s16+$0xFFFFFFB0]  }
0x11b: {  	v6 =	vld [tilespmem:s16+$0xFFFFFFC0];
	_ =	sdelay $0x1  }
0x11c: {  	v7 =	vld [tilespmem:s16+$0xFFFFFFD0];
	v3 =	vshrl.u32 v3, $0x10  }
0x11d: {  	v8 =	vld [tilespmem:s16+$0xFFFFFFE0];
	v4 =	vshrl.u32 v4, $0x10;
	v3 =	vand.u32 $0xFFF0, v3  }
0x11e: {  	v11 =	vld [tilespmem:s16+$0xFFFFFF90];
	v5 =	vshrl.u32 v5, $0x10;
	v4 =	vand.u32 $0xFFF0, v4;
	v10 =	vor.u32 v1, v3  }
0x11f: {  	v9 =	vld [tilespmem:s16+$0xFFFFFFF0];
	v4 =	vor.u32 v1, v4;
	v3 =	vand.u32 $0xFFF0, v5;
	v5 =	vshrl.u32 v6, $0x10  }
0x120: {  	v6 =	vor.u32 v1, v3;
	v3 =	vand.u32 $0xFFF0, v5  }
0x121: {  	v5 =	vshrl.u32 v7, $0x10;
	v7 =	vor.u32 v1, v3;
	_ =	sdelay $0x1  }
0x122: {  	v63 =	vshrl.u32 v11, $0x10;
	v3 =	vand.u32 $0xFFF0, v5;
	v5 =	vshrl.u32 v8, $0x10;
	[tilespmem:v10+s2+$0x0] =	vst.idx.add.s32.msk $0xffff, v2  }
0x123: {  	v8 =	vshrl.u32 v9, $0x10;
	v3 =	vor.u32 v1, v3;
	v5 =	vand.u32 $0xFFF0, v5;
	[tilespmem:v4+s2+$0x0] =	vst.idx.add.s32.msk $0xffff, v2  }
0x124: {  	v4 =	vor.u32 v1, v5;
	v5 =	vand.u32 $0xFFF0, v8;
	v8 =	vand.u32 $0xFFF0, v63;
	[tilespmem:v6+s2+$0x0] =	vst.idx.add.s32.msk $0xffff, v2  }
0x125: {  	s17 =	simm.s32 $0x107F0;
	s16 =	simm.s32 $0x0;
	v5 =	vor.u32 v1, v5;
	v6 =	vor.u32 v1, v8;
	[tilespmem:v7+s2+$0x0] =	vst.idx.add.s32.msk $0xffff, v2  }
.LBB2_20:
0x126: {  	v7 =	vld [tilespmem:s17+$0x0];
	s16 =	sadd.s32 $0x8, s16  }
0x127: {  	v8 =	vld [tilespmem:s17+$0xFFFFFFA0];
	p0 =	slt.u32 s16, $0xB0  }
0x128: {  	v9 =	vld [tilespmem:s17+$0xFFFFFFB0]  }
0x129: {  	v10 =	vld [tilespmem:s17+$0xFFFFFFC0]  }
0x12a: {  	v11 =	vld [tilespmem:s17+$0xFFFFFFD0]  }
0x12b: {  	v12 =	vld [tilespmem:s17+$0xFFFFFFE0];
	v7 =	vshrl.u32 v7, $0x10  }
0x12c: {  	v8 =	vshrl.u32 v8, $0x10;
	v13 =	vld [tilespmem:s17+$0xFFFFFFF0];
	v7 =	vand.u32 $0xFFF0, v7  }
0x12d: {  	v14 =	vld [tilespmem:s17+$0xFFFFFF90];
	v8 =	vand.u32 $0xFFF0, v8;
	v9 =	vshrl.u32 v9, $0x10;
	v7 =	vor.u32 v1, v7  }
0x12e: {  	v8 =	vor.u32 v1, v8;
	v9 =	vand.u32 $0xFFF0, v9;
	v10 =	vshrl.u32 v10, $0x10;
	[tilespmem:v6+s2+$0x0] =	vst.idx.add.s32.msk $0xffff, v2  }
0x12f: {  	v9 =	vor.u32 v1, v9;
	v6 =	vand.u32 $0xFFF0, v10;
	v10 =	vshrl.u32 v11, $0x10;
	[tilespmem:v3+s2+$0x0] =	vst.idx.add.s32.msk $0xffff, v2  }
0x130: {  	v11 =	vor.u32 v1, v6;
	v3 =	vand.u32 $0xFFF0, v10;
	v6 =	vshrl.u32 v12, $0x10;
	[tilespmem:v4+s2+$0x0] =	vst.idx.add.s32.msk $0xffff, v2  }
.Ltmp8:
0x131: {  	v3 =	vor.u32 v1, v3;
	v4 =	vand.u32 $0xFFF0, v6;
	v6 =	vshrl.u32 v13, $0x10;
	[tilespmem:v5+s2+$0x0] =	vst.idx.add.s32.msk $0xffff, v2;
	(pc) =	sbr.rel @p0 .LBB2_20-.Ltmp8, $4  }
0x132: {  	v5 =	vshrl.u32 v14, $0x10;
	v4 =	vor.u32 v1, v4;
	v6 =	vand.u32 $0xFFF0, v6;
	[tilespmem:v7+s2+$0x0] =	vst.idx.add.s32.msk $0xffff, v2  }
0x133: {  	v7 =	vand.u32 $0xFFF0, v5;
	[tilespmem:v8+s2+$0x0] =	vst.idx.add.s32.msk $0xffff, v2;
	v5 =	vor.u32 v1, v6  }
0x134: {  	v6 =	vor.u32 v1, v7;
	[tilespmem:v9+s2+$0x0] =	vst.idx.add.s32.msk $0xffff, v2  }
0x135: {  	s17 =	sadd.s32 $0x400, s17;
	[tilespmem:v11+s2+$0x0] =	vst.idx.add.s32.msk $0xffff, v2  }
0x136: {  	p0 =	seq.s32 s14, $0x43  }
0x137: {  	s15 =	sadd.s32 @!p0 $0x2, s15  }
0x138: {  	s16 =	smulhi.u32 @!p0 $0x78787879, s15;
	_ =	sdelay $0x1  }
0x139: {  	s16 =	sshrl.u32 @!p0 s16, $0x4  }
0x13a: {  	s17 =	smul.u32 @!p0 $0x22, s16  }
0x13b: {  	s16 =	sadd.s32 @!p0 s4, s16  }
0x13c: {  	s16 =	smul.u32 @!p0 $0xC3800, s16;
	s15 =	ssub.s32 @!p0 s15, s17  }
0x13d: {  	s15 =	smul.u32 @!p0 $0x5C00, s15  }
0x13e: {  	[tilespmem:v6+s2+$0x0] =	vst.idx.add.s32.msk $0xffff, v2  }
0x13f: {  	[tilespmem:v3+s2+$0x0] =	vst.idx.add.s32.msk $0xffff, v2;
	s15 =	sadd.s32 @!p0 s15, s16  }
0x140: {  	[tilespmem:v4+s2+$0x0] =	vst.idx.add.s32.msk $0xffff, v2;
	s15 =	sshrl.u32 @!p0 s15, $0x3  }
0x141: {  	[tilespmem:v5+s2+$0x0] =	vst.idx.add.s32.msk $0xffff, v2;
	s17 =	simm.s32 @!p0 $0x10000;
	s16 =	simm.s32 @!p0 $0x0;
	s15 =	sadd.s32 @!p0 s3, s15  }
0x142: {  	[tilespmem:s17], [sflag:$0x1] =	stream.linear.gather @!p0 [hbm4b:s15+s16], $0x5C00, $0x38;
	[tilespmem:$0x1B800] =	vst v63  }
0x143: {  	_ =	swait.ge [sflag:s11], $0x5C00  }
0x144: {  	[sflag:s11] =	ssyncset.done $0x0  }
0x145: {  	s31 =	simm.s32 $0x15C40;
	[sflag:s11] =	ssyncadd.s32 $0xFFFFA400  }
0x146: {  	v3 =	vld [tilespmem:s31+$0x30]  }
0x147: {  	v4 =	vld [tilespmem:s31+$0xFFFFFFD0]  }
0x148: {  	v5 =	vld [tilespmem:s31+$0xFFFFFFE0]  }
0x149: {  	v6 =	vld [tilespmem:s31+$0xFFFFFFF0];
	_ =	sdelay $0x1  }
0x14a: {  	v7 =	vld [tilespmem:s31+$0x0];
	v3 =	vshrl.u32 v3, $0x10  }
0x14b: {  	v8 =	vld [tilespmem:s31+$0x10];
	v4 =	vshrl.u32 v4, $0x10;
	v3 =	vand.u32 $0xFFF0, v3  }
0x14c: {  	v11 =	vld [tilespmem:s31+$0xFFFFFFC0];
	v5 =	vshrl.u32 v5, $0x10;
	v4 =	vand.u32 $0xFFF0, v4;
	v10 =	vor.u32 v1, v3  }
0x14d: {  	v9 =	vld [tilespmem:s31+$0x20];
	v4 =	vor.u32 v1, v4;
	v3 =	vand.u32 $0xFFF0, v5;
	v5 =	vshrl.u32 v6, $0x10  }
0x14e: {  	v6 =	vor.u32 v1, v3;
	v3 =	vand.u32 $0xFFF0, v5  }
0x14f: {  	v5 =	vshrl.u32 v7, $0x10;
	v7 =	vor.u32 v1, v3;
	_ =	sdelay $0x1  }
0x150: {  	v63 =	vshrl.u32 v11, $0x10;
	v3 =	vand.u32 $0xFFF0, v5;
	v5 =	vshrl.u32 v8, $0x10;
	[tilespmem:v10+s2+$0x0] =	vst.idx.add.s32.msk $0xffff, v2  }
0x151: {  	v8 =	vshrl.u32 v9, $0x10;
	v3 =	vor.u32 v1, v3;
	v5 =	vand.u32 $0xFFF0, v5;
	[tilespmem:v4+s2+$0x0] =	vst.idx.add.s32.msk $0xffff, v2  }
0x152: {  	s14 =	sadd.s32 $0x1, s14;
	v4 =	vor.u32 v1, v5;
	v5 =	vand.u32 $0xFFF0, v8;
	v8 =	vand.u32 $0xFFF0, v63;
	[tilespmem:v6+s2+$0x0] =	vst.idx.add.s32.msk $0xffff, v2  }
0x153: {  	s16 =	simm.s32 $0x0;
	s15 =	simm.s32 $0x15CF0;
	s17 =	simm.s32 $0x16040;
	v5 =	vor.u32 v1, v5;
	v6 =	vor.u32 v1, v8;
	[tilespmem:v7+s2+$0x0] =	vst.idx.add.s32.msk $0xffff, v2  }
.LBB2_22:
0x154: {  	v7 =	vld [tilespmem:s17+$0x30];
	s16 =	sadd.s32 $0x8, s16  }
0x155: {  	v8 =	vld [tilespmem:s17+$0xFFFFFFD0];
	p0 =	slt.u32 s16, $0xB0  }
0x156: {  	v9 =	vld [tilespmem:s17+$0xFFFFFFE0]  }
0x157: {  	v10 =	vld [tilespmem:s17+$0xFFFFFFF0]  }
0x158: {  	v11 =	vld [tilespmem:s17+$0x0]  }
0x159: {  	v12 =	vld [tilespmem:s17+$0x10];
	v7 =	vshrl.u32 v7, $0x10  }
0x15a: {  	v8 =	vshrl.u32 v8, $0x10;
	v13 =	vld [tilespmem:s17+$0x20];
	v7 =	vand.u32 $0xFFF0, v7  }
0x15b: {  	v14 =	vld [tilespmem:s17+$0xFFFFFFC0];
	v8 =	vand.u32 $0xFFF0, v8;
	v9 =	vshrl.u32 v9, $0x10;
	v7 =	vor.u32 v1, v7  }
0x15c: {  	v8 =	vor.u32 v1, v8;
	v9 =	vand.u32 $0xFFF0, v9;
	v10 =	vshrl.u32 v10, $0x10;
	[tilespmem:v6+s2+$0x0] =	vst.idx.add.s32.msk $0xffff, v2  }
0x15d: {  	v9 =	vor.u32 v1, v9;
	v6 =	vand.u32 $0xFFF0, v10;
	v10 =	vshrl.u32 v11, $0x10;
	[tilespmem:v3+s2+$0x0] =	vst.idx.add.s32.msk $0xffff, v2  }
0x15e: {  	v11 =	vor.u32 v1, v6;
	v3 =	vand.u32 $0xFFF0, v10;
	v6 =	vshrl.u32 v12, $0x10;
	[tilespmem:v4+s2+$0x0] =	vst.idx.add.s32.msk $0xffff, v2  }
.Ltmp9:
0x15f: {  	v3 =	vor.u32 v1, v3;
	v4 =	vand.u32 $0xFFF0, v6;
	v6 =	vshrl.u32 v13, $0x10;
	[tilespmem:v5+s2+$0x0] =	vst.idx.add.s32.msk $0xffff, v2;
	(pc) =	sbr.rel @p0 .LBB2_22-.Ltmp9, $4  }
0x160: {  	v5 =	vshrl.u32 v14, $0x10;
	v4 =	vor.u32 v1, v4;
	v6 =	vand.u32 $0xFFF0, v6;
	[tilespmem:v7+s2+$0x0] =	vst.idx.add.s32.msk $0xffff, v2  }
0x161: {  	v7 =	vand.u32 $0xFFF0, v5;
	[tilespmem:v8+s2+$0x0] =	vst.idx.add.s32.msk $0xffff, v2;
	v5 =	vor.u32 v1, v6  }
0x162: {  	v6 =	vor.u32 v1, v7;
	[tilespmem:v9+s2+$0x0] =	vst.idx.add.s32.msk $0xffff, v2  }
0x163: {  	s17 =	sadd.s32 $0x400, s17;
	[tilespmem:v11+s2+$0x0] =	vst.idx.add.s32.msk $0xffff, v2  }
0x164: {  	_ =	sdelay $0x3  }
0x165: {  	[tilespmem:v6+s2+$0x0] =	vst.idx.add.s32.msk $0xffff, v2  }
0x166: {  	[tilespmem:v3+s2+$0x0] =	vst.idx.add.s32.msk $0xffff, v2  }
0x167: {  	[tilespmem:v4+s2+$0x0] =	vst.idx.add.s32.msk $0xffff, v2  }
0x168: {  	[tilespmem:v5+s2+$0x0] =	vst.idx.add.s32.msk $0xffff, v2  }
0x169: {  	v3 =	vld [tilespmem:s15+$0x0]  }
0x16a: {  	v4 =	vld [tilespmem:s15+$0xFFFFFFA0]  }
0x16b: {  	v5 =	vld [tilespmem:s15+$0xFFFFFFB0]  }
0x16c: {  	v6 =	vld [tilespmem:s15+$0xFFFFFFC0];
	_ =	sdelay $0x1  }
0x16d: {  	v7 =	vld [tilespmem:s15+$0xFFFFFFD0];
	v3 =	vshrl.u32 v3, $0x10  }
0x16e: {  	v8 =	vld [tilespmem:s15+$0xFFFFFFE0];
	v4 =	vshrl.u32 v4, $0x10;
	v3 =	vand.u32 $0xFFF0, v3  }
0x16f: {  	v11 =	vld [tilespmem:s15+$0xFFFFFF90];
	v5 =	vshrl.u32 v5, $0x10;
	v4 =	vand.u32 $0xFFF0, v4;
	v10 =	vor.u32 v1, v3  }
0x170: {  	v9 =	vld [tilespmem:s15+$0xFFFFFFF0];
	v4 =	vor.u32 v1, v4;
	v3 =	vand.u32 $0xFFF0, v5;
	v5 =	vshrl.u32 v6, $0x10  }
0x171: {  	v6 =	vor.u32 v1, v3;
	v3 =	vand.u32 $0xFFF0, v5  }
0x172: {  	v5 =	vshrl.u32 v7, $0x10;
	v7 =	vor.u32 v1, v3;
	_ =	sdelay $0x1  }
0x173: {  	v63 =	vshrl.u32 v11, $0x10;
	v3 =	vand.u32 $0xFFF0, v5;
	v5 =	vshrl.u32 v8, $0x10;
	[tilespmem:v10+s2+$0x0] =	vst.idx.add.s32.msk $0xffff, v2  }
0x174: {  	v8 =	vshrl.u32 v9, $0x10;
	v3 =	vor.u32 v1, v3;
	v5 =	vand.u32 $0xFFF0, v5;
	[tilespmem:v4+s2+$0x0] =	vst.idx.add.s32.msk $0xffff, v2  }
0x175: {  	v4 =	vor.u32 v1, v5;
	v5 =	vand.u32 $0xFFF0, v8;
	v8 =	vand.u32 $0xFFF0, v63;
	[tilespmem:v6+s2+$0x0] =	vst.idx.add.s32.msk $0xffff, v2  }
0x176: {  	s16 =	simm.s32 $0x0;
	s17 =	simm.s32 $0x160F0;
	s15 =	simm.s32 $0x15D70;
	v5 =	vor.u32 v1, v5;
	v6 =	vor.u32 v1, v8;
	[tilespmem:v7+s2+$0x0] =	vst.idx.add.s32.msk $0xffff, v2  }
.LBB2_24:
0x177: {  	v7 =	vld [tilespmem:s17+$0x0];
	s16 =	sadd.s32 $0x8, s16  }
0x178: {  	v8 =	vld [tilespmem:s17+$0xFFFFFFA0];
	p0 =	slt.u32 s16, $0xB0  }
0x179: {  	v9 =	vld [tilespmem:s17+$0xFFFFFFB0]  }
0x17a: {  	v10 =	vld [tilespmem:s17+$0xFFFFFFC0]  }
0x17b: {  	v11 =	vld [tilespmem:s17+$0xFFFFFFD0]  }
0x17c: {  	v12 =	vld [tilespmem:s17+$0xFFFFFFE0];
	v7 =	vshrl.u32 v7, $0x10  }
0x17d: {  	v8 =	vshrl.u32 v8, $0x10;
	v13 =	vld [tilespmem:s17+$0xFFFFFFF0];
	v7 =	vand.u32 $0xFFF0, v7  }
0x17e: {  	v14 =	vld [tilespmem:s17+$0xFFFFFF90];
	v8 =	vand.u32 $0xFFF0, v8;
	v9 =	vshrl.u32 v9, $0x10;
	v7 =	vor.u32 v1, v7  }
0x17f: {  	v8 =	vor.u32 v1, v8;
	v9 =	vand.u32 $0xFFF0, v9;
	v10 =	vshrl.u32 v10, $0x10;
	[tilespmem:v6+s2+$0x0] =	vst.idx.add.s32.msk $0xffff, v2  }
0x180: {  	v9 =	vor.u32 v1, v9;
	v6 =	vand.u32 $0xFFF0, v10;
	v10 =	vshrl.u32 v11, $0x10;
	[tilespmem:v3+s2+$0x0] =	vst.idx.add.s32.msk $0xffff, v2  }
0x181: {  	v11 =	vor.u32 v1, v6;
	v3 =	vand.u32 $0xFFF0, v10;
	v6 =	vshrl.u32 v12, $0x10;
	[tilespmem:v4+s2+$0x0] =	vst.idx.add.s32.msk $0xffff, v2  }
.Ltmp10:
0x182: {  	v3 =	vor.u32 v1, v3;
	v4 =	vand.u32 $0xFFF0, v6;
	v6 =	vshrl.u32 v13, $0x10;
	[tilespmem:v5+s2+$0x0] =	vst.idx.add.s32.msk $0xffff, v2;
	(pc) =	sbr.rel @p0 .LBB2_24-.Ltmp10, $4  }
0x183: {  	v5 =	vshrl.u32 v14, $0x10;
	v4 =	vor.u32 v1, v4;
	v6 =	vand.u32 $0xFFF0, v6;
	[tilespmem:v7+s2+$0x0] =	vst.idx.add.s32.msk $0xffff, v2  }
0x184: {  	v7 =	vand.u32 $0xFFF0, v5;
	[tilespmem:v8+s2+$0x0] =	vst.idx.add.s32.msk $0xffff, v2;
	v5 =	vor.u32 v1, v6  }
0x185: {  	v6 =	vor.u32 v1, v7;
	[tilespmem:v9+s2+$0x0] =	vst.idx.add.s32.msk $0xffff, v2  }
0x186: {  	s17 =	sadd.s32 $0x400, s17;
	[tilespmem:v11+s2+$0x0] =	vst.idx.add.s32.msk $0xffff, v2  }
0x187: {  	_ =	sdelay $0x3  }
0x188: {  	[tilespmem:v6+s2+$0x0] =	vst.idx.add.s32.msk $0xffff, v2  }
0x189: {  	[tilespmem:v3+s2+$0x0] =	vst.idx.add.s32.msk $0xffff, v2  }
0x18a: {  	[tilespmem:v4+s2+$0x0] =	vst.idx.add.s32.msk $0xffff, v2  }
0x18b: {  	[tilespmem:v5+s2+$0x0] =	vst.idx.add.s32.msk $0xffff, v2  }
0x18c: {  	v3 =	vld [tilespmem:s15+$0x0]  }
0x18d: {  	v4 =	vld [tilespmem:s15+$0xFFFFFFA0]  }
0x18e: {  	v5 =	vld [tilespmem:s15+$0xFFFFFFB0]  }
0x18f: {  	v6 =	vld [tilespmem:s15+$0xFFFFFFC0];
	_ =	sdelay $0x1  }
0x190: {  	v7 =	vld [tilespmem:s15+$0xFFFFFFD0];
	v3 =	vshrl.u32 v3, $0x10  }
0x191: {  	v8 =	vld [tilespmem:s15+$0xFFFFFFE0];
	v4 =	vshrl.u32 v4, $0x10;
	v3 =	vand.u32 $0xFFF0, v3  }
0x192: {  	v11 =	vld [tilespmem:s15+$0xFFFFFF90];
	v5 =	vshrl.u32 v5, $0x10;
	v4 =	vand.u32 $0xFFF0, v4;
	v10 =	vor.u32 v1, v3  }
0x193: {  	v9 =	vld [tilespmem:s15+$0xFFFFFFF0];
	v4 =	vor.u32 v1, v4;
	v3 =	vand.u32 $0xFFF0, v5;
	v5 =	vshrl.u32 v6, $0x10  }
0x194: {  	v6 =	vor.u32 v1, v3;
	v3 =	vand.u32 $0xFFF0, v5  }
0x195: {  	v5 =	vshrl.u32 v7, $0x10;
	v7 =	vor.u32 v1, v3;
	_ =	sdelay $0x1  }
0x196: {  	v63 =	vshrl.u32 v11, $0x10;
	v3 =	vand.u32 $0xFFF0, v5;
	v5 =	vshrl.u32 v8, $0x10;
	[tilespmem:v10+s2+$0x0] =	vst.idx.add.s32.msk $0xffff, v2  }
0x197: {  	v8 =	vshrl.u32 v9, $0x10;
	v3 =	vor.u32 v1, v3;
	v5 =	vand.u32 $0xFFF0, v5;
	[tilespmem:v4+s2+$0x0] =	vst.idx.add.s32.msk $0xffff, v2  }
0x198: {  	v4 =	vor.u32 v1, v5;
	v5 =	vand.u32 $0xFFF0, v8;
	v8 =	vand.u32 $0xFFF0, v63;
	[tilespmem:v6+s2+$0x0] =	vst.idx.add.s32.msk $0xffff, v2  }
0x199: {  	s16 =	simm.s32 $0x0;
	s17 =	simm.s32 $0x16170;
	s15 =	simm.s32 $0x15DF0;
	v5 =	vor.u32 v1, v5;
	v6 =	vor.u32 v1, v8;
	[tilespmem:v7+s2+$0x0] =	vst.idx.add.s32.msk $0xffff, v2  }
.LBB2_26:
0x19a: {  	v7 =	vld [tilespmem:s17+$0x0];
	s16 =	sadd.s32 $0x8, s16  }
0x19b: {  	v8 =	vld [tilespmem:s17+$0xFFFFFFA0];
	p0 =	slt.u32 s16, $0xB0  }
0x19c: {  	v9 =	vld [tilespmem:s17+$0xFFFFFFB0]  }
0x19d: {  	v10 =	vld [tilespmem:s17+$0xFFFFFFC0]  }
0x19e: {  	v11 =	vld [tilespmem:s17+$0xFFFFFFD0]  }
0x19f: {  	v12 =	vld [tilespmem:s17+$0xFFFFFFE0];
	v7 =	vshrl.u32 v7, $0x10  }
0x1a0: {  	v8 =	vshrl.u32 v8, $0x10;
	v13 =	vld [tilespmem:s17+$0xFFFFFFF0];
	v7 =	vand.u32 $0xFFF0, v7  }
0x1a1: {  	v14 =	vld [tilespmem:s17+$0xFFFFFF90];
	v8 =	vand.u32 $0xFFF0, v8;
	v9 =	vshrl.u32 v9, $0x10;
	v7 =	vor.u32 v1, v7  }
0x1a2: {  	v8 =	vor.u32 v1, v8;
	v9 =	vand.u32 $0xFFF0, v9;
	v10 =	vshrl.u32 v10, $0x10;
	[tilespmem:v6+s2+$0x0] =	vst.idx.add.s32.msk $0xffff, v2  }
0x1a3: {  	v9 =	vor.u32 v1, v9;
	v6 =	vand.u32 $0xFFF0, v10;
	v10 =	vshrl.u32 v11, $0x10;
	[tilespmem:v3+s2+$0x0] =	vst.idx.add.s32.msk $0xffff, v2  }
0x1a4: {  	v11 =	vor.u32 v1, v6;
	v3 =	vand.u32 $0xFFF0, v10;
	v6 =	vshrl.u32 v12, $0x10;
	[tilespmem:v4+s2+$0x0] =	vst.idx.add.s32.msk $0xffff, v2  }
.Ltmp11:
0x1a5: {  	v3 =	vor.u32 v1, v3;
	v4 =	vand.u32 $0xFFF0, v6;
	v6 =	vshrl.u32 v13, $0x10;
	[tilespmem:v5+s2+$0x0] =	vst.idx.add.s32.msk $0xffff, v2;
	(pc) =	sbr.rel @p0 .LBB2_26-.Ltmp11, $4  }
0x1a6: {  	v5 =	vshrl.u32 v14, $0x10;
	v4 =	vor.u32 v1, v4;
	v6 =	vand.u32 $0xFFF0, v6;
	[tilespmem:v7+s2+$0x0] =	vst.idx.add.s32.msk $0xffff, v2  }
0x1a7: {  	v7 =	vand.u32 $0xFFF0, v5;
	[tilespmem:v8+s2+$0x0] =	vst.idx.add.s32.msk $0xffff, v2;
	v5 =	vor.u32 v1, v6  }
0x1a8: {  	v6 =	vor.u32 v1, v7;
	[tilespmem:v9+s2+$0x0] =	vst.idx.add.s32.msk $0xffff, v2  }
0x1a9: {  	s17 =	sadd.s32 $0x400, s17;
	[tilespmem:v11+s2+$0x0] =	vst.idx.add.s32.msk $0xffff, v2  }
0x1aa: {  	_ =	sdelay $0x3  }
0x1ab: {  	[tilespmem:v6+s2+$0x0] =	vst.idx.add.s32.msk $0xffff, v2  }
0x1ac: {  	[tilespmem:v3+s2+$0x0] =	vst.idx.add.s32.msk $0xffff, v2  }
0x1ad: {  	[tilespmem:v4+s2+$0x0] =	vst.idx.add.s32.msk $0xffff, v2  }
0x1ae: {  	[tilespmem:v5+s2+$0x0] =	vst.idx.add.s32.msk $0xffff, v2  }
0x1af: {  	v3 =	vld [tilespmem:s15+$0x0]  }
0x1b0: {  	v4 =	vld [tilespmem:s15+$0xFFFFFFA0]  }
0x1b1: {  	v5 =	vld [tilespmem:s15+$0xFFFFFFB0]  }
0x1b2: {  	v6 =	vld [tilespmem:s15+$0xFFFFFFC0];
	_ =	sdelay $0x1  }
0x1b3: {  	v7 =	vld [tilespmem:s15+$0xFFFFFFD0];
	v3 =	vshrl.u32 v3, $0x10  }
0x1b4: {  	v8 =	vld [tilespmem:s15+$0xFFFFFFE0];
	v4 =	vshrl.u32 v4, $0x10;
	v3 =	vand.u32 $0xFFF0, v3  }
0x1b5: {  	v11 =	vld [tilespmem:s15+$0xFFFFFF90];
	v5 =	vshrl.u32 v5, $0x10;
	v4 =	vand.u32 $0xFFF0, v4;
	v10 =	vor.u32 v1, v3  }
0x1b6: {  	v9 =	vld [tilespmem:s15+$0xFFFFFFF0];
	v4 =	vor.u32 v1, v4;
	v3 =	vand.u32 $0xFFF0, v5;
	v5 =	vshrl.u32 v6, $0x10  }
0x1b7: {  	v6 =	vor.u32 v1, v3;
	v3 =	vand.u32 $0xFFF0, v5  }
0x1b8: {  	v5 =	vshrl.u32 v7, $0x10;
	v7 =	vor.u32 v1, v3;
	_ =	sdelay $0x1  }
0x1b9: {  	v63 =	vshrl.u32 v11, $0x10;
	v3 =	vand.u32 $0xFFF0, v5;
	v5 =	vshrl.u32 v8, $0x10;
	[tilespmem:v10+s2+$0x0] =	vst.idx.add.s32.msk $0xffff, v2  }
0x1ba: {  	v8 =	vshrl.u32 v9, $0x10;
	v3 =	vor.u32 v1, v3;
	v5 =	vand.u32 $0xFFF0, v5;
	[tilespmem:v4+s2+$0x0] =	vst.idx.add.s32.msk $0xffff, v2  }
0x1bb: {  	v4 =	vor.u32 v1, v5;
	v5 =	vand.u32 $0xFFF0, v8;
	v8 =	vand.u32 $0xFFF0, v63;
	[tilespmem:v6+s2+$0x0] =	vst.idx.add.s32.msk $0xffff, v2  }
0x1bc: {  	s16 =	simm.s32 $0x0;
	s17 =	simm.s32 $0x161F0;
	s15 =	simm.s32 $0x15E70;
	v5 =	vor.u32 v1, v5;
	v6 =	vor.u32 v1, v8;
	[tilespmem:v7+s2+$0x0] =	vst.idx.add.s32.msk $0xffff, v2  }
.LBB2_28:
0x1bd: {  	v7 =	vld [tilespmem:s17+$0x0];
	s16 =	sadd.s32 $0x8, s16  }
0x1be: {  	v8 =	vld [tilespmem:s17+$0xFFFFFFA0];
	p0 =	slt.u32 s16, $0xB0  }
0x1bf: {  	v9 =	vld [tilespmem:s17+$0xFFFFFFB0]  }
0x1c0: {  	v10 =	vld [tilespmem:s17+$0xFFFFFFC0]  }
0x1c1: {  	v11 =	vld [tilespmem:s17+$0xFFFFFFD0]  }
0x1c2: {  	v12 =	vld [tilespmem:s17+$0xFFFFFFE0];
	v7 =	vshrl.u32 v7, $0x10  }
0x1c3: {  	v8 =	vshrl.u32 v8, $0x10;
	v13 =	vld [tilespmem:s17+$0xFFFFFFF0];
	v7 =	vand.u32 $0xFFF0, v7  }
0x1c4: {  	v14 =	vld [tilespmem:s17+$0xFFFFFF90];
	v8 =	vand.u32 $0xFFF0, v8;
	v9 =	vshrl.u32 v9, $0x10;
	v7 =	vor.u32 v1, v7  }
0x1c5: {  	v8 =	vor.u32 v1, v8;
	v9 =	vand.u32 $0xFFF0, v9;
	v10 =	vshrl.u32 v10, $0x10;
	[tilespmem:v6+s2+$0x0] =	vst.idx.add.s32.msk $0xffff, v2  }
0x1c6: {  	v9 =	vor.u32 v1, v9;
	v6 =	vand.u32 $0xFFF0, v10;
	v10 =	vshrl.u32 v11, $0x10;
	[tilespmem:v3+s2+$0x0] =	vst.idx.add.s32.msk $0xffff, v2  }
0x1c7: {  	v11 =	vor.u32 v1, v6;
	v3 =	vand.u32 $0xFFF0, v10;
	v6 =	vshrl.u32 v12, $0x10;
	[tilespmem:v4+s2+$0x0] =	vst.idx.add.s32.msk $0xffff, v2  }
.Ltmp12:
0x1c8: {  	v3 =	vor.u32 v1, v3;
	v4 =	vand.u32 $0xFFF0, v6;
	v6 =	vshrl.u32 v13, $0x10;
	[tilespmem:v5+s2+$0x0] =	vst.idx.add.s32.msk $0xffff, v2;
	(pc) =	sbr.rel @p0 .LBB2_28-.Ltmp12, $4  }
0x1c9: {  	v5 =	vshrl.u32 v14, $0x10;
	v4 =	vor.u32 v1, v4;
	v6 =	vand.u32 $0xFFF0, v6;
	[tilespmem:v7+s2+$0x0] =	vst.idx.add.s32.msk $0xffff, v2  }
0x1ca: {  	v7 =	vand.u32 $0xFFF0, v5;
	[tilespmem:v8+s2+$0x0] =	vst.idx.add.s32.msk $0xffff, v2;
	v5 =	vor.u32 v1, v6  }
0x1cb: {  	v6 =	vor.u32 v1, v7;
	[tilespmem:v9+s2+$0x0] =	vst.idx.add.s32.msk $0xffff, v2  }
0x1cc: {  	s17 =	sadd.s32 $0x400, s17;
	[tilespmem:v11+s2+$0x0] =	vst.idx.add.s32.msk $0xffff, v2  }
0x1cd: {  	_ =	sdelay $0x3  }
0x1ce: {  	[tilespmem:v6+s2+$0x0] =	vst.idx.add.s32.msk $0xffff, v2  }
0x1cf: {  	[tilespmem:v3+s2+$0x0] =	vst.idx.add.s32.msk $0xffff, v2  }
0x1d0: {  	[tilespmem:v4+s2+$0x0] =	vst.idx.add.s32.msk $0xffff, v2  }
0x1d1: {  	[tilespmem:v5+s2+$0x0] =	vst.idx.add.s32.msk $0xffff, v2  }
0x1d2: {  	v3 =	vld [tilespmem:s15+$0x0]  }
0x1d3: {  	v4 =	vld [tilespmem:s15+$0xFFFFFFA0]  }
0x1d4: {  	v5 =	vld [tilespmem:s15+$0xFFFFFFB0]  }
0x1d5: {  	v6 =	vld [tilespmem:s15+$0xFFFFFFC0];
	_ =	sdelay $0x1  }
0x1d6: {  	v7 =	vld [tilespmem:s15+$0xFFFFFFD0];
	v3 =	vshrl.u32 v3, $0x10  }
0x1d7: {  	v8 =	vld [tilespmem:s15+$0xFFFFFFE0];
	v4 =	vshrl.u32 v4, $0x10;
	v3 =	vand.u32 $0xFFF0, v3  }
0x1d8: {  	v11 =	vld [tilespmem:s15+$0xFFFFFF90];
	v5 =	vshrl.u32 v5, $0x10;
	v4 =	vand.u32 $0xFFF0, v4;
	v10 =	vor.u32 v1, v3  }
0x1d9: {  	v9 =	vld [tilespmem:s15+$0xFFFFFFF0];
	v4 =	vor.u32 v1, v4;
	v3 =	vand.u32 $0xFFF0, v5;
	v5 =	vshrl.u32 v6, $0x10  }
0x1da: {  	v6 =	vor.u32 v1, v3;
	v3 =	vand.u32 $0xFFF0, v5  }
0x1db: {  	v5 =	vshrl.u32 v7, $0x10;
	v7 =	vor.u32 v1, v3;
	_ =	sdelay $0x1  }
0x1dc: {  	v63 =	vshrl.u32 v11, $0x10;
	v3 =	vand.u32 $0xFFF0, v5;
	v5 =	vshrl.u32 v8, $0x10;
	[tilespmem:v10+s2+$0x0] =	vst.idx.add.s32.msk $0xffff, v2  }
0x1dd: {  	v8 =	vshrl.u32 v9, $0x10;
	v3 =	vor.u32 v1, v3;
	v5 =	vand.u32 $0xFFF0, v5;
	[tilespmem:v4+s2+$0x0] =	vst.idx.add.s32.msk $0xffff, v2  }
0x1de: {  	v4 =	vor.u32 v1, v5;
	v5 =	vand.u32 $0xFFF0, v8;
	v8 =	vand.u32 $0xFFF0, v63;
	[tilespmem:v6+s2+$0x0] =	vst.idx.add.s32.msk $0xffff, v2  }
0x1df: {  	s16 =	simm.s32 $0x0;
	s17 =	simm.s32 $0x16270;
	s15 =	simm.s32 $0x15EF0;
	v5 =	vor.u32 v1, v5;
	v6 =	vor.u32 v1, v8;
	[tilespmem:v7+s2+$0x0] =	vst.idx.add.s32.msk $0xffff, v2  }
.LBB2_30:
0x1e0: {  	v7 =	vld [tilespmem:s17+$0x0];
	s16 =	sadd.s32 $0x8, s16  }
0x1e1: {  	v8 =	vld [tilespmem:s17+$0xFFFFFFA0];
	p0 =	slt.u32 s16, $0xB0  }
0x1e2: {  	v9 =	vld [tilespmem:s17+$0xFFFFFFB0]  }
0x1e3: {  	v10 =	vld [tilespmem:s17+$0xFFFFFFC0]  }
0x1e4: {  	v11 =	vld [tilespmem:s17+$0xFFFFFFD0]  }
0x1e5: {  	v12 =	vld [tilespmem:s17+$0xFFFFFFE0];
	v7 =	vshrl.u32 v7, $0x10  }
0x1e6: {  	v8 =	vshrl.u32 v8, $0x10;
	v13 =	vld [tilespmem:s17+$0xFFFFFFF0];
	v7 =	vand.u32 $0xFFF0, v7  }
0x1e7: {  	v14 =	vld [tilespmem:s17+$0xFFFFFF90];
	v8 =	vand.u32 $0xFFF0, v8;
	v9 =	vshrl.u32 v9, $0x10;
	v7 =	vor.u32 v1, v7  }
0x1e8: {  	v8 =	vor.u32 v1, v8;
	v9 =	vand.u32 $0xFFF0, v9;
	v10 =	vshrl.u32 v10, $0x10;
	[tilespmem:v6+s2+$0x0] =	vst.idx.add.s32.msk $0xffff, v2  }
0x1e9: {  	v9 =	vor.u32 v1, v9;
	v6 =	vand.u32 $0xFFF0, v10;
	v10 =	vshrl.u32 v11, $0x10;
	[tilespmem:v3+s2+$0x0] =	vst.idx.add.s32.msk $0xffff, v2  }
0x1ea: {  	v11 =	vor.u32 v1, v6;
	v3 =	vand.u32 $0xFFF0, v10;
	v6 =	vshrl.u32 v12, $0x10;
	[tilespmem:v4+s2+$0x0] =	vst.idx.add.s32.msk $0xffff, v2  }
.Ltmp13:
0x1eb: {  	v3 =	vor.u32 v1, v3;
	v4 =	vand.u32 $0xFFF0, v6;
	v6 =	vshrl.u32 v13, $0x10;
	[tilespmem:v5+s2+$0x0] =	vst.idx.add.s32.msk $0xffff, v2;
	(pc) =	sbr.rel @p0 .LBB2_30-.Ltmp13, $4  }
0x1ec: {  	v5 =	vshrl.u32 v14, $0x10;
	v4 =	vor.u32 v1, v4;
	v6 =	vand.u32 $0xFFF0, v6;
	[tilespmem:v7+s2+$0x0] =	vst.idx.add.s32.msk $0xffff, v2  }
0x1ed: {  	v7 =	vand.u32 $0xFFF0, v5;
	[tilespmem:v8+s2+$0x0] =	vst.idx.add.s32.msk $0xffff, v2;
	v5 =	vor.u32 v1, v6  }
0x1ee: {  	v6 =	vor.u32 v1, v7;
	[tilespmem:v9+s2+$0x0] =	vst.idx.add.s32.msk $0xffff, v2  }
0x1ef: {  	s17 =	sadd.s32 $0x400, s17;
	[tilespmem:v11+s2+$0x0] =	vst.idx.add.s32.msk $0xffff, v2  }
0x1f0: {  	_ =	sdelay $0x3  }
0x1f1: {  	[tilespmem:v6+s2+$0x0] =	vst.idx.add.s32.msk $0xffff, v2  }
0x1f2: {  	[tilespmem:v3+s2+$0x0] =	vst.idx.add.s32.msk $0xffff, v2  }
0x1f3: {  	[tilespmem:v4+s2+$0x0] =	vst.idx.add.s32.msk $0xffff, v2  }
0x1f4: {  	[tilespmem:v5+s2+$0x0] =	vst.idx.add.s32.msk $0xffff, v2  }
0x1f5: {  	v3 =	vld [tilespmem:s15+$0x0]  }
0x1f6: {  	v4 =	vld [tilespmem:s15+$0xFFFFFFA0]  }
0x1f7: {  	v5 =	vld [tilespmem:s15+$0xFFFFFFB0]  }
0x1f8: {  	v6 =	vld [tilespmem:s15+$0xFFFFFFC0];
	_ =	sdelay $0x1  }
0x1f9: {  	v7 =	vld [tilespmem:s15+$0xFFFFFFD0];
	v3 =	vshrl.u32 v3, $0x10  }
0x1fa: {  	v8 =	vld [tilespmem:s15+$0xFFFFFFE0];
	v4 =	vshrl.u32 v4, $0x10;
	v3 =	vand.u32 $0xFFF0, v3  }
0x1fb: {  	v11 =	vld [tilespmem:s15+$0xFFFFFF90];
	v5 =	vshrl.u32 v5, $0x10;
	v4 =	vand.u32 $0xFFF0, v4;
	v10 =	vor.u32 v1, v3  }
0x1fc: {  	v9 =	vld [tilespmem:s15+$0xFFFFFFF0];
	v4 =	vor.u32 v1, v4;
	v3 =	vand.u32 $0xFFF0, v5;
	v5 =	vshrl.u32 v6, $0x10  }
0x1fd: {  	v6 =	vor.u32 v1, v3;
	v3 =	vand.u32 $0xFFF0, v5  }
0x1fe: {  	v5 =	vshrl.u32 v7, $0x10;
	v7 =	vor.u32 v1, v3;
	_ =	sdelay $0x1  }
0x1ff: {  	v63 =	vshrl.u32 v11, $0x10;
	v3 =	vand.u32 $0xFFF0, v5;
	v5 =	vshrl.u32 v8, $0x10;
	[tilespmem:v10+s2+$0x0] =	vst.idx.add.s32.msk $0xffff, v2  }
0x200: {  	v8 =	vshrl.u32 v9, $0x10;
	v3 =	vor.u32 v1, v3;
	v5 =	vand.u32 $0xFFF0, v5;
	[tilespmem:v4+s2+$0x0] =	vst.idx.add.s32.msk $0xffff, v2  }
0x201: {  	v4 =	vor.u32 v1, v5;
	v5 =	vand.u32 $0xFFF0, v8;
	v8 =	vand.u32 $0xFFF0, v63;
	[tilespmem:v6+s2+$0x0] =	vst.idx.add.s32.msk $0xffff, v2  }
0x202: {  	s16 =	simm.s32 $0x0;
	s17 =	simm.s32 $0x162F0;
	s15 =	simm.s32 $0x15F70;
	v5 =	vor.u32 v1, v5;
	v6 =	vor.u32 v1, v8;
	[tilespmem:v7+s2+$0x0] =	vst.idx.add.s32.msk $0xffff, v2  }
.LBB2_32:
0x203: {  	v7 =	vld [tilespmem:s17+$0x0];
	s16 =	sadd.s32 $0x8, s16  }
0x204: {  	v8 =	vld [tilespmem:s17+$0xFFFFFFA0];
	p0 =	slt.u32 s16, $0xB0  }
0x205: {  	v9 =	vld [tilespmem:s17+$0xFFFFFFB0]  }
0x206: {  	v10 =	vld [tilespmem:s17+$0xFFFFFFC0]  }
0x207: {  	v11 =	vld [tilespmem:s17+$0xFFFFFFD0]  }
0x208: {  	v12 =	vld [tilespmem:s17+$0xFFFFFFE0];
	v7 =	vshrl.u32 v7, $0x10  }
0x209: {  	v8 =	vshrl.u32 v8, $0x10;
	v13 =	vld [tilespmem:s17+$0xFFFFFFF0];
	v7 =	vand.u32 $0xFFF0, v7  }
0x20a: {  	v14 =	vld [tilespmem:s17+$0xFFFFFF90];
	v8 =	vand.u32 $0xFFF0, v8;
	v9 =	vshrl.u32 v9, $0x10;
	v7 =	vor.u32 v1, v7  }
0x20b: {  	v8 =	vor.u32 v1, v8;
	v9 =	vand.u32 $0xFFF0, v9;
	v10 =	vshrl.u32 v10, $0x10;
	[tilespmem:v6+s2+$0x0] =	vst.idx.add.s32.msk $0xffff, v2  }
0x20c: {  	v9 =	vor.u32 v1, v9;
	v6 =	vand.u32 $0xFFF0, v10;
	v10 =	vshrl.u32 v11, $0x10;
	[tilespmem:v3+s2+$0x0] =	vst.idx.add.s32.msk $0xffff, v2  }
0x20d: {  	v11 =	vor.u32 v1, v6;
	v3 =	vand.u32 $0xFFF0, v10;
	v6 =	vshrl.u32 v12, $0x10;
	[tilespmem:v4+s2+$0x0] =	vst.idx.add.s32.msk $0xffff, v2  }
.Ltmp14:
0x20e: {  	v3 =	vor.u32 v1, v3;
	v4 =	vand.u32 $0xFFF0, v6;
	v6 =	vshrl.u32 v13, $0x10;
	[tilespmem:v5+s2+$0x0] =	vst.idx.add.s32.msk $0xffff, v2;
	(pc) =	sbr.rel @p0 .LBB2_32-.Ltmp14, $4  }
0x20f: {  	v5 =	vshrl.u32 v14, $0x10;
	v4 =	vor.u32 v1, v4;
	v6 =	vand.u32 $0xFFF0, v6;
	[tilespmem:v7+s2+$0x0] =	vst.idx.add.s32.msk $0xffff, v2  }
0x210: {  	v7 =	vand.u32 $0xFFF0, v5;
	[tilespmem:v8+s2+$0x0] =	vst.idx.add.s32.msk $0xffff, v2;
	v5 =	vor.u32 v1, v6  }
0x211: {  	v6 =	vor.u32 v1, v7;
	[tilespmem:v9+s2+$0x0] =	vst.idx.add.s32.msk $0xffff, v2  }
0x212: {  	s17 =	sadd.s32 $0x400, s17;
	[tilespmem:v11+s2+$0x0] =	vst.idx.add.s32.msk $0xffff, v2  }
0x213: {  	_ =	sdelay $0x3  }
0x214: {  	[tilespmem:v6+s2+$0x0] =	vst.idx.add.s32.msk $0xffff, v2  }
0x215: {  	[tilespmem:v3+s2+$0x0] =	vst.idx.add.s32.msk $0xffff, v2  }
0x216: {  	[tilespmem:v4+s2+$0x0] =	vst.idx.add.s32.msk $0xffff, v2  }
0x217: {  	[tilespmem:v5+s2+$0x0] =	vst.idx.add.s32.msk $0xffff, v2  }
0x218: {  	v3 =	vld [tilespmem:s15+$0x0]  }
0x219: {  	v4 =	vld [tilespmem:s15+$0xFFFFFFA0]  }
0x21a: {  	v5 =	vld [tilespmem:s15+$0xFFFFFFB0]  }
0x21b: {  	v6 =	vld [tilespmem:s15+$0xFFFFFFC0];
	_ =	sdelay $0x1  }
0x21c: {  	v7 =	vld [tilespmem:s15+$0xFFFFFFD0];
	v3 =	vshrl.u32 v3, $0x10  }
0x21d: {  	v8 =	vld [tilespmem:s15+$0xFFFFFFE0];
	v4 =	vshrl.u32 v4, $0x10;
	v3 =	vand.u32 $0xFFF0, v3  }
0x21e: {  	v11 =	vld [tilespmem:s15+$0xFFFFFF90];
	v5 =	vshrl.u32 v5, $0x10;
	v4 =	vand.u32 $0xFFF0, v4;
	v10 =	vor.u32 v1, v3  }
0x21f: {  	v9 =	vld [tilespmem:s15+$0xFFFFFFF0];
	v4 =	vor.u32 v1, v4;
	v3 =	vand.u32 $0xFFF0, v5;
	v5 =	vshrl.u32 v6, $0x10  }
0x220: {  	v6 =	vor.u32 v1, v3;
	v3 =	vand.u32 $0xFFF0, v5  }
0x221: {  	v5 =	vshrl.u32 v7, $0x10;
	v7 =	vor.u32 v1, v3;
	_ =	sdelay $0x1  }
0x222: {  	v63 =	vshrl.u32 v11, $0x10;
	v3 =	vand.u32 $0xFFF0, v5;
	v5 =	vshrl.u32 v8, $0x10;
	[tilespmem:v10+s2+$0x0] =	vst.idx.add.s32.msk $0xffff, v2  }
0x223: {  	v8 =	vshrl.u32 v9, $0x10;
	v3 =	vor.u32 v1, v3;
	v5 =	vand.u32 $0xFFF0, v5;
	[tilespmem:v4+s2+$0x0] =	vst.idx.add.s32.msk $0xffff, v2  }
0x224: {  	v4 =	vor.u32 v1, v5;
	v5 =	vand.u32 $0xFFF0, v8;
	v8 =	vand.u32 $0xFFF0, v63;
	[tilespmem:v6+s2+$0x0] =	vst.idx.add.s32.msk $0xffff, v2  }
0x225: {  	s16 =	simm.s32 $0x0;
	s17 =	simm.s32 $0x16370;
	s15 =	simm.s32 $0x15FF0;
	v5 =	vor.u32 v1, v5;
	v6 =	vor.u32 v1, v8;
	[tilespmem:v7+s2+$0x0] =	vst.idx.add.s32.msk $0xffff, v2  }
.LBB2_34:
0x226: {  	v7 =	vld [tilespmem:s17+$0x0];
	s16 =	sadd.s32 $0x8, s16  }
0x227: {  	v8 =	vld [tilespmem:s17+$0xFFFFFFA0];
	p0 =	slt.u32 s16, $0xB0  }
0x228: {  	v9 =	vld [tilespmem:s17+$0xFFFFFFB0]  }
0x229: {  	v10 =	vld [tilespmem:s17+$0xFFFFFFC0]  }
0x22a: {  	v11 =	vld [tilespmem:s17+$0xFFFFFFD0]  }
0x22b: {  	v12 =	vld [tilespmem:s17+$0xFFFFFFE0];
	v7 =	vshrl.u32 v7, $0x10  }
0x22c: {  	v8 =	vshrl.u32 v8, $0x10;
	v13 =	vld [tilespmem:s17+$0xFFFFFFF0];
	v7 =	vand.u32 $0xFFF0, v7  }
0x22d: {  	v14 =	vld [tilespmem:s17+$0xFFFFFF90];
	v8 =	vand.u32 $0xFFF0, v8;
	v9 =	vshrl.u32 v9, $0x10;
	v7 =	vor.u32 v1, v7  }
0x22e: {  	v8 =	vor.u32 v1, v8;
	v9 =	vand.u32 $0xFFF0, v9;
	v10 =	vshrl.u32 v10, $0x10;
	[tilespmem:v6+s2+$0x0] =	vst.idx.add.s32.msk $0xffff, v2  }
0x22f: {  	v9 =	vor.u32 v1, v9;
	v6 =	vand.u32 $0xFFF0, v10;
	v10 =	vshrl.u32 v11, $0x10;
	[tilespmem:v3+s2+$0x0] =	vst.idx.add.s32.msk $0xffff, v2  }
0x230: {  	v11 =	vor.u32 v1, v6;
	v3 =	vand.u32 $0xFFF0, v10;
	v6 =	vshrl.u32 v12, $0x10;
	[tilespmem:v4+s2+$0x0] =	vst.idx.add.s32.msk $0xffff, v2  }
.Ltmp15:
0x231: {  	v3 =	vor.u32 v1, v3;
	v4 =	vand.u32 $0xFFF0, v6;
	v6 =	vshrl.u32 v13, $0x10;
	[tilespmem:v5+s2+$0x0] =	vst.idx.add.s32.msk $0xffff, v2;
	(pc) =	sbr.rel @p0 .LBB2_34-.Ltmp15, $4  }
0x232: {  	v5 =	vshrl.u32 v14, $0x10;
	v4 =	vor.u32 v1, v4;
	v6 =	vand.u32 $0xFFF0, v6;
	[tilespmem:v7+s2+$0x0] =	vst.idx.add.s32.msk $0xffff, v2  }
0x233: {  	v7 =	vand.u32 $0xFFF0, v5;
	[tilespmem:v8+s2+$0x0] =	vst.idx.add.s32.msk $0xffff, v2;
	v5 =	vor.u32 v1, v6  }
0x234: {  	v6 =	vor.u32 v1, v7;
	[tilespmem:v9+s2+$0x0] =	vst.idx.add.s32.msk $0xffff, v2  }
0x235: {  	s17 =	sadd.s32 $0x400, s17;
	[tilespmem:v11+s2+$0x0] =	vst.idx.add.s32.msk $0xffff, v2  }
0x236: {  	_ =	sdelay $0x3  }
0x237: {  	[tilespmem:v6+s2+$0x0] =	vst.idx.add.s32.msk $0xffff, v2  }
0x238: {  	[tilespmem:v3+s2+$0x0] =	vst.idx.add.s32.msk $0xffff, v2  }
0x239: {  	[tilespmem:v4+s2+$0x0] =	vst.idx.add.s32.msk $0xffff, v2  }
0x23a: {  	[tilespmem:v5+s2+$0x0] =	vst.idx.add.s32.msk $0xffff, v2  }
0x23b: {  	v3 =	vld [tilespmem:s15+$0x0]  }
0x23c: {  	v4 =	vld [tilespmem:s15+$0xFFFFFFA0]  }
0x23d: {  	v5 =	vld [tilespmem:s15+$0xFFFFFFB0]  }
0x23e: {  	v6 =	vld [tilespmem:s15+$0xFFFFFFC0];
	_ =	sdelay $0x1  }
0x23f: {  	v7 =	vld [tilespmem:s15+$0xFFFFFFD0];
	v3 =	vshrl.u32 v3, $0x10  }
0x240: {  	v8 =	vld [tilespmem:s15+$0xFFFFFFE0];
	v4 =	vshrl.u32 v4, $0x10;
	v3 =	vand.u32 $0xFFF0, v3  }
0x241: {  	v11 =	vld [tilespmem:s15+$0xFFFFFF90];
	v5 =	vshrl.u32 v5, $0x10;
	v4 =	vand.u32 $0xFFF0, v4;
	v10 =	vor.u32 v1, v3  }
0x242: {  	v9 =	vld [tilespmem:s15+$0xFFFFFFF0];
	v4 =	vor.u32 v1, v4;
	v3 =	vand.u32 $0xFFF0, v5;
	v5 =	vshrl.u32 v6, $0x10  }
0x243: {  	v6 =	vor.u32 v1, v3;
	v3 =	vand.u32 $0xFFF0, v5  }
0x244: {  	v5 =	vshrl.u32 v7, $0x10;
	v7 =	vor.u32 v1, v3;
	_ =	sdelay $0x1  }
0x245: {  	v63 =	vshrl.u32 v11, $0x10;
	v3 =	vand.u32 $0xFFF0, v5;
	v5 =	vshrl.u32 v8, $0x10;
	[tilespmem:v10+s2+$0x0] =	vst.idx.add.s32.msk $0xffff, v2  }
0x246: {  	v8 =	vshrl.u32 v9, $0x10;
	v3 =	vor.u32 v1, v3;
	v5 =	vand.u32 $0xFFF0, v5;
	[tilespmem:v4+s2+$0x0] =	vst.idx.add.s32.msk $0xffff, v2  }
0x247: {  	v4 =	vor.u32 v1, v5;
	v5 =	vand.u32 $0xFFF0, v8;
	v8 =	vand.u32 $0xFFF0, v63;
	[tilespmem:v6+s2+$0x0] =	vst.idx.add.s32.msk $0xffff, v2  }
0x248: {  	s16 =	simm.s32 $0x163F0;
	s15 =	simm.s32 $0x0;
	v5 =	vor.u32 v1, v5;
	v6 =	vor.u32 v1, v8;
	[tilespmem:v7+s2+$0x0] =	vst.idx.add.s32.msk $0xffff, v2  }
.LBB2_36:
0x249: {  	v7 =	vld [tilespmem:s16+$0x0];
	s15 =	sadd.s32 $0x8, s15  }
0x24a: {  	v8 =	vld [tilespmem:s16+$0xFFFFFFA0];
	p0 =	slt.u32 s15, $0xB0  }
0x24b: {  	v9 =	vld [tilespmem:s16+$0xFFFFFFB0]  }
0x24c: {  	v10 =	vld [tilespmem:s16+$0xFFFFFFC0]  }
0x24d: {  	v11 =	vld [tilespmem:s16+$0xFFFFFFD0]  }
0x24e: {  	v12 =	vld [tilespmem:s16+$0xFFFFFFE0];
	v7 =	vshrl.u32 v7, $0x10  }
0x24f: {  	v8 =	vshrl.u32 v8, $0x10;
	v13 =	vld [tilespmem:s16+$0xFFFFFFF0];
	v7 =	vand.u32 $0xFFF0, v7  }
0x250: {  	v14 =	vld [tilespmem:s16+$0xFFFFFF90];
	v8 =	vand.u32 $0xFFF0, v8;
	v9 =	vshrl.u32 v9, $0x10;
	v7 =	vor.u32 v1, v7  }
0x251: {  	v8 =	vor.u32 v1, v8;
	v9 =	vand.u32 $0xFFF0, v9;
	v10 =	vshrl.u32 v10, $0x10;
	[tilespmem:v6+s2+$0x0] =	vst.idx.add.s32.msk $0xffff, v2  }
0x252: {  	v9 =	vor.u32 v1, v9;
	v6 =	vand.u32 $0xFFF0, v10;
	v10 =	vshrl.u32 v11, $0x10;
	[tilespmem:v3+s2+$0x0] =	vst.idx.add.s32.msk $0xffff, v2  }
0x253: {  	v11 =	vor.u32 v1, v6;
	v3 =	vand.u32 $0xFFF0, v10;
	v6 =	vshrl.u32 v12, $0x10;
	[tilespmem:v4+s2+$0x0] =	vst.idx.add.s32.msk $0xffff, v2  }
.Ltmp16:
0x254: {  	v3 =	vor.u32 v1, v3;
	v4 =	vand.u32 $0xFFF0, v6;
	v6 =	vshrl.u32 v13, $0x10;
	[tilespmem:v5+s2+$0x0] =	vst.idx.add.s32.msk $0xffff, v2;
	(pc) =	sbr.rel @p0 .LBB2_36-.Ltmp16, $4  }
0x255: {  	v5 =	vshrl.u32 v14, $0x10;
	v4 =	vor.u32 v1, v4;
	v6 =	vand.u32 $0xFFF0, v6;
	[tilespmem:v7+s2+$0x0] =	vst.idx.add.s32.msk $0xffff, v2  }
0x256: {  	v7 =	vand.u32 $0xFFF0, v5;
	[tilespmem:v8+s2+$0x0] =	vst.idx.add.s32.msk $0xffff, v2;
	v5 =	vor.u32 v1, v6  }
0x257: {  	v6 =	vor.u32 v1, v7;
	[tilespmem:v9+s2+$0x0] =	vst.idx.add.s32.msk $0xffff, v2  }
0x258: {  	s16 =	sadd.s32 $0x400, s16;
	[tilespmem:v11+s2+$0x0] =	vst.idx.add.s32.msk $0xffff, v2  }
0x259: {  	_ =	sdelay $0x3  }
0x25a: {  	[tilespmem:v6+s2+$0x0] =	vst.idx.add.s32.msk $0xffff, v2  }
0x25b: {  	[tilespmem:v3+s2+$0x0] =	vst.idx.add.s32.msk $0xffff, v2  }
0x25c: {  	[tilespmem:v4+s2+$0x0] =	vst.idx.add.s32.msk $0xffff, v2  }
0x25d: {  	[tilespmem:v5+s2+$0x0] =	vst.idx.add.s32.msk $0xffff, v2  }
0x25e: {  	p0 =	seq.s32 s14, $0x44  }
.Ltmp17:
0x25f: {  	_ = 	snop;
	(pc) =	sbr.rel @!p0 .LBB2_5-.Ltmp17, $1  }
0x260: {  	_ =	sdelay $0x3  }
0x261: {  	s13 =	sadd.s32 $0x1, s13  }
0x262: {  	p0 =	sne.s32 s13, s7  }
.Ltmp18:
0x263: {  	_ = 	snop;
	(pc) =	sbr.rel @p0 .LBB2_1-.Ltmp18, $4  }
0x264: {  	[hbm4b:s6+s2] =	stream.linear.scatter [tilespmem:s2], [sflag:$0x3], $0x10000, $0x38;
	[tilespmem:$0x1B800] =	vst v63  }
0x265: {  	_ =	swait.ge [sflag:s12], $0x10000  }
0x266: {  	[sflag:s12] =	ssyncset.done $0x0  }
0x267: {  	[sflag:s12] =	ssyncadd.s32 $0xFFFF0000  }
0x268: {  	_ =	sfence.sel $0x180000  }
0x269: {  	[bflag:$0x0] =	sbarrier.arrive $0xFFFF  }
0x26a: {  	p0 =	sne.s32 s1, $0x0;
	_ =	strace $0x90000047  }
0x26b: {  	s0 =	sadd.s32 @!p0 $0x100000, s0;
	[bflag:$0x2] =	sbarrier.arrive $0xFFFF  }
0x26c: {  	[sflag:s0] =	ssyncadd.tile.s32 @!p0 $0x1;
	_ =	shalt  }
.Lfunc_end2:
_tile_overlayer_lowered:
.L_overlay_start_2:
0x26d: {  	(tag) =	ssettag $0x2  }
0x26e: {  	s0 =	rddreg [dreg:$0x0];
	s2 =	stileid.u32  }
0x26f: {  	s1 =	rddreg [dreg:$0x1];
	p0 =	sne.s32 s2, $0x0  }
0x270: {  	s3 =	rddreg [dreg:$0x2];
	[bflag:$0x3] =	sbarrier.arrive $0xFFFF;
	s2 =	simm.s32 @!p0 $0x1C03  }
0x271: {  	[timem:s3], [sflag:s2] =	dma.local @!p0 [hbm:s0], s1  }
0x272: {  	s0 =	simm.s32 @!p0 $0x3  }
0x273: {  	_ =	swait.ge @!p0 [sflag:s0], s1  }
0x274: {  	s1 =	ssub.s32 @!p0 $0x0, s1;
	[sflag:s0] =	ssyncset.done @!p0 $0x0  }
0x275: {  	[sflag:s0] =	ssyncadd.s32 @!p0 s1  }
0x276: {  	[bflag:$0x3] =	sbarrier.arrive $0xFFFF  }
0x277: {  	_ =	shalt  }

</sc_bundles>
